<compile_context>
chip_gen: v7x
topology: tpu7x:2x2x1
jax: 0.10.2.dev20260603
libtpu: 0.0.44.dev20260713+nightly
codegen_flags: <defaults>
</compile_context>

<pallas_src>
import functools

import jax
import jax.numpy as jnp
from jax import lax
from jax.experimental import pallas as pl
from jax.experimental.pallas import tpu as pltpu
from jax.experimental.pallas import tpu_sc as plsc

VOCAB = 100000
DIM = 2048
N_HEADS = 16
HEAD_DIM = DIM // N_HEADS
BATCH = 4
SEQ = 4096
TOKENS = BATCH * SEQ
NW = 32
PER_W = TOKENS // NW
W_PER_B = SEQ // PER_W
CHUNK = 16
NCH = PER_W // CHUNK
NBUF = 3


def _sc_gather(tokens, table):
    mesh = plsc.VectorSubcoreMesh(core_axis_name="c", subcore_axis_name="s")

    @functools.partial(
        pl.kernel,
        mesh=mesh,
        out_type=jax.ShapeDtypeStruct((TOKENS, DIM), jnp.float32),
        scratch_types=[
            pltpu.VMEM((PER_W,), jnp.int32),
            pltpu.VMEM((NBUF, CHUNK, DIM), jnp.float32),
        ] + [pltpu.SemaphoreType.DMA] * (2 * NBUF),
    )
    def k(idx_hbm, table_hbm, out_hbm, idx_v, rows_v, *sems):
        wid = lax.axis_index("s") * 2 + lax.axis_index("c")
        base = wid * PER_W
        pltpu.sync_copy(
            idx_hbm.at[wid // W_PER_B, pl.ds((wid % W_PER_B) * PER_W, PER_W)],
            idx_v)
        gsem, osem = sems[:NBUF], sems[NBUF:]

        def start_gather(g):
            b = g % NBUF
            return pltpu.async_copy(
                table_hbm.at[idx_v.at[pl.ds(g * CHUNK, CHUNK)]],
                rows_v.at[b], gsem[b])

        def start_out(g):
            b = g % NBUF
            return pltpu.async_copy(
                rows_v.at[b], out_hbm.at[pl.ds(base + g * CHUNK, CHUNK)],
                osem[b])

        gat_cp = [None] * NCH
        out_cp = [None] * NCH
        for g in range(NBUF):
            gat_cp[g] = start_gather(g)
        for g in range(NCH):
            gat_cp[g].wait()
            out_cp[g] = start_out(g)
            p = g - 1
            if p >= 0 and p + NBUF < NCH:
                out_cp[p].wait()
                gat_cp[p + NBUF] = start_gather(p + NBUF)
        for g in range(NCH - NBUF, NCH):
            if g >= 0:
                out_cp[g].wait()

    return k(tokens, table)


ROWB = 512


def _gen_body(cos_ref, sin_ref, mask_ref):
    i = pl.program_id(0)
    t = (lax.broadcasted_iota(jnp.int32, (ROWB, HEAD_DIM), 0) + i * ROWB).astype(
        jnp.float32
    )
    j = lax.broadcasted_iota(jnp.int32, (ROWB, HEAD_DIM), 1)
    half = jnp.where(j < HEAD_DIM // 2, j, j - HEAD_DIM // 2).astype(jnp.float32)
    inv_freq = jnp.exp(half * (-2.0 / HEAD_DIM) * jnp.log(10000.0))
    ang = t * inv_freq
    cos_ref[0] = jnp.cos(ang)
    sin_ref[0] = jnp.sin(ang)
    r = lax.broadcasted_iota(jnp.int32, (ROWB, SEQ), 0) + i * ROWB
    c = lax.broadcasted_iota(jnp.int32, (ROWB, SEQ), 1)
    mask_ref[0, 0] = jnp.where(c > r, -jnp.inf, 0.0).astype(jnp.float32)


def _gen_cos_sin_mask():
    return pl.pallas_call(
        _gen_body,
        grid=(SEQ // ROWB,),
        out_specs=(
            pl.BlockSpec((1, ROWB, HEAD_DIM), lambda i: (0, i, 0)),
            pl.BlockSpec((1, ROWB, HEAD_DIM), lambda i: (0, i, 0)),
            pl.BlockSpec((1, 1, ROWB, SEQ), lambda i: (0, 0, i, 0)),
        ),
        out_shape=(
            jax.ShapeDtypeStruct((1, SEQ, HEAD_DIM), jnp.float32),
            jax.ShapeDtypeStruct((1, SEQ, HEAD_DIM), jnp.float32),
            jax.ShapeDtypeStruct((1, 1, SEQ, SEQ), jnp.float32),
        ),
    )()


def kernel(tokens, W):
    bsz, seq_len = tokens.shape
    cos, sin, mask = _gen_cos_sin_mask()
    hidden = _sc_gather(tokens, W).reshape(bsz, seq_len, DIM)
    return (hidden, cos, sin, mask)

# --- scband reference (transcript-rebuilt; emitter-appended) ---
"""Pipeline reference for scband-initial-layer-82463372083912 (READ-ONLY COPY).

The authoritative reference and input builder live on the scoring server;
editing this copy changes nothing except your own understanding.
"""

import jax, jax.numpy as jnp
import numpy as np

VOCAB = 100000
DIM = 2048
N_HEADS = 16
HEAD_DIM = DIM // N_HEADS
MAX_SEQ = 8192
BATCH = 4
SEQ = 4096


def _cos_sin(seq_len, head_dim, dtype):
    # Standard rotary precompute: cos/sin caches of shape [1, seq_len, head_dim]
    inv_freq = 1.0 / (10000.0 ** (jnp.arange(0, head_dim, 2, dtype=jnp.float32) / head_dim))
    t = jnp.arange(seq_len, dtype=jnp.float32)
    freqs = jnp.outer(t, inv_freq)
    emb = jnp.concatenate([freqs, freqs], axis=-1)
    cos = jnp.cos(emb)[None, :, :].astype(dtype)
    sin = jnp.sin(emb)[None, :, :].astype(dtype)
    return cos, sin


def setup_inputs(seed: int = 0) -> dict:
    key = jax.random.key(seed)
    k1, k2 = jax.random.split(key)
    tokens = jax.random.randint(k1, (BATCH, SEQ), 0, VOCAB, dtype=jnp.int32)
    W = jax.random.normal(k2, (VOCAB, DIM), dtype=jnp.float32) * 0.02
    return {"tokens": tokens, "W": W}


def reference(tokens, W):
    _bsz, seq_len = tokens.shape
    # Embedding lookup (gather)
    hidden_state = jnp.take(W, tokens, axis=0)
    # Slice of the precomputed rotary cache == compute directly for seq_len
    cos, sin = _cos_sin(seq_len, HEAD_DIM, hidden_state.dtype)
    # Causal mask: -inf above the diagonal, 0 on/below
    mask = jnp.triu(jnp.full((1, 1, seq_len, seq_len), float('-inf'), dtype=jnp.float32), k=1).astype(hidden_state.dtype)
    return (hidden_state, cos, sin, mask)

if __name__ == "__main__":
    import jax
    _d = setup_inputs()
    print(jax.jit(kernel)(*tuple(_d.values())))

</pallas_src>

<mosaic_0001>
#map = affine_map<(d0, d1) -> (0, 0)>
module attributes {stable_mosaic.version = 14 : i64} {
  func.func @k(%arg0: i32, %arg1: i32, %arg2: memref<4x4096xi32, #tpu.memory_space<hbm>>, %arg3: memref<100000x2048xf32, #tpu.memory_space<hbm>>, %arg4: memref<16384x2048xf32, #tpu.memory_space<hbm>>, %arg5: memref<512xi32, #tpu.memory_space<vmem>>, %arg6: memref<3x16x2048xf32, #tpu.memory_space<vmem>>, %arg7: memref<!tpu.dma_semaphore, #tpu.memory_space<semaphore_mem>>, %arg8: memref<!tpu.dma_semaphore, #tpu.memory_space<semaphore_mem>>, %arg9: memref<!tpu.dma_semaphore, #tpu.memory_space<semaphore_mem>>, %arg10: memref<!tpu.dma_semaphore, #tpu.memory_space<semaphore_mem>>, %arg11: memref<!tpu.dma_semaphore, #tpu.memory_space<semaphore_mem>>, %arg12: memref<!tpu.dma_semaphore, #tpu.memory_space<semaphore_mem>>) attributes {dimension_semantics = [#tpu.dimension_semantics<core_parallel>, #tpu.dimension_semantics<subcore_parallel>], iteration_bounds = array<i64: 2, 16>, scalar_prefetch = 0 : i64, scratch_operands = 8 : i64, tpu.core_type = #tpu.core_type<sc_vector_subcore>, window_params = [{transform_indices = #map}, {transform_indices = #map}, {transform_indices = #map}]} {
    %mul3A = arith.constant 2 : i32
    %mul3A_0 = arith.muli %arg1, %mul3A : i32
    %add3A = arith.addi %mul3A_0, %arg0 : i32
    %mul3A_1 = arith.constant 512 : i32
    %mul3A_2 = arith.muli %add3A, %mul3A_1 : i32
    %jit3A = arith.constant 8 : i32
    %div3A = arith.divsi %add3A, %jit3A : i32
    %sign3A = arith.constant 0 : i32
    %sign3A_3 = arith.cmpi sgt, %add3A, %sign3A : i32
    %sign3A_4 = arith.extui %sign3A_3 : i1 to i32
    %sign3A_5 = arith.constant 0 : i32
    %sign3A_6 = arith.cmpi slt, %add3A, %sign3A_5 : i32
    %sign3A_7 = arith.extui %sign3A_6 : i1 to i32
    %sign3A_8 = arith.subi %sign3A_4, %sign3A_7 : i32
    %sign3A_9 = arith.constant 0 : i32
    %sign3A_10 = arith.cmpi sgt, %jit3A, %sign3A_9 : i32
    %sign3A_11 = arith.extui %sign3A_10 : i1 to i32
    %sign3A_12 = arith.constant 0 : i32
    %sign3A_13 = arith.cmpi slt, %jit3A, %sign3A_12 : i32
    %sign3A_14 = arith.extui %sign3A_13 : i1 to i32
    %sign3A_15 = arith.subi %sign3A_11, %sign3A_14 : i32
    %ne3A = arith.cmpi ne, %sign3A_8, %sign3A_15 : i32
    %rem3A = arith.remsi %add3A, %jit3A : i32
    %ne3A_16 = arith.constant 0 : i32
    %ne3A_17 = arith.cmpi ne, %rem3A, %ne3A_16 : i32
    %and3A = arith.andi %ne3A, %ne3A_17 : i1
    %sub3A = arith.constant 1 : i32
    %sub3A_18 = arith.subi %div3A, %sub3A : i32
    %select_n3A = arith.select %and3A, %sub3A_18, %div3A : i32
    %jit3A_19 = arith.constant 8 : i32
    %eq3A = arith.constant 0 : i32
    %eq3A_20 = arith.cmpi eq, %jit3A_19, %eq3A : i32
    %jit3A_21 = arith.constant 1 : i32
    %select_n3A_22 = arith.select %eq3A_20, %jit3A_21, %jit3A_19 : i32
    %rem3A_23 = arith.remsi %add3A, %select_n3A_22 : i32
    %ne3A_24 = arith.constant 0 : i32
    %ne3A_25 = arith.cmpi ne, %rem3A_23, %ne3A_24 : i32
    %lt3A = arith.constant 0 : i32
    %lt3A_26 = arith.cmpi slt, %rem3A_23, %lt3A : i32
    %lt3A_27 = arith.constant 0 : i32
    %lt3A_28 = arith.cmpi slt, %select_n3A_22, %lt3A_27 : i32
    %ne3A_29 = arith.xori %lt3A_26, %lt3A_28 : i1
    %and3A_30 = arith.andi %ne3A_29, %ne3A_25 : i1
    %add3A_31 = arith.addi %rem3A_23, %select_n3A_22 : i32
    %select_n3A_32 = arith.select %and3A_30, %add3A_31, %rem3A_23 : i32
    %mul3A_33 = arith.constant 512 : i32
    %mul3A_34 = arith.muli %select_n3A_32, %mul3A_33 : i32
    "tpu.region"() ({
      %run_scoped3A = tpu.sem_alloc : memref<!tpu.dma_semaphore, #tpu.memory_space<semaphore_mem>>
      %dma_start3A_1569 = tpu.memref_slice %arg2[%select_n3A, %mul3A_34] : memref<4x4096xi32, #tpu.memory_space<hbm>> -> memref<1x512xi32, #tpu.memory_space<hbm>>
      %dma_start3A_1570 = tpu.memref_squeeze %dma_start3A_1569 : memref<1x512xi32, #tpu.memory_space<hbm>> -> memref<512xi32, #tpu.memory_space<hbm>>
      %dma_start3A_1571 = tpu.memref_slice %arg2[%select_n3A, %mul3A_34] : memref<4x4096xi32, #tpu.memory_space<hbm>> -> memref<1x512xi32, #tpu.memory_space<hbm>>
      %dma_start3A_1572 = tpu.memref_squeeze %dma_start3A_1571 : memref<1x512xi32, #tpu.memory_space<hbm>> -> memref<512xi32, #tpu.memory_space<hbm>>
      tpu.enqueue_dma source(%dma_start3A_1572 : memref<512xi32, #tpu.memory_space<hbm>>) target(%arg5 : memref<512xi32, #tpu.memory_space<vmem>>) target_semaphore(%run_scoped3A : memref<!tpu.dma_semaphore, #tpu.memory_space<semaphore_mem>>)
      %dma_wait3A_1573 = tpu.memref_slice %arg2[%select_n3A, %mul3A_34] : memref<4x4096xi32, #tpu.memory_space<hbm>> -> memref<1x512xi32, #tpu.memory_space<hbm>>
      %dma_wait3A_1574 = tpu.memref_squeeze %dma_wait3A_1573 : memref<1x512xi32, #tpu.memory_space<hbm>> -> memref<512xi32, #tpu.memory_space<hbm>>
      %dma_wait3A_1575 = tpu.memref_slice %arg2[%select_n3A, %mul3A_34] : memref<4x4096xi32, #tpu.memory_space<hbm>> -> memref<1x512xi32, #tpu.memory_space<hbm>>
      %dma_wait3A_1576 = tpu.memref_squeeze %dma_wait3A_1575 : memref<1x512xi32, #tpu.memory_space<hbm>> -> memref<512xi32, #tpu.memory_space<hbm>>
      tpu.wait_dma2 semaphore(%run_scoped3A : memref<!tpu.dma_semaphore, #tpu.memory_space<semaphore_mem>>) src(%dma_wait3A_1576 : memref<512xi32, #tpu.memory_space<hbm>>) dst(%arg5 : memref<512xi32, #tpu.memory_space<vmem>>)
      tpu.yield
    }) : () -> ()
    %dma_start3A = arith.constant 0 : i32
    %dma_start3A_35 = arith.constant 0 : i32
    %dma_start3A_36 = arith.constant 0 : i32
    %dma_start3A_37 = tpu.memref_slice %arg6[%dma_start3A, %dma_start3A_35, %dma_start3A_36] : memref<3x16x2048xf32, #tpu.memory_space<vmem>> -> memref<1x16x2048xf32, #tpu.memory_space<vmem>>
    %dma_start3A_38 = tpu.memref_squeeze %dma_start3A_37 : memref<1x16x2048xf32, #tpu.memory_space<vmem>> -> memref<16x2048xf32, #tpu.memory_space<vmem>>
    %dma_start3A_39 = arith.constant 0 : i32
    %dma_start3A_40 = tpu.memref_slice %arg5[%dma_start3A_39] : memref<512xi32, #tpu.memory_space<vmem>> -> memref<16xi32, #tpu.memory_space<vmem>>
    %dma_start3A_41 = arith.constant 0 : i32
    %dma_start3A_42 = arith.constant 0 : i32
    %dma_start3A_43 = tpu.memref_slice %arg3[%dma_start3A_41, %dma_start3A_42] : memref<100000x2048xf32, #tpu.memory_space<hbm>> -> memref<100000x2048xf32, #tpu.memory_space<hbm>>
    tpu.enqueue_indirect_dma source(%dma_start3A_43 : memref<100000x2048xf32, #tpu.memory_space<hbm>>) target(%dma_start3A_38 : memref<16x2048xf32, #tpu.memory_space<vmem>>) offsets(%dma_start3A_40 : memref<16xi32, #tpu.memory_space<vmem>>) semaphore(%arg7 : memref<!tpu.dma_semaphore, #tpu.memory_space<semaphore_mem>>)
    %dma_start3A_44 = arith.constant 1 : i32
    %dma_start3A_45 = arith.constant 0 : i32
    %dma_start3A_46 = arith.constant 0 : i32
    %dma_start3A_47 = tpu.memref_slice %arg6[%dma_start3A_44, %dma_start3A_45, %dma_start3A_46] : memref<3x16x2048xf32, #tpu.memory_space<vmem>> -> memref<1x16x2048xf32, #tpu.memory_space<vmem>>
    %dma_start3A_48 = tpu.memref_squeeze %dma_start3A_47 : memref<1x16x2048xf32, #tpu.memory_space<vmem>> -> memref<16x2048xf32, #tpu.memory_space<vmem>>
    %dma_start3A_49 = arith.constant 16 : i32
    %dma_start3A_50 = tpu.memref_slice %arg5[%dma_start3A_49] : memref<512xi32, #tpu.memory_space<vmem>> -> memref<16xi32, #tpu.memory_space<vmem>>
    %dma_start3A_51 = arith.constant 0 : i32
    %dma_start3A_52 = arith.constant 0 : i32
    %dma_start3A_53 = tpu.memref_slice %arg3[%dma_start3A_51, %dma_start3A_52] : memref<100000x2048xf32, #tpu.memory_space<hbm>> -> memref<100000x2048xf32, #tpu.memory_space<hbm>>
    tpu.enqueue_indirect_dma source(%dma_start3A_53 : memref<100000x2048xf32, #tpu.memory_space<hbm>>) target(%dma_start3A_48 : memref<16x2048xf32, #tpu.memory_space<vmem>>) offsets(%dma_start3A_50 : memref<16xi32, #tpu.memory_space<vmem>>) semaphore(%arg8 : memref<!tpu.dma_semaphore, #tpu.memory_space<semaphore_mem>>)
    %dma_start3A_54 = arith.constant 2 : i32
    %dma_start3A_55 = arith.constant 0 : i32
    %dma_start3A_56 = arith.constant 0 : i32
    %dma_start3A_57 = tpu.memref_slice %arg6[%dma_start3A_54, %dma_start3A_55, %dma_start3A_56] : memref<3x16x2048xf32, #tpu.memory_space<vmem>> -> memref<1x16x2048xf32, #tpu.memory_space<vmem>>
    %dma_start3A_58 = tpu.memref_squeeze %dma_start3A_57 : memref<1x16x2048xf32, #tpu.memory_space<vmem>> -> memref<16x2048xf32, #tpu.memory_space<vmem>>
    %dma_start3A_59 = arith.constant 32 : i32
    %dma_start3A_60 = tpu.memref_slice %arg5[%dma_start3A_59] : memref<512xi32, #tpu.memory_space<vmem>> -> memref<16xi32, #tpu.memory_space<vmem>>
    %dma_start3A_61 = arith.constant 0 : i32
    %dma_start3A_62 = arith.constant 0 : i32
    %dma_start3A_63 = tpu.memref_slice %arg3[%dma_start3A_61, %dma_start3A_62] : memref<100000x2048xf32, #tpu.memory_space<hbm>> -> memref<100000x2048xf32, #tpu.memory_space<hbm>>
    tpu.enqueue_indirect_dma source(%dma_start3A_63 : memref<100000x2048xf32, #tpu.memory_space<hbm>>) target(%dma_start3A_58 : memref<16x2048xf32, #tpu.memory_space<vmem>>) offsets(%dma_start3A_60 : memref<16xi32, #tpu.memory_space<vmem>>) semaphore(%arg9 : memref<!tpu.dma_semaphore, #tpu.memory_space<semaphore_mem>>)
    %dma_wait3A = arith.constant 0 : i32
    %dma_wait3A_64 = arith.constant 0 : i32
    %dma_wait3A_65 = arith.constant 0 : i32
    %dma_wait3A_66 = tpu.memref_slice %arg6[%dma_wait3A, %dma_wait3A_64, %dma_wait3A_65] : memref<3x16x2048xf32, #tpu.memory_space<vmem>> -> memref<1x16x2048xf32, #tpu.memory_space<vmem>>
    %dma_wait3A_67 = tpu.memref_squeeze %dma_wait3A_66 : memref<1x16x2048xf32, #tpu.memory_space<vmem>> -> memref<16x2048xf32, #tpu.memory_space<vmem>>
    %dma_wait3A_68 = arith.constant 0 : i32
    %dma_wait3A_69 = tpu.memref_slice %arg5[%dma_wait3A_68] : memref<512xi32, #tpu.memory_space<vmem>> -> memref<16xi32, #tpu.memory_space<vmem>>
    %dma_wait3A_70 = arith.constant 0 : i32
    %dma_wait3A_71 = arith.constant 0 : i32
    %dma_wait3A_72 = tpu.memref_slice %arg3[%dma_wait3A_70, %dma_wait3A_71] : memref<100000x2048xf32, #tpu.memory_space<hbm>> -> memref<100000x2048xf32, #tpu.memory_space<hbm>>
    tpu.wait_indirect_dma semaphore(%arg7 : memref<!tpu.dma_semaphore, #tpu.memory_space<semaphore_mem>>) src(%dma_wait3A_72 : memref<100000x2048xf32, #tpu.memory_space<hbm>>) dst(%dma_wait3A_67 : memref<16x2048xf32, #tpu.memory_space<vmem>>)
    %add3A_73 = arith.constant 0 : i32
    %add3A_74 = arith.addi %mul3A_2, %add3A_73 : i32
    %dma_start3A_75 = arith.constant 0 : i32
    %dma_start3A_76 = arith.constant 0 : i32
    %dma_start3A_77 = arith.constant 0 : i32
    %dma_start3A_78 = tpu.memref_slice %arg6[%dma_start3A_75, %dma_start3A_76, %dma_start3A_77] : memref<3x16x2048xf32, #tpu.memory_space<vmem>> -> memref<1x16x2048xf32, #tpu.memory_space<vmem>>
    %dma_start3A_79 = tpu.memref_squeeze %dma_start3A_78 : memref<1x16x2048xf32, #tpu.memory_space<vmem>> -> memref<16x2048xf32, #tpu.memory_space<vmem>>
    %dma_start3A_80 = arith.constant 0 : i32
    %dma_start3A_81 = tpu.memref_slice %arg4[%add3A_74, %dma_start3A_80] : memref<16384x2048xf32, #tpu.memory_space<hbm>> -> memref<16x2048xf32, #tpu.memory_space<hbm>>
    %dma_start3A_82 = arith.constant 0 : i32
    %dma_start3A_83 = tpu.memref_slice %arg4[%add3A_74, %dma_start3A_82] : memref<16384x2048xf32, #tpu.memory_space<hbm>> -> memref<16x2048xf32, #tpu.memory_space<hbm>>
    %dma_start3A_84 = arith.constant 0 : i32
    %dma_start3A_85 = arith.constant 0 : i32
    %dma_start3A_86 = tpu.memref_slice %arg6[%dma_start3A_75, %dma_start3A_84, %dma_start3A_85] : memref<3x16x2048xf32, #tpu.memory_space<vmem>> -> memref<1x16x2048xf32, #tpu.memory_space<vmem>>
    %dma_start3A_87 = tpu.memref_squeeze %dma_start3A_86 : memref<1x16x2048xf32, #tpu.memory_space<vmem>> -> memref<16x2048xf32, #tpu.memory_space<vmem>>
    tpu.enqueue_dma source(%dma_start3A_87 : memref<16x2048xf32, #tpu.memory_space<vmem>>) target(%dma_start3A_83 : memref<16x2048xf32, #tpu.memory_space<hbm>>) target_semaphore(%arg10 : memref<!tpu.dma_semaphore, #tpu.memory_space<semaphore_mem>>)
    %dma_wait3A_88 = arith.constant 1 : i32
    %dma_wait3A_89 = arith.constant 0 : i32
    %dma_wait3A_90 = arith.constant 0 : i32
    %dma_wait3A_91 = tpu.memref_slice %arg6[%dma_wait3A_88, %dma_wait3A_89, %dma_wait3A_90] : memref<3x16x2048xf32, #tpu.memory_space<vmem>> -> memref<1x16x2048xf32, #tpu.memory_space<vmem>>
    %dma_wait3A_92 = tpu.memref_squeeze %dma_wait3A_91 : memref<1x16x2048xf32, #tpu.memory_space<vmem>> -> memref<16x2048xf32, #tpu.memory_space<vmem>>
    %dma_wait3A_93 = arith.constant 16 : i32
    %dma_wait3A_94 = tpu.memref_slice %arg5[%dma_wait3A_93] : memref<512xi32, #tpu.memory_space<vmem>> -> memref<16xi32, #tpu.memory_space<vmem>>
    %dma_wait3A_95 = arith.constant 0 : i32
    %dma_wait3A_96 = arith.constant 0 : i32
    %dma_wait3A_97 = tpu.memref_slice %arg3[%dma_wait3A_95, %dma_wait3A_96] : memref<100000x2048xf32, #tpu.memory_space<hbm>> -> memref<100000x2048xf32, #tpu.memory_space<hbm>>
    tpu.wait_indirect_dma semaphore(%arg8 : memref<!tpu.dma_semaphore, #tpu.memory_space<semaphore_mem>>) src(%dma_wait3A_97 : memref<100000x2048xf32, #tpu.memory_space<hbm>>) dst(%dma_wait3A_92 : memref<16x2048xf32, #tpu.memory_space<vmem>>)
    %add3A_98 = arith.constant 16 : i32
    %add3A_99 = arith.addi %mul3A_2, %add3A_98 : i32
    %dma_start3A_100 = arith.constant 1 : i32
    %dma_start3A_101 = arith.constant 0 : i32
    %dma_start3A_102 = arith.constant 0 : i32
    %dma_start3A_103 = tpu.memref_slice %arg6[%dma_start3A_100, %dma_start3A_101, %dma_start3A_102] : memref<3x16x2048xf32, #tpu.memory_space<vmem>> -> memref<1x16x2048xf32, #tpu.memory_space<vmem>>
    %dma_start3A_104 = tpu.memref_squeeze %dma_start3A_103 : memref<1x16x2048xf32, #tpu.memory_space<vmem>> -> memref<16x2048xf32, #tpu.memory_space<vmem>>
    %dma_start3A_105 = arith.constant 0 : i32
    %dma_start3A_106 = tpu.memref_slice %arg4[%add3A_99, %dma_start3A_105] : memref<16384x2048xf32, #tpu.memory_space<hbm>> -> memref<16x2048xf32, #tpu.memory_space<hbm>>
    %dma_start3A_107 = arith.constant 0 : i32
    %dma_start3A_108 = tpu.memref_slice %arg4[%add3A_99, %dma_start3A_107] : memref<16384x2048xf32, #tpu.memory_space<hbm>> -> memref<16x2048xf32, #tpu.memory_space<hbm>>
    %dma_start3A_109 = arith.constant 0 : i32
    %dma_start3A_110 = arith.constant 0 : i32
    %dma_start3A_111 = tpu.memref_slice %arg6[%dma_start3A_100, %dma_start3A_109, %dma_start3A_110] : memref<3x16x2048xf32, #tpu.memory_space<vmem>> -> memref<1x16x2048xf32, #tpu.memory_space<vmem>>
    %dma_start3A_112 = tpu.memref_squeeze %dma_start3A_111 : memref<1x16x2048xf32, #tpu.memory_space<vmem>> -> memref<16x2048xf32, #tpu.memory_space<vmem>>
    tpu.enqueue_dma source(%dma_start3A_112 : memref<16x2048xf32, #tpu.memory_space<vmem>>) target(%dma_start3A_108 : memref<16x2048xf32, #tpu.memory_space<hbm>>) target_semaphore(%arg11 : memref<!tpu.dma_semaphore, #tpu.memory_space<semaphore_mem>>)
    %dma_wait3A_113 = arith.constant 0 : i32
    %dma_wait3A_114 = arith.constant 0 : i32
    %dma_wait3A_115 = arith.constant 0 : i32
    %dma_wait3A_116 = tpu.memref_slice %arg6[%dma_wait3A_113, %dma_wait3A_114, %dma_wait3A_115] : memref<3x16x2048xf32, #tpu.memory_space<vmem>> -> memref<1x16x2048xf32, #tpu.memory_space<vmem>>
    %dma_wait3A_117 = tpu.memref_squeeze %dma_wait3A_116 : memref<1x16x2048xf32, #tpu.memory_space<vmem>> -> memref<16x2048xf32, #tpu.memory_space<vmem>>
    %dma_wait3A_118 = arith.constant 0 : i32
    %dma_wait3A_119 = tpu.memref_slice %arg4[%add3A_74, %dma_wait3A_118] : memref<16384x2048xf32, #tpu.memory_space<hbm>> -> memref<16x2048xf32, #tpu.memory_space<hbm>>
    %dma_wait3A_120 = arith.constant 0 : i32
    %dma_wait3A_121 = tpu.memref_slice %arg4[%add3A_74, %dma_wait3A_120] : memref<16384x2048xf32, #tpu.memory_space<hbm>> -> memref<16x2048xf32, #tpu.memory_space<hbm>>
    %dma_wait3A_122 = arith.constant 0 : i32
    %dma_wait3A_123 = arith.constant 0 : i32
    %dma_wait3A_124 = tpu.memref_slice %arg6[%dma_wait3A_113, %dma_wait3A_122, %dma_wait3A_123] : memref<3x16x2048xf32, #tpu.memory_space<vmem>> -> memref<1x16x2048xf32, #tpu.memory_space<vmem>>
    %dma_wait3A_125 = tpu.memref_squeeze %dma_wait3A_124 : memref<1x16x2048xf32, #tpu.memory_space<vmem>> -> memref<16x2048xf32, #tpu.memory_space<vmem>>
    tpu.wait_dma2 semaphore(%arg10 : memref<!tpu.dma_semaphore, #tpu.memory_space<semaphore_mem>>) src(%dma_wait3A_125 : memref<16x2048xf32, #tpu.memory_space<vmem>>) dst(%dma_wait3A_121 : memref<16x2048xf32, #tpu.memory_space<hbm>>)
    %dma_start3A_126 = arith.constant 0 : i32
    %dma_start3A_127 = arith.constant 0 : i32
    %dma_start3A_128 = arith.constant 0 : i32
    %dma_start3A_129 = tpu.memref_slice %arg6[%dma_start3A_126, %dma_start3A_127, %dma_start3A_128] : memref<3x16x2048xf32, #tpu.memory_space<vmem>> -> memref<1x16x2048xf32, #tpu.memory_space<vmem>>
    %dma_start3A_130 = tpu.memref_squeeze %dma_start3A_129 : memref<1x16x2048xf32, #tpu.memory_space<vmem>> -> memref<16x2048xf32, #tpu.memory_space<vmem>>
    %dma_start3A_131 = arith.constant 48 : i32
    %dma_start3A_132 = tpu.memref_slice %arg5[%dma_start3A_131] : memref<512xi32, #tpu.memory_space<vmem>> -> memref<16xi32, #tpu.memory_space<vmem>>
    %dma_start3A_133 = arith.constant 0 : i32
    %dma_start3A_134 = arith.constant 0 : i32
    %dma_start3A_135 = tpu.memref_slice %arg3[%dma_start3A_133, %dma_start3A_134] : memref<100000x2048xf32, #tpu.memory_space<hbm>> -> memref<100000x2048xf32, #tpu.memory_space<hbm>>
    tpu.enqueue_indirect_dma source(%dma_start3A_135 : memref<100000x2048xf32, #tpu.memory_space<hbm>>) target(%dma_start3A_130 : memref<16x2048xf32, #tpu.memory_space<vmem>>) offsets(%dma_start3A_132 : memref<16xi32, #tpu.memory_space<vmem>>) semaphore(%arg7 : memref<!tpu.dma_semaphore, #tpu.memory_space<semaphore_mem>>)
    %dma_wait3A_136 = arith.constant 2 : i32
    %dma_wait3A_137 = arith.constant 0 : i32
    %dma_wait3A_138 = arith.constant 0 : i32
    %dma_wait3A_139 = tpu.memref_slice %arg6[%dma_wait3A_136, %dma_wait3A_137, %dma_wait3A_138] : memref<3x16x2048xf32, #tpu.memory_space<vmem>> -> memref<1x16x2048xf32, #tpu.memory_space<vmem>>
    %dma_wait3A_140 = tpu.memref_squeeze %dma_wait3A_139 : memref<1x16x2048xf32, #tpu.memory_space<vmem>> -> memref<16x2048xf32, #tpu.memory_space<vmem>>
    %dma_wait3A_141 = arith.constant 32 : i32
    %dma_wait3A_142 = tpu.memref_slice %arg5[%dma_wait3A_141] : memref<512xi32, #tpu.memory_space<vmem>> -> memref<16xi32, #tpu.memory_space<vmem>>
    %dma_wait3A_143 = arith.constant 0 : i32
    %dma_wait3A_144 = arith.constant 0 : i32
    %dma_wait3A_145 = tpu.memref_slice %arg3[%dma_wait3A_143, %dma_wait3A_144] : memref<100000x2048xf32, #tpu.memory_space<hbm>> -> memref<100000x2048xf32, #tpu.memory_space<hbm>>
    tpu.wait_indirect_dma semaphore(%arg9 : memref<!tpu.dma_semaphore, #tpu.memory_space<semaphore_mem>>) src(%dma_wait3A_145 : memref<100000x2048xf32, #tpu.memory_space<hbm>>) dst(%dma_wait3A_140 : memref<16x2048xf32, #tpu.memory_space<vmem>>)
    %add3A_146 = arith.constant 32 : i32
    %add3A_147 = arith.addi %mul3A_2, %add3A_146 : i32
    %dma_start3A_148 = arith.constant 2 : i32
    %dma_start3A_149 = arith.constant 0 : i32
    %dma_start3A_150 = arith.constant 0 : i32
    %dma_start3A_151 = tpu.memref_slice %arg6[%dma_start3A_148, %dma_start3A_149, %dma_start3A_150] : memref<3x16x2048xf32, #tpu.memory_space<vmem>> -> memref<1x16x2048xf32, #tpu.memory_space<vmem>>
    %dma_start3A_152 = tpu.memref_squeeze %dma_start3A_151 : memref<1x16x2048xf32, #tpu.memory_space<vmem>> -> memref<16x2048xf32, #tpu.memory_space<vmem>>
    %dma_start3A_153 = arith.constant 0 : i32
    %dma_start3A_154 = tpu.memref_slice %arg4[%add3A_147, %dma_start3A_153] : memref<16384x2048xf32, #tpu.memory_space<hbm>> -> memref<16x2048xf32, #tpu.memory_space<hbm>>
    %dma_start3A_155 = arith.constant 0 : i32
    %dma_start3A_156 = tpu.memref_slice %arg4[%add3A_147, %dma_start3A_155] : memref<16384x2048xf32, #tpu.memory_space<hbm>> -> memref<16x2048xf32, #tpu.memory_space<hbm>>
    %dma_start3A_157 = arith.constant 0 : i32
    %dma_start3A_158 = arith.constant 0 : i32
    %dma_start3A_159 = tpu.memref_slice %arg6[%dma_start3A_148, %dma_start3A_157, %dma_start3A_158] : memref<3x16x2048xf32, #tpu.memory_space<vmem>> -> memref<1x16x2048xf32, #tpu.memory_space<vmem>>
    %dma_start3A_160 = tpu.memref_squeeze %dma_start3A_159 : memref<1x16x2048xf32, #tpu.memory_space<vmem>> -> memref<16x2048xf32, #tpu.memory_space<vmem>>
    tpu.enqueue_dma source(%dma_start3A_160 : memref<16x2048xf32, #tpu.memory_space<vmem>>) target(%dma_start3A_156 : memref<16x2048xf32, #tpu.memory_space<hbm>>) target_semaphore(%arg12 : memref<!tpu.dma_semaphore, #tpu.memory_space<semaphore_mem>>)
    %dma_wait3A_161 = arith.constant 1 : i32
    %dma_wait3A_162 = arith.constant 0 : i32
    %dma_wait3A_163 = arith.constant 0 : i32
    %dma_wait3A_164 = tpu.memref_slice %arg6[%dma_wait3A_161, %dma_wait3A_162, %dma_wait3A_163] : memref<3x16x2048xf32, #tpu.memory_space<vmem>> -> memref<1x16x2048xf32, #tpu.memory_space<vmem>>
    %dma_wait3A_165 = tpu.memref_squeeze %dma_wait3A_164 : memref<1x16x2048xf32, #tpu.memory_space<vmem>> -> memref<16x2048xf32, #tpu.memory_space<vmem>>
    %dma_wait3A_166 = arith.constant 0 : i32
    %dma_wait3A_167 = tpu.memref_slice %arg4[%add3A_99, %dma_wait3A_166] : memref<16384x2048xf32, #tpu.memory_space<hbm>> -> memref<16x2048xf32, #tpu.memory_space<hbm>>
    %dma_wait3A_168 = arith.constant 0 : i32
    %dma_wait3A_169 = tpu.memref_slice %arg4[%add3A_99, %dma_wait3A_168] : memref<16384x2048xf32, #tpu.memory_space<hbm>> -> memref<16x2048xf32, #tpu.memory_space<hbm>>
    %dma_wait3A_170 = arith.constant 0 : i32
    %dma_wait3A_171 = arith.constant 0 : i32
    %dma_wait3A_172 = tpu.memref_slice %arg6[%dma_wait3A_161, %dma_wait3A_170, %dma_wait3A_171] : memref<3x16x2048xf32, #tpu.memory_space<vmem>> -> memref<1x16x2048xf32, #tpu.memory_space<vmem>>
    %dma_wait3A_173 = tpu.memref_squeeze %dma_wait3A_172 : memref<1x16x2048xf32, #tpu.memory_space<vmem>> -> memref<16x2048xf32, #tpu.memory_space<vmem>>
    tpu.wait_dma2 semaphore(%arg11 : memref<!tpu.dma_semaphore, #tpu.memory_space<semaphore_mem>>) src(%dma_wait3A_173 : memref<16x2048xf32, #tpu.memory_space<vmem>>) dst(%dma_wait3A_169 : memref<16x2048xf32, #tpu.memory_space<hbm>>)
    %dma_start3A_174 = arith.constant 1 : i32
    %dma_start3A_175 = arith.constant 0 : i32
    %dma_start3A_176 = arith.constant 0 : i32
    %dma_start3A_177 = tpu.memref_slice %arg6[%dma_start3A_174, %dma_start3A_175, %dma_start3A_176] : memref<3x16x2048xf32, #tpu.memory_space<vmem>> -> memref<1x16x2048xf32, #tpu.memory_space<vmem>>
    %dma_start3A_178 = tpu.memref_squeeze %dma_start3A_177 : memref<1x16x2048xf32, #tpu.memory_space<vmem>> -> memref<16x2048xf32, #tpu.memory_space<vmem>>
    %dma_start3A_179 = arith.constant 64 : i32
    %dma_start3A_180 = tpu.memref_slice %arg5[%dma_start3A_179] : memref<512xi32, #tpu.memory_space<vmem>> -> memref<16xi32, #tpu.memory_space<vmem>>
    %dma_start3A_181 = arith.constant 0 : i32
    %dma_start3A_182 = arith.constant 0 : i32
    %dma_start3A_183 = tpu.memref_slice %arg3[%dma_start3A_181, %dma_start3A_182] : memref<100000x2048xf32, #tpu.memory_space<hbm>> -> memref<100000x2048xf32, #tpu.memory_space<hbm>>
    tpu.enqueue_indirect_dma source(%dma_start3A_183 : memref<100000x2048xf32, #tpu.memory_space<hbm>>) target(%dma_start3A_178 : memref<16x2048xf32, #tpu.memory_space<vmem>>) offsets(%dma_start3A_180 : memref<16xi32, #tpu.memory_space<vmem>>) semaphore(%arg8 : memref<!tpu.dma_semaphore, #tpu.memory_space<semaphore_mem>>)
    %dma_wait3A_184 = arith.constant 0 : i32
    %dma_wait3A_185 = arith.constant 0 : i32
    %dma_wait3A_186 = arith.constant 0 : i32
    %dma_wait3A_187 = tpu.memref_slice %arg6[%dma_wait3A_184, %dma_wait3A_185, %dma_wait3A_186] : memref<3x16x2048xf32, #tpu.memory_space<vmem>> -> memref<1x16x2048xf32, #tpu.memory_space<vmem>>
    %dma_wait3A_188 = tpu.memref_squeeze %dma_wait3A_187 : memref<1x16x2048xf32, #tpu.memory_space<vmem>> -> memref<16x2048xf32, #tpu.memory_space<vmem>>
    %dma_wait3A_189 = arith.constant 48 : i32
    %dma_wait3A_190 = tpu.memref_slice %arg5[%dma_wait3A_189] : memref<512xi32, #tpu.memory_space<vmem>> -> memref<16xi32, #tpu.memory_space<vmem>>
    %dma_wait3A_191 = arith.constant 0 : i32
    %dma_wait3A_192 = arith.constant 0 : i32
    %dma_wait3A_193 = tpu.memref_slice %arg3[%dma_wait3A_191, %dma_wait3A_192] : memref<100000x2048xf32, #tpu.memory_space<hbm>> -> memref<100000x2048xf32, #tpu.memory_space<hbm>>
    tpu.wait_indirect_dma semaphore(%arg7 : memref<!tpu.dma_semaphore, #tpu.memory_space<semaphore_mem>>) src(%dma_wait3A_193 : memref<100000x2048xf32, #tpu.memory_space<hbm>>) dst(%dma_wait3A_188 : memref<16x2048xf32, #tpu.memory_space<vmem>>)
    %add3A_194 = arith.constant 48 : i32
    %add3A_195 = arith.addi %mul3A_2, %add3A_194 : i32
    %dma_start3A_196 = arith.constant 0 : i32
    %dma_start3A_197 = arith.constant 0 : i32
    %dma_start3A_198 = arith.constant 0 : i32
    %dma_start3A_199 = tpu.memref_slice %arg6[%dma_start3A_196, %dma_start3A_197, %dma_start3A_198] : memref<3x16x2048xf32, #tpu.memory_space<vmem>> -> memref<1x16x2048xf32, #tpu.memory_space<vmem>>
    %dma_start3A_200 = tpu.memref_squeeze %dma_start3A_199 : memref<1x16x2048xf32, #tpu.memory_space<vmem>> -> memref<16x2048xf32, #tpu.memory_space<vmem>>
    %dma_start3A_201 = arith.constant 0 : i32
    %dma_start3A_202 = tpu.memref_slice %arg4[%add3A_195, %dma_start3A_201] : memref<16384x2048xf32, #tpu.memory_space<hbm>> -> memref<16x2048xf32, #tpu.memory_space<hbm>>
    %dma_start3A_203 = arith.constant 0 : i32
    %dma_start3A_204 = tpu.memref_slice %arg4[%add3A_195, %dma_start3A_203] : memref<16384x2048xf32, #tpu.memory_space<hbm>> -> memref<16x2048xf32, #tpu.memory_space<hbm>>
    %dma_start3A_205 = arith.constant 0 : i32
    %dma_start3A_206 = arith.constant 0 : i32
    %dma_start3A_207 = tpu.memref_slice %arg6[%dma_start3A_196, %dma_start3A_205, %dma_start3A_206] : memref<3x16x2048xf32, #tpu.memory_space<vmem>> -> memref<1x16x2048xf32, #tpu.memory_space<vmem>>
    %dma_start3A_208 = tpu.memref_squeeze %dma_start3A_207 : memref<1x16x2048xf32, #tpu.memory_space<vmem>> -> memref<16x2048xf32, #tpu.memory_space<vmem>>
    tpu.enqueue_dma source(%dma_start3A_208 : memref<16x2048xf32, #tpu.memory_space<vmem>>) target(%dma_start3A_204 : memref<16x2048xf32, #tpu.memory_space<hbm>>) target_semaphore(%arg10 : memref<!tpu.dma_semaphore, #tpu.memory_space<semaphore_mem>>)
    %dma_wait3A_209 = arith.constant 2 : i32
    %dma_wait3A_210 = arith.constant 0 : i32
    %dma_wait3A_211 = arith.constant 0 : i32
    %dma_wait3A_212 = tpu.memref_slice %arg6[%dma_wait3A_209, %dma_wait3A_210, %dma_wait3A_211] : memref<3x16x2048xf32, #tpu.memory_space<vmem>> -> memref<1x16x2048xf32, #tpu.memory_space<vmem>>
    %dma_wait3A_213 = tpu.memref_squeeze %dma_wait3A_212 : memref<1x16x2048xf32, #tpu.memory_space<vmem>> -> memref<16x2048xf32, #tpu.memory_space<vmem>>
    %dma_wait3A_214 = arith.constant 0 : i32
    %dma_wait3A_215 = tpu.memref_slice %arg4[%add3A_147, %dma_wait3A_214] : memref<16384x2048xf32, #tpu.memory_space<hbm>> -> memref<16x2048xf32, #tpu.memory_space<hbm>>
    %dma_wait3A_216 = arith.constant 0 : i32
    %dma_wait3A_217 = tpu.memref_slice %arg4[%add3A_147, %dma_wait3A_216] : memref<16384x2048xf32, #tpu.memory_space<hbm>> -> memref<16x2048xf32, #tpu.memory_space<hbm>>
    %dma_wait3A_218 = arith.constant 0 : i32
    %dma_wait3A_219 = arith.constant 0 : i32
    %dma_wait3A_220 = tpu.memref_slice %arg6[%dma_wait3A_209, %dma_wait3A_218, %dma_wait3A_219] : memref<3x16x2048xf32, #tpu.memory_space<vmem>> -> memref<1x16x2048xf32, #tpu.memory_space<vmem>>
    %dma_wait3A_221 = tpu.memref_squeeze %dma_wait3A_220 : memref<1x16x2048xf32, #tpu.memory_space<vmem>> -> memref<16x2048xf32, #tpu.memory_space<vmem>>
    tpu.wait_dma2 semaphore(%arg12 : memref<!tpu.dma_semaphore, #tpu.memory_space<semaphore_mem>>) src(%dma_wait3A_221 : memref<16x2048xf32, #tpu.memory_space<vmem>>) dst(%dma_wait3A_217 : memref<16x2048xf32, #tpu.memory_space<hbm>>)
    %dma_start3A_222 = arith.constant 2 : i32
    %dma_start3A_223 = arith.constant 0 : i32
    %dma_start3A_224 = arith.constant 0 : i32
    %dma_start3A_225 = tpu.memref_slice %arg6[%dma_start3A_222, %dma_start3A_223, %dma_start3A_224] : memref<3x16x2048xf32, #tpu.memory_space<vmem>> -> memref<1x16x2048xf32, #tpu.memory_space<vmem>>
    %dma_start3A_226 = tpu.memref_squeeze %dma_start3A_225 : memref<1x16x2048xf32, #tpu.memory_space<vmem>> -> memref<16x2048xf32, #tpu.memory_space<vmem>>
    %dma_start3A_227 = arith.constant 80 : i32
    %dma_start3A_228 = tpu.memref_slice %arg5[%dma_start3A_227] : memref<512xi32, #tpu.memory_space<vmem>> -> memref<16xi32, #tpu.memory_space<vmem>>
    %dma_start3A_229 = arith.constant 0 : i32
    %dma_start3A_230 = arith.constant 0 : i32
    %dma_start3A_231 = tpu.memref_slice %arg3[%dma_start3A_229, %dma_start3A_230] : memref<100000x2048xf32, #tpu.memory_space<hbm>> -> memref<100000x2048xf32, #tpu.memory_space<hbm>>
    tpu.enqueue_indirect_dma source(%dma_start3A_231 : memref<100000x2048xf32, #tpu.memory_space<hbm>>) target(%dma_start3A_226 : memref<16x2048xf32, #tpu.memory_space<vmem>>) offsets(%dma_start3A_228 : memref<16xi32, #tpu.memory_space<vmem>>) semaphore(%arg9 : memref<!tpu.dma_semaphore, #tpu.memory_space<semaphore_mem>>)
    %dma_wait3A_232 = arith.constant 1 : i32
    %dma_wait3A_233 = arith.constant 0 : i32
    %dma_wait3A_234 = arith.constant 0 : i32
    %dma_wait3A_235 = tpu.memref_slice %arg6[%dma_wait3A_232, %dma_wait3A_233, %dma_wait3A_234] : memref<3x16x2048xf32, #tpu.memory_space<vmem>> -> memref<1x16x2048xf32, #tpu.memory_space<vmem>>
    %dma_wait3A_236 = tpu.memref_squeeze %dma_wait3A_235 : memref<1x16x2048xf32, #tpu.memory_space<vmem>> -> memref<16x2048xf32, #tpu.memory_space<vmem>>
    %dma_wait3A_237 = arith.constant 64 : i32
    %dma_wait3A_238 = tpu.memref_slice %arg5[%dma_wait3A_237] : memref<512xi32, #tpu.memory_space<vmem>> -> memref<16xi32, #tpu.memory_space<vmem>>
    %dma_wait3A_239 = arith.constant 0 : i32
    %dma_wait3A_240 = arith.constant 0 : i32
    %dma_wait3A_241 = tpu.memref_slice %arg3[%dma_wait3A_239, %dma_wait3A_240] : memref<100000x2048xf32, #tpu.memory_space<hbm>> -> memref<100000x2048xf32, #tpu.memory_space<hbm>>
    tpu.wait_indirect_dma semaphore(%arg8 : memref<!tpu.dma_semaphore, #tpu.memory_space<semaphore_mem>>) src(%dma_wait3A_241 : memref<100000x2048xf32, #tpu.memory_space<hbm>>) dst(%dma_wait3A_236 : memref<16x2048xf32, #tpu.memory_space<vmem>>)
    %add3A_242 = arith.constant 64 : i32
    %add3A_243 = arith.addi %mul3A_2, %add3A_242 : i32
    %dma_start3A_244 = arith.constant 1 : i32
    %dma_start3A_245 = arith.constant 0 : i32
    %dma_start3A_246 = arith.constant 0 : i32
    %dma_start3A_247 = tpu.memref_slice %arg6[%dma_start3A_244, %dma_start3A_245, %dma_start3A_246] : memref<3x16x2048xf32, #tpu.memory_space<vmem>> -> memref<1x16x2048xf32, #tpu.memory_space<vmem>>
    %dma_start3A_248 = tpu.memref_squeeze %dma_start3A_247 : memref<1x16x2048xf32, #tpu.memory_space<vmem>> -> memref<16x2048xf32, #tpu.memory_space<vmem>>
    %dma_start3A_249 = arith.constant 0 : i32
    %dma_start3A_250 = tpu.memref_slice %arg4[%add3A_243, %dma_start3A_249] : memref<16384x2048xf32, #tpu.memory_space<hbm>> -> memref<16x2048xf32, #tpu.memory_space<hbm>>
    %dma_start3A_251 = arith.constant 0 : i32
    %dma_start3A_252 = tpu.memref_slice %arg4[%add3A_243, %dma_start3A_251] : memref<16384x2048xf32, #tpu.memory_space<hbm>> -> memref<16x2048xf32, #tpu.memory_space<hbm>>
    %dma_start3A_253 = arith.constant 0 : i32
    %dma_start3A_254 = arith.constant 0 : i32
    %dma_start3A_255 = tpu.memref_slice %arg6[%dma_start3A_244, %dma_start3A_253, %dma_start3A_254] : memref<3x16x2048xf32, #tpu.memory_space<vmem>> -> memref<1x16x2048xf32, #tpu.memory_space<vmem>>
    %dma_start3A_256 = tpu.memref_squeeze %dma_start3A_255 : memref<1x16x2048xf32, #tpu.memory_space<vmem>> -> memref<16x2048xf32, #tpu.memory_space<vmem>>
    tpu.enqueue_dma source(%dma_start3A_256 : memref<16x2048xf32, #tpu.memory_space<vmem>>) target(%dma_start3A_252 : memref<16x2048xf32, #tpu.memory_space<hbm>>) target_semaphore(%arg11 : memref<!tpu.dma_semaphore, #tpu.memory_space<semaphore_mem>>)
    %dma_wait3A_257 = arith.constant 0 : i32
    %dma_wait3A_258 = arith.constant 0 : i32
    %dma_wait3A_259 = arith.constant 0 : i32
    %dma_wait3A_260 = tpu.memref_slice %arg6[%dma_wait3A_257, %dma_wait3A_258, %dma_wait3A_259] : memref<3x16x2048xf32, #tpu.memory_space<vmem>> -> memref<1x16x2048xf32, #tpu.memory_space<vmem>>
    %dma_wait3A_261 = tpu.memref_squeeze %dma_wait3A_260 : memref<1x16x2048xf32, #tpu.memory_space<vmem>> -> memref<16x2048xf32, #tpu.memory_space<vmem>>
    %dma_wait3A_262 = arith.constant 0 : i32
    %dma_wait3A_263 = tpu.memref_slice %arg4[%add3A_195, %dma_wait3A_262] : memref<16384x2048xf32, #tpu.memory_space<hbm>> -> memref<16x2048xf32, #tpu.memory_space<hbm>>
    %dma_wait3A_264 = arith.constant 0 : i32
    %dma_wait3A_265 = tpu.memref_slice %arg4[%add3A_195, %dma_wait3A_264] : memref<16384x2048xf32, #tpu.memory_space<hbm>> -> memref<16x2048xf32, #tpu.memory_space<hbm>>
    %dma_wait3A_266 = arith.constant 0 : i32
    %dma_wait3A_267 = arith.constant 0 : i32
    %dma_wait3A_268 = tpu.memref_slice %arg6[%dma_wait3A_257, %dma_wait3A_266, %dma_wait3A_267] : memref<3x16x2048xf32, #tpu.memory_space<vmem>> -> memref<1x16x2048xf32, #tpu.memory_space<vmem>>
    %dma_wait3A_269 = tpu.memref_squeeze %dma_wait3A_268 : memref<1x16x2048xf32, #tpu.memory_space<vmem>> -> memref<16x2048xf32, #tpu.memory_space<vmem>>
    tpu.wait_dma2 semaphore(%arg10 : memref<!tpu.dma_semaphore, #tpu.memory_space<semaphore_mem>>) src(%dma_wait3A_269 : memref<16x2048xf32, #tpu.memory_space<vmem>>) dst(%dma_wait3A_265 : memref<16x2048xf32, #tpu.memory_space<hbm>>)
    %dma_start3A_270 = arith.constant 0 : i32
    %dma_start3A_271 = arith.constant 0 : i32
    %dma_start3A_272 = arith.constant 0 : i32
    %dma_start3A_273 = tpu.memref_slice %arg6[%dma_start3A_270, %dma_start3A_271, %dma_start3A_272] : memref<3x16x2048xf32, #tpu.memory_space<vmem>> -> memref<1x16x2048xf32, #tpu.memory_space<vmem>>
    %dma_start3A_274 = tpu.memref_squeeze %dma_start3A_273 : memref<1x16x2048xf32, #tpu.memory_space<vmem>> -> memref<16x2048xf32, #tpu.memory_space<vmem>>
    %dma_start3A_275 = arith.constant 96 : i32
    %dma_start3A_276 = tpu.memref_slice %arg5[%dma_start3A_275] : memref<512xi32, #tpu.memory_space<vmem>> -> memref<16xi32, #tpu.memory_space<vmem>>
    %dma_start3A_277 = arith.constant 0 : i32
    %dma_start3A_278 = arith.constant 0 : i32
    %dma_start3A_279 = tpu.memref_slice %arg3[%dma_start3A_277, %dma_start3A_278] : memref<100000x2048xf32, #tpu.memory_space<hbm>> -> memref<100000x2048xf32, #tpu.memory_space<hbm>>
    tpu.enqueue_indirect_dma source(%dma_start3A_279 : memref<100000x2048xf32, #tpu.memory_space<hbm>>) target(%dma_start3A_274 : memref<16x2048xf32, #tpu.memory_space<vmem>>) offsets(%dma_start3A_276 : memref<16xi32, #tpu.memory_space<vmem>>) semaphore(%arg7 : memref<!tpu.dma_semaphore, #tpu.memory_space<semaphore_mem>>)
    %dma_wait3A_280 = arith.constant 2 : i32
    %dma_wait3A_281 = arith.constant 0 : i32
    %dma_wait3A_282 = arith.constant 0 : i32
    %dma_wait3A_283 = tpu.memref_slice %arg6[%dma_wait3A_280, %dma_wait3A_281, %dma_wait3A_282] : memref<3x16x2048xf32, #tpu.memory_space<vmem>> -> memref<1x16x2048xf32, #tpu.memory_space<vmem>>
    %dma_wait3A_284 = tpu.memref_squeeze %dma_wait3A_283 : memref<1x16x2048xf32, #tpu.memory_space<vmem>> -> memref<16x2048xf32, #tpu.memory_space<vmem>>
    %dma_wait3A_285 = arith.constant 80 : i32
    %dma_wait3A_286 = tpu.memref_slice %arg5[%dma_wait3A_285] : memref<512xi32, #tpu.memory_space<vmem>> -> memref<16xi32, #tpu.memory_space<vmem>>
    %dma_wait3A_287 = arith.constant 0 : i32
    %dma_wait3A_288 = arith.constant 0 : i32
    %dma_wait3A_289 = tpu.memref_slice %arg3[%dma_wait3A_287, %dma_wait3A_288] : memref<100000x2048xf32, #tpu.memory_space<hbm>> -> memref<100000x2048xf32, #tpu.memory_space<hbm>>
    tpu.wait_indirect_dma semaphore(%arg9 : memref<!tpu.dma_semaphore, #tpu.memory_space<semaphore_mem>>) src(%dma_wait3A_289 : memref<100000x2048xf32, #tpu.memory_space<hbm>>) dst(%dma_wait3A_284 : memref<16x2048xf32, #tpu.memory_space<vmem>>)
    %add3A_290 = arith.constant 80 : i32
    %add3A_291 = arith.addi %mul3A_2, %add3A_290 : i32
    %dma_start3A_292 = arith.constant 2 : i32
    %dma_start3A_293 = arith.constant 0 : i32
    %dma_start3A_294 = arith.constant 0 : i32
    %dma_start3A_295 = tpu.memref_slice %arg6[%dma_start3A_292, %dma_start3A_293, %dma_start3A_294] : memref<3x16x2048xf32, #tpu.memory_space<vmem>> -> memref<1x16x2048xf32, #tpu.memory_space<vmem>>
    %dma_start3A_296 = tpu.memref_squeeze %dma_start3A_295 : memref<1x16x2048xf32, #tpu.memory_space<vmem>> -> memref<16x2048xf32, #tpu.memory_space<vmem>>
    %dma_start3A_297 = arith.constant 0 : i32
    %dma_start3A_298 = tpu.memref_slice %arg4[%add3A_291, %dma_start3A_297] : memref<16384x2048xf32, #tpu.memory_space<hbm>> -> memref<16x2048xf32, #tpu.memory_space<hbm>>
    %dma_start3A_299 = arith.constant 0 : i32
    %dma_start3A_300 = tpu.memref_slice %arg4[%add3A_291, %dma_start3A_299] : memref<16384x2048xf32, #tpu.memory_space<hbm>> -> memref<16x2048xf32, #tpu.memory_space<hbm>>
    %dma_start3A_301 = arith.constant 0 : i32
    %dma_start3A_302 = arith.constant 0 : i32
    %dma_start3A_303 = tpu.memref_slice %arg6[%dma_start3A_292, %dma_start3A_301, %dma_start3A_302] : memref<3x16x2048xf32, #tpu.memory_space<vmem>> -> memref<1x16x2048xf32, #tpu.memory_space<vmem>>
    %dma_start3A_304 = tpu.memref_squeeze %dma_start3A_303 : memref<1x16x2048xf32, #tpu.memory_space<vmem>> -> memref<16x2048xf32, #tpu.memory_space<vmem>>
    tpu.enqueue_dma source(%dma_start3A_304 : memref<16x2048xf32, #tpu.memory_space<vmem>>) target(%dma_start3A_300 : memref<16x2048xf32, #tpu.memory_space<hbm>>) target_semaphore(%arg12 : memref<!tpu.dma_semaphore, #tpu.memory_space<semaphore_mem>>)
    %dma_wait3A_305 = arith.constant 1 : i32
    %dma_wait3A_306 = arith.constant 0 : i32
    %dma_wait3A_307 = arith.constant 0 : i32
    %dma_wait3A_308 = tpu.memref_slice %arg6[%dma_wait3A_305, %dma_wait3A_306, %dma_wait3A_307] : memref<3x16x2048xf32, #tpu.memory_space<vmem>> -> memref<1x16x2048xf32, #tpu.memory_space<vmem>>
    %dma_wait3A_309 = tpu.memref_squeeze %dma_wait3A_308 : memref<1x16x2048xf32, #tpu.memory_space<vmem>> -> memref<16x2048xf32, #tpu.memory_space<vmem>>
    %dma_wait3A_310 = arith.constant 0 : i32
    %dma_wait3A_311 = tpu.memref_slice %arg4[%add3A_243, %dma_wait3A_310] : memref<16384x2048xf32, #tpu.memory_space<hbm>> -> memref<16x2048xf32, #tpu.memory_space<hbm>>
    %dma_wait3A_312 = arith.constant 0 : i32
    %dma_wait3A_313 = tpu.memref_slice %arg4[%add3A_243, %dma_wait3A_312] : memref<16384x2048xf32, #tpu.memory_space<hbm>> -> memref<16x2048xf32, #tpu.memory_space<hbm>>
    %dma_wait3A_314 = arith.constant 0 : i32
    %dma_wait3A_315 = arith.constant 0 : i32
    %dma_wait3A_316 = tpu.memref_slice %arg6[%dma_wait3A_305, %dma_wait3A_314, %dma_wait3A_315] : memref<3x16x2048xf32, #tpu.memory_space<vmem>> -> memref<1x16x2048xf32, #tpu.memory_space<vmem>>
    %dma_wait3A_317 = tpu.memref_squeeze %dma_wait3A_316 : memref<1x16x2048xf32, #tpu.memory_space<vmem>> -> memref<16x2048xf32, #tpu.memory_space<vmem>>
    tpu.wait_dma2 semaphore(%arg11 : memref<!tpu.dma_semaphore, #tpu.memory_space<semaphore_mem>>) src(%dma_wait3A_317 : memref<16x2048xf32, #tpu.memory_space<vmem>>) dst(%dma_wait3A_313 : memref<16x2048xf32, #tpu.memory_space<hbm>>)
    %dma_start3A_318 = arith.constant 1 : i32
    %dma_start3A_319 = arith.constant 0 : i32
    %dma_start3A_320 = arith.constant 0 : i32
    %dma_start3A_321 = tpu.memref_slice %arg6[%dma_start3A_318, %dma_start3A_319, %dma_start3A_320] : memref<3x16x2048xf32, #tpu.memory_space<vmem>> -> memref<1x16x2048xf32, #tpu.memory_space<vmem>>
    %dma_start3A_322 = tpu.memref_squeeze %dma_start3A_321 : memref<1x16x2048xf32, #tpu.memory_space<vmem>> -> memref<16x2048xf32, #tpu.memory_space<vmem>>
    %dma_start3A_323 = arith.constant 112 : i32
    %dma_start3A_324 = tpu.memref_slice %arg5[%dma_start3A_323] : memref<512xi32, #tpu.memory_space<vmem>> -> memref<16xi32, #tpu.memory_space<vmem>>
    %dma_start3A_325 = arith.constant 0 : i32
    %dma_start3A_326 = arith.constant 0 : i32
    %dma_start3A_327 = tpu.memref_slice %arg3[%dma_start3A_325, %dma_start3A_326] : memref<100000x2048xf32, #tpu.memory_space<hbm>> -> memref<100000x2048xf32, #tpu.memory_space<hbm>>
    tpu.enqueue_indirect_dma source(%dma_start3A_327 : memref<100000x2048xf32, #tpu.memory_space<hbm>>) target(%dma_start3A_322 : memref<16x2048xf32, #tpu.memory_space<vmem>>) offsets(%dma_start3A_324 : memref<16xi32, #tpu.memory_space<vmem>>) semaphore(%arg8 : memref<!tpu.dma_semaphore, #tpu.memory_space<semaphore_mem>>)
    %dma_wait3A_328 = arith.constant 0 : i32
    %dma_wait3A_329 = arith.constant 0 : i32
    %dma_wait3A_330 = arith.constant 0 : i32
    %dma_wait3A_331 = tpu.memref_slice %arg6[%dma_wait3A_328, %dma_wait3A_329, %dma_wait3A_330] : memref<3x16x2048xf32, #tpu.memory_space<vmem>> -> memref<1x16x2048xf32, #tpu.memory_space<vmem>>
    %dma_wait3A_332 = tpu.memref_squeeze %dma_wait3A_331 : memref<1x16x2048xf32, #tpu.memory_space<vmem>> -> memref<16x2048xf32, #tpu.memory_space<vmem>>
    %dma_wait3A_333 = arith.constant 96 : i32
    %dma_wait3A_334 = tpu.memref_slice %arg5[%dma_wait3A_333] : memref<512xi32, #tpu.memory_space<vmem>> -> memref<16xi32, #tpu.memory_space<vmem>>
    %dma_wait3A_335 = arith.constant 0 : i32
    %dma_wait3A_336 = arith.constant 0 : i32
    %dma_wait3A_337 = tpu.memref_slice %arg3[%dma_wait3A_335, %dma_wait3A_336] : memref<100000x2048xf32, #tpu.memory_space<hbm>> -> memref<100000x2048xf32, #tpu.memory_space<hbm>>
    tpu.wait_indirect_dma semaphore(%arg7 : memref<!tpu.dma_semaphore, #tpu.memory_space<semaphore_mem>>) src(%dma_wait3A_337 : memref<100000x2048xf32, #tpu.memory_space<hbm>>) dst(%dma_wait3A_332 : memref<16x2048xf32, #tpu.memory_space<vmem>>)
    %add3A_338 = arith.constant 96 : i32
    %add3A_339 = arith.addi %mul3A_2, %add3A_338 : i32
    %dma_start3A_340 = arith.constant 0 : i32
    %dma_start3A_341 = arith.constant 0 : i32
    %dma_start3A_342 = arith.constant 0 : i32
    %dma_start3A_343 = tpu.memref_slice %arg6[%dma_start3A_340, %dma_start3A_341, %dma_start3A_342] : memref<3x16x2048xf32, #tpu.memory_space<vmem>> -> memref<1x16x2048xf32, #tpu.memory_space<vmem>>
    %dma_start3A_344 = tpu.memref_squeeze %dma_start3A_343 : memref<1x16x2048xf32, #tpu.memory_space<vmem>> -> memref<16x2048xf32, #tpu.memory_space<vmem>>
    %dma_start3A_345 = arith.constant 0 : i32
    %dma_start3A_346 = tpu.memref_slice %arg4[%add3A_339, %dma_start3A_345] : memref<16384x2048xf32, #tpu.memory_space<hbm>> -> memref<16x2048xf32, #tpu.memory_space<hbm>>
    %dma_start3A_347 = arith.constant 0 : i32
    %dma_start3A_348 = tpu.memref_slice %arg4[%add3A_339, %dma_start3A_347] : memref<16384x2048xf32, #tpu.memory_space<hbm>> -> memref<16x2048xf32, #tpu.memory_space<hbm>>
    %dma_start3A_349 = arith.constant 0 : i32
    %dma_start3A_350 = arith.constant 0 : i32
    %dma_start3A_351 = tpu.memref_slice %arg6[%dma_start3A_340, %dma_start3A_349, %dma_start3A_350] : memref<3x16x2048xf32, #tpu.memory_space<vmem>> -> memref<1x16x2048xf32, #tpu.memory_space<vmem>>
    %dma_start3A_352 = tpu.memref_squeeze %dma_start3A_351 : memref<1x16x2048xf32, #tpu.memory_space<vmem>> -> memref<16x2048xf32, #tpu.memory_space<vmem>>
    tpu.enqueue_dma source(%dma_start3A_352 : memref<16x2048xf32, #tpu.memory_space<vmem>>) target(%dma_start3A_348 : memref<16x2048xf32, #tpu.memory_space<hbm>>) target_semaphore(%arg10 : memref<!tpu.dma_semaphore, #tpu.memory_space<semaphore_mem>>)
    %dma_wait3A_353 = arith.constant 2 : i32
    %dma_wait3A_354 = arith.constant 0 : i32
    %dma_wait3A_355 = arith.constant 0 : i32
    %dma_wait3A_356 = tpu.memref_slice %arg6[%dma_wait3A_353, %dma_wait3A_354, %dma_wait3A_355] : memref<3x16x2048xf32, #tpu.memory_space<vmem>> -> memref<1x16x2048xf32, #tpu.memory_space<vmem>>
    %dma_wait3A_357 = tpu.memref_squeeze %dma_wait3A_356 : memref<1x16x2048xf32, #tpu.memory_space<vmem>> -> memref<16x2048xf32, #tpu.memory_space<vmem>>
    %dma_wait3A_358 = arith.constant 0 : i32
    %dma_wait3A_359 = tpu.memref_slice %arg4[%add3A_291, %dma_wait3A_358] : memref<16384x2048xf32, #tpu.memory_space<hbm>> -> memref<16x2048xf32, #tpu.memory_space<hbm>>
    %dma_wait3A_360 = arith.constant 0 : i32
    %dma_wait3A_361 = tpu.memref_slice %arg4[%add3A_291, %dma_wait3A_360] : memref<16384x2048xf32, #tpu.memory_space<hbm>> -> memref<16x2048xf32, #tpu.memory_space<hbm>>
    %dma_wait3A_362 = arith.constant 0 : i32
    %dma_wait3A_363 = arith.constant 0 : i32
    %dma_wait3A_364 = tpu.memref_slice %arg6[%dma_wait3A_353, %dma_wait3A_362, %dma_wait3A_363] : memref<3x16x2048xf32, #tpu.memory_space<vmem>> -> memref<1x16x2048xf32, #tpu.memory_space<vmem>>
    %dma_wait3A_365 = tpu.memref_squeeze %dma_wait3A_364 : memref<1x16x2048xf32, #tpu.memory_space<vmem>> -> memref<16x2048xf32, #tpu.memory_space<vmem>>
    tpu.wait_dma2 semaphore(%arg12 : memref<!tpu.dma_semaphore, #tpu.memory_space<semaphore_mem>>) src(%dma_wait3A_365 : memref<16x2048xf32, #tpu.memory_space<vmem>>) dst(%dma_wait3A_361 : memref<16x2048xf32, #tpu.memory_space<hbm>>)
    %dma_start3A_366 = arith.constant 2 : i32
    %dma_start3A_367 = arith.constant 0 : i32
    %dma_start3A_368 = arith.constant 0 : i32
    %dma_start3A_369 = tpu.memref_slice %arg6[%dma_start3A_366, %dma_start3A_367, %dma_start3A_368] : memref<3x16x2048xf32, #tpu.memory_space<vmem>> -> memref<1x16x2048xf32, #tpu.memory_space<vmem>>
    %dma_start3A_370 = tpu.memref_squeeze %dma_start3A_369 : memref<1x16x2048xf32, #tpu.memory_space<vmem>> -> memref<16x2048xf32, #tpu.memory_space<vmem>>
    %dma_start3A_371 = arith.constant 128 : i32
    %dma_start3A_372 = tpu.memref_slice %arg5[%dma_start3A_371] : memref<512xi32, #tpu.memory_space<vmem>> -> memref<16xi32, #tpu.memory_space<vmem>>
    %dma_start3A_373 = arith.constant 0 : i32
    %dma_start3A_374 = arith.constant 0 : i32
    %dma_start3A_375 = tpu.memref_slice %arg3[%dma_start3A_373, %dma_start3A_374] : memref<100000x2048xf32, #tpu.memory_space<hbm>> -> memref<100000x2048xf32, #tpu.memory_space<hbm>>
    tpu.enqueue_indirect_dma source(%dma_start3A_375 : memref<100000x2048xf32, #tpu.memory_space<hbm>>) target(%dma_start3A_370 : memref<16x2048xf32, #tpu.memory_space<vmem>>) offsets(%dma_start3A_372 : memref<16xi32, #tpu.memory_space<vmem>>) semaphore(%arg9 : memref<!tpu.dma_semaphore, #tpu.memory_space<semaphore_mem>>)
    %dma_wait3A_376 = arith.constant 1 : i32
    %dma_wait3A_377 = arith.constant 0 : i32
    %dma_wait3A_378 = arith.constant 0 : i32
    %dma_wait3A_379 = tpu.memref_slice %arg6[%dma_wait3A_376, %dma_wait3A_377, %dma_wait3A_378] : memref<3x16x2048xf32, #tpu.memory_space<vmem>> -> memref<1x16x2048xf32, #tpu.memory_space<vmem>>
    %dma_wait3A_380 = tpu.memref_squeeze %dma_wait3A_379 : memref<1x16x2048xf32, #tpu.memory_space<vmem>> -> memref<16x2048xf32, #tpu.memory_space<vmem>>
    %dma_wait3A_381 = arith.constant 112 : i32
    %dma_wait3A_382 = tpu.memref_slice %arg5[%dma_wait3A_381] : memref<512xi32, #tpu.memory_space<vmem>> -> memref<16xi32, #tpu.memory_space<vmem>>
    %dma_wait3A_383 = arith.constant 0 : i32
    %dma_wait3A_384 = arith.constant 0 : i32
    %dma_wait3A_385 = tpu.memref_slice %arg3[%dma_wait3A_383, %dma_wait3A_384] : memref<100000x2048xf32, #tpu.memory_space<hbm>> -> memref<100000x2048xf32, #tpu.memory_space<hbm>>
    tpu.wait_indirect_dma semaphore(%arg8 : memref<!tpu.dma_semaphore, #tpu.memory_space<semaphore_mem>>) src(%dma_wait3A_385 : memref<100000x2048xf32, #tpu.memory_space<hbm>>) dst(%dma_wait3A_380 : memref<16x2048xf32, #tpu.memory_space<vmem>>)
    %add3A_386 = arith.constant 112 : i32
    %add3A_387 = arith.addi %mul3A_2, %add3A_386 : i32
    %dma_start3A_388 = arith.constant 1 : i32
    %dma_start3A_389 = arith.constant 0 : i32
    %dma_start3A_390 = arith.constant 0 : i32
    %dma_start3A_391 = tpu.memref_slice %arg6[%dma_start3A_388, %dma_start3A_389, %dma_start3A_390] : memref<3x16x2048xf32, #tpu.memory_space<vmem>> -> memref<1x16x2048xf32, #tpu.memory_space<vmem>>
    %dma_start3A_392 = tpu.memref_squeeze %dma_start3A_391 : memref<1x16x2048xf32, #tpu.memory_space<vmem>> -> memref<16x2048xf32, #tpu.memory_space<vmem>>
    %dma_start3A_393 = arith.constant 0 : i32
    %dma_start3A_394 = tpu.memref_slice %arg4[%add3A_387, %dma_start3A_393] : memref<16384x2048xf32, #tpu.memory_space<hbm>> -> memref<16x2048xf32, #tpu.memory_space<hbm>>
    %dma_start3A_395 = arith.constant 0 : i32
    %dma_start3A_396 = tpu.memref_slice %arg4[%add3A_387, %dma_start3A_395] : memref<16384x2048xf32, #tpu.memory_space<hbm>> -> memref<16x2048xf32, #tpu.memory_space<hbm>>
    %dma_start3A_397 = arith.constant 0 : i32
    %dma_start3A_398 = arith.constant 0 : i32
    %dma_start3A_399 = tpu.memref_slice %arg6[%dma_start3A_388, %dma_start3A_397, %dma_start3A_398] : memref<3x16x2048xf32, #tpu.memory_space<vmem>> -> memref<1x16x2048xf32, #tpu.memory_space<vmem>>
    %dma_start3A_400 = tpu.memref_squeeze %dma_start3A_399 : memref<1x16x2048xf32, #tpu.memory_space<vmem>> -> memref<16x2048xf32, #tpu.memory_space<vmem>>
    tpu.enqueue_dma source(%dma_start3A_400 : memref<16x2048xf32, #tpu.memory_space<vmem>>) target(%dma_start3A_396 : memref<16x2048xf32, #tpu.memory_space<hbm>>) target_semaphore(%arg11 : memref<!tpu.dma_semaphore, #tpu.memory_space<semaphore_mem>>)
    %dma_wait3A_401 = arith.constant 0 : i32
    %dma_wait3A_402 = arith.constant 0 : i32
    %dma_wait3A_403 = arith.constant 0 : i32
    %dma_wait3A_404 = tpu.memref_slice %arg6[%dma_wait3A_401, %dma_wait3A_402, %dma_wait3A_403] : memref<3x16x2048xf32, #tpu.memory_space<vmem>> -> memref<1x16x2048xf32, #tpu.memory_space<vmem>>
    %dma_wait3A_405 = tpu.memref_squeeze %dma_wait3A_404 : memref<1x16x2048xf32, #tpu.memory_space<vmem>> -> memref<16x2048xf32, #tpu.memory_space<vmem>>
    %dma_wait3A_406 = arith.constant 0 : i32
    %dma_wait3A_407 = tpu.memref_slice %arg4[%add3A_339, %dma_wait3A_406] : memref<16384x2048xf32, #tpu.memory_space<hbm>> -> memref<16x2048xf32, #tpu.memory_space<hbm>>
    %dma_wait3A_408 = arith.constant 0 : i32
    %dma_wait3A_409 = tpu.memref_slice %arg4[%add3A_339, %dma_wait3A_408] : memref<16384x2048xf32, #tpu.memory_space<hbm>> -> memref<16x2048xf32, #tpu.memory_space<hbm>>
    %dma_wait3A_410 = arith.constant 0 : i32
    %dma_wait3A_411 = arith.constant 0 : i32
    %dma_wait3A_412 = tpu.memref_slice %arg6[%dma_wait3A_401, %dma_wait3A_410, %dma_wait3A_411] : memref<3x16x2048xf32, #tpu.memory_space<vmem>> -> memref<1x16x2048xf32, #tpu.memory_space<vmem>>
    %dma_wait3A_413 = tpu.memref_squeeze %dma_wait3A_412 : memref<1x16x2048xf32, #tpu.memory_space<vmem>> -> memref<16x2048xf32, #tpu.memory_space<vmem>>
    tpu.wait_dma2 semaphore(%arg10 : memref<!tpu.dma_semaphore, #tpu.memory_space<semaphore_mem>>) src(%dma_wait3A_413 : memref<16x2048xf32, #tpu.memory_space<vmem>>) dst(%dma_wait3A_409 : memref<16x2048xf32, #tpu.memory_space<hbm>>)
    %dma_start3A_414 = arith.constant 0 : i32
    %dma_start3A_415 = arith.constant 0 : i32
    %dma_start3A_416 = arith.constant 0 : i32
    %dma_start3A_417 = tpu.memref_slice %arg6[%dma_start3A_414, %dma_start3A_415, %dma_start3A_416] : memref<3x16x2048xf32, #tpu.memory_space<vmem>> -> memref<1x16x2048xf32, #tpu.memory_space<vmem>>
    %dma_start3A_418 = tpu.memref_squeeze %dma_start3A_417 : memref<1x16x2048xf32, #tpu.memory_space<vmem>> -> memref<16x2048xf32, #tpu.memory_space<vmem>>
    %dma_start3A_419 = arith.constant 144 : i32
    %dma_start3A_420 = tpu.memref_slice %arg5[%dma_start3A_419] : memref<512xi32, #tpu.memory_space<vmem>> -> memref<16xi32, #tpu.memory_space<vmem>>
    %dma_start3A_421 = arith.constant 0 : i32
    %dma_start3A_422 = arith.constant 0 : i32
    %dma_start3A_423 = tpu.memref_slice %arg3[%dma_start3A_421, %dma_start3A_422] : memref<100000x2048xf32, #tpu.memory_space<hbm>> -> memref<100000x2048xf32, #tpu.memory_space<hbm>>
    tpu.enqueue_indirect_dma source(%dma_start3A_423 : memref<100000x2048xf32, #tpu.memory_space<hbm>>) target(%dma_start3A_418 : memref<16x2048xf32, #tpu.memory_space<vmem>>) offsets(%dma_start3A_420 : memref<16xi32, #tpu.memory_space<vmem>>) semaphore(%arg7 : memref<!tpu.dma_semaphore, #tpu.memory_space<semaphore_mem>>)
    %dma_wait3A_424 = arith.constant 2 : i32
    %dma_wait3A_425 = arith.constant 0 : i32
    %dma_wait3A_426 = arith.constant 0 : i32
    %dma_wait3A_427 = tpu.memref_slice %arg6[%dma_wait3A_424, %dma_wait3A_425, %dma_wait3A_426] : memref<3x16x2048xf32, #tpu.memory_space<vmem>> -> memref<1x16x2048xf32, #tpu.memory_space<vmem>>
    %dma_wait3A_428 = tpu.memref_squeeze %dma_wait3A_427 : memref<1x16x2048xf32, #tpu.memory_space<vmem>> -> memref<16x2048xf32, #tpu.memory_space<vmem>>
    %dma_wait3A_429 = arith.constant 128 : i32
    %dma_wait3A_430 = tpu.memref_slice %arg5[%dma_wait3A_429] : memref<512xi32, #tpu.memory_space<vmem>> -> memref<16xi32, #tpu.memory_space<vmem>>
    %dma_wait3A_431 = arith.constant 0 : i32
    %dma_wait3A_432 = arith.constant 0 : i32
    %dma_wait3A_433 = tpu.memref_slice %arg3[%dma_wait3A_431, %dma_wait3A_432] : memref<100000x2048xf32, #tpu.memory_space<hbm>> -> memref<100000x2048xf32, #tpu.memory_space<hbm>>
    tpu.wait_indirect_dma semaphore(%arg9 : memref<!tpu.dma_semaphore, #tpu.memory_space<semaphore_mem>>) src(%dma_wait3A_433 : memref<100000x2048xf32, #tpu.memory_space<hbm>>) dst(%dma_wait3A_428 : memref<16x2048xf32, #tpu.memory_space<vmem>>)
    %add3A_434 = arith.constant 128 : i32
    %add3A_435 = arith.addi %mul3A_2, %add3A_434 : i32
    %dma_start3A_436 = arith.constant 2 : i32
    %dma_start3A_437 = arith.constant 0 : i32
    %dma_start3A_438 = arith.constant 0 : i32
    %dma_start3A_439 = tpu.memref_slice %arg6[%dma_start3A_436, %dma_start3A_437, %dma_start3A_438] : memref<3x16x2048xf32, #tpu.memory_space<vmem>> -> memref<1x16x2048xf32, #tpu.memory_space<vmem>>
    %dma_start3A_440 = tpu.memref_squeeze %dma_start3A_439 : memref<1x16x2048xf32, #tpu.memory_space<vmem>> -> memref<16x2048xf32, #tpu.memory_space<vmem>>
    %dma_start3A_441 = arith.constant 0 : i32
    %dma_start3A_442 = tpu.memref_slice %arg4[%add3A_435, %dma_start3A_441] : memref<16384x2048xf32, #tpu.memory_space<hbm>> -> memref<16x2048xf32, #tpu.memory_space<hbm>>
    %dma_start3A_443 = arith.constant 0 : i32
    %dma_start3A_444 = tpu.memref_slice %arg4[%add3A_435, %dma_start3A_443] : memref<16384x2048xf32, #tpu.memory_space<hbm>> -> memref<16x2048xf32, #tpu.memory_space<hbm>>
    %dma_start3A_445 = arith.constant 0 : i32
    %dma_start3A_446 = arith.constant 0 : i32
    %dma_start3A_447 = tpu.memref_slice %arg6[%dma_start3A_436, %dma_start3A_445, %dma_start3A_446] : memref<3x16x2048xf32, #tpu.memory_space<vmem>> -> memref<1x16x2048xf32, #tpu.memory_space<vmem>>
    %dma_start3A_448 = tpu.memref_squeeze %dma_start3A_447 : memref<1x16x2048xf32, #tpu.memory_space<vmem>> -> memref<16x2048xf32, #tpu.memory_space<vmem>>
    tpu.enqueue_dma source(%dma_start3A_448 : memref<16x2048xf32, #tpu.memory_space<vmem>>) target(%dma_start3A_444 : memref<16x2048xf32, #tpu.memory_space<hbm>>) target_semaphore(%arg12 : memref<!tpu.dma_semaphore, #tpu.memory_space<semaphore_mem>>)
    %dma_wait3A_449 = arith.constant 1 : i32
    %dma_wait3A_450 = arith.constant 0 : i32
    %dma_wait3A_451 = arith.constant 0 : i32
    %dma_wait3A_452 = tpu.memref_slice %arg6[%dma_wait3A_449, %dma_wait3A_450, %dma_wait3A_451] : memref<3x16x2048xf32, #tpu.memory_space<vmem>> -> memref<1x16x2048xf32, #tpu.memory_space<vmem>>
    %dma_wait3A_453 = tpu.memref_squeeze %dma_wait3A_452 : memref<1x16x2048xf32, #tpu.memory_space<vmem>> -> memref<16x2048xf32, #tpu.memory_space<vmem>>
    %dma_wait3A_454 = arith.constant 0 : i32
    %dma_wait3A_455 = tpu.memref_slice %arg4[%add3A_387, %dma_wait3A_454] : memref<16384x2048xf32, #tpu.memory_space<hbm>> -> memref<16x2048xf32, #tpu.memory_space<hbm>>
    %dma_wait3A_456 = arith.constant 0 : i32
    %dma_wait3A_457 = tpu.memref_slice %arg4[%add3A_387, %dma_wait3A_456] : memref<16384x2048xf32, #tpu.memory_space<hbm>> -> memref<16x2048xf32, #tpu.memory_space<hbm>>
    %dma_wait3A_458 = arith.constant 0 : i32
    %dma_wait3A_459 = arith.constant 0 : i32
    %dma_wait3A_460 = tpu.memref_slice %arg6[%dma_wait3A_449, %dma_wait3A_458, %dma_wait3A_459] : memref<3x16x2048xf32, #tpu.memory_space<vmem>> -> memref<1x16x2048xf32, #tpu.memory_space<vmem>>
    %dma_wait3A_461 = tpu.memref_squeeze %dma_wait3A_460 : memref<1x16x2048xf32, #tpu.memory_space<vmem>> -> memref<16x2048xf32, #tpu.memory_space<vmem>>
    tpu.wait_dma2 semaphore(%arg11 : memref<!tpu.dma_semaphore, #tpu.memory_space<semaphore_mem>>) src(%dma_wait3A_461 : memref<16x2048xf32, #tpu.memory_space<vmem>>) dst(%dma_wait3A_457 : memref<16x2048xf32, #tpu.memory_space<hbm>>)
    %dma_start3A_462 = arith.constant 1 : i32
    %dma_start3A_463 = arith.constant 0 : i32
    %dma_start3A_464 = arith.constant 0 : i32
    %dma_start3A_465 = tpu.memref_slice %arg6[%dma_start3A_462, %dma_start3A_463, %dma_start3A_464] : memref<3x16x2048xf32, #tpu.memory_space<vmem>> -> memref<1x16x2048xf32, #tpu.memory_space<vmem>>
    %dma_start3A_466 = tpu.memref_squeeze %dma_start3A_465 : memref<1x16x2048xf32, #tpu.memory_space<vmem>> -> memref<16x2048xf32, #tpu.memory_space<vmem>>
    %dma_start3A_467 = arith.constant 160 : i32
    %dma_start3A_468 = tpu.memref_slice %arg5[%dma_start3A_467] : memref<512xi32, #tpu.memory_space<vmem>> -> memref<16xi32, #tpu.memory_space<vmem>>
    %dma_start3A_469 = arith.constant 0 : i32
    %dma_start3A_470 = arith.constant 0 : i32
    %dma_start3A_471 = tpu.memref_slice %arg3[%dma_start3A_469, %dma_start3A_470] : memref<100000x2048xf32, #tpu.memory_space<hbm>> -> memref<100000x2048xf32, #tpu.memory_space<hbm>>
    tpu.enqueue_indirect_dma source(%dma_start3A_471 : memref<100000x2048xf32, #tpu.memory_space<hbm>>) target(%dma_start3A_466 : memref<16x2048xf32, #tpu.memory_space<vmem>>) offsets(%dma_start3A_468 : memref<16xi32, #tpu.memory_space<vmem>>) semaphore(%arg8 : memref<!tpu.dma_semaphore, #tpu.memory_space<semaphore_mem>>)
    %dma_wait3A_472 = arith.constant 0 : i32
    %dma_wait3A_473 = arith.constant 0 : i32
    %dma_wait3A_474 = arith.constant 0 : i32
    %dma_wait3A_475 = tpu.memref_slice %arg6[%dma_wait3A_472, %dma_wait3A_473, %dma_wait3A_474] : memref<3x16x2048xf32, #tpu.memory_space<vmem>> -> memref<1x16x2048xf32, #tpu.memory_space<vmem>>
    %dma_wait3A_476 = tpu.memref_squeeze %dma_wait3A_475 : memref<1x16x2048xf32, #tpu.memory_space<vmem>> -> memref<16x2048xf32, #tpu.memory_space<vmem>>
    %dma_wait3A_477 = arith.constant 144 : i32
    %dma_wait3A_478 = tpu.memref_slice %arg5[%dma_wait3A_477] : memref<512xi32, #tpu.memory_space<vmem>> -> memref<16xi32, #tpu.memory_space<vmem>>
    %dma_wait3A_479 = arith.constant 0 : i32
    %dma_wait3A_480 = arith.constant 0 : i32
    %dma_wait3A_481 = tpu.memref_slice %arg3[%dma_wait3A_479, %dma_wait3A_480] : memref<100000x2048xf32, #tpu.memory_space<hbm>> -> memref<100000x2048xf32, #tpu.memory_space<hbm>>
    tpu.wait_indirect_dma semaphore(%arg7 : memref<!tpu.dma_semaphore, #tpu.memory_space<semaphore_mem>>) src(%dma_wait3A_481 : memref<100000x2048xf32, #tpu.memory_space<hbm>>) dst(%dma_wait3A_476 : memref<16x2048xf32, #tpu.memory_space<vmem>>)
    %add3A_482 = arith.constant 144 : i32
    %add3A_483 = arith.addi %mul3A_2, %add3A_482 : i32
    %dma_start3A_484 = arith.constant 0 : i32
    %dma_start3A_485 = arith.constant 0 : i32
    %dma_start3A_486 = arith.constant 0 : i32
    %dma_start3A_487 = tpu.memref_slice %arg6[%dma_start3A_484, %dma_start3A_485, %dma_start3A_486] : memref<3x16x2048xf32, #tpu.memory_space<vmem>> -> memref<1x16x2048xf32, #tpu.memory_space<vmem>>
    %dma_start3A_488 = tpu.memref_squeeze %dma_start3A_487 : memref<1x16x2048xf32, #tpu.memory_space<vmem>> -> memref<16x2048xf32, #tpu.memory_space<vmem>>
    %dma_start3A_489 = arith.constant 0 : i32
    %dma_start3A_490 = tpu.memref_slice %arg4[%add3A_483, %dma_start3A_489] : memref<16384x2048xf32, #tpu.memory_space<hbm>> -> memref<16x2048xf32, #tpu.memory_space<hbm>>
    %dma_start3A_491 = arith.constant 0 : i32
    %dma_start3A_492 = tpu.memref_slice %arg4[%add3A_483, %dma_start3A_491] : memref<16384x2048xf32, #tpu.memory_space<hbm>> -> memref<16x2048xf32, #tpu.memory_space<hbm>>
    %dma_start3A_493 = arith.constant 0 : i32
    %dma_start3A_494 = arith.constant 0 : i32
    %dma_start3A_495 = tpu.memref_slice %arg6[%dma_start3A_484, %dma_start3A_493, %dma_start3A_494] : memref<3x16x2048xf32, #tpu.memory_space<vmem>> -> memref<1x16x2048xf32, #tpu.memory_space<vmem>>
    %dma_start3A_496 = tpu.memref_squeeze %dma_start3A_495 : memref<1x16x2048xf32, #tpu.memory_space<vmem>> -> memref<16x2048xf32, #tpu.memory_space<vmem>>
    tpu.enqueue_dma source(%dma_start3A_496 : memref<16x2048xf32, #tpu.memory_space<vmem>>) target(%dma_start3A_492 : memref<16x2048xf32, #tpu.memory_space<hbm>>) target_semaphore(%arg10 : memref<!tpu.dma_semaphore, #tpu.memory_space<semaphore_mem>>)
    %dma_wait3A_497 = arith.constant 2 : i32
    %dma_wait3A_498 = arith.constant 0 : i32
    %dma_wait3A_499 = arith.constant 0 : i32
    %dma_wait3A_500 = tpu.memref_slice %arg6[%dma_wait3A_497, %dma_wait3A_498, %dma_wait3A_499] : memref<3x16x2048xf32, #tpu.memory_space<vmem>> -> memref<1x16x2048xf32, #tpu.memory_space<vmem>>
    %dma_wait3A_501 = tpu.memref_squeeze %dma_wait3A_500 : memref<1x16x2048xf32, #tpu.memory_space<vmem>> -> memref<16x2048xf32, #tpu.memory_space<vmem>>
    %dma_wait3A_502 = arith.constant 0 : i32
    %dma_wait3A_503 = tpu.memref_slice %arg4[%add3A_435, %dma_wait3A_502] : memref<16384x2048xf32, #tpu.memory_space<hbm>> -> memref<16x2048xf32, #tpu.memory_space<hbm>>
    %dma_wait3A_504 = arith.constant 0 : i32
    %dma_wait3A_505 = tpu.memref_slice %arg4[%add3A_435, %dma_wait3A_504] : memref<16384x2048xf32, #tpu.memory_space<hbm>> -> memref<16x2048xf32, #tpu.memory_space<hbm>>
    %dma_wait3A_506 = arith.constant 0 : i32
    %dma_wait3A_507 = arith.constant 0 : i32
    %dma_wait3A_508 = tpu.memref_slice %arg6[%dma_wait3A_497, %dma_wait3A_506, %dma_wait3A_507] : memref<3x16x2048xf32, #tpu.memory_space<vmem>> -> memref<1x16x2048xf32, #tpu.memory_space<vmem>>
    %dma_wait3A_509 = tpu.memref_squeeze %dma_wait3A_508 : memref<1x16x2048xf32, #tpu.memory_space<vmem>> -> memref<16x2048xf32, #tpu.memory_space<vmem>>
    tpu.wait_dma2 semaphore(%arg12 : memref<!tpu.dma_semaphore, #tpu.memory_space<semaphore_mem>>) src(%dma_wait3A_509 : memref<16x2048xf32, #tpu.memory_space<vmem>>) dst(%dma_wait3A_505 : memref<16x2048xf32, #tpu.memory_space<hbm>>)
    %dma_start3A_510 = arith.constant 2 : i32
    %dma_start3A_511 = arith.constant 0 : i32
    %dma_start3A_512 = arith.constant 0 : i32
    %dma_start3A_513 = tpu.memref_slice %arg6[%dma_start3A_510, %dma_start3A_511, %dma_start3A_512] : memref<3x16x2048xf32, #tpu.memory_space<vmem>> -> memref<1x16x2048xf32, #tpu.memory_space<vmem>>
    %dma_start3A_514 = tpu.memref_squeeze %dma_start3A_513 : memref<1x16x2048xf32, #tpu.memory_space<vmem>> -> memref<16x2048xf32, #tpu.memory_space<vmem>>
    %dma_start3A_515 = arith.constant 176 : i32
    %dma_start3A_516 = tpu.memref_slice %arg5[%dma_start3A_515] : memref<512xi32, #tpu.memory_space<vmem>> -> memref<16xi32, #tpu.memory_space<vmem>>
    %dma_start3A_517 = arith.constant 0 : i32
    %dma_start3A_518 = arith.constant 0 : i32
    %dma_start3A_519 = tpu.memref_slice %arg3[%dma_start3A_517, %dma_start3A_518] : memref<100000x2048xf32, #tpu.memory_space<hbm>> -> memref<100000x2048xf32, #tpu.memory_space<hbm>>
    tpu.enqueue_indirect_dma source(%dma_start3A_519 : memref<100000x2048xf32, #tpu.memory_space<hbm>>) target(%dma_start3A_514 : memref<16x2048xf32, #tpu.memory_space<vmem>>) offsets(%dma_start3A_516 : memref<16xi32, #tpu.memory_space<vmem>>) semaphore(%arg9 : memref<!tpu.dma_semaphore, #tpu.memory_space<semaphore_mem>>)
    %dma_wait3A_520 = arith.constant 1 : i32
    %dma_wait3A_521 = arith.constant 0 : i32
    %dma_wait3A_522 = arith.constant 0 : i32
    %dma_wait3A_523 = tpu.memref_slice %arg6[%dma_wait3A_520, %dma_wait3A_521, %dma_wait3A_522] : memref<3x16x2048xf32, #tpu.memory_space<vmem>> -> memref<1x16x2048xf32, #tpu.memory_space<vmem>>
    %dma_wait3A_524 = tpu.memref_squeeze %dma_wait3A_523 : memref<1x16x2048xf32, #tpu.memory_space<vmem>> -> memref<16x2048xf32, #tpu.memory_space<vmem>>
    %dma_wait3A_525 = arith.constant 160 : i32
    %dma_wait3A_526 = tpu.memref_slice %arg5[%dma_wait3A_525] : memref<512xi32, #tpu.memory_space<vmem>> -> memref<16xi32, #tpu.memory_space<vmem>>
    %dma_wait3A_527 = arith.constant 0 : i32
    %dma_wait3A_528 = arith.constant 0 : i32
    %dma_wait3A_529 = tpu.memref_slice %arg3[%dma_wait3A_527, %dma_wait3A_528] : memref<100000x2048xf32, #tpu.memory_space<hbm>> -> memref<100000x2048xf32, #tpu.memory_space<hbm>>
    tpu.wait_indirect_dma semaphore(%arg8 : memref<!tpu.dma_semaphore, #tpu.memory_space<semaphore_mem>>) src(%dma_wait3A_529 : memref<100000x2048xf32, #tpu.memory_space<hbm>>) dst(%dma_wait3A_524 : memref<16x2048xf32, #tpu.memory_space<vmem>>)
    %add3A_530 = arith.constant 160 : i32
    %add3A_531 = arith.addi %mul3A_2, %add3A_530 : i32
    %dma_start3A_532 = arith.constant 1 : i32
    %dma_start3A_533 = arith.constant 0 : i32
    %dma_start3A_534 = arith.constant 0 : i32
    %dma_start3A_535 = tpu.memref_slice %arg6[%dma_start3A_532, %dma_start3A_533, %dma_start3A_534] : memref<3x16x2048xf32, #tpu.memory_space<vmem>> -> memref<1x16x2048xf32, #tpu.memory_space<vmem>>
    %dma_start3A_536 = tpu.memref_squeeze %dma_start3A_535 : memref<1x16x2048xf32, #tpu.memory_space<vmem>> -> memref<16x2048xf32, #tpu.memory_space<vmem>>
    %dma_start3A_537 = arith.constant 0 : i32
    %dma_start3A_538 = tpu.memref_slice %arg4[%add3A_531, %dma_start3A_537] : memref<16384x2048xf32, #tpu.memory_space<hbm>> -> memref<16x2048xf32, #tpu.memory_space<hbm>>
    %dma_start3A_539 = arith.constant 0 : i32
    %dma_start3A_540 = tpu.memref_slice %arg4[%add3A_531, %dma_start3A_539] : memref<16384x2048xf32, #tpu.memory_space<hbm>> -> memref<16x2048xf32, #tpu.memory_space<hbm>>
    %dma_start3A_541 = arith.constant 0 : i32
    %dma_start3A_542 = arith.constant 0 : i32
    %dma_start3A_543 = tpu.memref_slice %arg6[%dma_start3A_532, %dma_start3A_541, %dma_start3A_542] : memref<3x16x2048xf32, #tpu.memory_space<vmem>> -> memref<1x16x2048xf32, #tpu.memory_space<vmem>>
    %dma_start3A_544 = tpu.memref_squeeze %dma_start3A_543 : memref<1x16x2048xf32, #tpu.memory_space<vmem>> -> memref<16x2048xf32, #tpu.memory_space<vmem>>
    tpu.enqueue_dma source(%dma_start3A_544 : memref<16x2048xf32, #tpu.memory_space<vmem>>) target(%dma_start3A_540 : memref<16x2048xf32, #tpu.memory_space<hbm>>) target_semaphore(%arg11 : memref<!tpu.dma_semaphore, #tpu.memory_space<semaphore_mem>>)
    %dma_wait3A_545 = arith.constant 0 : i32
    %dma_wait3A_546 = arith.constant 0 : i32
    %dma_wait3A_547 = arith.constant 0 : i32
    %dma_wait3A_548 = tpu.memref_slice %arg6[%dma_wait3A_545, %dma_wait3A_546, %dma_wait3A_547] : memref<3x16x2048xf32, #tpu.memory_space<vmem>> -> memref<1x16x2048xf32, #tpu.memory_space<vmem>>
    %dma_wait3A_549 = tpu.memref_squeeze %dma_wait3A_548 : memref<1x16x2048xf32, #tpu.memory_space<vmem>> -> memref<16x2048xf32, #tpu.memory_space<vmem>>
    %dma_wait3A_550 = arith.constant 0 : i32
    %dma_wait3A_551 = tpu.memref_slice %arg4[%add3A_483, %dma_wait3A_550] : memref<16384x2048xf32, #tpu.memory_space<hbm>> -> memref<16x2048xf32, #tpu.memory_space<hbm>>
    %dma_wait3A_552 = arith.constant 0 : i32
    %dma_wait3A_553 = tpu.memref_slice %arg4[%add3A_483, %dma_wait3A_552] : memref<16384x2048xf32, #tpu.memory_space<hbm>> -> memref<16x2048xf32, #tpu.memory_space<hbm>>
    %dma_wait3A_554 = arith.constant 0 : i32
    %dma_wait3A_555 = arith.constant 0 : i32
    %dma_wait3A_556 = tpu.memref_slice %arg6[%dma_wait3A_545, %dma_wait3A_554, %dma_wait3A_555] : memref<3x16x2048xf32, #tpu.memory_space<vmem>> -> memref<1x16x2048xf32, #tpu.memory_space<vmem>>
    %dma_wait3A_557 = tpu.memref_squeeze %dma_wait3A_556 : memref<1x16x2048xf32, #tpu.memory_space<vmem>> -> memref<16x2048xf32, #tpu.memory_space<vmem>>
    tpu.wait_dma2 semaphore(%arg10 : memref<!tpu.dma_semaphore, #tpu.memory_space<semaphore_mem>>) src(%dma_wait3A_557 : memref<16x2048xf32, #tpu.memory_space<vmem>>) dst(%dma_wait3A_553 : memref<16x2048xf32, #tpu.memory_space<hbm>>)
    %dma_start3A_558 = arith.constant 0 : i32
    %dma_start3A_559 = arith.constant 0 : i32
    %dma_start3A_560 = arith.constant 0 : i32
    %dma_start3A_561 = tpu.memref_slice %arg6[%dma_start3A_558, %dma_start3A_559, %dma_start3A_560] : memref<3x16x2048xf32, #tpu.memory_space<vmem>> -> memref<1x16x2048xf32, #tpu.memory_space<vmem>>
    %dma_start3A_562 = tpu.memref_squeeze %dma_start3A_561 : memref<1x16x2048xf32, #tpu.memory_space<vmem>> -> memref<16x2048xf32, #tpu.memory_space<vmem>>
    %dma_start3A_563 = arith.constant 192 : i32
    %dma_start3A_564 = tpu.memref_slice %arg5[%dma_start3A_563] : memref<512xi32, #tpu.memory_space<vmem>> -> memref<16xi32, #tpu.memory_space<vmem>>
    %dma_start3A_565 = arith.constant 0 : i32
    %dma_start3A_566 = arith.constant 0 : i32
    %dma_start3A_567 = tpu.memref_slice %arg3[%dma_start3A_565, %dma_start3A_566] : memref<100000x2048xf32, #tpu.memory_space<hbm>> -> memref<100000x2048xf32, #tpu.memory_space<hbm>>
    tpu.enqueue_indirect_dma source(%dma_start3A_567 : memref<100000x2048xf32, #tpu.memory_space<hbm>>) target(%dma_start3A_562 : memref<16x2048xf32, #tpu.memory_space<vmem>>) offsets(%dma_start3A_564 : memref<16xi32, #tpu.memory_space<vmem>>) semaphore(%arg7 : memref<!tpu.dma_semaphore, #tpu.memory_space<semaphore_mem>>)
    %dma_wait3A_568 = arith.constant 2 : i32
    %dma_wait3A_569 = arith.constant 0 : i32
    %dma_wait3A_570 = arith.constant 0 : i32
    %dma_wait3A_571 = tpu.memref_slice %arg6[%dma_wait3A_568, %dma_wait3A_569, %dma_wait3A_570] : memref<3x16x2048xf32, #tpu.memory_space<vmem>> -> memref<1x16x2048xf32, #tpu.memory_space<vmem>>
    %dma_wait3A_572 = tpu.memref_squeeze %dma_wait3A_571 : memref<1x16x2048xf32, #tpu.memory_space<vmem>> -> memref<16x2048xf32, #tpu.memory_space<vmem>>
    %dma_wait3A_573 = arith.constant 176 : i32
    %dma_wait3A_574 = tpu.memref_slice %arg5[%dma_wait3A_573] : memref<512xi32, #tpu.memory_space<vmem>> -> memref<16xi32, #tpu.memory_space<vmem>>
    %dma_wait3A_575 = arith.constant 0 : i32
    %dma_wait3A_576 = arith.constant 0 : i32
    %dma_wait3A_577 = tpu.memref_slice %arg3[%dma_wait3A_575, %dma_wait3A_576] : memref<100000x2048xf32, #tpu.memory_space<hbm>> -> memref<100000x2048xf32, #tpu.memory_space<hbm>>
    tpu.wait_indirect_dma semaphore(%arg9 : memref<!tpu.dma_semaphore, #tpu.memory_space<semaphore_mem>>) src(%dma_wait3A_577 : memref<100000x2048xf32, #tpu.memory_space<hbm>>) dst(%dma_wait3A_572 : memref<16x2048xf32, #tpu.memory_space<vmem>>)
    %add3A_578 = arith.constant 176 : i32
    %add3A_579 = arith.addi %mul3A_2, %add3A_578 : i32
    %dma_start3A_580 = arith.constant 2 : i32
    %dma_start3A_581 = arith.constant 0 : i32
    %dma_start3A_582 = arith.constant 0 : i32
    %dma_start3A_583 = tpu.memref_slice %arg6[%dma_start3A_580, %dma_start3A_581, %dma_start3A_582] : memref<3x16x2048xf32, #tpu.memory_space<vmem>> -> memref<1x16x2048xf32, #tpu.memory_space<vmem>>
    %dma_start3A_584 = tpu.memref_squeeze %dma_start3A_583 : memref<1x16x2048xf32, #tpu.memory_space<vmem>> -> memref<16x2048xf32, #tpu.memory_space<vmem>>
    %dma_start3A_585 = arith.constant 0 : i32
    %dma_start3A_586 = tpu.memref_slice %arg4[%add3A_579, %dma_start3A_585] : memref<16384x2048xf32, #tpu.memory_space<hbm>> -> memref<16x2048xf32, #tpu.memory_space<hbm>>
    %dma_start3A_587 = arith.constant 0 : i32
    %dma_start3A_588 = tpu.memref_slice %arg4[%add3A_579, %dma_start3A_587] : memref<16384x2048xf32, #tpu.memory_space<hbm>> -> memref<16x2048xf32, #tpu.memory_space<hbm>>
    %dma_start3A_589 = arith.constant 0 : i32
    %dma_start3A_590 = arith.constant 0 : i32
    %dma_start3A_591 = tpu.memref_slice %arg6[%dma_start3A_580, %dma_start3A_589, %dma_start3A_590] : memref<3x16x2048xf32, #tpu.memory_space<vmem>> -> memref<1x16x2048xf32, #tpu.memory_space<vmem>>
    %dma_start3A_592 = tpu.memref_squeeze %dma_start3A_591 : memref<1x16x2048xf32, #tpu.memory_space<vmem>> -> memref<16x2048xf32, #tpu.memory_space<vmem>>
    tpu.enqueue_dma source(%dma_start3A_592 : memref<16x2048xf32, #tpu.memory_space<vmem>>) target(%dma_start3A_588 : memref<16x2048xf32, #tpu.memory_space<hbm>>) target_semaphore(%arg12 : memref<!tpu.dma_semaphore, #tpu.memory_space<semaphore_mem>>)
    %dma_wait3A_593 = arith.constant 1 : i32
    %dma_wait3A_594 = arith.constant 0 : i32
    %dma_wait3A_595 = arith.constant 0 : i32
    %dma_wait3A_596 = tpu.memref_slice %arg6[%dma_wait3A_593, %dma_wait3A_594, %dma_wait3A_595] : memref<3x16x2048xf32, #tpu.memory_space<vmem>> -> memref<1x16x2048xf32, #tpu.memory_space<vmem>>
    %dma_wait3A_597 = tpu.memref_squeeze %dma_wait3A_596 : memref<1x16x2048xf32, #tpu.memory_space<vmem>> -> memref<16x2048xf32, #tpu.memory_space<vmem>>
    %dma_wait3A_598 = arith.constant 0 : i32
    %dma_wait3A_599 = tpu.memref_slice %arg4[%add3A_531, %dma_wait3A_598] : memref<16384x2048xf32, #tpu.memory_space<hbm>> -> memref<16x2048xf32, #tpu.memory_space<hbm>>
    %dma_wait3A_600 = arith.constant 0 : i32
    %dma_wait3A_601 = tpu.memref_slice %arg4[%add3A_531, %dma_wait3A_600] : memref<16384x2048xf32, #tpu.memory_space<hbm>> -> memref<16x2048xf32, #tpu.memory_space<hbm>>
    %dma_wait3A_602 = arith.constant 0 : i32
    %dma_wait3A_603 = arith.constant 0 : i32
    %dma_wait3A_604 = tpu.memref_slice %arg6[%dma_wait3A_593, %dma_wait3A_602, %dma_wait3A_603] : memref<3x16x2048xf32, #tpu.memory_space<vmem>> -> memref<1x16x2048xf32, #tpu.memory_space<vmem>>
    %dma_wait3A_605 = tpu.memref_squeeze %dma_wait3A_604 : memref<1x16x2048xf32, #tpu.memory_space<vmem>> -> memref<16x2048xf32, #tpu.memory_space<vmem>>
    tpu.wait_dma2 semaphore(%arg11 : memref<!tpu.dma_semaphore, #tpu.memory_space<semaphore_mem>>) src(%dma_wait3A_605 : memref<16x2048xf32, #tpu.memory_space<vmem>>) dst(%dma_wait3A_601 : memref<16x2048xf32, #tpu.memory_space<hbm>>)
    %dma_start3A_606 = arith.constant 1 : i32
    %dma_start3A_607 = arith.constant 0 : i32
    %dma_start3A_608 = arith.constant 0 : i32
    %dma_start3A_609 = tpu.memref_slice %arg6[%dma_start3A_606, %dma_start3A_607, %dma_start3A_608] : memref<3x16x2048xf32, #tpu.memory_space<vmem>> -> memref<1x16x2048xf32, #tpu.memory_space<vmem>>
    %dma_start3A_610 = tpu.memref_squeeze %dma_start3A_609 : memref<1x16x2048xf32, #tpu.memory_space<vmem>> -> memref<16x2048xf32, #tpu.memory_space<vmem>>
    %dma_start3A_611 = arith.constant 208 : i32
    %dma_start3A_612 = tpu.memref_slice %arg5[%dma_start3A_611] : memref<512xi32, #tpu.memory_space<vmem>> -> memref<16xi32, #tpu.memory_space<vmem>>
    %dma_start3A_613 = arith.constant 0 : i32
    %dma_start3A_614 = arith.constant 0 : i32
    %dma_start3A_615 = tpu.memref_slice %arg3[%dma_start3A_613, %dma_start3A_614] : memref<100000x2048xf32, #tpu.memory_space<hbm>> -> memref<100000x2048xf32, #tpu.memory_space<hbm>>
    tpu.enqueue_indirect_dma source(%dma_start3A_615 : memref<100000x2048xf32, #tpu.memory_space<hbm>>) target(%dma_start3A_610 : memref<16x2048xf32, #tpu.memory_space<vmem>>) offsets(%dma_start3A_612 : memref<16xi32, #tpu.memory_space<vmem>>) semaphore(%arg8 : memref<!tpu.dma_semaphore, #tpu.memory_space<semaphore_mem>>)
    %dma_wait3A_616 = arith.constant 0 : i32
    %dma_wait3A_617 = arith.constant 0 : i32
    %dma_wait3A_618 = arith.constant 0 : i32
    %dma_wait3A_619 = tpu.memref_slice %arg6[%dma_wait3A_616, %dma_wait3A_617, %dma_wait3A_618] : memref<3x16x2048xf32, #tpu.memory_space<vmem>> -> memref<1x16x2048xf32, #tpu.memory_space<vmem>>
    %dma_wait3A_620 = tpu.memref_squeeze %dma_wait3A_619 : memref<1x16x2048xf32, #tpu.memory_space<vmem>> -> memref<16x2048xf32, #tpu.memory_space<vmem>>
    %dma_wait3A_621 = arith.constant 192 : i32
    %dma_wait3A_622 = tpu.memref_slice %arg5[%dma_wait3A_621] : memref<512xi32, #tpu.memory_space<vmem>> -> memref<16xi32, #tpu.memory_space<vmem>>
    %dma_wait3A_623 = arith.constant 0 : i32
    %dma_wait3A_624 = arith.constant 0 : i32
    %dma_wait3A_625 = tpu.memref_slice %arg3[%dma_wait3A_623, %dma_wait3A_624] : memref<100000x2048xf32, #tpu.memory_space<hbm>> -> memref<100000x2048xf32, #tpu.memory_space<hbm>>
    tpu.wait_indirect_dma semaphore(%arg7 : memref<!tpu.dma_semaphore, #tpu.memory_space<semaphore_mem>>) src(%dma_wait3A_625 : memref<100000x2048xf32, #tpu.memory_space<hbm>>) dst(%dma_wait3A_620 : memref<16x2048xf32, #tpu.memory_space<vmem>>)
    %add3A_626 = arith.constant 192 : i32
    %add3A_627 = arith.addi %mul3A_2, %add3A_626 : i32
    %dma_start3A_628 = arith.constant 0 : i32
    %dma_start3A_629 = arith.constant 0 : i32
    %dma_start3A_630 = arith.constant 0 : i32
    %dma_start3A_631 = tpu.memref_slice %arg6[%dma_start3A_628, %dma_start3A_629, %dma_start3A_630] : memref<3x16x2048xf32, #tpu.memory_space<vmem>> -> memref<1x16x2048xf32, #tpu.memory_space<vmem>>
    %dma_start3A_632 = tpu.memref_squeeze %dma_start3A_631 : memref<1x16x2048xf32, #tpu.memory_space<vmem>> -> memref<16x2048xf32, #tpu.memory_space<vmem>>
    %dma_start3A_633 = arith.constant 0 : i32
    %dma_start3A_634 = tpu.memref_slice %arg4[%add3A_627, %dma_start3A_633] : memref<16384x2048xf32, #tpu.memory_space<hbm>> -> memref<16x2048xf32, #tpu.memory_space<hbm>>
    %dma_start3A_635 = arith.constant 0 : i32
    %dma_start3A_636 = tpu.memref_slice %arg4[%add3A_627, %dma_start3A_635] : memref<16384x2048xf32, #tpu.memory_space<hbm>> -> memref<16x2048xf32, #tpu.memory_space<hbm>>
    %dma_start3A_637 = arith.constant 0 : i32
    %dma_start3A_638 = arith.constant 0 : i32
    %dma_start3A_639 = tpu.memref_slice %arg6[%dma_start3A_628, %dma_start3A_637, %dma_start3A_638] : memref<3x16x2048xf32, #tpu.memory_space<vmem>> -> memref<1x16x2048xf32, #tpu.memory_space<vmem>>
    %dma_start3A_640 = tpu.memref_squeeze %dma_start3A_639 : memref<1x16x2048xf32, #tpu.memory_space<vmem>> -> memref<16x2048xf32, #tpu.memory_space<vmem>>
    tpu.enqueue_dma source(%dma_start3A_640 : memref<16x2048xf32, #tpu.memory_space<vmem>>) target(%dma_start3A_636 : memref<16x2048xf32, #tpu.memory_space<hbm>>) target_semaphore(%arg10 : memref<!tpu.dma_semaphore, #tpu.memory_space<semaphore_mem>>)
    %dma_wait3A_641 = arith.constant 2 : i32
    %dma_wait3A_642 = arith.constant 0 : i32
    %dma_wait3A_643 = arith.constant 0 : i32
    %dma_wait3A_644 = tpu.memref_slice %arg6[%dma_wait3A_641, %dma_wait3A_642, %dma_wait3A_643] : memref<3x16x2048xf32, #tpu.memory_space<vmem>> -> memref<1x16x2048xf32, #tpu.memory_space<vmem>>
    %dma_wait3A_645 = tpu.memref_squeeze %dma_wait3A_644 : memref<1x16x2048xf32, #tpu.memory_space<vmem>> -> memref<16x2048xf32, #tpu.memory_space<vmem>>
    %dma_wait3A_646 = arith.constant 0 : i32
    %dma_wait3A_647 = tpu.memref_slice %arg4[%add3A_579, %dma_wait3A_646] : memref<16384x2048xf32, #tpu.memory_space<hbm>> -> memref<16x2048xf32, #tpu.memory_space<hbm>>
    %dma_wait3A_648 = arith.constant 0 : i32
    %dma_wait3A_649 = tpu.memref_slice %arg4[%add3A_579, %dma_wait3A_648] : memref<16384x2048xf32, #tpu.memory_space<hbm>> -> memref<16x2048xf32, #tpu.memory_space<hbm>>
    %dma_wait3A_650 = arith.constant 0 : i32
    %dma_wait3A_651 = arith.constant 0 : i32
    %dma_wait3A_652 = tpu.memref_slice %arg6[%dma_wait3A_641, %dma_wait3A_650, %dma_wait3A_651] : memref<3x16x2048xf32, #tpu.memory_space<vmem>> -> memref<1x16x2048xf32, #tpu.memory_space<vmem>>
    %dma_wait3A_653 = tpu.memref_squeeze %dma_wait3A_652 : memref<1x16x2048xf32, #tpu.memory_space<vmem>> -> memref<16x2048xf32, #tpu.memory_space<vmem>>
    tpu.wait_dma2 semaphore(%arg12 : memref<!tpu.dma_semaphore, #tpu.memory_space<semaphore_mem>>) src(%dma_wait3A_653 : memref<16x2048xf32, #tpu.memory_space<vmem>>) dst(%dma_wait3A_649 : memref<16x2048xf32, #tpu.memory_space<hbm>>)
    %dma_start3A_654 = arith.constant 2 : i32
    %dma_start3A_655 = arith.constant 0 : i32
    %dma_start3A_656 = arith.constant 0 : i32
    %dma_start3A_657 = tpu.memref_slice %arg6[%dma_start3A_654, %dma_start3A_655, %dma_start3A_656] : memref<3x16x2048xf32, #tpu.memory_space<vmem>> -> memref<1x16x2048xf32, #tpu.memory_space<vmem>>
    %dma_start3A_658 = tpu.memref_squeeze %dma_start3A_657 : memref<1x16x2048xf32, #tpu.memory_space<vmem>> -> memref<16x2048xf32, #tpu.memory_space<vmem>>
    %dma_start3A_659 = arith.constant 224 : i32
    %dma_start3A_660 = tpu.memref_slice %arg5[%dma_start3A_659] : memref<512xi32, #tpu.memory_space<vmem>> -> memref<16xi32, #tpu.memory_space<vmem>>
    %dma_start3A_661 = arith.constant 0 : i32
    %dma_start3A_662 = arith.constant 0 : i32
    %dma_start3A_663 = tpu.memref_slice %arg3[%dma_start3A_661, %dma_start3A_662] : memref<100000x2048xf32, #tpu.memory_space<hbm>> -> memref<100000x2048xf32, #tpu.memory_space<hbm>>
    tpu.enqueue_indirect_dma source(%dma_start3A_663 : memref<100000x2048xf32, #tpu.memory_space<hbm>>) target(%dma_start3A_658 : memref<16x2048xf32, #tpu.memory_space<vmem>>) offsets(%dma_start3A_660 : memref<16xi32, #tpu.memory_space<vmem>>) semaphore(%arg9 : memref<!tpu.dma_semaphore, #tpu.memory_space<semaphore_mem>>)
    %dma_wait3A_664 = arith.constant 1 : i32
    %dma_wait3A_665 = arith.constant 0 : i32
    %dma_wait3A_666 = arith.constant 0 : i32
    %dma_wait3A_667 = tpu.memref_slice %arg6[%dma_wait3A_664, %dma_wait3A_665, %dma_wait3A_666] : memref<3x16x2048xf32, #tpu.memory_space<vmem>> -> memref<1x16x2048xf32, #tpu.memory_space<vmem>>
    %dma_wait3A_668 = tpu.memref_squeeze %dma_wait3A_667 : memref<1x16x2048xf32, #tpu.memory_space<vmem>> -> memref<16x2048xf32, #tpu.memory_space<vmem>>
    %dma_wait3A_669 = arith.constant 208 : i32
    %dma_wait3A_670 = tpu.memref_slice %arg5[%dma_wait3A_669] : memref<512xi32, #tpu.memory_space<vmem>> -> memref<16xi32, #tpu.memory_space<vmem>>
    %dma_wait3A_671 = arith.constant 0 : i32
    %dma_wait3A_672 = arith.constant 0 : i32
    %dma_wait3A_673 = tpu.memref_slice %arg3[%dma_wait3A_671, %dma_wait3A_672] : memref<100000x2048xf32, #tpu.memory_space<hbm>> -> memref<100000x2048xf32, #tpu.memory_space<hbm>>
    tpu.wait_indirect_dma semaphore(%arg8 : memref<!tpu.dma_semaphore, #tpu.memory_space<semaphore_mem>>) src(%dma_wait3A_673 : memref<100000x2048xf32, #tpu.memory_space<hbm>>) dst(%dma_wait3A_668 : memref<16x2048xf32, #tpu.memory_space<vmem>>)
    %add3A_674 = arith.constant 208 : i32
    %add3A_675 = arith.addi %mul3A_2, %add3A_674 : i32
    %dma_start3A_676 = arith.constant 1 : i32
    %dma_start3A_677 = arith.constant 0 : i32
    %dma_start3A_678 = arith.constant 0 : i32
    %dma_start3A_679 = tpu.memref_slice %arg6[%dma_start3A_676, %dma_start3A_677, %dma_start3A_678] : memref<3x16x2048xf32, #tpu.memory_space<vmem>> -> memref<1x16x2048xf32, #tpu.memory_space<vmem>>
    %dma_start3A_680 = tpu.memref_squeeze %dma_start3A_679 : memref<1x16x2048xf32, #tpu.memory_space<vmem>> -> memref<16x2048xf32, #tpu.memory_space<vmem>>
    %dma_start3A_681 = arith.constant 0 : i32
    %dma_start3A_682 = tpu.memref_slice %arg4[%add3A_675, %dma_start3A_681] : memref<16384x2048xf32, #tpu.memory_space<hbm>> -> memref<16x2048xf32, #tpu.memory_space<hbm>>
    %dma_start3A_683 = arith.constant 0 : i32
    %dma_start3A_684 = tpu.memref_slice %arg4[%add3A_675, %dma_start3A_683] : memref<16384x2048xf32, #tpu.memory_space<hbm>> -> memref<16x2048xf32, #tpu.memory_space<hbm>>
    %dma_start3A_685 = arith.constant 0 : i32
    %dma_start3A_686 = arith.constant 0 : i32
    %dma_start3A_687 = tpu.memref_slice %arg6[%dma_start3A_676, %dma_start3A_685, %dma_start3A_686] : memref<3x16x2048xf32, #tpu.memory_space<vmem>> -> memref<1x16x2048xf32, #tpu.memory_space<vmem>>
    %dma_start3A_688 = tpu.memref_squeeze %dma_start3A_687 : memref<1x16x2048xf32, #tpu.memory_space<vmem>> -> memref<16x2048xf32, #tpu.memory_space<vmem>>
    tpu.enqueue_dma source(%dma_start3A_688 : memref<16x2048xf32, #tpu.memory_space<vmem>>) target(%dma_start3A_684 : memref<16x2048xf32, #tpu.memory_space<hbm>>) target_semaphore(%arg11 : memref<!tpu.dma_semaphore, #tpu.memory_space<semaphore_mem>>)
    %dma_wait3A_689 = arith.constant 0 : i32
    %dma_wait3A_690 = arith.constant 0 : i32
    %dma_wait3A_691 = arith.constant 0 : i32
    %dma_wait3A_692 = tpu.memref_slice %arg6[%dma_wait3A_689, %dma_wait3A_690, %dma_wait3A_691] : memref<3x16x2048xf32, #tpu.memory_space<vmem>> -> memref<1x16x2048xf32, #tpu.memory_space<vmem>>
    %dma_wait3A_693 = tpu.memref_squeeze %dma_wait3A_692 : memref<1x16x2048xf32, #tpu.memory_space<vmem>> -> memref<16x2048xf32, #tpu.memory_space<vmem>>
    %dma_wait3A_694 = arith.constant 0 : i32
    %dma_wait3A_695 = tpu.memref_slice %arg4[%add3A_627, %dma_wait3A_694] : memref<16384x2048xf32, #tpu.memory_space<hbm>> -> memref<16x2048xf32, #tpu.memory_space<hbm>>
    %dma_wait3A_696 = arith.constant 0 : i32
    %dma_wait3A_697 = tpu.memref_slice %arg4[%add3A_627, %dma_wait3A_696] : memref<16384x2048xf32, #tpu.memory_space<hbm>> -> memref<16x2048xf32, #tpu.memory_space<hbm>>
    %dma_wait3A_698 = arith.constant 0 : i32
    %dma_wait3A_699 = arith.constant 0 : i32
    %dma_wait3A_700 = tpu.memref_slice %arg6[%dma_wait3A_689, %dma_wait3A_698, %dma_wait3A_699] : memref<3x16x2048xf32, #tpu.memory_space<vmem>> -> memref<1x16x2048xf32, #tpu.memory_space<vmem>>
    %dma_wait3A_701 = tpu.memref_squeeze %dma_wait3A_700 : memref<1x16x2048xf32, #tpu.memory_space<vmem>> -> memref<16x2048xf32, #tpu.memory_space<vmem>>
    tpu.wait_dma2 semaphore(%arg10 : memref<!tpu.dma_semaphore, #tpu.memory_space<semaphore_mem>>) src(%dma_wait3A_701 : memref<16x2048xf32, #tpu.memory_space<vmem>>) dst(%dma_wait3A_697 : memref<16x2048xf32, #tpu.memory_space<hbm>>)
    %dma_start3A_702 = arith.constant 0 : i32
    %dma_start3A_703 = arith.constant 0 : i32
    %dma_start3A_704 = arith.constant 0 : i32
    %dma_start3A_705 = tpu.memref_slice %arg6[%dma_start3A_702, %dma_start3A_703, %dma_start3A_704] : memref<3x16x2048xf32, #tpu.memory_space<vmem>> -> memref<1x16x2048xf32, #tpu.memory_space<vmem>>
    %dma_start3A_706 = tpu.memref_squeeze %dma_start3A_705 : memref<1x16x2048xf32, #tpu.memory_space<vmem>> -> memref<16x2048xf32, #tpu.memory_space<vmem>>
    %dma_start3A_707 = arith.constant 240 : i32
    %dma_start3A_708 = tpu.memref_slice %arg5[%dma_start3A_707] : memref<512xi32, #tpu.memory_space<vmem>> -> memref<16xi32, #tpu.memory_space<vmem>>
    %dma_start3A_709 = arith.constant 0 : i32
    %dma_start3A_710 = arith.constant 0 : i32
    %dma_start3A_711 = tpu.memref_slice %arg3[%dma_start3A_709, %dma_start3A_710] : memref<100000x2048xf32, #tpu.memory_space<hbm>> -> memref<100000x2048xf32, #tpu.memory_space<hbm>>
    tpu.enqueue_indirect_dma source(%dma_start3A_711 : memref<100000x2048xf32, #tpu.memory_space<hbm>>) target(%dma_start3A_706 : memref<16x2048xf32, #tpu.memory_space<vmem>>) offsets(%dma_start3A_708 : memref<16xi32, #tpu.memory_space<vmem>>) semaphore(%arg7 : memref<!tpu.dma_semaphore, #tpu.memory_space<semaphore_mem>>)
    %dma_wait3A_712 = arith.constant 2 : i32
    %dma_wait3A_713 = arith.constant 0 : i32
    %dma_wait3A_714 = arith.constant 0 : i32
    %dma_wait3A_715 = tpu.memref_slice %arg6[%dma_wait3A_712, %dma_wait3A_713, %dma_wait3A_714] : memref<3x16x2048xf32, #tpu.memory_space<vmem>> -> memref<1x16x2048xf32, #tpu.memory_space<vmem>>
    %dma_wait3A_716 = tpu.memref_squeeze %dma_wait3A_715 : memref<1x16x2048xf32, #tpu.memory_space<vmem>> -> memref<16x2048xf32, #tpu.memory_space<vmem>>
    %dma_wait3A_717 = arith.constant 224 : i32
    %dma_wait3A_718 = tpu.memref_slice %arg5[%dma_wait3A_717] : memref<512xi32, #tpu.memory_space<vmem>> -> memref<16xi32, #tpu.memory_space<vmem>>
    %dma_wait3A_719 = arith.constant 0 : i32
    %dma_wait3A_720 = arith.constant 0 : i32
    %dma_wait3A_721 = tpu.memref_slice %arg3[%dma_wait3A_719, %dma_wait3A_720] : memref<100000x2048xf32, #tpu.memory_space<hbm>> -> memref<100000x2048xf32, #tpu.memory_space<hbm>>
    tpu.wait_indirect_dma semaphore(%arg9 : memref<!tpu.dma_semaphore, #tpu.memory_space<semaphore_mem>>) src(%dma_wait3A_721 : memref<100000x2048xf32, #tpu.memory_space<hbm>>) dst(%dma_wait3A_716 : memref<16x2048xf32, #tpu.memory_space<vmem>>)
    %add3A_722 = arith.constant 224 : i32
    %add3A_723 = arith.addi %mul3A_2, %add3A_722 : i32
    %dma_start3A_724 = arith.constant 2 : i32
    %dma_start3A_725 = arith.constant 0 : i32
    %dma_start3A_726 = arith.constant 0 : i32
    %dma_start3A_727 = tpu.memref_slice %arg6[%dma_start3A_724, %dma_start3A_725, %dma_start3A_726] : memref<3x16x2048xf32, #tpu.memory_space<vmem>> -> memref<1x16x2048xf32, #tpu.memory_space<vmem>>
    %dma_start3A_728 = tpu.memref_squeeze %dma_start3A_727 : memref<1x16x2048xf32, #tpu.memory_space<vmem>> -> memref<16x2048xf32, #tpu.memory_space<vmem>>
    %dma_start3A_729 = arith.constant 0 : i32
    %dma_start3A_730 = tpu.memref_slice %arg4[%add3A_723, %dma_start3A_729] : memref<16384x2048xf32, #tpu.memory_space<hbm>> -> memref<16x2048xf32, #tpu.memory_space<hbm>>
    %dma_start3A_731 = arith.constant 0 : i32
    %dma_start3A_732 = tpu.memref_slice %arg4[%add3A_723, %dma_start3A_731] : memref<16384x2048xf32, #tpu.memory_space<hbm>> -> memref<16x2048xf32, #tpu.memory_space<hbm>>
    %dma_start3A_733 = arith.constant 0 : i32
    %dma_start3A_734 = arith.constant 0 : i32
    %dma_start3A_735 = tpu.memref_slice %arg6[%dma_start3A_724, %dma_start3A_733, %dma_start3A_734] : memref<3x16x2048xf32, #tpu.memory_space<vmem>> -> memref<1x16x2048xf32, #tpu.memory_space<vmem>>
    %dma_start3A_736 = tpu.memref_squeeze %dma_start3A_735 : memref<1x16x2048xf32, #tpu.memory_space<vmem>> -> memref<16x2048xf32, #tpu.memory_space<vmem>>
    tpu.enqueue_dma source(%dma_start3A_736 : memref<16x2048xf32, #tpu.memory_space<vmem>>) target(%dma_start3A_732 : memref<16x2048xf32, #tpu.memory_space<hbm>>) target_semaphore(%arg12 : memref<!tpu.dma_semaphore, #tpu.memory_space<semaphore_mem>>)
    %dma_wait3A_737 = arith.constant 1 : i32
    %dma_wait3A_738 = arith.constant 0 : i32
    %dma_wait3A_739 = arith.constant 0 : i32
    %dma_wait3A_740 = tpu.memref_slice %arg6[%dma_wait3A_737, %dma_wait3A_738, %dma_wait3A_739] : memref<3x16x2048xf32, #tpu.memory_space<vmem>> -> memref<1x16x2048xf32, #tpu.memory_space<vmem>>
    %dma_wait3A_741 = tpu.memref_squeeze %dma_wait3A_740 : memref<1x16x2048xf32, #tpu.memory_space<vmem>> -> memref<16x2048xf32, #tpu.memory_space<vmem>>
    %dma_wait3A_742 = arith.constant 0 : i32
    %dma_wait3A_743 = tpu.memref_slice %arg4[%add3A_675, %dma_wait3A_742] : memref<16384x2048xf32, #tpu.memory_space<hbm>> -> memref<16x2048xf32, #tpu.memory_space<hbm>>
    %dma_wait3A_744 = arith.constant 0 : i32
    %dma_wait3A_745 = tpu.memref_slice %arg4[%add3A_675, %dma_wait3A_744] : memref<16384x2048xf32, #tpu.memory_space<hbm>> -> memref<16x2048xf32, #tpu.memory_space<hbm>>
    %dma_wait3A_746 = arith.constant 0 : i32
    %dma_wait3A_747 = arith.constant 0 : i32
    %dma_wait3A_748 = tpu.memref_slice %arg6[%dma_wait3A_737, %dma_wait3A_746, %dma_wait3A_747] : memref<3x16x2048xf32, #tpu.memory_space<vmem>> -> memref<1x16x2048xf32, #tpu.memory_space<vmem>>
    %dma_wait3A_749 = tpu.memref_squeeze %dma_wait3A_748 : memref<1x16x2048xf32, #tpu.memory_space<vmem>> -> memref<16x2048xf32, #tpu.memory_space<vmem>>
    tpu.wait_dma2 semaphore(%arg11 : memref<!tpu.dma_semaphore, #tpu.memory_space<semaphore_mem>>) src(%dma_wait3A_749 : memref<16x2048xf32, #tpu.memory_space<vmem>>) dst(%dma_wait3A_745 : memref<16x2048xf32, #tpu.memory_space<hbm>>)
    %dma_start3A_750 = arith.constant 1 : i32
    %dma_start3A_751 = arith.constant 0 : i32
    %dma_start3A_752 = arith.constant 0 : i32
    %dma_start3A_753 = tpu.memref_slice %arg6[%dma_start3A_750, %dma_start3A_751, %dma_start3A_752] : memref<3x16x2048xf32, #tpu.memory_space<vmem>> -> memref<1x16x2048xf32, #tpu.memory_space<vmem>>
    %dma_start3A_754 = tpu.memref_squeeze %dma_start3A_753 : memref<1x16x2048xf32, #tpu.memory_space<vmem>> -> memref<16x2048xf32, #tpu.memory_space<vmem>>
    %dma_start3A_755 = arith.constant 256 : i32
    %dma_start3A_756 = tpu.memref_slice %arg5[%dma_start3A_755] : memref<512xi32, #tpu.memory_space<vmem>> -> memref<16xi32, #tpu.memory_space<vmem>>
    %dma_start3A_757 = arith.constant 0 : i32
    %dma_start3A_758 = arith.constant 0 : i32
    %dma_start3A_759 = tpu.memref_slice %arg3[%dma_start3A_757, %dma_start3A_758] : memref<100000x2048xf32, #tpu.memory_space<hbm>> -> memref<100000x2048xf32, #tpu.memory_space<hbm>>
    tpu.enqueue_indirect_dma source(%dma_start3A_759 : memref<100000x2048xf32, #tpu.memory_space<hbm>>) target(%dma_start3A_754 : memref<16x2048xf32, #tpu.memory_space<vmem>>) offsets(%dma_start3A_756 : memref<16xi32, #tpu.memory_space<vmem>>) semaphore(%arg8 : memref<!tpu.dma_semaphore, #tpu.memory_space<semaphore_mem>>)
    %dma_wait3A_760 = arith.constant 0 : i32
    %dma_wait3A_761 = arith.constant 0 : i32
    %dma_wait3A_762 = arith.constant 0 : i32
    %dma_wait3A_763 = tpu.memref_slice %arg6[%dma_wait3A_760, %dma_wait3A_761, %dma_wait3A_762] : memref<3x16x2048xf32, #tpu.memory_space<vmem>> -> memref<1x16x2048xf32, #tpu.memory_space<vmem>>
    %dma_wait3A_764 = tpu.memref_squeeze %dma_wait3A_763 : memref<1x16x2048xf32, #tpu.memory_space<vmem>> -> memref<16x2048xf32, #tpu.memory_space<vmem>>
    %dma_wait3A_765 = arith.constant 240 : i32
    %dma_wait3A_766 = tpu.memref_slice %arg5[%dma_wait3A_765] : memref<512xi32, #tpu.memory_space<vmem>> -> memref<16xi32, #tpu.memory_space<vmem>>
    %dma_wait3A_767 = arith.constant 0 : i32
    %dma_wait3A_768 = arith.constant 0 : i32
    %dma_wait3A_769 = tpu.memref_slice %arg3[%dma_wait3A_767, %dma_wait3A_768] : memref<100000x2048xf32, #tpu.memory_space<hbm>> -> memref<100000x2048xf32, #tpu.memory_space<hbm>>
    tpu.wait_indirect_dma semaphore(%arg7 : memref<!tpu.dma_semaphore, #tpu.memory_space<semaphore_mem>>) src(%dma_wait3A_769 : memref<100000x2048xf32, #tpu.memory_space<hbm>>) dst(%dma_wait3A_764 : memref<16x2048xf32, #tpu.memory_space<vmem>>)
    %add3A_770 = arith.constant 240 : i32
    %add3A_771 = arith.addi %mul3A_2, %add3A_770 : i32
    %dma_start3A_772 = arith.constant 0 : i32
    %dma_start3A_773 = arith.constant 0 : i32
    %dma_start3A_774 = arith.constant 0 : i32
    %dma_start3A_775 = tpu.memref_slice %arg6[%dma_start3A_772, %dma_start3A_773, %dma_start3A_774] : memref<3x16x2048xf32, #tpu.memory_space<vmem>> -> memref<1x16x2048xf32, #tpu.memory_space<vmem>>
    %dma_start3A_776 = tpu.memref_squeeze %dma_start3A_775 : memref<1x16x2048xf32, #tpu.memory_space<vmem>> -> memref<16x2048xf32, #tpu.memory_space<vmem>>
    %dma_start3A_777 = arith.constant 0 : i32
    %dma_start3A_778 = tpu.memref_slice %arg4[%add3A_771, %dma_start3A_777] : memref<16384x2048xf32, #tpu.memory_space<hbm>> -> memref<16x2048xf32, #tpu.memory_space<hbm>>
    %dma_start3A_779 = arith.constant 0 : i32
    %dma_start3A_780 = tpu.memref_slice %arg4[%add3A_771, %dma_start3A_779] : memref<16384x2048xf32, #tpu.memory_space<hbm>> -> memref<16x2048xf32, #tpu.memory_space<hbm>>
    %dma_start3A_781 = arith.constant 0 : i32
    %dma_start3A_782 = arith.constant 0 : i32
    %dma_start3A_783 = tpu.memref_slice %arg6[%dma_start3A_772, %dma_start3A_781, %dma_start3A_782] : memref<3x16x2048xf32, #tpu.memory_space<vmem>> -> memref<1x16x2048xf32, #tpu.memory_space<vmem>>
    %dma_start3A_784 = tpu.memref_squeeze %dma_start3A_783 : memref<1x16x2048xf32, #tpu.memory_space<vmem>> -> memref<16x2048xf32, #tpu.memory_space<vmem>>
    tpu.enqueue_dma source(%dma_start3A_784 : memref<16x2048xf32, #tpu.memory_space<vmem>>) target(%dma_start3A_780 : memref<16x2048xf32, #tpu.memory_space<hbm>>) target_semaphore(%arg10 : memref<!tpu.dma_semaphore, #tpu.memory_space<semaphore_mem>>)
    %dma_wait3A_785 = arith.constant 2 : i32
    %dma_wait3A_786 = arith.constant 0 : i32
    %dma_wait3A_787 = arith.constant 0 : i32
    %dma_wait3A_788 = tpu.memref_slice %arg6[%dma_wait3A_785, %dma_wait3A_786, %dma_wait3A_787] : memref<3x16x2048xf32, #tpu.memory_space<vmem>> -> memref<1x16x2048xf32, #tpu.memory_space<vmem>>
    %dma_wait3A_789 = tpu.memref_squeeze %dma_wait3A_788 : memref<1x16x2048xf32, #tpu.memory_space<vmem>> -> memref<16x2048xf32, #tpu.memory_space<vmem>>
    %dma_wait3A_790 = arith.constant 0 : i32
    %dma_wait3A_791 = tpu.memref_slice %arg4[%add3A_723, %dma_wait3A_790] : memref<16384x2048xf32, #tpu.memory_space<hbm>> -> memref<16x2048xf32, #tpu.memory_space<hbm>>
    %dma_wait3A_792 = arith.constant 0 : i32
    %dma_wait3A_793 = tpu.memref_slice %arg4[%add3A_723, %dma_wait3A_792] : memref<16384x2048xf32, #tpu.memory_space<hbm>> -> memref<16x2048xf32, #tpu.memory_space<hbm>>
    %dma_wait3A_794 = arith.constant 0 : i32
    %dma_wait3A_795 = arith.constant 0 : i32
    %dma_wait3A_796 = tpu.memref_slice %arg6[%dma_wait3A_785, %dma_wait3A_794, %dma_wait3A_795] : memref<3x16x2048xf32, #tpu.memory_space<vmem>> -> memref<1x16x2048xf32, #tpu.memory_space<vmem>>
    %dma_wait3A_797 = tpu.memref_squeeze %dma_wait3A_796 : memref<1x16x2048xf32, #tpu.memory_space<vmem>> -> memref<16x2048xf32, #tpu.memory_space<vmem>>
    tpu.wait_dma2 semaphore(%arg12 : memref<!tpu.dma_semaphore, #tpu.memory_space<semaphore_mem>>) src(%dma_wait3A_797 : memref<16x2048xf32, #tpu.memory_space<vmem>>) dst(%dma_wait3A_793 : memref<16x2048xf32, #tpu.memory_space<hbm>>)
    %dma_start3A_798 = arith.constant 2 : i32
    %dma_start3A_799 = arith.constant 0 : i32
    %dma_start3A_800 = arith.constant 0 : i32
    %dma_start3A_801 = tpu.memref_slice %arg6[%dma_start3A_798, %dma_start3A_799, %dma_start3A_800] : memref<3x16x2048xf32, #tpu.memory_space<vmem>> -> memref<1x16x2048xf32, #tpu.memory_space<vmem>>
    %dma_start3A_802 = tpu.memref_squeeze %dma_start3A_801 : memref<1x16x2048xf32, #tpu.memory_space<vmem>> -> memref<16x2048xf32, #tpu.memory_space<vmem>>
    %dma_start3A_803 = arith.constant 272 : i32
    %dma_start3A_804 = tpu.memref_slice %arg5[%dma_start3A_803] : memref<512xi32, #tpu.memory_space<vmem>> -> memref<16xi32, #tpu.memory_space<vmem>>
    %dma_start3A_805 = arith.constant 0 : i32
    %dma_start3A_806 = arith.constant 0 : i32
    %dma_start3A_807 = tpu.memref_slice %arg3[%dma_start3A_805, %dma_start3A_806] : memref<100000x2048xf32, #tpu.memory_space<hbm>> -> memref<100000x2048xf32, #tpu.memory_space<hbm>>
    tpu.enqueue_indirect_dma source(%dma_start3A_807 : memref<100000x2048xf32, #tpu.memory_space<hbm>>) target(%dma_start3A_802 : memref<16x2048xf32, #tpu.memory_space<vmem>>) offsets(%dma_start3A_804 : memref<16xi32, #tpu.memory_space<vmem>>) semaphore(%arg9 : memref<!tpu.dma_semaphore, #tpu.memory_space<semaphore_mem>>)
    %dma_wait3A_808 = arith.constant 1 : i32
    %dma_wait3A_809 = arith.constant 0 : i32
    %dma_wait3A_810 = arith.constant 0 : i32
    %dma_wait3A_811 = tpu.memref_slice %arg6[%dma_wait3A_808, %dma_wait3A_809, %dma_wait3A_810] : memref<3x16x2048xf32, #tpu.memory_space<vmem>> -> memref<1x16x2048xf32, #tpu.memory_space<vmem>>
    %dma_wait3A_812 = tpu.memref_squeeze %dma_wait3A_811 : memref<1x16x2048xf32, #tpu.memory_space<vmem>> -> memref<16x2048xf32, #tpu.memory_space<vmem>>
    %dma_wait3A_813 = arith.constant 256 : i32
    %dma_wait3A_814 = tpu.memref_slice %arg5[%dma_wait3A_813] : memref<512xi32, #tpu.memory_space<vmem>> -> memref<16xi32, #tpu.memory_space<vmem>>
    %dma_wait3A_815 = arith.constant 0 : i32
    %dma_wait3A_816 = arith.constant 0 : i32
    %dma_wait3A_817 = tpu.memref_slice %arg3[%dma_wait3A_815, %dma_wait3A_816] : memref<100000x2048xf32, #tpu.memory_space<hbm>> -> memref<100000x2048xf32, #tpu.memory_space<hbm>>
    tpu.wait_indirect_dma semaphore(%arg8 : memref<!tpu.dma_semaphore, #tpu.memory_space<semaphore_mem>>) src(%dma_wait3A_817 : memref<100000x2048xf32, #tpu.memory_space<hbm>>) dst(%dma_wait3A_812 : memref<16x2048xf32, #tpu.memory_space<vmem>>)
    %add3A_818 = arith.constant 256 : i32
    %add3A_819 = arith.addi %mul3A_2, %add3A_818 : i32
    %dma_start3A_820 = arith.constant 1 : i32
    %dma_start3A_821 = arith.constant 0 : i32
    %dma_start3A_822 = arith.constant 0 : i32
    %dma_start3A_823 = tpu.memref_slice %arg6[%dma_start3A_820, %dma_start3A_821, %dma_start3A_822] : memref<3x16x2048xf32, #tpu.memory_space<vmem>> -> memref<1x16x2048xf32, #tpu.memory_space<vmem>>
    %dma_start3A_824 = tpu.memref_squeeze %dma_start3A_823 : memref<1x16x2048xf32, #tpu.memory_space<vmem>> -> memref<16x2048xf32, #tpu.memory_space<vmem>>
    %dma_start3A_825 = arith.constant 0 : i32
    %dma_start3A_826 = tpu.memref_slice %arg4[%add3A_819, %dma_start3A_825] : memref<16384x2048xf32, #tpu.memory_space<hbm>> -> memref<16x2048xf32, #tpu.memory_space<hbm>>
    %dma_start3A_827 = arith.constant 0 : i32
    %dma_start3A_828 = tpu.memref_slice %arg4[%add3A_819, %dma_start3A_827] : memref<16384x2048xf32, #tpu.memory_space<hbm>> -> memref<16x2048xf32, #tpu.memory_space<hbm>>
    %dma_start3A_829 = arith.constant 0 : i32
    %dma_start3A_830 = arith.constant 0 : i32
    %dma_start3A_831 = tpu.memref_slice %arg6[%dma_start3A_820, %dma_start3A_829, %dma_start3A_830] : memref<3x16x2048xf32, #tpu.memory_space<vmem>> -> memref<1x16x2048xf32, #tpu.memory_space<vmem>>
    %dma_start3A_832 = tpu.memref_squeeze %dma_start3A_831 : memref<1x16x2048xf32, #tpu.memory_space<vmem>> -> memref<16x2048xf32, #tpu.memory_space<vmem>>
    tpu.enqueue_dma source(%dma_start3A_832 : memref<16x2048xf32, #tpu.memory_space<vmem>>) target(%dma_start3A_828 : memref<16x2048xf32, #tpu.memory_space<hbm>>) target_semaphore(%arg11 : memref<!tpu.dma_semaphore, #tpu.memory_space<semaphore_mem>>)
    %dma_wait3A_833 = arith.constant 0 : i32
    %dma_wait3A_834 = arith.constant 0 : i32
    %dma_wait3A_835 = arith.constant 0 : i32
    %dma_wait3A_836 = tpu.memref_slice %arg6[%dma_wait3A_833, %dma_wait3A_834, %dma_wait3A_835] : memref<3x16x2048xf32, #tpu.memory_space<vmem>> -> memref<1x16x2048xf32, #tpu.memory_space<vmem>>
    %dma_wait3A_837 = tpu.memref_squeeze %dma_wait3A_836 : memref<1x16x2048xf32, #tpu.memory_space<vmem>> -> memref<16x2048xf32, #tpu.memory_space<vmem>>
    %dma_wait3A_838 = arith.constant 0 : i32
    %dma_wait3A_839 = tpu.memref_slice %arg4[%add3A_771, %dma_wait3A_838] : memref<16384x2048xf32, #tpu.memory_space<hbm>> -> memref<16x2048xf32, #tpu.memory_space<hbm>>
    %dma_wait3A_840 = arith.constant 0 : i32
    %dma_wait3A_841 = tpu.memref_slice %arg4[%add3A_771, %dma_wait3A_840] : memref<16384x2048xf32, #tpu.memory_space<hbm>> -> memref<16x2048xf32, #tpu.memory_space<hbm>>
    %dma_wait3A_842 = arith.constant 0 : i32
    %dma_wait3A_843 = arith.constant 0 : i32
    %dma_wait3A_844 = tpu.memref_slice %arg6[%dma_wait3A_833, %dma_wait3A_842, %dma_wait3A_843] : memref<3x16x2048xf32, #tpu.memory_space<vmem>> -> memref<1x16x2048xf32, #tpu.memory_space<vmem>>
    %dma_wait3A_845 = tpu.memref_squeeze %dma_wait3A_844 : memref<1x16x2048xf32, #tpu.memory_space<vmem>> -> memref<16x2048xf32, #tpu.memory_space<vmem>>
    tpu.wait_dma2 semaphore(%arg10 : memref<!tpu.dma_semaphore, #tpu.memory_space<semaphore_mem>>) src(%dma_wait3A_845 : memref<16x2048xf32, #tpu.memory_space<vmem>>) dst(%dma_wait3A_841 : memref<16x2048xf32, #tpu.memory_space<hbm>>)
    %dma_start3A_846 = arith.constant 0 : i32
    %dma_start3A_847 = arith.constant 0 : i32
    %dma_start3A_848 = arith.constant 0 : i32
    %dma_start3A_849 = tpu.memref_slice %arg6[%dma_start3A_846, %dma_start3A_847, %dma_start3A_848] : memref<3x16x2048xf32, #tpu.memory_space<vmem>> -> memref<1x16x2048xf32, #tpu.memory_space<vmem>>
    %dma_start3A_850 = tpu.memref_squeeze %dma_start3A_849 : memref<1x16x2048xf32, #tpu.memory_space<vmem>> -> memref<16x2048xf32, #tpu.memory_space<vmem>>
    %dma_start3A_851 = arith.constant 288 : i32
    %dma_start3A_852 = tpu.memref_slice %arg5[%dma_start3A_851] : memref<512xi32, #tpu.memory_space<vmem>> -> memref<16xi32, #tpu.memory_space<vmem>>
    %dma_start3A_853 = arith.constant 0 : i32
    %dma_start3A_854 = arith.constant 0 : i32
    %dma_start3A_855 = tpu.memref_slice %arg3[%dma_start3A_853, %dma_start3A_854] : memref<100000x2048xf32, #tpu.memory_space<hbm>> -> memref<100000x2048xf32, #tpu.memory_space<hbm>>
    tpu.enqueue_indirect_dma source(%dma_start3A_855 : memref<100000x2048xf32, #tpu.memory_space<hbm>>) target(%dma_start3A_850 : memref<16x2048xf32, #tpu.memory_space<vmem>>) offsets(%dma_start3A_852 : memref<16xi32, #tpu.memory_space<vmem>>) semaphore(%arg7 : memref<!tpu.dma_semaphore, #tpu.memory_space<semaphore_mem>>)
    %dma_wait3A_856 = arith.constant 2 : i32
    %dma_wait3A_857 = arith.constant 0 : i32
    %dma_wait3A_858 = arith.constant 0 : i32
    %dma_wait3A_859 = tpu.memref_slice %arg6[%dma_wait3A_856, %dma_wait3A_857, %dma_wait3A_858] : memref<3x16x2048xf32, #tpu.memory_space<vmem>> -> memref<1x16x2048xf32, #tpu.memory_space<vmem>>
    %dma_wait3A_860 = tpu.memref_squeeze %dma_wait3A_859 : memref<1x16x2048xf32, #tpu.memory_space<vmem>> -> memref<16x2048xf32, #tpu.memory_space<vmem>>
    %dma_wait3A_861 = arith.constant 272 : i32
    %dma_wait3A_862 = tpu.memref_slice %arg5[%dma_wait3A_861] : memref<512xi32, #tpu.memory_space<vmem>> -> memref<16xi32, #tpu.memory_space<vmem>>
    %dma_wait3A_863 = arith.constant 0 : i32
    %dma_wait3A_864 = arith.constant 0 : i32
    %dma_wait3A_865 = tpu.memref_slice %arg3[%dma_wait3A_863, %dma_wait3A_864] : memref<100000x2048xf32, #tpu.memory_space<hbm>> -> memref<100000x2048xf32, #tpu.memory_space<hbm>>
    tpu.wait_indirect_dma semaphore(%arg9 : memref<!tpu.dma_semaphore, #tpu.memory_space<semaphore_mem>>) src(%dma_wait3A_865 : memref<100000x2048xf32, #tpu.memory_space<hbm>>) dst(%dma_wait3A_860 : memref<16x2048xf32, #tpu.memory_space<vmem>>)
    %add3A_866 = arith.constant 272 : i32
    %add3A_867 = arith.addi %mul3A_2, %add3A_866 : i32
    %dma_start3A_868 = arith.constant 2 : i32
    %dma_start3A_869 = arith.constant 0 : i32
    %dma_start3A_870 = arith.constant 0 : i32
    %dma_start3A_871 = tpu.memref_slice %arg6[%dma_start3A_868, %dma_start3A_869, %dma_start3A_870] : memref<3x16x2048xf32, #tpu.memory_space<vmem>> -> memref<1x16x2048xf32, #tpu.memory_space<vmem>>
    %dma_start3A_872 = tpu.memref_squeeze %dma_start3A_871 : memref<1x16x2048xf32, #tpu.memory_space<vmem>> -> memref<16x2048xf32, #tpu.memory_space<vmem>>
    %dma_start3A_873 = arith.constant 0 : i32
    %dma_start3A_874 = tpu.memref_slice %arg4[%add3A_867, %dma_start3A_873] : memref<16384x2048xf32, #tpu.memory_space<hbm>> -> memref<16x2048xf32, #tpu.memory_space<hbm>>
    %dma_start3A_875 = arith.constant 0 : i32
    %dma_start3A_876 = tpu.memref_slice %arg4[%add3A_867, %dma_start3A_875] : memref<16384x2048xf32, #tpu.memory_space<hbm>> -> memref<16x2048xf32, #tpu.memory_space<hbm>>
    %dma_start3A_877 = arith.constant 0 : i32
    %dma_start3A_878 = arith.constant 0 : i32
    %dma_start3A_879 = tpu.memref_slice %arg6[%dma_start3A_868, %dma_start3A_877, %dma_start3A_878] : memref<3x16x2048xf32, #tpu.memory_space<vmem>> -> memref<1x16x2048xf32, #tpu.memory_space<vmem>>
    %dma_start3A_880 = tpu.memref_squeeze %dma_start3A_879 : memref<1x16x2048xf32, #tpu.memory_space<vmem>> -> memref<16x2048xf32, #tpu.memory_space<vmem>>
    tpu.enqueue_dma source(%dma_start3A_880 : memref<16x2048xf32, #tpu.memory_space<vmem>>) target(%dma_start3A_876 : memref<16x2048xf32, #tpu.memory_space<hbm>>) target_semaphore(%arg12 : memref<!tpu.dma_semaphore, #tpu.memory_space<semaphore_mem>>)
    %dma_wait3A_881 = arith.constant 1 : i32
    %dma_wait3A_882 = arith.constant 0 : i32
    %dma_wait3A_883 = arith.constant 0 : i32
    %dma_wait3A_884 = tpu.memref_slice %arg6[%dma_wait3A_881, %dma_wait3A_882, %dma_wait3A_883] : memref<3x16x2048xf32, #tpu.memory_space<vmem>> -> memref<1x16x2048xf32, #tpu.memory_space<vmem>>
    %dma_wait3A_885 = tpu.memref_squeeze %dma_wait3A_884 : memref<1x16x2048xf32, #tpu.memory_space<vmem>> -> memref<16x2048xf32, #tpu.memory_space<vmem>>
    %dma_wait3A_886 = arith.constant 0 : i32
    %dma_wait3A_887 = tpu.memref_slice %arg4[%add3A_819, %dma_wait3A_886] : memref<16384x2048xf32, #tpu.memory_space<hbm>> -> memref<16x2048xf32, #tpu.memory_space<hbm>>
    %dma_wait3A_888 = arith.constant 0 : i32
    %dma_wait3A_889 = tpu.memref_slice %arg4[%add3A_819, %dma_wait3A_888] : memref<16384x2048xf32, #tpu.memory_space<hbm>> -> memref<16x2048xf32, #tpu.memory_space<hbm>>
    %dma_wait3A_890 = arith.constant 0 : i32
    %dma_wait3A_891 = arith.constant 0 : i32
    %dma_wait3A_892 = tpu.memref_slice %arg6[%dma_wait3A_881, %dma_wait3A_890, %dma_wait3A_891] : memref<3x16x2048xf32, #tpu.memory_space<vmem>> -> memref<1x16x2048xf32, #tpu.memory_space<vmem>>
    %dma_wait3A_893 = tpu.memref_squeeze %dma_wait3A_892 : memref<1x16x2048xf32, #tpu.memory_space<vmem>> -> memref<16x2048xf32, #tpu.memory_space<vmem>>
    tpu.wait_dma2 semaphore(%arg11 : memref<!tpu.dma_semaphore, #tpu.memory_space<semaphore_mem>>) src(%dma_wait3A_893 : memref<16x2048xf32, #tpu.memory_space<vmem>>) dst(%dma_wait3A_889 : memref<16x2048xf32, #tpu.memory_space<hbm>>)
    %dma_start3A_894 = arith.constant 1 : i32
    %dma_start3A_895 = arith.constant 0 : i32
    %dma_start3A_896 = arith.constant 0 : i32
    %dma_start3A_897 = tpu.memref_slice %arg6[%dma_start3A_894, %dma_start3A_895, %dma_start3A_896] : memref<3x16x2048xf32, #tpu.memory_space<vmem>> -> memref<1x16x2048xf32, #tpu.memory_space<vmem>>
    %dma_start3A_898 = tpu.memref_squeeze %dma_start3A_897 : memref<1x16x2048xf32, #tpu.memory_space<vmem>> -> memref<16x2048xf32, #tpu.memory_space<vmem>>
    %dma_start3A_899 = arith.constant 304 : i32
    %dma_start3A_900 = tpu.memref_slice %arg5[%dma_start3A_899] : memref<512xi32, #tpu.memory_space<vmem>> -> memref<16xi32, #tpu.memory_space<vmem>>
    %dma_start3A_901 = arith.constant 0 : i32
    %dma_start3A_902 = arith.constant 0 : i32
    %dma_start3A_903 = tpu.memref_slice %arg3[%dma_start3A_901, %dma_start3A_902] : memref<100000x2048xf32, #tpu.memory_space<hbm>> -> memref<100000x2048xf32, #tpu.memory_space<hbm>>
    tpu.enqueue_indirect_dma source(%dma_start3A_903 : memref<100000x2048xf32, #tpu.memory_space<hbm>>) target(%dma_start3A_898 : memref<16x2048xf32, #tpu.memory_space<vmem>>) offsets(%dma_start3A_900 : memref<16xi32, #tpu.memory_space<vmem>>) semaphore(%arg8 : memref<!tpu.dma_semaphore, #tpu.memory_space<semaphore_mem>>)
    %dma_wait3A_904 = arith.constant 0 : i32
    %dma_wait3A_905 = arith.constant 0 : i32
    %dma_wait3A_906 = arith.constant 0 : i32
    %dma_wait3A_907 = tpu.memref_slice %arg6[%dma_wait3A_904, %dma_wait3A_905, %dma_wait3A_906] : memref<3x16x2048xf32, #tpu.memory_space<vmem>> -> memref<1x16x2048xf32, #tpu.memory_space<vmem>>
    %dma_wait3A_908 = tpu.memref_squeeze %dma_wait3A_907 : memref<1x16x2048xf32, #tpu.memory_space<vmem>> -> memref<16x2048xf32, #tpu.memory_space<vmem>>
    %dma_wait3A_909 = arith.constant 288 : i32
    %dma_wait3A_910 = tpu.memref_slice %arg5[%dma_wait3A_909] : memref<512xi32, #tpu.memory_space<vmem>> -> memref<16xi32, #tpu.memory_space<vmem>>
    %dma_wait3A_911 = arith.constant 0 : i32
    %dma_wait3A_912 = arith.constant 0 : i32
    %dma_wait3A_913 = tpu.memref_slice %arg3[%dma_wait3A_911, %dma_wait3A_912] : memref<100000x2048xf32, #tpu.memory_space<hbm>> -> memref<100000x2048xf32, #tpu.memory_space<hbm>>
    tpu.wait_indirect_dma semaphore(%arg7 : memref<!tpu.dma_semaphore, #tpu.memory_space<semaphore_mem>>) src(%dma_wait3A_913 : memref<100000x2048xf32, #tpu.memory_space<hbm>>) dst(%dma_wait3A_908 : memref<16x2048xf32, #tpu.memory_space<vmem>>)
    %add3A_914 = arith.constant 288 : i32
    %add3A_915 = arith.addi %mul3A_2, %add3A_914 : i32
    %dma_start3A_916 = arith.constant 0 : i32
    %dma_start3A_917 = arith.constant 0 : i32
    %dma_start3A_918 = arith.constant 0 : i32
    %dma_start3A_919 = tpu.memref_slice %arg6[%dma_start3A_916, %dma_start3A_917, %dma_start3A_918] : memref<3x16x2048xf32, #tpu.memory_space<vmem>> -> memref<1x16x2048xf32, #tpu.memory_space<vmem>>
    %dma_start3A_920 = tpu.memref_squeeze %dma_start3A_919 : memref<1x16x2048xf32, #tpu.memory_space<vmem>> -> memref<16x2048xf32, #tpu.memory_space<vmem>>
    %dma_start3A_921 = arith.constant 0 : i32
    %dma_start3A_922 = tpu.memref_slice %arg4[%add3A_915, %dma_start3A_921] : memref<16384x2048xf32, #tpu.memory_space<hbm>> -> memref<16x2048xf32, #tpu.memory_space<hbm>>
    %dma_start3A_923 = arith.constant 0 : i32
    %dma_start3A_924 = tpu.memref_slice %arg4[%add3A_915, %dma_start3A_923] : memref<16384x2048xf32, #tpu.memory_space<hbm>> -> memref<16x2048xf32, #tpu.memory_space<hbm>>
    %dma_start3A_925 = arith.constant 0 : i32
    %dma_start3A_926 = arith.constant 0 : i32
    %dma_start3A_927 = tpu.memref_slice %arg6[%dma_start3A_916, %dma_start3A_925, %dma_start3A_926] : memref<3x16x2048xf32, #tpu.memory_space<vmem>> -> memref<1x16x2048xf32, #tpu.memory_space<vmem>>
    %dma_start3A_928 = tpu.memref_squeeze %dma_start3A_927 : memref<1x16x2048xf32, #tpu.memory_space<vmem>> -> memref<16x2048xf32, #tpu.memory_space<vmem>>
    tpu.enqueue_dma source(%dma_start3A_928 : memref<16x2048xf32, #tpu.memory_space<vmem>>) target(%dma_start3A_924 : memref<16x2048xf32, #tpu.memory_space<hbm>>) target_semaphore(%arg10 : memref<!tpu.dma_semaphore, #tpu.memory_space<semaphore_mem>>)
    %dma_wait3A_929 = arith.constant 2 : i32
    %dma_wait3A_930 = arith.constant 0 : i32
    %dma_wait3A_931 = arith.constant 0 : i32
    %dma_wait3A_932 = tpu.memref_slice %arg6[%dma_wait3A_929, %dma_wait3A_930, %dma_wait3A_931] : memref<3x16x2048xf32, #tpu.memory_space<vmem>> -> memref<1x16x2048xf32, #tpu.memory_space<vmem>>
    %dma_wait3A_933 = tpu.memref_squeeze %dma_wait3A_932 : memref<1x16x2048xf32, #tpu.memory_space<vmem>> -> memref<16x2048xf32, #tpu.memory_space<vmem>>
    %dma_wait3A_934 = arith.constant 0 : i32
    %dma_wait3A_935 = tpu.memref_slice %arg4[%add3A_867, %dma_wait3A_934] : memref<16384x2048xf32, #tpu.memory_space<hbm>> -> memref<16x2048xf32, #tpu.memory_space<hbm>>
    %dma_wait3A_936 = arith.constant 0 : i32
    %dma_wait3A_937 = tpu.memref_slice %arg4[%add3A_867, %dma_wait3A_936] : memref<16384x2048xf32, #tpu.memory_space<hbm>> -> memref<16x2048xf32, #tpu.memory_space<hbm>>
    %dma_wait3A_938 = arith.constant 0 : i32
    %dma_wait3A_939 = arith.constant 0 : i32
    %dma_wait3A_940 = tpu.memref_slice %arg6[%dma_wait3A_929, %dma_wait3A_938, %dma_wait3A_939] : memref<3x16x2048xf32, #tpu.memory_space<vmem>> -> memref<1x16x2048xf32, #tpu.memory_space<vmem>>
    %dma_wait3A_941 = tpu.memref_squeeze %dma_wait3A_940 : memref<1x16x2048xf32, #tpu.memory_space<vmem>> -> memref<16x2048xf32, #tpu.memory_space<vmem>>
    tpu.wait_dma2 semaphore(%arg12 : memref<!tpu.dma_semaphore, #tpu.memory_space<semaphore_mem>>) src(%dma_wait3A_941 : memref<16x2048xf32, #tpu.memory_space<vmem>>) dst(%dma_wait3A_937 : memref<16x2048xf32, #tpu.memory_space<hbm>>)
    %dma_start3A_942 = arith.constant 2 : i32
    %dma_start3A_943 = arith.constant 0 : i32
    %dma_start3A_944 = arith.constant 0 : i32
    %dma_start3A_945 = tpu.memref_slice %arg6[%dma_start3A_942, %dma_start3A_943, %dma_start3A_944] : memref<3x16x2048xf32, #tpu.memory_space<vmem>> -> memref<1x16x2048xf32, #tpu.memory_space<vmem>>
    %dma_start3A_946 = tpu.memref_squeeze %dma_start3A_945 : memref<1x16x2048xf32, #tpu.memory_space<vmem>> -> memref<16x2048xf32, #tpu.memory_space<vmem>>
    %dma_start3A_947 = arith.constant 320 : i32
    %dma_start3A_948 = tpu.memref_slice %arg5[%dma_start3A_947] : memref<512xi32, #tpu.memory_space<vmem>> -> memref<16xi32, #tpu.memory_space<vmem>>
    %dma_start3A_949 = arith.constant 0 : i32
    %dma_start3A_950 = arith.constant 0 : i32
    %dma_start3A_951 = tpu.memref_slice %arg3[%dma_start3A_949, %dma_start3A_950] : memref<100000x2048xf32, #tpu.memory_space<hbm>> -> memref<100000x2048xf32, #tpu.memory_space<hbm>>
    tpu.enqueue_indirect_dma source(%dma_start3A_951 : memref<100000x2048xf32, #tpu.memory_space<hbm>>) target(%dma_start3A_946 : memref<16x2048xf32, #tpu.memory_space<vmem>>) offsets(%dma_start3A_948 : memref<16xi32, #tpu.memory_space<vmem>>) semaphore(%arg9 : memref<!tpu.dma_semaphore, #tpu.memory_space<semaphore_mem>>)
    %dma_wait3A_952 = arith.constant 1 : i32
    %dma_wait3A_953 = arith.constant 0 : i32
    %dma_wait3A_954 = arith.constant 0 : i32
    %dma_wait3A_955 = tpu.memref_slice %arg6[%dma_wait3A_952, %dma_wait3A_953, %dma_wait3A_954] : memref<3x16x2048xf32, #tpu.memory_space<vmem>> -> memref<1x16x2048xf32, #tpu.memory_space<vmem>>
    %dma_wait3A_956 = tpu.memref_squeeze %dma_wait3A_955 : memref<1x16x2048xf32, #tpu.memory_space<vmem>> -> memref<16x2048xf32, #tpu.memory_space<vmem>>
    %dma_wait3A_957 = arith.constant 304 : i32
    %dma_wait3A_958 = tpu.memref_slice %arg5[%dma_wait3A_957] : memref<512xi32, #tpu.memory_space<vmem>> -> memref<16xi32, #tpu.memory_space<vmem>>
    %dma_wait3A_959 = arith.constant 0 : i32
    %dma_wait3A_960 = arith.constant 0 : i32
    %dma_wait3A_961 = tpu.memref_slice %arg3[%dma_wait3A_959, %dma_wait3A_960] : memref<100000x2048xf32, #tpu.memory_space<hbm>> -> memref<100000x2048xf32, #tpu.memory_space<hbm>>
    tpu.wait_indirect_dma semaphore(%arg8 : memref<!tpu.dma_semaphore, #tpu.memory_space<semaphore_mem>>) src(%dma_wait3A_961 : memref<100000x2048xf32, #tpu.memory_space<hbm>>) dst(%dma_wait3A_956 : memref<16x2048xf32, #tpu.memory_space<vmem>>)
    %add3A_962 = arith.constant 304 : i32
    %add3A_963 = arith.addi %mul3A_2, %add3A_962 : i32
    %dma_start3A_964 = arith.constant 1 : i32
    %dma_start3A_965 = arith.constant 0 : i32
    %dma_start3A_966 = arith.constant 0 : i32
    %dma_start3A_967 = tpu.memref_slice %arg6[%dma_start3A_964, %dma_start3A_965, %dma_start3A_966] : memref<3x16x2048xf32, #tpu.memory_space<vmem>> -> memref<1x16x2048xf32, #tpu.memory_space<vmem>>
    %dma_start3A_968 = tpu.memref_squeeze %dma_start3A_967 : memref<1x16x2048xf32, #tpu.memory_space<vmem>> -> memref<16x2048xf32, #tpu.memory_space<vmem>>
    %dma_start3A_969 = arith.constant 0 : i32
    %dma_start3A_970 = tpu.memref_slice %arg4[%add3A_963, %dma_start3A_969] : memref<16384x2048xf32, #tpu.memory_space<hbm>> -> memref<16x2048xf32, #tpu.memory_space<hbm>>
    %dma_start3A_971 = arith.constant 0 : i32
    %dma_start3A_972 = tpu.memref_slice %arg4[%add3A_963, %dma_start3A_971] : memref<16384x2048xf32, #tpu.memory_space<hbm>> -> memref<16x2048xf32, #tpu.memory_space<hbm>>
    %dma_start3A_973 = arith.constant 0 : i32
    %dma_start3A_974 = arith.constant 0 : i32
    %dma_start3A_975 = tpu.memref_slice %arg6[%dma_start3A_964, %dma_start3A_973, %dma_start3A_974] : memref<3x16x2048xf32, #tpu.memory_space<vmem>> -> memref<1x16x2048xf32, #tpu.memory_space<vmem>>
    %dma_start3A_976 = tpu.memref_squeeze %dma_start3A_975 : memref<1x16x2048xf32, #tpu.memory_space<vmem>> -> memref<16x2048xf32, #tpu.memory_space<vmem>>
    tpu.enqueue_dma source(%dma_start3A_976 : memref<16x2048xf32, #tpu.memory_space<vmem>>) target(%dma_start3A_972 : memref<16x2048xf32, #tpu.memory_space<hbm>>) target_semaphore(%arg11 : memref<!tpu.dma_semaphore, #tpu.memory_space<semaphore_mem>>)
    %dma_wait3A_977 = arith.constant 0 : i32
    %dma_wait3A_978 = arith.constant 0 : i32
    %dma_wait3A_979 = arith.constant 0 : i32
    %dma_wait3A_980 = tpu.memref_slice %arg6[%dma_wait3A_977, %dma_wait3A_978, %dma_wait3A_979] : memref<3x16x2048xf32, #tpu.memory_space<vmem>> -> memref<1x16x2048xf32, #tpu.memory_space<vmem>>
    %dma_wait3A_981 = tpu.memref_squeeze %dma_wait3A_980 : memref<1x16x2048xf32, #tpu.memory_space<vmem>> -> memref<16x2048xf32, #tpu.memory_space<vmem>>
    %dma_wait3A_982 = arith.constant 0 : i32
    %dma_wait3A_983 = tpu.memref_slice %arg4[%add3A_915, %dma_wait3A_982] : memref<16384x2048xf32, #tpu.memory_space<hbm>> -> memref<16x2048xf32, #tpu.memory_space<hbm>>
    %dma_wait3A_984 = arith.constant 0 : i32
    %dma_wait3A_985 = tpu.memref_slice %arg4[%add3A_915, %dma_wait3A_984] : memref<16384x2048xf32, #tpu.memory_space<hbm>> -> memref<16x2048xf32, #tpu.memory_space<hbm>>
    %dma_wait3A_986 = arith.constant 0 : i32
    %dma_wait3A_987 = arith.constant 0 : i32
    %dma_wait3A_988 = tpu.memref_slice %arg6[%dma_wait3A_977, %dma_wait3A_986, %dma_wait3A_987] : memref<3x16x2048xf32, #tpu.memory_space<vmem>> -> memref<1x16x2048xf32, #tpu.memory_space<vmem>>
    %dma_wait3A_989 = tpu.memref_squeeze %dma_wait3A_988 : memref<1x16x2048xf32, #tpu.memory_space<vmem>> -> memref<16x2048xf32, #tpu.memory_space<vmem>>
    tpu.wait_dma2 semaphore(%arg10 : memref<!tpu.dma_semaphore, #tpu.memory_space<semaphore_mem>>) src(%dma_wait3A_989 : memref<16x2048xf32, #tpu.memory_space<vmem>>) dst(%dma_wait3A_985 : memref<16x2048xf32, #tpu.memory_space<hbm>>)
    %dma_start3A_990 = arith.constant 0 : i32
    %dma_start3A_991 = arith.constant 0 : i32
    %dma_start3A_992 = arith.constant 0 : i32
    %dma_start3A_993 = tpu.memref_slice %arg6[%dma_start3A_990, %dma_start3A_991, %dma_start3A_992] : memref<3x16x2048xf32, #tpu.memory_space<vmem>> -> memref<1x16x2048xf32, #tpu.memory_space<vmem>>
    %dma_start3A_994 = tpu.memref_squeeze %dma_start3A_993 : memref<1x16x2048xf32, #tpu.memory_space<vmem>> -> memref<16x2048xf32, #tpu.memory_space<vmem>>
    %dma_start3A_995 = arith.constant 336 : i32
    %dma_start3A_996 = tpu.memref_slice %arg5[%dma_start3A_995] : memref<512xi32, #tpu.memory_space<vmem>> -> memref<16xi32, #tpu.memory_space<vmem>>
    %dma_start3A_997 = arith.constant 0 : i32
    %dma_start3A_998 = arith.constant 0 : i32
    %dma_start3A_999 = tpu.memref_slice %arg3[%dma_start3A_997, %dma_start3A_998] : memref<100000x2048xf32, #tpu.memory_space<hbm>> -> memref<100000x2048xf32, #tpu.memory_space<hbm>>
    tpu.enqueue_indirect_dma source(%dma_start3A_999 : memref<100000x2048xf32, #tpu.memory_space<hbm>>) target(%dma_start3A_994 : memref<16x2048xf32, #tpu.memory_space<vmem>>) offsets(%dma_start3A_996 : memref<16xi32, #tpu.memory_space<vmem>>) semaphore(%arg7 : memref<!tpu.dma_semaphore, #tpu.memory_space<semaphore_mem>>)
    %dma_wait3A_1000 = arith.constant 2 : i32
    %dma_wait3A_1001 = arith.constant 0 : i32
    %dma_wait3A_1002 = arith.constant 0 : i32
    %dma_wait3A_1003 = tpu.memref_slice %arg6[%dma_wait3A_1000, %dma_wait3A_1001, %dma_wait3A_1002] : memref<3x16x2048xf32, #tpu.memory_space<vmem>> -> memref<1x16x2048xf32, #tpu.memory_space<vmem>>
    %dma_wait3A_1004 = tpu.memref_squeeze %dma_wait3A_1003 : memref<1x16x2048xf32, #tpu.memory_space<vmem>> -> memref<16x2048xf32, #tpu.memory_space<vmem>>
    %dma_wait3A_1005 = arith.constant 320 : i32
    %dma_wait3A_1006 = tpu.memref_slice %arg5[%dma_wait3A_1005] : memref<512xi32, #tpu.memory_space<vmem>> -> memref<16xi32, #tpu.memory_space<vmem>>
    %dma_wait3A_1007 = arith.constant 0 : i32
    %dma_wait3A_1008 = arith.constant 0 : i32
    %dma_wait3A_1009 = tpu.memref_slice %arg3[%dma_wait3A_1007, %dma_wait3A_1008] : memref<100000x2048xf32, #tpu.memory_space<hbm>> -> memref<100000x2048xf32, #tpu.memory_space<hbm>>
    tpu.wait_indirect_dma semaphore(%arg9 : memref<!tpu.dma_semaphore, #tpu.memory_space<semaphore_mem>>) src(%dma_wait3A_1009 : memref<100000x2048xf32, #tpu.memory_space<hbm>>) dst(%dma_wait3A_1004 : memref<16x2048xf32, #tpu.memory_space<vmem>>)
    %add3A_1010 = arith.constant 320 : i32
    %add3A_1011 = arith.addi %mul3A_2, %add3A_1010 : i32
    %dma_start3A_1012 = arith.constant 2 : i32
    %dma_start3A_1013 = arith.constant 0 : i32
    %dma_start3A_1014 = arith.constant 0 : i32
    %dma_start3A_1015 = tpu.memref_slice %arg6[%dma_start3A_1012, %dma_start3A_1013, %dma_start3A_1014] : memref<3x16x2048xf32, #tpu.memory_space<vmem>> -> memref<1x16x2048xf32, #tpu.memory_space<vmem>>
    %dma_start3A_1016 = tpu.memref_squeeze %dma_start3A_1015 : memref<1x16x2048xf32, #tpu.memory_space<vmem>> -> memref<16x2048xf32, #tpu.memory_space<vmem>>
    %dma_start3A_1017 = arith.constant 0 : i32
    %dma_start3A_1018 = tpu.memref_slice %arg4[%add3A_1011, %dma_start3A_1017] : memref<16384x2048xf32, #tpu.memory_space<hbm>> -> memref<16x2048xf32, #tpu.memory_space<hbm>>
    %dma_start3A_1019 = arith.constant 0 : i32
    %dma_start3A_1020 = tpu.memref_slice %arg4[%add3A_1011, %dma_start3A_1019] : memref<16384x2048xf32, #tpu.memory_space<hbm>> -> memref<16x2048xf32, #tpu.memory_space<hbm>>
    %dma_start3A_1021 = arith.constant 0 : i32
    %dma_start3A_1022 = arith.constant 0 : i32
    %dma_start3A_1023 = tpu.memref_slice %arg6[%dma_start3A_1012, %dma_start3A_1021, %dma_start3A_1022] : memref<3x16x2048xf32, #tpu.memory_space<vmem>> -> memref<1x16x2048xf32, #tpu.memory_space<vmem>>
    %dma_start3A_1024 = tpu.memref_squeeze %dma_start3A_1023 : memref<1x16x2048xf32, #tpu.memory_space<vmem>> -> memref<16x2048xf32, #tpu.memory_space<vmem>>
    tpu.enqueue_dma source(%dma_start3A_1024 : memref<16x2048xf32, #tpu.memory_space<vmem>>) target(%dma_start3A_1020 : memref<16x2048xf32, #tpu.memory_space<hbm>>) target_semaphore(%arg12 : memref<!tpu.dma_semaphore, #tpu.memory_space<semaphore_mem>>)
    %dma_wait3A_1025 = arith.constant 1 : i32
    %dma_wait3A_1026 = arith.constant 0 : i32
    %dma_wait3A_1027 = arith.constant 0 : i32
    %dma_wait3A_1028 = tpu.memref_slice %arg6[%dma_wait3A_1025, %dma_wait3A_1026, %dma_wait3A_1027] : memref<3x16x2048xf32, #tpu.memory_space<vmem>> -> memref<1x16x2048xf32, #tpu.memory_space<vmem>>
    %dma_wait3A_1029 = tpu.memref_squeeze %dma_wait3A_1028 : memref<1x16x2048xf32, #tpu.memory_space<vmem>> -> memref<16x2048xf32, #tpu.memory_space<vmem>>
    %dma_wait3A_1030 = arith.constant 0 : i32
    %dma_wait3A_1031 = tpu.memref_slice %arg4[%add3A_963, %dma_wait3A_1030] : memref<16384x2048xf32, #tpu.memory_space<hbm>> -> memref<16x2048xf32, #tpu.memory_space<hbm>>
    %dma_wait3A_1032 = arith.constant 0 : i32
    %dma_wait3A_1033 = tpu.memref_slice %arg4[%add3A_963, %dma_wait3A_1032] : memref<16384x2048xf32, #tpu.memory_space<hbm>> -> memref<16x2048xf32, #tpu.memory_space<hbm>>
    %dma_wait3A_1034 = arith.constant 0 : i32
    %dma_wait3A_1035 = arith.constant 0 : i32
    %dma_wait3A_1036 = tpu.memref_slice %arg6[%dma_wait3A_1025, %dma_wait3A_1034, %dma_wait3A_1035] : memref<3x16x2048xf32, #tpu.memory_space<vmem>> -> memref<1x16x2048xf32, #tpu.memory_space<vmem>>
    %dma_wait3A_1037 = tpu.memref_squeeze %dma_wait3A_1036 : memref<1x16x2048xf32, #tpu.memory_space<vmem>> -> memref<16x2048xf32, #tpu.memory_space<vmem>>
    tpu.wait_dma2 semaphore(%arg11 : memref<!tpu.dma_semaphore, #tpu.memory_space<semaphore_mem>>) src(%dma_wait3A_1037 : memref<16x2048xf32, #tpu.memory_space<vmem>>) dst(%dma_wait3A_1033 : memref<16x2048xf32, #tpu.memory_space<hbm>>)
    %dma_start3A_1038 = arith.constant 1 : i32
    %dma_start3A_1039 = arith.constant 0 : i32
    %dma_start3A_1040 = arith.constant 0 : i32
    %dma_start3A_1041 = tpu.memref_slice %arg6[%dma_start3A_1038, %dma_start3A_1039, %dma_start3A_1040] : memref<3x16x2048xf32, #tpu.memory_space<vmem>> -> memref<1x16x2048xf32, #tpu.memory_space<vmem>>
    %dma_start3A_1042 = tpu.memref_squeeze %dma_start3A_1041 : memref<1x16x2048xf32, #tpu.memory_space<vmem>> -> memref<16x2048xf32, #tpu.memory_space<vmem>>
    %dma_start3A_1043 = arith.constant 352 : i32
    %dma_start3A_1044 = tpu.memref_slice %arg5[%dma_start3A_1043] : memref<512xi32, #tpu.memory_space<vmem>> -> memref<16xi32, #tpu.memory_space<vmem>>
    %dma_start3A_1045 = arith.constant 0 : i32
    %dma_start3A_1046 = arith.constant 0 : i32
    %dma_start3A_1047 = tpu.memref_slice %arg3[%dma_start3A_1045, %dma_start3A_1046] : memref<100000x2048xf32, #tpu.memory_space<hbm>> -> memref<100000x2048xf32, #tpu.memory_space<hbm>>
    tpu.enqueue_indirect_dma source(%dma_start3A_1047 : memref<100000x2048xf32, #tpu.memory_space<hbm>>) target(%dma_start3A_1042 : memref<16x2048xf32, #tpu.memory_space<vmem>>) offsets(%dma_start3A_1044 : memref<16xi32, #tpu.memory_space<vmem>>) semaphore(%arg8 : memref<!tpu.dma_semaphore, #tpu.memory_space<semaphore_mem>>)
    %dma_wait3A_1048 = arith.constant 0 : i32
    %dma_wait3A_1049 = arith.constant 0 : i32
    %dma_wait3A_1050 = arith.constant 0 : i32
    %dma_wait3A_1051 = tpu.memref_slice %arg6[%dma_wait3A_1048, %dma_wait3A_1049, %dma_wait3A_1050] : memref<3x16x2048xf32, #tpu.memory_space<vmem>> -> memref<1x16x2048xf32, #tpu.memory_space<vmem>>
    %dma_wait3A_1052 = tpu.memref_squeeze %dma_wait3A_1051 : memref<1x16x2048xf32, #tpu.memory_space<vmem>> -> memref<16x2048xf32, #tpu.memory_space<vmem>>
    %dma_wait3A_1053 = arith.constant 336 : i32
    %dma_wait3A_1054 = tpu.memref_slice %arg5[%dma_wait3A_1053] : memref<512xi32, #tpu.memory_space<vmem>> -> memref<16xi32, #tpu.memory_space<vmem>>
    %dma_wait3A_1055 = arith.constant 0 : i32
    %dma_wait3A_1056 = arith.constant 0 : i32
    %dma_wait3A_1057 = tpu.memref_slice %arg3[%dma_wait3A_1055, %dma_wait3A_1056] : memref<100000x2048xf32, #tpu.memory_space<hbm>> -> memref<100000x2048xf32, #tpu.memory_space<hbm>>
    tpu.wait_indirect_dma semaphore(%arg7 : memref<!tpu.dma_semaphore, #tpu.memory_space<semaphore_mem>>) src(%dma_wait3A_1057 : memref<100000x2048xf32, #tpu.memory_space<hbm>>) dst(%dma_wait3A_1052 : memref<16x2048xf32, #tpu.memory_space<vmem>>)
    %add3A_1058 = arith.constant 336 : i32
    %add3A_1059 = arith.addi %mul3A_2, %add3A_1058 : i32
    %dma_start3A_1060 = arith.constant 0 : i32
    %dma_start3A_1061 = arith.constant 0 : i32
    %dma_start3A_1062 = arith.constant 0 : i32
    %dma_start3A_1063 = tpu.memref_slice %arg6[%dma_start3A_1060, %dma_start3A_1061, %dma_start3A_1062] : memref<3x16x2048xf32, #tpu.memory_space<vmem>> -> memref<1x16x2048xf32, #tpu.memory_space<vmem>>
    %dma_start3A_1064 = tpu.memref_squeeze %dma_start3A_1063 : memref<1x16x2048xf32, #tpu.memory_space<vmem>> -> memref<16x2048xf32, #tpu.memory_space<vmem>>
    %dma_start3A_1065 = arith.constant 0 : i32
    %dma_start3A_1066 = tpu.memref_slice %arg4[%add3A_1059, %dma_start3A_1065] : memref<16384x2048xf32, #tpu.memory_space<hbm>> -> memref<16x2048xf32, #tpu.memory_space<hbm>>
    %dma_start3A_1067 = arith.constant 0 : i32
    %dma_start3A_1068 = tpu.memref_slice %arg4[%add3A_1059, %dma_start3A_1067] : memref<16384x2048xf32, #tpu.memory_space<hbm>> -> memref<16x2048xf32, #tpu.memory_space<hbm>>
    %dma_start3A_1069 = arith.constant 0 : i32
    %dma_start3A_1070 = arith.constant 0 : i32
    %dma_start3A_1071 = tpu.memref_slice %arg6[%dma_start3A_1060, %dma_start3A_1069, %dma_start3A_1070] : memref<3x16x2048xf32, #tpu.memory_space<vmem>> -> memref<1x16x2048xf32, #tpu.memory_space<vmem>>
    %dma_start3A_1072 = tpu.memref_squeeze %dma_start3A_1071 : memref<1x16x2048xf32, #tpu.memory_space<vmem>> -> memref<16x2048xf32, #tpu.memory_space<vmem>>
    tpu.enqueue_dma source(%dma_start3A_1072 : memref<16x2048xf32, #tpu.memory_space<vmem>>) target(%dma_start3A_1068 : memref<16x2048xf32, #tpu.memory_space<hbm>>) target_semaphore(%arg10 : memref<!tpu.dma_semaphore, #tpu.memory_space<semaphore_mem>>)
    %dma_wait3A_1073 = arith.constant 2 : i32
    %dma_wait3A_1074 = arith.constant 0 : i32
    %dma_wait3A_1075 = arith.constant 0 : i32
    %dma_wait3A_1076 = tpu.memref_slice %arg6[%dma_wait3A_1073, %dma_wait3A_1074, %dma_wait3A_1075] : memref<3x16x2048xf32, #tpu.memory_space<vmem>> -> memref<1x16x2048xf32, #tpu.memory_space<vmem>>
    %dma_wait3A_1077 = tpu.memref_squeeze %dma_wait3A_1076 : memref<1x16x2048xf32, #tpu.memory_space<vmem>> -> memref<16x2048xf32, #tpu.memory_space<vmem>>
    %dma_wait3A_1078 = arith.constant 0 : i32
    %dma_wait3A_1079 = tpu.memref_slice %arg4[%add3A_1011, %dma_wait3A_1078] : memref<16384x2048xf32, #tpu.memory_space<hbm>> -> memref<16x2048xf32, #tpu.memory_space<hbm>>
    %dma_wait3A_1080 = arith.constant 0 : i32
    %dma_wait3A_1081 = tpu.memref_slice %arg4[%add3A_1011, %dma_wait3A_1080] : memref<16384x2048xf32, #tpu.memory_space<hbm>> -> memref<16x2048xf32, #tpu.memory_space<hbm>>
    %dma_wait3A_1082 = arith.constant 0 : i32
    %dma_wait3A_1083 = arith.constant 0 : i32
    %dma_wait3A_1084 = tpu.memref_slice %arg6[%dma_wait3A_1073, %dma_wait3A_1082, %dma_wait3A_1083] : memref<3x16x2048xf32, #tpu.memory_space<vmem>> -> memref<1x16x2048xf32, #tpu.memory_space<vmem>>
    %dma_wait3A_1085 = tpu.memref_squeeze %dma_wait3A_1084 : memref<1x16x2048xf32, #tpu.memory_space<vmem>> -> memref<16x2048xf32, #tpu.memory_space<vmem>>
    tpu.wait_dma2 semaphore(%arg12 : memref<!tpu.dma_semaphore, #tpu.memory_space<semaphore_mem>>) src(%dma_wait3A_1085 : memref<16x2048xf32, #tpu.memory_space<vmem>>) dst(%dma_wait3A_1081 : memref<16x2048xf32, #tpu.memory_space<hbm>>)
    %dma_start3A_1086 = arith.constant 2 : i32
    %dma_start3A_1087 = arith.constant 0 : i32
    %dma_start3A_1088 = arith.constant 0 : i32
    %dma_start3A_1089 = tpu.memref_slice %arg6[%dma_start3A_1086, %dma_start3A_1087, %dma_start3A_1088] : memref<3x16x2048xf32, #tpu.memory_space<vmem>> -> memref<1x16x2048xf32, #tpu.memory_space<vmem>>
    %dma_start3A_1090 = tpu.memref_squeeze %dma_start3A_1089 : memref<1x16x2048xf32, #tpu.memory_space<vmem>> -> memref<16x2048xf32, #tpu.memory_space<vmem>>
    %dma_start3A_1091 = arith.constant 368 : i32
    %dma_start3A_1092 = tpu.memref_slice %arg5[%dma_start3A_1091] : memref<512xi32, #tpu.memory_space<vmem>> -> memref<16xi32, #tpu.memory_space<vmem>>
    %dma_start3A_1093 = arith.constant 0 : i32
    %dma_start3A_1094 = arith.constant 0 : i32
    %dma_start3A_1095 = tpu.memref_slice %arg3[%dma_start3A_1093, %dma_start3A_1094] : memref<100000x2048xf32, #tpu.memory_space<hbm>> -> memref<100000x2048xf32, #tpu.memory_space<hbm>>
    tpu.enqueue_indirect_dma source(%dma_start3A_1095 : memref<100000x2048xf32, #tpu.memory_space<hbm>>) target(%dma_start3A_1090 : memref<16x2048xf32, #tpu.memory_space<vmem>>) offsets(%dma_start3A_1092 : memref<16xi32, #tpu.memory_space<vmem>>) semaphore(%arg9 : memref<!tpu.dma_semaphore, #tpu.memory_space<semaphore_mem>>)
    %dma_wait3A_1096 = arith.constant 1 : i32
    %dma_wait3A_1097 = arith.constant 0 : i32
    %dma_wait3A_1098 = arith.constant 0 : i32
    %dma_wait3A_1099 = tpu.memref_slice %arg6[%dma_wait3A_1096, %dma_wait3A_1097, %dma_wait3A_1098] : memref<3x16x2048xf32, #tpu.memory_space<vmem>> -> memref<1x16x2048xf32, #tpu.memory_space<vmem>>
    %dma_wait3A_1100 = tpu.memref_squeeze %dma_wait3A_1099 : memref<1x16x2048xf32, #tpu.memory_space<vmem>> -> memref<16x2048xf32, #tpu.memory_space<vmem>>
    %dma_wait3A_1101 = arith.constant 352 : i32
    %dma_wait3A_1102 = tpu.memref_slice %arg5[%dma_wait3A_1101] : memref<512xi32, #tpu.memory_space<vmem>> -> memref<16xi32, #tpu.memory_space<vmem>>
    %dma_wait3A_1103 = arith.constant 0 : i32
    %dma_wait3A_1104 = arith.constant 0 : i32
    %dma_wait3A_1105 = tpu.memref_slice %arg3[%dma_wait3A_1103, %dma_wait3A_1104] : memref<100000x2048xf32, #tpu.memory_space<hbm>> -> memref<100000x2048xf32, #tpu.memory_space<hbm>>
    tpu.wait_indirect_dma semaphore(%arg8 : memref<!tpu.dma_semaphore, #tpu.memory_space<semaphore_mem>>) src(%dma_wait3A_1105 : memref<100000x2048xf32, #tpu.memory_space<hbm>>) dst(%dma_wait3A_1100 : memref<16x2048xf32, #tpu.memory_space<vmem>>)
    %add3A_1106 = arith.constant 352 : i32
    %add3A_1107 = arith.addi %mul3A_2, %add3A_1106 : i32
    %dma_start3A_1108 = arith.constant 1 : i32
    %dma_start3A_1109 = arith.constant 0 : i32
    %dma_start3A_1110 = arith.constant 0 : i32
    %dma_start3A_1111 = tpu.memref_slice %arg6[%dma_start3A_1108, %dma_start3A_1109, %dma_start3A_1110] : memref<3x16x2048xf32, #tpu.memory_space<vmem>> -> memref<1x16x2048xf32, #tpu.memory_space<vmem>>
    %dma_start3A_1112 = tpu.memref_squeeze %dma_start3A_1111 : memref<1x16x2048xf32, #tpu.memory_space<vmem>> -> memref<16x2048xf32, #tpu.memory_space<vmem>>
    %dma_start3A_1113 = arith.constant 0 : i32
    %dma_start3A_1114 = tpu.memref_slice %arg4[%add3A_1107, %dma_start3A_1113] : memref<16384x2048xf32, #tpu.memory_space<hbm>> -> memref<16x2048xf32, #tpu.memory_space<hbm>>
    %dma_start3A_1115 = arith.constant 0 : i32
    %dma_start3A_1116 = tpu.memref_slice %arg4[%add3A_1107, %dma_start3A_1115] : memref<16384x2048xf32, #tpu.memory_space<hbm>> -> memref<16x2048xf32, #tpu.memory_space<hbm>>
    %dma_start3A_1117 = arith.constant 0 : i32
    %dma_start3A_1118 = arith.constant 0 : i32
    %dma_start3A_1119 = tpu.memref_slice %arg6[%dma_start3A_1108, %dma_start3A_1117, %dma_start3A_1118] : memref<3x16x2048xf32, #tpu.memory_space<vmem>> -> memref<1x16x2048xf32, #tpu.memory_space<vmem>>
    %dma_start3A_1120 = tpu.memref_squeeze %dma_start3A_1119 : memref<1x16x2048xf32, #tpu.memory_space<vmem>> -> memref<16x2048xf32, #tpu.memory_space<vmem>>
    tpu.enqueue_dma source(%dma_start3A_1120 : memref<16x2048xf32, #tpu.memory_space<vmem>>) target(%dma_start3A_1116 : memref<16x2048xf32, #tpu.memory_space<hbm>>) target_semaphore(%arg11 : memref<!tpu.dma_semaphore, #tpu.memory_space<semaphore_mem>>)
    %dma_wait3A_1121 = arith.constant 0 : i32
    %dma_wait3A_1122 = arith.constant 0 : i32
    %dma_wait3A_1123 = arith.constant 0 : i32
    %dma_wait3A_1124 = tpu.memref_slice %arg6[%dma_wait3A_1121, %dma_wait3A_1122, %dma_wait3A_1123] : memref<3x16x2048xf32, #tpu.memory_space<vmem>> -> memref<1x16x2048xf32, #tpu.memory_space<vmem>>
    %dma_wait3A_1125 = tpu.memref_squeeze %dma_wait3A_1124 : memref<1x16x2048xf32, #tpu.memory_space<vmem>> -> memref<16x2048xf32, #tpu.memory_space<vmem>>
    %dma_wait3A_1126 = arith.constant 0 : i32
    %dma_wait3A_1127 = tpu.memref_slice %arg4[%add3A_1059, %dma_wait3A_1126] : memref<16384x2048xf32, #tpu.memory_space<hbm>> -> memref<16x2048xf32, #tpu.memory_space<hbm>>
    %dma_wait3A_1128 = arith.constant 0 : i32
    %dma_wait3A_1129 = tpu.memref_slice %arg4[%add3A_1059, %dma_wait3A_1128] : memref<16384x2048xf32, #tpu.memory_space<hbm>> -> memref<16x2048xf32, #tpu.memory_space<hbm>>
    %dma_wait3A_1130 = arith.constant 0 : i32
    %dma_wait3A_1131 = arith.constant 0 : i32
    %dma_wait3A_1132 = tpu.memref_slice %arg6[%dma_wait3A_1121, %dma_wait3A_1130, %dma_wait3A_1131] : memref<3x16x2048xf32, #tpu.memory_space<vmem>> -> memref<1x16x2048xf32, #tpu.memory_space<vmem>>
    %dma_wait3A_1133 = tpu.memref_squeeze %dma_wait3A_1132 : memref<1x16x2048xf32, #tpu.memory_space<vmem>> -> memref<16x2048xf32, #tpu.memory_space<vmem>>
    tpu.wait_dma2 semaphore(%arg10 : memref<!tpu.dma_semaphore, #tpu.memory_space<semaphore_mem>>) src(%dma_wait3A_1133 : memref<16x2048xf32, #tpu.memory_space<vmem>>) dst(%dma_wait3A_1129 : memref<16x2048xf32, #tpu.memory_space<hbm>>)
    %dma_start3A_1134 = arith.constant 0 : i32
    %dma_start3A_1135 = arith.constant 0 : i32
    %dma_start3A_1136 = arith.constant 0 : i32
    %dma_start3A_1137 = tpu.memref_slice %arg6[%dma_start3A_1134, %dma_start3A_1135, %dma_start3A_1136] : memref<3x16x2048xf32, #tpu.memory_space<vmem>> -> memref<1x16x2048xf32, #tpu.memory_space<vmem>>
    %dma_start3A_1138 = tpu.memref_squeeze %dma_start3A_1137 : memref<1x16x2048xf32, #tpu.memory_space<vmem>> -> memref<16x2048xf32, #tpu.memory_space<vmem>>
    %dma_start3A_1139 = arith.constant 384 : i32
    %dma_start3A_1140 = tpu.memref_slice %arg5[%dma_start3A_1139] : memref<512xi32, #tpu.memory_space<vmem>> -> memref<16xi32, #tpu.memory_space<vmem>>
    %dma_start3A_1141 = arith.constant 0 : i32
    %dma_start3A_1142 = arith.constant 0 : i32
    %dma_start3A_1143 = tpu.memref_slice %arg3[%dma_start3A_1141, %dma_start3A_1142] : memref<100000x2048xf32, #tpu.memory_space<hbm>> -> memref<100000x2048xf32, #tpu.memory_space<hbm>>
    tpu.enqueue_indirect_dma source(%dma_start3A_1143 : memref<100000x2048xf32, #tpu.memory_space<hbm>>) target(%dma_start3A_1138 : memref<16x2048xf32, #tpu.memory_space<vmem>>) offsets(%dma_start3A_1140 : memref<16xi32, #tpu.memory_space<vmem>>) semaphore(%arg7 : memref<!tpu.dma_semaphore, #tpu.memory_space<semaphore_mem>>)
    %dma_wait3A_1144 = arith.constant 2 : i32
    %dma_wait3A_1145 = arith.constant 0 : i32
    %dma_wait3A_1146 = arith.constant 0 : i32
    %dma_wait3A_1147 = tpu.memref_slice %arg6[%dma_wait3A_1144, %dma_wait3A_1145, %dma_wait3A_1146] : memref<3x16x2048xf32, #tpu.memory_space<vmem>> -> memref<1x16x2048xf32, #tpu.memory_space<vmem>>
    %dma_wait3A_1148 = tpu.memref_squeeze %dma_wait3A_1147 : memref<1x16x2048xf32, #tpu.memory_space<vmem>> -> memref<16x2048xf32, #tpu.memory_space<vmem>>
    %dma_wait3A_1149 = arith.constant 368 : i32
    %dma_wait3A_1150 = tpu.memref_slice %arg5[%dma_wait3A_1149] : memref<512xi32, #tpu.memory_space<vmem>> -> memref<16xi32, #tpu.memory_space<vmem>>
    %dma_wait3A_1151 = arith.constant 0 : i32
    %dma_wait3A_1152 = arith.constant 0 : i32
    %dma_wait3A_1153 = tpu.memref_slice %arg3[%dma_wait3A_1151, %dma_wait3A_1152] : memref<100000x2048xf32, #tpu.memory_space<hbm>> -> memref<100000x2048xf32, #tpu.memory_space<hbm>>
    tpu.wait_indirect_dma semaphore(%arg9 : memref<!tpu.dma_semaphore, #tpu.memory_space<semaphore_mem>>) src(%dma_wait3A_1153 : memref<100000x2048xf32, #tpu.memory_space<hbm>>) dst(%dma_wait3A_1148 : memref<16x2048xf32, #tpu.memory_space<vmem>>)
    %add3A_1154 = arith.constant 368 : i32
    %add3A_1155 = arith.addi %mul3A_2, %add3A_1154 : i32
    %dma_start3A_1156 = arith.constant 2 : i32
    %dma_start3A_1157 = arith.constant 0 : i32
    %dma_start3A_1158 = arith.constant 0 : i32
    %dma_start3A_1159 = tpu.memref_slice %arg6[%dma_start3A_1156, %dma_start3A_1157, %dma_start3A_1158] : memref<3x16x2048xf32, #tpu.memory_space<vmem>> -> memref<1x16x2048xf32, #tpu.memory_space<vmem>>
    %dma_start3A_1160 = tpu.memref_squeeze %dma_start3A_1159 : memref<1x16x2048xf32, #tpu.memory_space<vmem>> -> memref<16x2048xf32, #tpu.memory_space<vmem>>
    %dma_start3A_1161 = arith.constant 0 : i32
    %dma_start3A_1162 = tpu.memref_slice %arg4[%add3A_1155, %dma_start3A_1161] : memref<16384x2048xf32, #tpu.memory_space<hbm>> -> memref<16x2048xf32, #tpu.memory_space<hbm>>
    %dma_start3A_1163 = arith.constant 0 : i32
    %dma_start3A_1164 = tpu.memref_slice %arg4[%add3A_1155, %dma_start3A_1163] : memref<16384x2048xf32, #tpu.memory_space<hbm>> -> memref<16x2048xf32, #tpu.memory_space<hbm>>
    %dma_start3A_1165 = arith.constant 0 : i32
    %dma_start3A_1166 = arith.constant 0 : i32
    %dma_start3A_1167 = tpu.memref_slice %arg6[%dma_start3A_1156, %dma_start3A_1165, %dma_start3A_1166] : memref<3x16x2048xf32, #tpu.memory_space<vmem>> -> memref<1x16x2048xf32, #tpu.memory_space<vmem>>
    %dma_start3A_1168 = tpu.memref_squeeze %dma_start3A_1167 : memref<1x16x2048xf32, #tpu.memory_space<vmem>> -> memref<16x2048xf32, #tpu.memory_space<vmem>>
    tpu.enqueue_dma source(%dma_start3A_1168 : memref<16x2048xf32, #tpu.memory_space<vmem>>) target(%dma_start3A_1164 : memref<16x2048xf32, #tpu.memory_space<hbm>>) target_semaphore(%arg12 : memref<!tpu.dma_semaphore, #tpu.memory_space<semaphore_mem>>)
    %dma_wait3A_1169 = arith.constant 1 : i32
    %dma_wait3A_1170 = arith.constant 0 : i32
    %dma_wait3A_1171 = arith.constant 0 : i32
    %dma_wait3A_1172 = tpu.memref_slice %arg6[%dma_wait3A_1169, %dma_wait3A_1170, %dma_wait3A_1171] : memref<3x16x2048xf32, #tpu.memory_space<vmem>> -> memref<1x16x2048xf32, #tpu.memory_space<vmem>>
    %dma_wait3A_1173 = tpu.memref_squeeze %dma_wait3A_1172 : memref<1x16x2048xf32, #tpu.memory_space<vmem>> -> memref<16x2048xf32, #tpu.memory_space<vmem>>
    %dma_wait3A_1174 = arith.constant 0 : i32
    %dma_wait3A_1175 = tpu.memref_slice %arg4[%add3A_1107, %dma_wait3A_1174] : memref<16384x2048xf32, #tpu.memory_space<hbm>> -> memref<16x2048xf32, #tpu.memory_space<hbm>>
    %dma_wait3A_1176 = arith.constant 0 : i32
    %dma_wait3A_1177 = tpu.memref_slice %arg4[%add3A_1107, %dma_wait3A_1176] : memref<16384x2048xf32, #tpu.memory_space<hbm>> -> memref<16x2048xf32, #tpu.memory_space<hbm>>
    %dma_wait3A_1178 = arith.constant 0 : i32
    %dma_wait3A_1179 = arith.constant 0 : i32
    %dma_wait3A_1180 = tpu.memref_slice %arg6[%dma_wait3A_1169, %dma_wait3A_1178, %dma_wait3A_1179] : memref<3x16x2048xf32, #tpu.memory_space<vmem>> -> memref<1x16x2048xf32, #tpu.memory_space<vmem>>
    %dma_wait3A_1181 = tpu.memref_squeeze %dma_wait3A_1180 : memref<1x16x2048xf32, #tpu.memory_space<vmem>> -> memref<16x2048xf32, #tpu.memory_space<vmem>>
    tpu.wait_dma2 semaphore(%arg11 : memref<!tpu.dma_semaphore, #tpu.memory_space<semaphore_mem>>) src(%dma_wait3A_1181 : memref<16x2048xf32, #tpu.memory_space<vmem>>) dst(%dma_wait3A_1177 : memref<16x2048xf32, #tpu.memory_space<hbm>>)
    %dma_start3A_1182 = arith.constant 1 : i32
    %dma_start3A_1183 = arith.constant 0 : i32
    %dma_start3A_1184 = arith.constant 0 : i32
    %dma_start3A_1185 = tpu.memref_slice %arg6[%dma_start3A_1182, %dma_start3A_1183, %dma_start3A_1184] : memref<3x16x2048xf32, #tpu.memory_space<vmem>> -> memref<1x16x2048xf32, #tpu.memory_space<vmem>>
    %dma_start3A_1186 = tpu.memref_squeeze %dma_start3A_1185 : memref<1x16x2048xf32, #tpu.memory_space<vmem>> -> memref<16x2048xf32, #tpu.memory_space<vmem>>
    %dma_start3A_1187 = arith.constant 400 : i32
    %dma_start3A_1188 = tpu.memref_slice %arg5[%dma_start3A_1187] : memref<512xi32, #tpu.memory_space<vmem>> -> memref<16xi32, #tpu.memory_space<vmem>>
    %dma_start3A_1189 = arith.constant 0 : i32
    %dma_start3A_1190 = arith.constant 0 : i32
    %dma_start3A_1191 = tpu.memref_slice %arg3[%dma_start3A_1189, %dma_start3A_1190] : memref<100000x2048xf32, #tpu.memory_space<hbm>> -> memref<100000x2048xf32, #tpu.memory_space<hbm>>
    tpu.enqueue_indirect_dma source(%dma_start3A_1191 : memref<100000x2048xf32, #tpu.memory_space<hbm>>) target(%dma_start3A_1186 : memref<16x2048xf32, #tpu.memory_space<vmem>>) offsets(%dma_start3A_1188 : memref<16xi32, #tpu.memory_space<vmem>>) semaphore(%arg8 : memref<!tpu.dma_semaphore, #tpu.memory_space<semaphore_mem>>)
    %dma_wait3A_1192 = arith.constant 0 : i32
    %dma_wait3A_1193 = arith.constant 0 : i32
    %dma_wait3A_1194 = arith.constant 0 : i32
    %dma_wait3A_1195 = tpu.memref_slice %arg6[%dma_wait3A_1192, %dma_wait3A_1193, %dma_wait3A_1194] : memref<3x16x2048xf32, #tpu.memory_space<vmem>> -> memref<1x16x2048xf32, #tpu.memory_space<vmem>>
    %dma_wait3A_1196 = tpu.memref_squeeze %dma_wait3A_1195 : memref<1x16x2048xf32, #tpu.memory_space<vmem>> -> memref<16x2048xf32, #tpu.memory_space<vmem>>
    %dma_wait3A_1197 = arith.constant 384 : i32
    %dma_wait3A_1198 = tpu.memref_slice %arg5[%dma_wait3A_1197] : memref<512xi32, #tpu.memory_space<vmem>> -> memref<16xi32, #tpu.memory_space<vmem>>
    %dma_wait3A_1199 = arith.constant 0 : i32
    %dma_wait3A_1200 = arith.constant 0 : i32
    %dma_wait3A_1201 = tpu.memref_slice %arg3[%dma_wait3A_1199, %dma_wait3A_1200] : memref<100000x2048xf32, #tpu.memory_space<hbm>> -> memref<100000x2048xf32, #tpu.memory_space<hbm>>
    tpu.wait_indirect_dma semaphore(%arg7 : memref<!tpu.dma_semaphore, #tpu.memory_space<semaphore_mem>>) src(%dma_wait3A_1201 : memref<100000x2048xf32, #tpu.memory_space<hbm>>) dst(%dma_wait3A_1196 : memref<16x2048xf32, #tpu.memory_space<vmem>>)
    %add3A_1202 = arith.constant 384 : i32
    %add3A_1203 = arith.addi %mul3A_2, %add3A_1202 : i32
    %dma_start3A_1204 = arith.constant 0 : i32
    %dma_start3A_1205 = arith.constant 0 : i32
    %dma_start3A_1206 = arith.constant 0 : i32
    %dma_start3A_1207 = tpu.memref_slice %arg6[%dma_start3A_1204, %dma_start3A_1205, %dma_start3A_1206] : memref<3x16x2048xf32, #tpu.memory_space<vmem>> -> memref<1x16x2048xf32, #tpu.memory_space<vmem>>
    %dma_start3A_1208 = tpu.memref_squeeze %dma_start3A_1207 : memref<1x16x2048xf32, #tpu.memory_space<vmem>> -> memref<16x2048xf32, #tpu.memory_space<vmem>>
    %dma_start3A_1209 = arith.constant 0 : i32
    %dma_start3A_1210 = tpu.memref_slice %arg4[%add3A_1203, %dma_start3A_1209] : memref<16384x2048xf32, #tpu.memory_space<hbm>> -> memref<16x2048xf32, #tpu.memory_space<hbm>>
    %dma_start3A_1211 = arith.constant 0 : i32
    %dma_start3A_1212 = tpu.memref_slice %arg4[%add3A_1203, %dma_start3A_1211] : memref<16384x2048xf32, #tpu.memory_space<hbm>> -> memref<16x2048xf32, #tpu.memory_space<hbm>>
    %dma_start3A_1213 = arith.constant 0 : i32
    %dma_start3A_1214 = arith.constant 0 : i32
    %dma_start3A_1215 = tpu.memref_slice %arg6[%dma_start3A_1204, %dma_start3A_1213, %dma_start3A_1214] : memref<3x16x2048xf32, #tpu.memory_space<vmem>> -> memref<1x16x2048xf32, #tpu.memory_space<vmem>>
    %dma_start3A_1216 = tpu.memref_squeeze %dma_start3A_1215 : memref<1x16x2048xf32, #tpu.memory_space<vmem>> -> memref<16x2048xf32, #tpu.memory_space<vmem>>
    tpu.enqueue_dma source(%dma_start3A_1216 : memref<16x2048xf32, #tpu.memory_space<vmem>>) target(%dma_start3A_1212 : memref<16x2048xf32, #tpu.memory_space<hbm>>) target_semaphore(%arg10 : memref<!tpu.dma_semaphore, #tpu.memory_space<semaphore_mem>>)
    %dma_wait3A_1217 = arith.constant 2 : i32
    %dma_wait3A_1218 = arith.constant 0 : i32
    %dma_wait3A_1219 = arith.constant 0 : i32
    %dma_wait3A_1220 = tpu.memref_slice %arg6[%dma_wait3A_1217, %dma_wait3A_1218, %dma_wait3A_1219] : memref<3x16x2048xf32, #tpu.memory_space<vmem>> -> memref<1x16x2048xf32, #tpu.memory_space<vmem>>
    %dma_wait3A_1221 = tpu.memref_squeeze %dma_wait3A_1220 : memref<1x16x2048xf32, #tpu.memory_space<vmem>> -> memref<16x2048xf32, #tpu.memory_space<vmem>>
    %dma_wait3A_1222 = arith.constant 0 : i32
    %dma_wait3A_1223 = tpu.memref_slice %arg4[%add3A_1155, %dma_wait3A_1222] : memref<16384x2048xf32, #tpu.memory_space<hbm>> -> memref<16x2048xf32, #tpu.memory_space<hbm>>
    %dma_wait3A_1224 = arith.constant 0 : i32
    %dma_wait3A_1225 = tpu.memref_slice %arg4[%add3A_1155, %dma_wait3A_1224] : memref<16384x2048xf32, #tpu.memory_space<hbm>> -> memref<16x2048xf32, #tpu.memory_space<hbm>>
    %dma_wait3A_1226 = arith.constant 0 : i32
    %dma_wait3A_1227 = arith.constant 0 : i32
    %dma_wait3A_1228 = tpu.memref_slice %arg6[%dma_wait3A_1217, %dma_wait3A_1226, %dma_wait3A_1227] : memref<3x16x2048xf32, #tpu.memory_space<vmem>> -> memref<1x16x2048xf32, #tpu.memory_space<vmem>>
    %dma_wait3A_1229 = tpu.memref_squeeze %dma_wait3A_1228 : memref<1x16x2048xf32, #tpu.memory_space<vmem>> -> memref<16x2048xf32, #tpu.memory_space<vmem>>
    tpu.wait_dma2 semaphore(%arg12 : memref<!tpu.dma_semaphore, #tpu.memory_space<semaphore_mem>>) src(%dma_wait3A_1229 : memref<16x2048xf32, #tpu.memory_space<vmem>>) dst(%dma_wait3A_1225 : memref<16x2048xf32, #tpu.memory_space<hbm>>)
    %dma_start3A_1230 = arith.constant 2 : i32
    %dma_start3A_1231 = arith.constant 0 : i32
    %dma_start3A_1232 = arith.constant 0 : i32
    %dma_start3A_1233 = tpu.memref_slice %arg6[%dma_start3A_1230, %dma_start3A_1231, %dma_start3A_1232] : memref<3x16x2048xf32, #tpu.memory_space<vmem>> -> memref<1x16x2048xf32, #tpu.memory_space<vmem>>
    %dma_start3A_1234 = tpu.memref_squeeze %dma_start3A_1233 : memref<1x16x2048xf32, #tpu.memory_space<vmem>> -> memref<16x2048xf32, #tpu.memory_space<vmem>>
    %dma_start3A_1235 = arith.constant 416 : i32
    %dma_start3A_1236 = tpu.memref_slice %arg5[%dma_start3A_1235] : memref<512xi32, #tpu.memory_space<vmem>> -> memref<16xi32, #tpu.memory_space<vmem>>
    %dma_start3A_1237 = arith.constant 0 : i32
    %dma_start3A_1238 = arith.constant 0 : i32
    %dma_start3A_1239 = tpu.memref_slice %arg3[%dma_start3A_1237, %dma_start3A_1238] : memref<100000x2048xf32, #tpu.memory_space<hbm>> -> memref<100000x2048xf32, #tpu.memory_space<hbm>>
    tpu.enqueue_indirect_dma source(%dma_start3A_1239 : memref<100000x2048xf32, #tpu.memory_space<hbm>>) target(%dma_start3A_1234 : memref<16x2048xf32, #tpu.memory_space<vmem>>) offsets(%dma_start3A_1236 : memref<16xi32, #tpu.memory_space<vmem>>) semaphore(%arg9 : memref<!tpu.dma_semaphore, #tpu.memory_space<semaphore_mem>>)
    %dma_wait3A_1240 = arith.constant 1 : i32
    %dma_wait3A_1241 = arith.constant 0 : i32
    %dma_wait3A_1242 = arith.constant 0 : i32
    %dma_wait3A_1243 = tpu.memref_slice %arg6[%dma_wait3A_1240, %dma_wait3A_1241, %dma_wait3A_1242] : memref<3x16x2048xf32, #tpu.memory_space<vmem>> -> memref<1x16x2048xf32, #tpu.memory_space<vmem>>
    %dma_wait3A_1244 = tpu.memref_squeeze %dma_wait3A_1243 : memref<1x16x2048xf32, #tpu.memory_space<vmem>> -> memref<16x2048xf32, #tpu.memory_space<vmem>>
    %dma_wait3A_1245 = arith.constant 400 : i32
    %dma_wait3A_1246 = tpu.memref_slice %arg5[%dma_wait3A_1245] : memref<512xi32, #tpu.memory_space<vmem>> -> memref<16xi32, #tpu.memory_space<vmem>>
    %dma_wait3A_1247 = arith.constant 0 : i32
    %dma_wait3A_1248 = arith.constant 0 : i32
    %dma_wait3A_1249 = tpu.memref_slice %arg3[%dma_wait3A_1247, %dma_wait3A_1248] : memref<100000x2048xf32, #tpu.memory_space<hbm>> -> memref<100000x2048xf32, #tpu.memory_space<hbm>>
    tpu.wait_indirect_dma semaphore(%arg8 : memref<!tpu.dma_semaphore, #tpu.memory_space<semaphore_mem>>) src(%dma_wait3A_1249 : memref<100000x2048xf32, #tpu.memory_space<hbm>>) dst(%dma_wait3A_1244 : memref<16x2048xf32, #tpu.memory_space<vmem>>)
    %add3A_1250 = arith.constant 400 : i32
    %add3A_1251 = arith.addi %mul3A_2, %add3A_1250 : i32
    %dma_start3A_1252 = arith.constant 1 : i32
    %dma_start3A_1253 = arith.constant 0 : i32
    %dma_start3A_1254 = arith.constant 0 : i32
    %dma_start3A_1255 = tpu.memref_slice %arg6[%dma_start3A_1252, %dma_start3A_1253, %dma_start3A_1254] : memref<3x16x2048xf32, #tpu.memory_space<vmem>> -> memref<1x16x2048xf32, #tpu.memory_space<vmem>>
    %dma_start3A_1256 = tpu.memref_squeeze %dma_start3A_1255 : memref<1x16x2048xf32, #tpu.memory_space<vmem>> -> memref<16x2048xf32, #tpu.memory_space<vmem>>
    %dma_start3A_1257 = arith.constant 0 : i32
    %dma_start3A_1258 = tpu.memref_slice %arg4[%add3A_1251, %dma_start3A_1257] : memref<16384x2048xf32, #tpu.memory_space<hbm>> -> memref<16x2048xf32, #tpu.memory_space<hbm>>
    %dma_start3A_1259 = arith.constant 0 : i32
    %dma_start3A_1260 = tpu.memref_slice %arg4[%add3A_1251, %dma_start3A_1259] : memref<16384x2048xf32, #tpu.memory_space<hbm>> -> memref<16x2048xf32, #tpu.memory_space<hbm>>
    %dma_start3A_1261 = arith.constant 0 : i32
    %dma_start3A_1262 = arith.constant 0 : i32
    %dma_start3A_1263 = tpu.memref_slice %arg6[%dma_start3A_1252, %dma_start3A_1261, %dma_start3A_1262] : memref<3x16x2048xf32, #tpu.memory_space<vmem>> -> memref<1x16x2048xf32, #tpu.memory_space<vmem>>
    %dma_start3A_1264 = tpu.memref_squeeze %dma_start3A_1263 : memref<1x16x2048xf32, #tpu.memory_space<vmem>> -> memref<16x2048xf32, #tpu.memory_space<vmem>>
    tpu.enqueue_dma source(%dma_start3A_1264 : memref<16x2048xf32, #tpu.memory_space<vmem>>) target(%dma_start3A_1260 : memref<16x2048xf32, #tpu.memory_space<hbm>>) target_semaphore(%arg11 : memref<!tpu.dma_semaphore, #tpu.memory_space<semaphore_mem>>)
    %dma_wait3A_1265 = arith.constant 0 : i32
    %dma_wait3A_1266 = arith.constant 0 : i32
    %dma_wait3A_1267 = arith.constant 0 : i32
    %dma_wait3A_1268 = tpu.memref_slice %arg6[%dma_wait3A_1265, %dma_wait3A_1266, %dma_wait3A_1267] : memref<3x16x2048xf32, #tpu.memory_space<vmem>> -> memref<1x16x2048xf32, #tpu.memory_space<vmem>>
    %dma_wait3A_1269 = tpu.memref_squeeze %dma_wait3A_1268 : memref<1x16x2048xf32, #tpu.memory_space<vmem>> -> memref<16x2048xf32, #tpu.memory_space<vmem>>
    %dma_wait3A_1270 = arith.constant 0 : i32
    %dma_wait3A_1271 = tpu.memref_slice %arg4[%add3A_1203, %dma_wait3A_1270] : memref<16384x2048xf32, #tpu.memory_space<hbm>> -> memref<16x2048xf32, #tpu.memory_space<hbm>>
    %dma_wait3A_1272 = arith.constant 0 : i32
    %dma_wait3A_1273 = tpu.memref_slice %arg4[%add3A_1203, %dma_wait3A_1272] : memref<16384x2048xf32, #tpu.memory_space<hbm>> -> memref<16x2048xf32, #tpu.memory_space<hbm>>
    %dma_wait3A_1274 = arith.constant 0 : i32
    %dma_wait3A_1275 = arith.constant 0 : i32
    %dma_wait3A_1276 = tpu.memref_slice %arg6[%dma_wait3A_1265, %dma_wait3A_1274, %dma_wait3A_1275] : memref<3x16x2048xf32, #tpu.memory_space<vmem>> -> memref<1x16x2048xf32, #tpu.memory_space<vmem>>
    %dma_wait3A_1277 = tpu.memref_squeeze %dma_wait3A_1276 : memref<1x16x2048xf32, #tpu.memory_space<vmem>> -> memref<16x2048xf32, #tpu.memory_space<vmem>>
    tpu.wait_dma2 semaphore(%arg10 : memref<!tpu.dma_semaphore, #tpu.memory_space<semaphore_mem>>) src(%dma_wait3A_1277 : memref<16x2048xf32, #tpu.memory_space<vmem>>) dst(%dma_wait3A_1273 : memref<16x2048xf32, #tpu.memory_space<hbm>>)
    %dma_start3A_1278 = arith.constant 0 : i32
    %dma_start3A_1279 = arith.constant 0 : i32
    %dma_start3A_1280 = arith.constant 0 : i32
    %dma_start3A_1281 = tpu.memref_slice %arg6[%dma_start3A_1278, %dma_start3A_1279, %dma_start3A_1280] : memref<3x16x2048xf32, #tpu.memory_space<vmem>> -> memref<1x16x2048xf32, #tpu.memory_space<vmem>>
    %dma_start3A_1282 = tpu.memref_squeeze %dma_start3A_1281 : memref<1x16x2048xf32, #tpu.memory_space<vmem>> -> memref<16x2048xf32, #tpu.memory_space<vmem>>
    %dma_start3A_1283 = arith.constant 432 : i32
    %dma_start3A_1284 = tpu.memref_slice %arg5[%dma_start3A_1283] : memref<512xi32, #tpu.memory_space<vmem>> -> memref<16xi32, #tpu.memory_space<vmem>>
    %dma_start3A_1285 = arith.constant 0 : i32
    %dma_start3A_1286 = arith.constant 0 : i32
    %dma_start3A_1287 = tpu.memref_slice %arg3[%dma_start3A_1285, %dma_start3A_1286] : memref<100000x2048xf32, #tpu.memory_space<hbm>> -> memref<100000x2048xf32, #tpu.memory_space<hbm>>
    tpu.enqueue_indirect_dma source(%dma_start3A_1287 : memref<100000x2048xf32, #tpu.memory_space<hbm>>) target(%dma_start3A_1282 : memref<16x2048xf32, #tpu.memory_space<vmem>>) offsets(%dma_start3A_1284 : memref<16xi32, #tpu.memory_space<vmem>>) semaphore(%arg7 : memref<!tpu.dma_semaphore, #tpu.memory_space<semaphore_mem>>)
    %dma_wait3A_1288 = arith.constant 2 : i32
    %dma_wait3A_1289 = arith.constant 0 : i32
    %dma_wait3A_1290 = arith.constant 0 : i32
    %dma_wait3A_1291 = tpu.memref_slice %arg6[%dma_wait3A_1288, %dma_wait3A_1289, %dma_wait3A_1290] : memref<3x16x2048xf32, #tpu.memory_space<vmem>> -> memref<1x16x2048xf32, #tpu.memory_space<vmem>>
    %dma_wait3A_1292 = tpu.memref_squeeze %dma_wait3A_1291 : memref<1x16x2048xf32, #tpu.memory_space<vmem>> -> memref<16x2048xf32, #tpu.memory_space<vmem>>
    %dma_wait3A_1293 = arith.constant 416 : i32
    %dma_wait3A_1294 = tpu.memref_slice %arg5[%dma_wait3A_1293] : memref<512xi32, #tpu.memory_space<vmem>> -> memref<16xi32, #tpu.memory_space<vmem>>
    %dma_wait3A_1295 = arith.constant 0 : i32
    %dma_wait3A_1296 = arith.constant 0 : i32
    %dma_wait3A_1297 = tpu.memref_slice %arg3[%dma_wait3A_1295, %dma_wait3A_1296] : memref<100000x2048xf32, #tpu.memory_space<hbm>> -> memref<100000x2048xf32, #tpu.memory_space<hbm>>
    tpu.wait_indirect_dma semaphore(%arg9 : memref<!tpu.dma_semaphore, #tpu.memory_space<semaphore_mem>>) src(%dma_wait3A_1297 : memref<100000x2048xf32, #tpu.memory_space<hbm>>) dst(%dma_wait3A_1292 : memref<16x2048xf32, #tpu.memory_space<vmem>>)
    %add3A_1298 = arith.constant 416 : i32
    %add3A_1299 = arith.addi %mul3A_2, %add3A_1298 : i32
    %dma_start3A_1300 = arith.constant 2 : i32
    %dma_start3A_1301 = arith.constant 0 : i32
    %dma_start3A_1302 = arith.constant 0 : i32
    %dma_start3A_1303 = tpu.memref_slice %arg6[%dma_start3A_1300, %dma_start3A_1301, %dma_start3A_1302] : memref<3x16x2048xf32, #tpu.memory_space<vmem>> -> memref<1x16x2048xf32, #tpu.memory_space<vmem>>
    %dma_start3A_1304 = tpu.memref_squeeze %dma_start3A_1303 : memref<1x16x2048xf32, #tpu.memory_space<vmem>> -> memref<16x2048xf32, #tpu.memory_space<vmem>>
    %dma_start3A_1305 = arith.constant 0 : i32
    %dma_start3A_1306 = tpu.memref_slice %arg4[%add3A_1299, %dma_start3A_1305] : memref<16384x2048xf32, #tpu.memory_space<hbm>> -> memref<16x2048xf32, #tpu.memory_space<hbm>>
    %dma_start3A_1307 = arith.constant 0 : i32
    %dma_start3A_1308 = tpu.memref_slice %arg4[%add3A_1299, %dma_start3A_1307] : memref<16384x2048xf32, #tpu.memory_space<hbm>> -> memref<16x2048xf32, #tpu.memory_space<hbm>>
    %dma_start3A_1309 = arith.constant 0 : i32
    %dma_start3A_1310 = arith.constant 0 : i32
    %dma_start3A_1311 = tpu.memref_slice %arg6[%dma_start3A_1300, %dma_start3A_1309, %dma_start3A_1310] : memref<3x16x2048xf32, #tpu.memory_space<vmem>> -> memref<1x16x2048xf32, #tpu.memory_space<vmem>>
    %dma_start3A_1312 = tpu.memref_squeeze %dma_start3A_1311 : memref<1x16x2048xf32, #tpu.memory_space<vmem>> -> memref<16x2048xf32, #tpu.memory_space<vmem>>
    tpu.enqueue_dma source(%dma_start3A_1312 : memref<16x2048xf32, #tpu.memory_space<vmem>>) target(%dma_start3A_1308 : memref<16x2048xf32, #tpu.memory_space<hbm>>) target_semaphore(%arg12 : memref<!tpu.dma_semaphore, #tpu.memory_space<semaphore_mem>>)
    %dma_wait3A_1313 = arith.constant 1 : i32
    %dma_wait3A_1314 = arith.constant 0 : i32
    %dma_wait3A_1315 = arith.constant 0 : i32
    %dma_wait3A_1316 = tpu.memref_slice %arg6[%dma_wait3A_1313, %dma_wait3A_1314, %dma_wait3A_1315] : memref<3x16x2048xf32, #tpu.memory_space<vmem>> -> memref<1x16x2048xf32, #tpu.memory_space<vmem>>
    %dma_wait3A_1317 = tpu.memref_squeeze %dma_wait3A_1316 : memref<1x16x2048xf32, #tpu.memory_space<vmem>> -> memref<16x2048xf32, #tpu.memory_space<vmem>>
    %dma_wait3A_1318 = arith.constant 0 : i32
    %dma_wait3A_1319 = tpu.memref_slice %arg4[%add3A_1251, %dma_wait3A_1318] : memref<16384x2048xf32, #tpu.memory_space<hbm>> -> memref<16x2048xf32, #tpu.memory_space<hbm>>
    %dma_wait3A_1320 = arith.constant 0 : i32
    %dma_wait3A_1321 = tpu.memref_slice %arg4[%add3A_1251, %dma_wait3A_1320] : memref<16384x2048xf32, #tpu.memory_space<hbm>> -> memref<16x2048xf32, #tpu.memory_space<hbm>>
    %dma_wait3A_1322 = arith.constant 0 : i32
    %dma_wait3A_1323 = arith.constant 0 : i32
    %dma_wait3A_1324 = tpu.memref_slice %arg6[%dma_wait3A_1313, %dma_wait3A_1322, %dma_wait3A_1323] : memref<3x16x2048xf32, #tpu.memory_space<vmem>> -> memref<1x16x2048xf32, #tpu.memory_space<vmem>>
    %dma_wait3A_1325 = tpu.memref_squeeze %dma_wait3A_1324 : memref<1x16x2048xf32, #tpu.memory_space<vmem>> -> memref<16x2048xf32, #tpu.memory_space<vmem>>
    tpu.wait_dma2 semaphore(%arg11 : memref<!tpu.dma_semaphore, #tpu.memory_space<semaphore_mem>>) src(%dma_wait3A_1325 : memref<16x2048xf32, #tpu.memory_space<vmem>>) dst(%dma_wait3A_1321 : memref<16x2048xf32, #tpu.memory_space<hbm>>)
    %dma_start3A_1326 = arith.constant 1 : i32
    %dma_start3A_1327 = arith.constant 0 : i32
    %dma_start3A_1328 = arith.constant 0 : i32
    %dma_start3A_1329 = tpu.memref_slice %arg6[%dma_start3A_1326, %dma_start3A_1327, %dma_start3A_1328] : memref<3x16x2048xf32, #tpu.memory_space<vmem>> -> memref<1x16x2048xf32, #tpu.memory_space<vmem>>
    %dma_start3A_1330 = tpu.memref_squeeze %dma_start3A_1329 : memref<1x16x2048xf32, #tpu.memory_space<vmem>> -> memref<16x2048xf32, #tpu.memory_space<vmem>>
    %dma_start3A_1331 = arith.constant 448 : i32
    %dma_start3A_1332 = tpu.memref_slice %arg5[%dma_start3A_1331] : memref<512xi32, #tpu.memory_space<vmem>> -> memref<16xi32, #tpu.memory_space<vmem>>
    %dma_start3A_1333 = arith.constant 0 : i32
    %dma_start3A_1334 = arith.constant 0 : i32
    %dma_start3A_1335 = tpu.memref_slice %arg3[%dma_start3A_1333, %dma_start3A_1334] : memref<100000x2048xf32, #tpu.memory_space<hbm>> -> memref<100000x2048xf32, #tpu.memory_space<hbm>>
    tpu.enqueue_indirect_dma source(%dma_start3A_1335 : memref<100000x2048xf32, #tpu.memory_space<hbm>>) target(%dma_start3A_1330 : memref<16x2048xf32, #tpu.memory_space<vmem>>) offsets(%dma_start3A_1332 : memref<16xi32, #tpu.memory_space<vmem>>) semaphore(%arg8 : memref<!tpu.dma_semaphore, #tpu.memory_space<semaphore_mem>>)
    %dma_wait3A_1336 = arith.constant 0 : i32
    %dma_wait3A_1337 = arith.constant 0 : i32
    %dma_wait3A_1338 = arith.constant 0 : i32
    %dma_wait3A_1339 = tpu.memref_slice %arg6[%dma_wait3A_1336, %dma_wait3A_1337, %dma_wait3A_1338] : memref<3x16x2048xf32, #tpu.memory_space<vmem>> -> memref<1x16x2048xf32, #tpu.memory_space<vmem>>
    %dma_wait3A_1340 = tpu.memref_squeeze %dma_wait3A_1339 : memref<1x16x2048xf32, #tpu.memory_space<vmem>> -> memref<16x2048xf32, #tpu.memory_space<vmem>>
    %dma_wait3A_1341 = arith.constant 432 : i32
    %dma_wait3A_1342 = tpu.memref_slice %arg5[%dma_wait3A_1341] : memref<512xi32, #tpu.memory_space<vmem>> -> memref<16xi32, #tpu.memory_space<vmem>>
    %dma_wait3A_1343 = arith.constant 0 : i32
    %dma_wait3A_1344 = arith.constant 0 : i32
    %dma_wait3A_1345 = tpu.memref_slice %arg3[%dma_wait3A_1343, %dma_wait3A_1344] : memref<100000x2048xf32, #tpu.memory_space<hbm>> -> memref<100000x2048xf32, #tpu.memory_space<hbm>>
    tpu.wait_indirect_dma semaphore(%arg7 : memref<!tpu.dma_semaphore, #tpu.memory_space<semaphore_mem>>) src(%dma_wait3A_1345 : memref<100000x2048xf32, #tpu.memory_space<hbm>>) dst(%dma_wait3A_1340 : memref<16x2048xf32, #tpu.memory_space<vmem>>)
    %add3A_1346 = arith.constant 432 : i32
    %add3A_1347 = arith.addi %mul3A_2, %add3A_1346 : i32
    %dma_start3A_1348 = arith.constant 0 : i32
    %dma_start3A_1349 = arith.constant 0 : i32
    %dma_start3A_1350 = arith.constant 0 : i32
    %dma_start3A_1351 = tpu.memref_slice %arg6[%dma_start3A_1348, %dma_start3A_1349, %dma_start3A_1350] : memref<3x16x2048xf32, #tpu.memory_space<vmem>> -> memref<1x16x2048xf32, #tpu.memory_space<vmem>>
    %dma_start3A_1352 = tpu.memref_squeeze %dma_start3A_1351 : memref<1x16x2048xf32, #tpu.memory_space<vmem>> -> memref<16x2048xf32, #tpu.memory_space<vmem>>
    %dma_start3A_1353 = arith.constant 0 : i32
    %dma_start3A_1354 = tpu.memref_slice %arg4[%add3A_1347, %dma_start3A_1353] : memref<16384x2048xf32, #tpu.memory_space<hbm>> -> memref<16x2048xf32, #tpu.memory_space<hbm>>
    %dma_start3A_1355 = arith.constant 0 : i32
    %dma_start3A_1356 = tpu.memref_slice %arg4[%add3A_1347, %dma_start3A_1355] : memref<16384x2048xf32, #tpu.memory_space<hbm>> -> memref<16x2048xf32, #tpu.memory_space<hbm>>
    %dma_start3A_1357 = arith.constant 0 : i32
    %dma_start3A_1358 = arith.constant 0 : i32
    %dma_start3A_1359 = tpu.memref_slice %arg6[%dma_start3A_1348, %dma_start3A_1357, %dma_start3A_1358] : memref<3x16x2048xf32, #tpu.memory_space<vmem>> -> memref<1x16x2048xf32, #tpu.memory_space<vmem>>
    %dma_start3A_1360 = tpu.memref_squeeze %dma_start3A_1359 : memref<1x16x2048xf32, #tpu.memory_space<vmem>> -> memref<16x2048xf32, #tpu.memory_space<vmem>>
    tpu.enqueue_dma source(%dma_start3A_1360 : memref<16x2048xf32, #tpu.memory_space<vmem>>) target(%dma_start3A_1356 : memref<16x2048xf32, #tpu.memory_space<hbm>>) target_semaphore(%arg10 : memref<!tpu.dma_semaphore, #tpu.memory_space<semaphore_mem>>)
    %dma_wait3A_1361 = arith.constant 2 : i32
    %dma_wait3A_1362 = arith.constant 0 : i32
    %dma_wait3A_1363 = arith.constant 0 : i32
    %dma_wait3A_1364 = tpu.memref_slice %arg6[%dma_wait3A_1361, %dma_wait3A_1362, %dma_wait3A_1363] : memref<3x16x2048xf32, #tpu.memory_space<vmem>> -> memref<1x16x2048xf32, #tpu.memory_space<vmem>>
    %dma_wait3A_1365 = tpu.memref_squeeze %dma_wait3A_1364 : memref<1x16x2048xf32, #tpu.memory_space<vmem>> -> memref<16x2048xf32, #tpu.memory_space<vmem>>
    %dma_wait3A_1366 = arith.constant 0 : i32
    %dma_wait3A_1367 = tpu.memref_slice %arg4[%add3A_1299, %dma_wait3A_1366] : memref<16384x2048xf32, #tpu.memory_space<hbm>> -> memref<16x2048xf32, #tpu.memory_space<hbm>>
    %dma_wait3A_1368 = arith.constant 0 : i32
    %dma_wait3A_1369 = tpu.memref_slice %arg4[%add3A_1299, %dma_wait3A_1368] : memref<16384x2048xf32, #tpu.memory_space<hbm>> -> memref<16x2048xf32, #tpu.memory_space<hbm>>
    %dma_wait3A_1370 = arith.constant 0 : i32
    %dma_wait3A_1371 = arith.constant 0 : i32
    %dma_wait3A_1372 = tpu.memref_slice %arg6[%dma_wait3A_1361, %dma_wait3A_1370, %dma_wait3A_1371] : memref<3x16x2048xf32, #tpu.memory_space<vmem>> -> memref<1x16x2048xf32, #tpu.memory_space<vmem>>
    %dma_wait3A_1373 = tpu.memref_squeeze %dma_wait3A_1372 : memref<1x16x2048xf32, #tpu.memory_space<vmem>> -> memref<16x2048xf32, #tpu.memory_space<vmem>>
    tpu.wait_dma2 semaphore(%arg12 : memref<!tpu.dma_semaphore, #tpu.memory_space<semaphore_mem>>) src(%dma_wait3A_1373 : memref<16x2048xf32, #tpu.memory_space<vmem>>) dst(%dma_wait3A_1369 : memref<16x2048xf32, #tpu.memory_space<hbm>>)
    %dma_start3A_1374 = arith.constant 2 : i32
    %dma_start3A_1375 = arith.constant 0 : i32
    %dma_start3A_1376 = arith.constant 0 : i32
    %dma_start3A_1377 = tpu.memref_slice %arg6[%dma_start3A_1374, %dma_start3A_1375, %dma_start3A_1376] : memref<3x16x2048xf32, #tpu.memory_space<vmem>> -> memref<1x16x2048xf32, #tpu.memory_space<vmem>>
    %dma_start3A_1378 = tpu.memref_squeeze %dma_start3A_1377 : memref<1x16x2048xf32, #tpu.memory_space<vmem>> -> memref<16x2048xf32, #tpu.memory_space<vmem>>
    %dma_start3A_1379 = arith.constant 464 : i32
    %dma_start3A_1380 = tpu.memref_slice %arg5[%dma_start3A_1379] : memref<512xi32, #tpu.memory_space<vmem>> -> memref<16xi32, #tpu.memory_space<vmem>>
    %dma_start3A_1381 = arith.constant 0 : i32
    %dma_start3A_1382 = arith.constant 0 : i32
    %dma_start3A_1383 = tpu.memref_slice %arg3[%dma_start3A_1381, %dma_start3A_1382] : memref<100000x2048xf32, #tpu.memory_space<hbm>> -> memref<100000x2048xf32, #tpu.memory_space<hbm>>
    tpu.enqueue_indirect_dma source(%dma_start3A_1383 : memref<100000x2048xf32, #tpu.memory_space<hbm>>) target(%dma_start3A_1378 : memref<16x2048xf32, #tpu.memory_space<vmem>>) offsets(%dma_start3A_1380 : memref<16xi32, #tpu.memory_space<vmem>>) semaphore(%arg9 : memref<!tpu.dma_semaphore, #tpu.memory_space<semaphore_mem>>)
    %dma_wait3A_1384 = arith.constant 1 : i32
    %dma_wait3A_1385 = arith.constant 0 : i32
    %dma_wait3A_1386 = arith.constant 0 : i32
    %dma_wait3A_1387 = tpu.memref_slice %arg6[%dma_wait3A_1384, %dma_wait3A_1385, %dma_wait3A_1386] : memref<3x16x2048xf32, #tpu.memory_space<vmem>> -> memref<1x16x2048xf32, #tpu.memory_space<vmem>>
    %dma_wait3A_1388 = tpu.memref_squeeze %dma_wait3A_1387 : memref<1x16x2048xf32, #tpu.memory_space<vmem>> -> memref<16x2048xf32, #tpu.memory_space<vmem>>
    %dma_wait3A_1389 = arith.constant 448 : i32
    %dma_wait3A_1390 = tpu.memref_slice %arg5[%dma_wait3A_1389] : memref<512xi32, #tpu.memory_space<vmem>> -> memref<16xi32, #tpu.memory_space<vmem>>
    %dma_wait3A_1391 = arith.constant 0 : i32
    %dma_wait3A_1392 = arith.constant 0 : i32
    %dma_wait3A_1393 = tpu.memref_slice %arg3[%dma_wait3A_1391, %dma_wait3A_1392] : memref<100000x2048xf32, #tpu.memory_space<hbm>> -> memref<100000x2048xf32, #tpu.memory_space<hbm>>
    tpu.wait_indirect_dma semaphore(%arg8 : memref<!tpu.dma_semaphore, #tpu.memory_space<semaphore_mem>>) src(%dma_wait3A_1393 : memref<100000x2048xf32, #tpu.memory_space<hbm>>) dst(%dma_wait3A_1388 : memref<16x2048xf32, #tpu.memory_space<vmem>>)
    %add3A_1394 = arith.constant 448 : i32
    %add3A_1395 = arith.addi %mul3A_2, %add3A_1394 : i32
    %dma_start3A_1396 = arith.constant 1 : i32
    %dma_start3A_1397 = arith.constant 0 : i32
    %dma_start3A_1398 = arith.constant 0 : i32
    %dma_start3A_1399 = tpu.memref_slice %arg6[%dma_start3A_1396, %dma_start3A_1397, %dma_start3A_1398] : memref<3x16x2048xf32, #tpu.memory_space<vmem>> -> memref<1x16x2048xf32, #tpu.memory_space<vmem>>
    %dma_start3A_1400 = tpu.memref_squeeze %dma_start3A_1399 : memref<1x16x2048xf32, #tpu.memory_space<vmem>> -> memref<16x2048xf32, #tpu.memory_space<vmem>>
    %dma_start3A_1401 = arith.constant 0 : i32
    %dma_start3A_1402 = tpu.memref_slice %arg4[%add3A_1395, %dma_start3A_1401] : memref<16384x2048xf32, #tpu.memory_space<hbm>> -> memref<16x2048xf32, #tpu.memory_space<hbm>>
    %dma_start3A_1403 = arith.constant 0 : i32
    %dma_start3A_1404 = tpu.memref_slice %arg4[%add3A_1395, %dma_start3A_1403] : memref<16384x2048xf32, #tpu.memory_space<hbm>> -> memref<16x2048xf32, #tpu.memory_space<hbm>>
    %dma_start3A_1405 = arith.constant 0 : i32
    %dma_start3A_1406 = arith.constant 0 : i32
    %dma_start3A_1407 = tpu.memref_slice %arg6[%dma_start3A_1396, %dma_start3A_1405, %dma_start3A_1406] : memref<3x16x2048xf32, #tpu.memory_space<vmem>> -> memref<1x16x2048xf32, #tpu.memory_space<vmem>>
    %dma_start3A_1408 = tpu.memref_squeeze %dma_start3A_1407 : memref<1x16x2048xf32, #tpu.memory_space<vmem>> -> memref<16x2048xf32, #tpu.memory_space<vmem>>
    tpu.enqueue_dma source(%dma_start3A_1408 : memref<16x2048xf32, #tpu.memory_space<vmem>>) target(%dma_start3A_1404 : memref<16x2048xf32, #tpu.memory_space<hbm>>) target_semaphore(%arg11 : memref<!tpu.dma_semaphore, #tpu.memory_space<semaphore_mem>>)
    %dma_wait3A_1409 = arith.constant 0 : i32
    %dma_wait3A_1410 = arith.constant 0 : i32
    %dma_wait3A_1411 = arith.constant 0 : i32
    %dma_wait3A_1412 = tpu.memref_slice %arg6[%dma_wait3A_1409, %dma_wait3A_1410, %dma_wait3A_1411] : memref<3x16x2048xf32, #tpu.memory_space<vmem>> -> memref<1x16x2048xf32, #tpu.memory_space<vmem>>
    %dma_wait3A_1413 = tpu.memref_squeeze %dma_wait3A_1412 : memref<1x16x2048xf32, #tpu.memory_space<vmem>> -> memref<16x2048xf32, #tpu.memory_space<vmem>>
    %dma_wait3A_1414 = arith.constant 0 : i32
    %dma_wait3A_1415 = tpu.memref_slice %arg4[%add3A_1347, %dma_wait3A_1414] : memref<16384x2048xf32, #tpu.memory_space<hbm>> -> memref<16x2048xf32, #tpu.memory_space<hbm>>
    %dma_wait3A_1416 = arith.constant 0 : i32
    %dma_wait3A_1417 = tpu.memref_slice %arg4[%add3A_1347, %dma_wait3A_1416] : memref<16384x2048xf32, #tpu.memory_space<hbm>> -> memref<16x2048xf32, #tpu.memory_space<hbm>>
    %dma_wait3A_1418 = arith.constant 0 : i32
    %dma_wait3A_1419 = arith.constant 0 : i32
    %dma_wait3A_1420 = tpu.memref_slice %arg6[%dma_wait3A_1409, %dma_wait3A_1418, %dma_wait3A_1419] : memref<3x16x2048xf32, #tpu.memory_space<vmem>> -> memref<1x16x2048xf32, #tpu.memory_space<vmem>>
    %dma_wait3A_1421 = tpu.memref_squeeze %dma_wait3A_1420 : memref<1x16x2048xf32, #tpu.memory_space<vmem>> -> memref<16x2048xf32, #tpu.memory_space<vmem>>
    tpu.wait_dma2 semaphore(%arg10 : memref<!tpu.dma_semaphore, #tpu.memory_space<semaphore_mem>>) src(%dma_wait3A_1421 : memref<16x2048xf32, #tpu.memory_space<vmem>>) dst(%dma_wait3A_1417 : memref<16x2048xf32, #tpu.memory_space<hbm>>)
    %dma_start3A_1422 = arith.constant 0 : i32
    %dma_start3A_1423 = arith.constant 0 : i32
    %dma_start3A_1424 = arith.constant 0 : i32
    %dma_start3A_1425 = tpu.memref_slice %arg6[%dma_start3A_1422, %dma_start3A_1423, %dma_start3A_1424] : memref<3x16x2048xf32, #tpu.memory_space<vmem>> -> memref<1x16x2048xf32, #tpu.memory_space<vmem>>
    %dma_start3A_1426 = tpu.memref_squeeze %dma_start3A_1425 : memref<1x16x2048xf32, #tpu.memory_space<vmem>> -> memref<16x2048xf32, #tpu.memory_space<vmem>>
    %dma_start3A_1427 = arith.constant 480 : i32
    %dma_start3A_1428 = tpu.memref_slice %arg5[%dma_start3A_1427] : memref<512xi32, #tpu.memory_space<vmem>> -> memref<16xi32, #tpu.memory_space<vmem>>
    %dma_start3A_1429 = arith.constant 0 : i32
    %dma_start3A_1430 = arith.constant 0 : i32
    %dma_start3A_1431 = tpu.memref_slice %arg3[%dma_start3A_1429, %dma_start3A_1430] : memref<100000x2048xf32, #tpu.memory_space<hbm>> -> memref<100000x2048xf32, #tpu.memory_space<hbm>>
    tpu.enqueue_indirect_dma source(%dma_start3A_1431 : memref<100000x2048xf32, #tpu.memory_space<hbm>>) target(%dma_start3A_1426 : memref<16x2048xf32, #tpu.memory_space<vmem>>) offsets(%dma_start3A_1428 : memref<16xi32, #tpu.memory_space<vmem>>) semaphore(%arg7 : memref<!tpu.dma_semaphore, #tpu.memory_space<semaphore_mem>>)
    %dma_wait3A_1432 = arith.constant 2 : i32
    %dma_wait3A_1433 = arith.constant 0 : i32
    %dma_wait3A_1434 = arith.constant 0 : i32
    %dma_wait3A_1435 = tpu.memref_slice %arg6[%dma_wait3A_1432, %dma_wait3A_1433, %dma_wait3A_1434] : memref<3x16x2048xf32, #tpu.memory_space<vmem>> -> memref<1x16x2048xf32, #tpu.memory_space<vmem>>
    %dma_wait3A_1436 = tpu.memref_squeeze %dma_wait3A_1435 : memref<1x16x2048xf32, #tpu.memory_space<vmem>> -> memref<16x2048xf32, #tpu.memory_space<vmem>>
    %dma_wait3A_1437 = arith.constant 464 : i32
    %dma_wait3A_1438 = tpu.memref_slice %arg5[%dma_wait3A_1437] : memref<512xi32, #tpu.memory_space<vmem>> -> memref<16xi32, #tpu.memory_space<vmem>>
    %dma_wait3A_1439 = arith.constant 0 : i32
    %dma_wait3A_1440 = arith.constant 0 : i32
    %dma_wait3A_1441 = tpu.memref_slice %arg3[%dma_wait3A_1439, %dma_wait3A_1440] : memref<100000x2048xf32, #tpu.memory_space<hbm>> -> memref<100000x2048xf32, #tpu.memory_space<hbm>>
    tpu.wait_indirect_dma semaphore(%arg9 : memref<!tpu.dma_semaphore, #tpu.memory_space<semaphore_mem>>) src(%dma_wait3A_1441 : memref<100000x2048xf32, #tpu.memory_space<hbm>>) dst(%dma_wait3A_1436 : memref<16x2048xf32, #tpu.memory_space<vmem>>)
    %add3A_1442 = arith.constant 464 : i32
    %add3A_1443 = arith.addi %mul3A_2, %add3A_1442 : i32
    %dma_start3A_1444 = arith.constant 2 : i32
    %dma_start3A_1445 = arith.constant 0 : i32
    %dma_start3A_1446 = arith.constant 0 : i32
    %dma_start3A_1447 = tpu.memref_slice %arg6[%dma_start3A_1444, %dma_start3A_1445, %dma_start3A_1446] : memref<3x16x2048xf32, #tpu.memory_space<vmem>> -> memref<1x16x2048xf32, #tpu.memory_space<vmem>>
    %dma_start3A_1448 = tpu.memref_squeeze %dma_start3A_1447 : memref<1x16x2048xf32, #tpu.memory_space<vmem>> -> memref<16x2048xf32, #tpu.memory_space<vmem>>
    %dma_start3A_1449 = arith.constant 0 : i32
    %dma_start3A_1450 = tpu.memref_slice %arg4[%add3A_1443, %dma_start3A_1449] : memref<16384x2048xf32, #tpu.memory_space<hbm>> -> memref<16x2048xf32, #tpu.memory_space<hbm>>
    %dma_start3A_1451 = arith.constant 0 : i32
    %dma_start3A_1452 = tpu.memref_slice %arg4[%add3A_1443, %dma_start3A_1451] : memref<16384x2048xf32, #tpu.memory_space<hbm>> -> memref<16x2048xf32, #tpu.memory_space<hbm>>
    %dma_start3A_1453 = arith.constant 0 : i32
    %dma_start3A_1454 = arith.constant 0 : i32
    %dma_start3A_1455 = tpu.memref_slice %arg6[%dma_start3A_1444, %dma_start3A_1453, %dma_start3A_1454] : memref<3x16x2048xf32, #tpu.memory_space<vmem>> -> memref<1x16x2048xf32, #tpu.memory_space<vmem>>
    %dma_start3A_1456 = tpu.memref_squeeze %dma_start3A_1455 : memref<1x16x2048xf32, #tpu.memory_space<vmem>> -> memref<16x2048xf32, #tpu.memory_space<vmem>>
    tpu.enqueue_dma source(%dma_start3A_1456 : memref<16x2048xf32, #tpu.memory_space<vmem>>) target(%dma_start3A_1452 : memref<16x2048xf32, #tpu.memory_space<hbm>>) target_semaphore(%arg12 : memref<!tpu.dma_semaphore, #tpu.memory_space<semaphore_mem>>)
    %dma_wait3A_1457 = arith.constant 1 : i32
    %dma_wait3A_1458 = arith.constant 0 : i32
    %dma_wait3A_1459 = arith.constant 0 : i32
    %dma_wait3A_1460 = tpu.memref_slice %arg6[%dma_wait3A_1457, %dma_wait3A_1458, %dma_wait3A_1459] : memref<3x16x2048xf32, #tpu.memory_space<vmem>> -> memref<1x16x2048xf32, #tpu.memory_space<vmem>>
    %dma_wait3A_1461 = tpu.memref_squeeze %dma_wait3A_1460 : memref<1x16x2048xf32, #tpu.memory_space<vmem>> -> memref<16x2048xf32, #tpu.memory_space<vmem>>
    %dma_wait3A_1462 = arith.constant 0 : i32
    %dma_wait3A_1463 = tpu.memref_slice %arg4[%add3A_1395, %dma_wait3A_1462] : memref<16384x2048xf32, #tpu.memory_space<hbm>> -> memref<16x2048xf32, #tpu.memory_space<hbm>>
    %dma_wait3A_1464 = arith.constant 0 : i32
    %dma_wait3A_1465 = tpu.memref_slice %arg4[%add3A_1395, %dma_wait3A_1464] : memref<16384x2048xf32, #tpu.memory_space<hbm>> -> memref<16x2048xf32, #tpu.memory_space<hbm>>
    %dma_wait3A_1466 = arith.constant 0 : i32
    %dma_wait3A_1467 = arith.constant 0 : i32
    %dma_wait3A_1468 = tpu.memref_slice %arg6[%dma_wait3A_1457, %dma_wait3A_1466, %dma_wait3A_1467] : memref<3x16x2048xf32, #tpu.memory_space<vmem>> -> memref<1x16x2048xf32, #tpu.memory_space<vmem>>
    %dma_wait3A_1469 = tpu.memref_squeeze %dma_wait3A_1468 : memref<1x16x2048xf32, #tpu.memory_space<vmem>> -> memref<16x2048xf32, #tpu.memory_space<vmem>>
    tpu.wait_dma2 semaphore(%arg11 : memref<!tpu.dma_semaphore, #tpu.memory_space<semaphore_mem>>) src(%dma_wait3A_1469 : memref<16x2048xf32, #tpu.memory_space<vmem>>) dst(%dma_wait3A_1465 : memref<16x2048xf32, #tpu.memory_space<hbm>>)
    %dma_start3A_1470 = arith.constant 1 : i32
    %dma_start3A_1471 = arith.constant 0 : i32
    %dma_start3A_1472 = arith.constant 0 : i32
    %dma_start3A_1473 = tpu.memref_slice %arg6[%dma_start3A_1470, %dma_start3A_1471, %dma_start3A_1472] : memref<3x16x2048xf32, #tpu.memory_space<vmem>> -> memref<1x16x2048xf32, #tpu.memory_space<vmem>>
    %dma_start3A_1474 = tpu.memref_squeeze %dma_start3A_1473 : memref<1x16x2048xf32, #tpu.memory_space<vmem>> -> memref<16x2048xf32, #tpu.memory_space<vmem>>
    %dma_start3A_1475 = arith.constant 496 : i32
    %dma_start3A_1476 = tpu.memref_slice %arg5[%dma_start3A_1475] : memref<512xi32, #tpu.memory_space<vmem>> -> memref<16xi32, #tpu.memory_space<vmem>>
    %dma_start3A_1477 = arith.constant 0 : i32
    %dma_start3A_1478 = arith.constant 0 : i32
    %dma_start3A_1479 = tpu.memref_slice %arg3[%dma_start3A_1477, %dma_start3A_1478] : memref<100000x2048xf32, #tpu.memory_space<hbm>> -> memref<100000x2048xf32, #tpu.memory_space<hbm>>
    tpu.enqueue_indirect_dma source(%dma_start3A_1479 : memref<100000x2048xf32, #tpu.memory_space<hbm>>) target(%dma_start3A_1474 : memref<16x2048xf32, #tpu.memory_space<vmem>>) offsets(%dma_start3A_1476 : memref<16xi32, #tpu.memory_space<vmem>>) semaphore(%arg8 : memref<!tpu.dma_semaphore, #tpu.memory_space<semaphore_mem>>)
    %dma_wait3A_1480 = arith.constant 0 : i32
    %dma_wait3A_1481 = arith.constant 0 : i32
    %dma_wait3A_1482 = arith.constant 0 : i32
    %dma_wait3A_1483 = tpu.memref_slice %arg6[%dma_wait3A_1480, %dma_wait3A_1481, %dma_wait3A_1482] : memref<3x16x2048xf32, #tpu.memory_space<vmem>> -> memref<1x16x2048xf32, #tpu.memory_space<vmem>>
    %dma_wait3A_1484 = tpu.memref_squeeze %dma_wait3A_1483 : memref<1x16x2048xf32, #tpu.memory_space<vmem>> -> memref<16x2048xf32, #tpu.memory_space<vmem>>
    %dma_wait3A_1485 = arith.constant 480 : i32
    %dma_wait3A_1486 = tpu.memref_slice %arg5[%dma_wait3A_1485] : memref<512xi32, #tpu.memory_space<vmem>> -> memref<16xi32, #tpu.memory_space<vmem>>
    %dma_wait3A_1487 = arith.constant 0 : i32
    %dma_wait3A_1488 = arith.constant 0 : i32
    %dma_wait3A_1489 = tpu.memref_slice %arg3[%dma_wait3A_1487, %dma_wait3A_1488] : memref<100000x2048xf32, #tpu.memory_space<hbm>> -> memref<100000x2048xf32, #tpu.memory_space<hbm>>
    tpu.wait_indirect_dma semaphore(%arg7 : memref<!tpu.dma_semaphore, #tpu.memory_space<semaphore_mem>>) src(%dma_wait3A_1489 : memref<100000x2048xf32, #tpu.memory_space<hbm>>) dst(%dma_wait3A_1484 : memref<16x2048xf32, #tpu.memory_space<vmem>>)
    %add3A_1490 = arith.constant 480 : i32
    %add3A_1491 = arith.addi %mul3A_2, %add3A_1490 : i32
    %dma_start3A_1492 = arith.constant 0 : i32
    %dma_start3A_1493 = arith.constant 0 : i32
    %dma_start3A_1494 = arith.constant 0 : i32
    %dma_start3A_1495 = tpu.memref_slice %arg6[%dma_start3A_1492, %dma_start3A_1493, %dma_start3A_1494] : memref<3x16x2048xf32, #tpu.memory_space<vmem>> -> memref<1x16x2048xf32, #tpu.memory_space<vmem>>
    %dma_start3A_1496 = tpu.memref_squeeze %dma_start3A_1495 : memref<1x16x2048xf32, #tpu.memory_space<vmem>> -> memref<16x2048xf32, #tpu.memory_space<vmem>>
    %dma_start3A_1497 = arith.constant 0 : i32
    %dma_start3A_1498 = tpu.memref_slice %arg4[%add3A_1491, %dma_start3A_1497] : memref<16384x2048xf32, #tpu.memory_space<hbm>> -> memref<16x2048xf32, #tpu.memory_space<hbm>>
    %dma_start3A_1499 = arith.constant 0 : i32
    %dma_start3A_1500 = tpu.memref_slice %arg4[%add3A_1491, %dma_start3A_1499] : memref<16384x2048xf32, #tpu.memory_space<hbm>> -> memref<16x2048xf32, #tpu.memory_space<hbm>>
    %dma_start3A_1501 = arith.constant 0 : i32
    %dma_start3A_1502 = arith.constant 0 : i32
    %dma_start3A_1503 = tpu.memref_slice %arg6[%dma_start3A_1492, %dma_start3A_1501, %dma_start3A_1502] : memref<3x16x2048xf32, #tpu.memory_space<vmem>> -> memref<1x16x2048xf32, #tpu.memory_space<vmem>>
    %dma_start3A_1504 = tpu.memref_squeeze %dma_start3A_1503 : memref<1x16x2048xf32, #tpu.memory_space<vmem>> -> memref<16x2048xf32, #tpu.memory_space<vmem>>
    tpu.enqueue_dma source(%dma_start3A_1504 : memref<16x2048xf32, #tpu.memory_space<vmem>>) target(%dma_start3A_1500 : memref<16x2048xf32, #tpu.memory_space<hbm>>) target_semaphore(%arg10 : memref<!tpu.dma_semaphore, #tpu.memory_space<semaphore_mem>>)
    %dma_wait3A_1505 = arith.constant 1 : i32
    %dma_wait3A_1506 = arith.constant 0 : i32
    %dma_wait3A_1507 = arith.constant 0 : i32
    %dma_wait3A_1508 = tpu.memref_slice %arg6[%dma_wait3A_1505, %dma_wait3A_1506, %dma_wait3A_1507] : memref<3x16x2048xf32, #tpu.memory_space<vmem>> -> memref<1x16x2048xf32, #tpu.memory_space<vmem>>
    %dma_wait3A_1509 = tpu.memref_squeeze %dma_wait3A_1508 : memref<1x16x2048xf32, #tpu.memory_space<vmem>> -> memref<16x2048xf32, #tpu.memory_space<vmem>>
    %dma_wait3A_1510 = arith.constant 496 : i32
    %dma_wait3A_1511 = tpu.memref_slice %arg5[%dma_wait3A_1510] : memref<512xi32, #tpu.memory_space<vmem>> -> memref<16xi32, #tpu.memory_space<vmem>>
    %dma_wait3A_1512 = arith.constant 0 : i32
    %dma_wait3A_1513 = arith.constant 0 : i32
    %dma_wait3A_1514 = tpu.memref_slice %arg3[%dma_wait3A_1512, %dma_wait3A_1513] : memref<100000x2048xf32, #tpu.memory_space<hbm>> -> memref<100000x2048xf32, #tpu.memory_space<hbm>>
    tpu.wait_indirect_dma semaphore(%arg8 : memref<!tpu.dma_semaphore, #tpu.memory_space<semaphore_mem>>) src(%dma_wait3A_1514 : memref<100000x2048xf32, #tpu.memory_space<hbm>>) dst(%dma_wait3A_1509 : memref<16x2048xf32, #tpu.memory_space<vmem>>)
    %add3A_1515 = arith.constant 496 : i32
    %add3A_1516 = arith.addi %mul3A_2, %add3A_1515 : i32
    %dma_start3A_1517 = arith.constant 1 : i32
    %dma_start3A_1518 = arith.constant 0 : i32
    %dma_start3A_1519 = arith.constant 0 : i32
    %dma_start3A_1520 = tpu.memref_slice %arg6[%dma_start3A_1517, %dma_start3A_1518, %dma_start3A_1519] : memref<3x16x2048xf32, #tpu.memory_space<vmem>> -> memref<1x16x2048xf32, #tpu.memory_space<vmem>>
    %dma_start3A_1521 = tpu.memref_squeeze %dma_start3A_1520 : memref<1x16x2048xf32, #tpu.memory_space<vmem>> -> memref<16x2048xf32, #tpu.memory_space<vmem>>
    %dma_start3A_1522 = arith.constant 0 : i32
    %dma_start3A_1523 = tpu.memref_slice %arg4[%add3A_1516, %dma_start3A_1522] : memref<16384x2048xf32, #tpu.memory_space<hbm>> -> memref<16x2048xf32, #tpu.memory_space<hbm>>
    %dma_start3A_1524 = arith.constant 0 : i32
    %dma_start3A_1525 = tpu.memref_slice %arg4[%add3A_1516, %dma_start3A_1524] : memref<16384x2048xf32, #tpu.memory_space<hbm>> -> memref<16x2048xf32, #tpu.memory_space<hbm>>
    %dma_start3A_1526 = arith.constant 0 : i32
    %dma_start3A_1527 = arith.constant 0 : i32
    %dma_start3A_1528 = tpu.memref_slice %arg6[%dma_start3A_1517, %dma_start3A_1526, %dma_start3A_1527] : memref<3x16x2048xf32, #tpu.memory_space<vmem>> -> memref<1x16x2048xf32, #tpu.memory_space<vmem>>
    %dma_start3A_1529 = tpu.memref_squeeze %dma_start3A_1528 : memref<1x16x2048xf32, #tpu.memory_space<vmem>> -> memref<16x2048xf32, #tpu.memory_space<vmem>>
    tpu.enqueue_dma source(%dma_start3A_1529 : memref<16x2048xf32, #tpu.memory_space<vmem>>) target(%dma_start3A_1525 : memref<16x2048xf32, #tpu.memory_space<hbm>>) target_semaphore(%arg11 : memref<!tpu.dma_semaphore, #tpu.memory_space<semaphore_mem>>)
    %dma_wait3A_1530 = arith.constant 2 : i32
    %dma_wait3A_1531 = arith.constant 0 : i32
    %dma_wait3A_1532 = arith.constant 0 : i32
    %dma_wait3A_1533 = tpu.memref_slice %arg6[%dma_wait3A_1530, %dma_wait3A_1531, %dma_wait3A_1532] : memref<3x16x2048xf32, #tpu.memory_space<vmem>> -> memref<1x16x2048xf32, #tpu.memory_space<vmem>>
    %dma_wait3A_1534 = tpu.memref_squeeze %dma_wait3A_1533 : memref<1x16x2048xf32, #tpu.memory_space<vmem>> -> memref<16x2048xf32, #tpu.memory_space<vmem>>
    %dma_wait3A_1535 = arith.constant 0 : i32
    %dma_wait3A_1536 = tpu.memref_slice %arg4[%add3A_1443, %dma_wait3A_1535] : memref<16384x2048xf32, #tpu.memory_space<hbm>> -> memref<16x2048xf32, #tpu.memory_space<hbm>>
    %dma_wait3A_1537 = arith.constant 0 : i32
    %dma_wait3A_1538 = tpu.memref_slice %arg4[%add3A_1443, %dma_wait3A_1537] : memref<16384x2048xf32, #tpu.memory_space<hbm>> -> memref<16x2048xf32, #tpu.memory_space<hbm>>
    %dma_wait3A_1539 = arith.constant 0 : i32
    %dma_wait3A_1540 = arith.constant 0 : i32
    %dma_wait3A_1541 = tpu.memref_slice %arg6[%dma_wait3A_1530, %dma_wait3A_1539, %dma_wait3A_1540] : memref<3x16x2048xf32, #tpu.memory_space<vmem>> -> memref<1x16x2048xf32, #tpu.memory_space<vmem>>
    %dma_wait3A_1542 = tpu.memref_squeeze %dma_wait3A_1541 : memref<1x16x2048xf32, #tpu.memory_space<vmem>> -> memref<16x2048xf32, #tpu.memory_space<vmem>>
    tpu.wait_dma2 semaphore(%arg12 : memref<!tpu.dma_semaphore, #tpu.memory_space<semaphore_mem>>) src(%dma_wait3A_1542 : memref<16x2048xf32, #tpu.memory_space<vmem>>) dst(%dma_wait3A_1538 : memref<16x2048xf32, #tpu.memory_space<hbm>>)
    %dma_wait3A_1543 = arith.constant 0 : i32
    %dma_wait3A_1544 = arith.constant 0 : i32
    %dma_wait3A_1545 = arith.constant 0 : i32
    %dma_wait3A_1546 = tpu.memref_slice %arg6[%dma_wait3A_1543, %dma_wait3A_1544, %dma_wait3A_1545] : memref<3x16x2048xf32, #tpu.memory_space<vmem>> -> memref<1x16x2048xf32, #tpu.memory_space<vmem>>
    %dma_wait3A_1547 = tpu.memref_squeeze %dma_wait3A_1546 : memref<1x16x2048xf32, #tpu.memory_space<vmem>> -> memref<16x2048xf32, #tpu.memory_space<vmem>>
    %dma_wait3A_1548 = arith.constant 0 : i32
    %dma_wait3A_1549 = tpu.memref_slice %arg4[%add3A_1491, %dma_wait3A_1548] : memref<16384x2048xf32, #tpu.memory_space<hbm>> -> memref<16x2048xf32, #tpu.memory_space<hbm>>
    %dma_wait3A_1550 = arith.constant 0 : i32
    %dma_wait3A_1551 = tpu.memref_slice %arg4[%add3A_1491, %dma_wait3A_1550] : memref<16384x2048xf32, #tpu.memory_space<hbm>> -> memref<16x2048xf32, #tpu.memory_space<hbm>>
    %dma_wait3A_1552 = arith.constant 0 : i32
    %dma_wait3A_1553 = arith.constant 0 : i32
    %dma_wait3A_1554 = tpu.memref_slice %arg6[%dma_wait3A_1543, %dma_wait3A_1552, %dma_wait3A_1553] : memref<3x16x2048xf32, #tpu.memory_space<vmem>> -> memref<1x16x2048xf32, #tpu.memory_space<vmem>>
    %dma_wait3A_1555 = tpu.memref_squeeze %dma_wait3A_1554 : memref<1x16x2048xf32, #tpu.memory_space<vmem>> -> memref<16x2048xf32, #tpu.memory_space<vmem>>
    tpu.wait_dma2 semaphore(%arg10 : memref<!tpu.dma_semaphore, #tpu.memory_space<semaphore_mem>>) src(%dma_wait3A_1555 : memref<16x2048xf32, #tpu.memory_space<vmem>>) dst(%dma_wait3A_1551 : memref<16x2048xf32, #tpu.memory_space<hbm>>)
    %dma_wait3A_1556 = arith.constant 1 : i32
    %dma_wait3A_1557 = arith.constant 0 : i32
    %dma_wait3A_1558 = arith.constant 0 : i32
    %dma_wait3A_1559 = tpu.memref_slice %arg6[%dma_wait3A_1556, %dma_wait3A_1557, %dma_wait3A_1558] : memref<3x16x2048xf32, #tpu.memory_space<vmem>> -> memref<1x16x2048xf32, #tpu.memory_space<vmem>>
    %dma_wait3A_1560 = tpu.memref_squeeze %dma_wait3A_1559 : memref<1x16x2048xf32, #tpu.memory_space<vmem>> -> memref<16x2048xf32, #tpu.memory_space<vmem>>
    %dma_wait3A_1561 = arith.constant 0 : i32
    %dma_wait3A_1562 = tpu.memref_slice %arg4[%add3A_1516, %dma_wait3A_1561] : memref<16384x2048xf32, #tpu.memory_space<hbm>> -> memref<16x2048xf32, #tpu.memory_space<hbm>>
    %dma_wait3A_1563 = arith.constant 0 : i32
    %dma_wait3A_1564 = tpu.memref_slice %arg4[%add3A_1516, %dma_wait3A_1563] : memref<16384x2048xf32, #tpu.memory_space<hbm>> -> memref<16x2048xf32, #tpu.memory_space<hbm>>
    %dma_wait3A_1565 = arith.constant 0 : i32
    %dma_wait3A_1566 = arith.constant 0 : i32
    %dma_wait3A_1567 = tpu.memref_slice %arg6[%dma_wait3A_1556, %dma_wait3A_1565, %dma_wait3A_1566] : memref<3x16x2048xf32, #tpu.memory_space<vmem>> -> memref<1x16x2048xf32, #tpu.memory_space<vmem>>
    %dma_wait3A_1568 = tpu.memref_squeeze %dma_wait3A_1567 : memref<1x16x2048xf32, #tpu.memory_space<vmem>> -> memref<16x2048xf32, #tpu.memory_space<vmem>>
    tpu.wait_dma2 semaphore(%arg11 : memref<!tpu.dma_semaphore, #tpu.memory_space<semaphore_mem>>) src(%dma_wait3A_1568 : memref<16x2048xf32, #tpu.memory_space<vmem>>) dst(%dma_wait3A_1564 : memref<16x2048xf32, #tpu.memory_space<hbm>>)
    return
  }
}

module attributes {stable_mosaic.version = 14 : i64} {
  func.func @_gen_body(%arg0: i32, %arg1: memref<1x512x128xf32, #tpu.memory_space<vmem>>, %arg2: memref<1x512x128xf32, #tpu.memory_space<vmem>>, %arg3: memref<1x1x512x4096xf32, #tpu.memory_space<vmem>>) attributes {dimension_semantics = [#tpu.dimension_semantics<arbitrary>], iteration_bounds = array<i64: 8>, scalar_prefetch = 0 : i64, scratch_operands = 0 : i64, tpu.core_type = #tpu.core_type<tc>, window_params = [{transform_indices = @transform_0, window_bounds = array<i64: 1, 512, 128>}, {transform_indices = @transform_1, window_bounds = array<i64: 1, 512, 128>}, {transform_indices = @transform_2, window_bounds = array<i64: 1, 1, 512, 4096>}]} {
    %iota3A = tpu.iota {dimensions = array<i32: 0>} : vector<512x128xi32>
    %mul3A = arith.constant 512 : i32
    %mul3A_0 = arith.muli %arg0, %mul3A : i32
    %add3A = vector.broadcast %mul3A_0 : i32 to vector<512x128xi32>
    %add3A_1 = arith.addi %iota3A, %add3A : vector<512x128xi32>
    %convert_element_type3A = arith.sitofp %add3A_1 : vector<512x128xi32> to vector<512x128xf32>
    %iota3A_2 = tpu.iota {dimensions = array<i32: 1>} : vector<512x128xi32>
    %lt3A = arith.constant 64 : i32
    %lt3A_3 = vector.broadcast %lt3A : i32 to vector<512x128xi32>
    %lt3A_4 = arith.cmpi slt, %iota3A_2, %lt3A_3 : vector<512x128xi32>
    %sub3A = arith.constant 64 : i32
    %sub3A_5 = vector.broadcast %sub3A : i32 to vector<512x128xi32>
    %sub3A_6 = arith.subi %iota3A_2, %sub3A_5 : vector<512x128xi32>
    %select_n3A = arith.select %lt3A_4, %iota3A_2, %sub3A_6 : vector<512x128xi1>, vector<512x128xi32>
    %convert_element_type3A_7 = arith.sitofp %select_n3A : vector<512x128xi32> to vector<512x128xf32>
    %mul3A_8 = arith.constant -1.562500e-02 : f32
    %mul3A_9 = vector.broadcast %mul3A_8 : f32 to vector<512x128xf32>
    %mul3A_10 = arith.mulf %convert_element_type3A_7, %mul3A_9 : vector<512x128xf32>
    %log3A = arith.constant 1.000000e+04 : f32
    %log3A_11 = math.log %log3A : f32
    %mul3A_12 = vector.broadcast %log3A_11 : f32 to vector<512x128xf32>
    %mul3A_13 = arith.mulf %mul3A_10, %mul3A_12 : vector<512x128xf32>
    %exp3A = math.exp %mul3A_13 : vector<512x128xf32>
    %mul3A_14 = arith.mulf %convert_element_type3A, %exp3A : vector<512x128xf32>
    %cos3A = math.cos %mul3A_14 : vector<512x128xf32>
    %swap3A = arith.constant 0 : index
    %swap3A_15 = arith.constant 0 : index
    %swap3A_16 = arith.constant 0 : index
    %swap3A_17 = vector.load %arg1[%swap3A, %swap3A_15, %swap3A_16] : memref<1x512x128xf32, #tpu.memory_space<vmem>>, vector<1x512x128xf32>
    %swap3A_18 = vector.shape_cast %swap3A_17 : vector<1x512x128xf32> to vector<512x128xf32>
    %swap3A_19 = vector.shape_cast %cos3A : vector<512x128xf32> to vector<1x512x128xf32>
    tpu.vector_store %arg1[%swap3A, %swap3A_15, %swap3A_16], %swap3A_19 {strides = array<i32>} : memref<1x512x128xf32, #tpu.memory_space<vmem>>, vector<1x512x128xf32>,
    %sin3A = math.sin %mul3A_14 : vector<512x128xf32>
    %swap3A_20 = arith.constant 0 : index
    %swap3A_21 = arith.constant 0 : index
    %swap3A_22 = arith.constant 0 : index
    %swap3A_23 = vector.load %arg2[%swap3A_20, %swap3A_21, %swap3A_22] : memref<1x512x128xf32, #tpu.memory_space<vmem>>, vector<1x512x128xf32>
    %swap3A_24 = vector.shape_cast %swap3A_23 : vector<1x512x128xf32> to vector<512x128xf32>
    %swap3A_25 = vector.shape_cast %sin3A : vector<512x128xf32> to vector<1x512x128xf32>
    tpu.vector_store %arg2[%swap3A_20, %swap3A_21, %swap3A_22], %swap3A_25 {strides = array<i32>} : memref<1x512x128xf32, #tpu.memory_space<vmem>>, vector<1x512x128xf32>,
    %iota3A_26 = tpu.iota {dimensions = array<i32: 0>} : vector<512x4096xi32>
    %mul3A_27 = arith.constant 512 : i32
    %mul3A_28 = arith.muli %arg0, %mul3A_27 : i32
    %add3A_29 = vector.broadcast %mul3A_28 : i32 to vector<512x4096xi32>
    %add3A_30 = arith.addi %iota3A_26, %add3A_29 : vector<512x4096xi32>
    %iota3A_31 = tpu.iota {dimensions = array<i32: 1>} : vector<512x4096xi32>
    %gt3A = arith.cmpi sgt, %iota3A_31, %add3A_30 : vector<512x4096xi32>
    %jit3A = arith.constant 0xFF800000 : f32
    %jit3A_32 = arith.constant 0.000000e+00 : f32
    %broadcast_in_dim3A = vector.broadcast %jit3A : f32 to vector<512x4096xf32>
    %broadcast_in_dim3A_33 = vector.broadcast %jit3A_32 : f32 to vector<512x4096xf32>
    %select_n3A_34 = arith.select %gt3A, %broadcast_in_dim3A, %broadcast_in_dim3A_33 : vector<512x4096xi1>, vector<512x4096xf32>
    %swap3A_35 = arith.constant 0 : index
    %swap3A_36 = arith.constant 0 : index
    %swap3A_37 = arith.constant 0 : index
    %swap3A_38 = arith.constant 0 : index
    %swap3A_39 = vector.load %arg3[%swap3A_35, %swap3A_36, %swap3A_37, %swap3A_38] : memref<1x1x512x4096xf32, #tpu.memory_space<vmem>>, vector<1x1x512x4096xf32>
    %swap3A_40 = vector.shape_cast %swap3A_39 : vector<1x1x512x4096xf32> to vector<512x4096xf32>
    %swap3A_41 = vector.shape_cast %select_n3A_34 : vector<512x4096xf32> to vector<1x1x512x4096xf32>
    tpu.vector_store %arg3[%swap3A_35, %swap3A_36, %swap3A_37, %swap3A_38], %swap3A_41 {strides = array<i32>} : memref<1x1x512x4096xf32, #tpu.memory_space<vmem>>, vector<1x1x512x4096xf32>,
    return
  }
  func.func @transform_0(%arg0: i32) -> (i32, i32, i32) {
    %c0_i32 = arith.constant 0 : i32
    %c0_i32_0 = arith.constant 0 : i32
    %c0_i32_1 = arith.constant 0 : i32
    return %c0_i32, %arg0, %c0_i32_0 : i32, i32, i32
  }
  func.func @transform_1(%arg0: i32) -> (i32, i32, i32) {
    %c0_i32 = arith.constant 0 : i32
    %c0_i32_0 = arith.constant 0 : i32
    %c0_i32_1 = arith.constant 0 : i32
    return %c0_i32, %arg0, %c0_i32_0 : i32, i32, i32
  }
  func.func @transform_2(%arg0: i32) -> (i32, i32, i32, i32) {
    %c0_i32 = arith.constant 0 : i32
    %c0_i32_0 = arith.constant 0 : i32
    %c0_i32_1 = arith.constant 0 : i32
    %c0_i32_2 = arith.constant 0 : i32
    return %c0_i32, %c0_i32_0, %arg0, %c0_i32_1 : i32, i32, i32, i32
  }
}

</mosaic_0001>

<sc_bundles>
// kernel: kernel.4.cloned.1.call-start
scs
__scs_entry_jumppad:
0x0: {  	(pc) =	sbr.rel $0x88, $3  }
0x1: {  	(tag) =	ssettag $0x0;
	lr =	simm.s32 $0x1  }
0x2: {  	[smem:$0x3F9F] =	sst lr;
	_ =	strace $0xD0000000  }
0x3: {  	_ = 	snop  }
0x4: {  	_ = 	snop  }
0x5: {  	_ = 	snop  }
0x6: {  	_ = 	snop  }
0x7: {  	_ = 	snop  }
__scs_overlays_trampoline_lowered:
0x8: {  	[smem:$0x3FAE] =	sst s0  }
0x9: {  	[smem:$0x3FAF] =	sst s1  }
0xa: {  	[smem:$0x3FB0] =	sst s2  }
0xb: {  	[smem:$0x3FB1] =	sst s3  }
0xc: {  	[smem:$0x3FB2] =	sst s4  }
0xd: {  	[smem:$0x3FB3] =	sst s5  }
0xe: {  	[smem:$0x3FB4] =	sst s6  }
0xf: {  	[smem:$0x3FB5] =	sst s7  }
0x10: {  	[smem:$0x3FB6] =	sst s8  }
0x11: {  	[smem:$0x3FB7] =	sst s9;
	s0 =	simm.s32 @!p0 $0x0  }
0x12: {  	s1 =	sld [smem:$0x3F9D];
	s0 =	simm.s32 @p0 $0x1  }
0x13: {  	[smem:$0x3FB8] =	sst s0;
	s0 =	simm.s32 @!p1 $0x0  }
0x14: {  	s2 =	sld [smem:$0x3F9C];
	s0 =	simm.s32 @p1 $0x1  }
0x15: {  	[smem:$0x3FB9] =	sst s0;
	s0 =	simm.s32 @!p2 $0x0  }
0x16: {  	s3 =	sld [smem:$0x3FDB];
	s0 =	simm.s32 @p2 $0x1  }
0x17: {  	s4 =	simm.s32 $0x1BF5;
	[smem:$0x3FBB] =	sst s0  }
0x18: {  	s0 =	sld [smem:$0x3F9E];
	_ =	swait.ge [sflag:s4], $0x0  }
0x19: {  	s7 =	sld [smem:$0x3F9F]  }
0x1a: {  	s8 =	sadd.s32 $0xFFFFE003, lr  }
0x1b: {  	s9 =	sadd.s32 $0xFFFFFEF7, lr;
	s5 =	simm.s32 $0xFFFFFFFF;
	p2 =	slt.u32 s8, $0xFFFFF086  }
0x1c: {  	p1 =	slt.u32 s9, $0xF7A;
	s5 =	simm.s32 @!p2 $0x0  }
0x1d: {  	s5 =	simm.s32 @p1 $0x1;
	p0 =	seq.s32 s7, s2  }
0x1e: {  	s7 =	smul.u32 @!p0 $0xF7A, s2;
	p2 =	seq.s32 @!p0 s5, $0x0  }
0x1f: {  	s9 =	smul.u32 $0xF7A, s1;
	s8 =	simm.s32 @!p0 $0x1BF5;
	p2 =	por !p2, p0  }
0x20: {  	[sflag:s8] =	ssyncset.s32 @!p0 $0xFFFFF086;
	s6 =	sadd.s32 @!p0 s3, s7;
	s7 =	simm.s32 @!p0 $0x108  }
0x21: {  	s3 =	sadd.s32 s3, s9;
	s6 =	sadd.s32 @!p0 $0x88, s6;
	s7 =	simm.s32 @p2 $0x1082  }
0x22: {  	[simem:s7], [sflag:s8] =	dma.local @!p0 [hbm:s6], $0xF7A  }
0x23: {  	s9 =	sor.u32 $0xD0000000, s2;
	s6 =	simm.s32 $0x108;
	_ =	swait.ge @!p0 [sflag:s8], $0x0  }
0x24: {  	s3 =	sadd.s32 $0x88, s3;
	s6 =	simm.s32 @!p1 $0x1082;
	[sflag:s4] =	ssyncset.s32 $0xFFFFF086  }
0x25: {  	[simem:s6], [sflag:s4] =	dma.local [hbm:s3], $0xF7A  }
0x26: {  	[smem:$0x3F9F] =	sst s1;
	(tag) =	ssettag s2;
	_ =	strace s9  }
0x27: {  	s1 =	sld [smem:$0x3FAF]  }
0x28: {  	s2 =	sld [smem:$0x3FB0]  }
0x29: {  	s4 =	sld [smem:$0x3FB2]  }
0x2a: {  	p0 =	seq.s32 s5, $0x0;
	s5 =	sld [smem:$0x3FB3]  }
0x2b: {  	s6 =	sld [smem:$0x3FB4]  }
0x2c: {  	s7 =	sld [smem:$0x3FB5]  }
0x2d: {  	s3 =	simm.s32 $0x108;
	s8 =	sld [smem:$0x3FB6]  }
0x2e: {  	s3 =	simm.s32 @!p0 $0x1082;
	s9 =	sld [smem:$0x3FB7]  }
0x2f: {  	lr =	sadd.s32 s0, s3;
	s0 =	sld [smem:$0x3FAE]  }
0x30: {  	s3 =	sld [smem:$0x3FB1]  }
0x31: {  	[smem:$0x3FBA] =	sst s10  }
0x32: {  	s10 =	sld [smem:$0x3FB8];
	_ =	sdelay $0x3  }
0x33: {  	p0 =	seq.s32 s10, $0x1;
	s10 =	sld [smem:$0x3FBA];
	_ =	sdelay $0x3  }
0x34: {  	[smem:$0x3FBA] =	sst s10  }
0x35: {  	s10 =	sld [smem:$0x3FB9];
	_ =	sdelay $0x3  }
0x36: {  	p1 =	seq.s32 s10, $0x1;
	s10 =	sld [smem:$0x3FBA];
	_ =	sdelay $0x3  }
0x37: {  	[smem:$0x3FBA] =	sst s10  }
0x38: {  	s10 =	sld [smem:$0x3FBB]  }
0x39: {  	_ = 	snop;
	(pc) =	sbr.ind lr, $3  }
0x3a: {  	_ = 	snop  }
0x3b: {  	_ = 	snop  }
0x3c: {  	p2 =	seq.s32 s10, $0x1;
	s10 =	sld [smem:$0x3FBA]  }
0x3d: {  	_ =	shalt  }
0x3e: {  	_ =	shalt  }
0x3f: {  	_ =	shalt  }
0x40: {  	_ =	shalt  }
0x41: {  	_ =	shalt  }
0x42: {  	_ =	shalt  }
0x43: {  	_ =	shalt  }
0x44: {  	_ =	shalt  }
0x45: {  	_ =	shalt  }
0x46: {  	_ =	shalt  }
0x47: {  	_ =	shalt  }
0x48: {  	_ =	shalt  }
0x49: {  	_ =	shalt  }
0x4a: {  	_ =	shalt  }
0x4b: {  	_ =	shalt  }
0x4c: {  	_ =	shalt  }
0x4d: {  	_ =	shalt  }
0x4e: {  	_ =	shalt  }
0x4f: {  	_ =	shalt  }
0x50: {  	_ =	shalt  }
0x51: {  	_ =	shalt  }
0x52: {  	_ =	shalt  }
0x53: {  	_ =	shalt  }
0x54: {  	_ =	shalt  }
0x55: {  	_ =	shalt  }
0x56: {  	_ =	shalt  }
0x57: {  	_ =	shalt  }
0x58: {  	_ =	shalt  }
0x59: {  	_ =	shalt  }
0x5a: {  	_ =	shalt  }
0x5b: {  	_ =	shalt  }
0x5c: {  	_ =	shalt  }
0x5d: {  	_ =	shalt  }
0x5e: {  	_ =	shalt  }
0x5f: {  	_ =	shalt  }
0x60: {  	_ =	shalt  }
0x61: {  	_ =	shalt  }
0x62: {  	_ =	shalt  }
0x63: {  	_ =	shalt  }
0x64: {  	_ =	shalt  }
0x65: {  	_ =	shalt  }
0x66: {  	_ =	shalt  }
0x67: {  	_ =	shalt  }
0x68: {  	_ =	shalt  }
0x69: {  	_ =	shalt  }
0x6a: {  	_ =	shalt  }
0x6b: {  	_ =	shalt  }
0x6c: {  	_ =	shalt  }
0x6d: {  	_ =	shalt  }
0x6e: {  	_ =	shalt  }
0x6f: {  	_ =	shalt  }
0x70: {  	_ =	shalt  }
0x71: {  	_ =	shalt  }
0x72: {  	_ =	shalt  }
0x73: {  	_ =	shalt  }
0x74: {  	_ =	shalt  }
0x75: {  	_ =	shalt  }
0x76: {  	_ =	shalt  }
0x77: {  	_ =	shalt  }
0x78: {  	_ =	shalt  }
0x79: {  	_ =	shalt  }
0x7a: {  	_ =	shalt  }
0x7b: {  	_ =	shalt  }
0x7c: {  	_ =	shalt  }
0x7d: {  	_ =	shalt  }
0x7e: {  	_ =	shalt  }
0x7f: {  	_ =	shalt  }
0x80: {  	_ =	shalt  }
0x81: {  	_ =	shalt  }
0x82: {  	_ =	shalt  }
0x83: {  	_ =	shalt  }
0x84: {  	_ =	shalt  }
0x85: {  	_ =	shalt  }
0x86: {  	_ =	shalt  }
0x87: {  	_ =	shalt  }
.Lfunc_end0:
.L_simem_size_0:
called_computation_lowered:
.L_overlay_start_0:
0x88: {  	s2 =	sld [smem:$0x3FD9]  }
0x89: {  	s3 =	sld [smem:$0x3FFE];
	_ =	sdelay $0x1  }
0x8a: {  	s1 =	srdreg.scid  }
0x8b: {  	s0 =	sand.u32 $0x1, s1  }
0x8c: {  	s15 =	sshll.u32 s0, $0xA;
	s2 =	sadd.s32 s3, s2  }
0x8d: {  	s2 =	sadd.s32 s2, s15  }
0x8e: {  	[smem:$0x3FC6] =	sst s2  }
0x8f: {  	_ = 	snop  }
0x90: {  	s2 =	sld [smem:$0x3FD0];
	_ =	sdelay $0x1  }
0x91: {  	s16 =	sld [smem:$0x3FC9]  }
0x92: {  	s5 =	simm.s32 $0xA;
	s6 =	simm.s32 $0x10;
	s4 =	sld [smem:$0x3FC8]  }
0x93: {  	[smem:s6], [sflag:s5] =	dma.local [hbm:s2], $0x1  }
0x94: {  	_ =	swait.eq [sflag:s5], $0x1  }
0x95: {  	[sflag:s5] =	ssyncset.done $0x0  }
0x96: {  	[sflag:s5] =	ssyncadd.s32 $0xFFFFFFFF  }
0x97: {  	s17 =	sld [smem:$0x10];
	(tm) =	ssettm $0x1  }
0x98: {  	s18 =	sld [smem:$0x3FFB];
	_ =	sdelay $0x3  }
0x99: {  	_ =	strace s18  }
0x9a: {  	s5 =	sld [smem:$0x3FFC];
	_ =	sdelay $0x3  }
0x9b: {  	_ =	strace s5  }
0x9c: {  	s5 =	sld [smem:$0x3FFD];
	_ =	sdelay $0x3  }
0x9d: {  	_ =	strace s5  }
0x9e: {  	_ =	strace $0x8FFFFFFF  }
0x9f: {  	s19 =	sld [smem:$0x3FDB];
	_ =	sdelay $0x1  }
0xa0: {  	s20 =	simm.s32 $_scs_section_size  }
0xa1: {  	s7 =	simm.s32 $_size__tile_overlayer_lowered;
	s8 =	simm.s32 $_tile_overlayer_lowered  }
0xa2: {  	s23 =	simm.s32 $0x1BFF;
	s22 =	sshll.u32 s8, $0x1;
	s5 =	sadd.s32 s20, s19  }
0xa3: {  	s9 =	simm.s32 $0x0;
	s21 =	sshll.u32 s7, $0x1;
	s7 =	sadd.s32 s22, s5  }
0xa4: {  	[timem:s9], [sflag:s23] =	dma.local [hbm:s7], s21  }
0xa5: {  	_ =	swait.ge [sflag:s23], s21  }
0xa6: {  	s6 =	ssub.s32 $0x0, s21;
	[sflag:s23] =	ssyncset.done $0x0  }
0xa7: {  	[sflag:s23] =	ssyncadd.s32 s6;
	_ =	sdelay $0x1  }
0xa8: {  	s24 =	simm.s32 $0x1B8B  }
0xa9: {  	_ =	swait.ge [sflag:s24], $0x1  }
0xaa: {  	[sflag:s24] =	ssyncset.done $0x0  }
0xab: {  	s25 =	simm.s32 $0x1B8E;
	[sflag:s24] =	ssyncadd.s32 $0xFFFFFFFF  }
0xac: {  	s26 =	simm.s32 $execute0_lowered;
	[smem:$0x3FD2] =	sst s25  }
0xad: {  	s6 =	sshll.u32 s26, $0x1;
	_ =	strace $0x80000046;
	[dreg:$0x1] =	wrdreg $0xFFFFFFFF  }
0xae: {  	s28 =	simm.s32 $_size_execute0_lowered;
	s5 =	sadd.s32 s5, s6;
	[dreg:$0x0] =	wrdreg $0x0  }
0xaf: {  	s6 =	sshll.u32 s28, $0x1;
	[dreg:$0x2] =	wrdreg s5  }
0xb0: {  	[dreg:$0x3] =	wrdreg s6  }
0xb1: {  	[dreg:$0x4] =	wrdreg $0xC0  }
0xb2: {  	_ =	task [dreg:s9], $0x5FFFF  }
0xb3: {  	[dreg:$0x1] =	wrdreg $0xFFFFFFFF  }
0xb4: {  	[dreg:$0x0] =	wrdreg $0x60  }
0xb5: {  	[dreg:$0x2] =	wrdreg s16  }
0xb6: {  	[dreg:$0x3] =	wrdreg s4  }
0xb7: {  	[dreg:$0x4] =	wrdreg s17  }
0xb8: {  	[dreg:$0x5] =	wrdreg $0x9  }
0xb9: {  	_ =	task.clear_ibuf [dreg:s9], $0x6FFFF;
	_ =	strace $0x90000046  }
0xba: {  	s29 =	simm.s32 $0x9;
	_ =	strace $0x80000048  }
0xbb: {  	_ =	swait.ge [sflag:s29], $0x1  }
0xbc: {  	[sflag:s29] =	ssyncadd.s32 $0xFFFFFFFF  }
0xbd: {  	_ =	strace $0x90000048  }
0xbe: {  	_ =	sfence  }
0xbf: {  	s30 =	sld [smem:$0x0];
	_ =	sdelay $0x2  }
0xc0: {  	s31 =	sshll.u32 s1, $0xD;
	s1 =	sshrl.u32 s1, $0x2  }
0xc1: {  	s3 =	sand.u32 $0x4000, s31;
	s1 =	sadd.s32 s1, s30  }
0xc2: {  	s0 =	sor.u32 s3, s0;
	s1 =	sshll.u32 s1, $0x11  }
0xc3: {  	s0 =	sor.u32 s1, s0  }
0xc4: {  	s0 =	sadd.s32 $0x8F2B, s0  }
0xc5: {  	[sflag:s0] =	ssyncadd.remote.s32 $0x1  }
0xc6: {  	_ =	sfence.sel $0xFFFF  }
0xc7: {  	[dreg:$0x0] =	wrdreg $0xFFFFFFFF;
	(pc) =	sbr.abs _section_cstart, $3  }
0xc8: {  	[dreg:$0x1] =	wrdreg $0xFFFFFFFF  }
0xc9: {  	_ =	task.clear_ibuf [dreg:s9], $0x2FFFF;
	_ =	strace $0x9FFFFFFF  }
0xca: {  	(tm) =	ssettm $0x7FFFFFFF  }
0xcb: {  	_ =	shalt  }
tec
execute0_lowered:
.L_overlay_start_1:
0x0: {  	(tag) =	ssettag $0x1  }
0x1: {  	s0 =	rddreg [dreg:$0x0]  }
0x2: {  	s2 =	rddreg [dreg:$0x1]  }
0x3: {  	s1 =	rddreg [dreg:$0x2]  }
0x4: {  	s3 =	srdreg.scid;
	s6 =	stileid.u32  }
0x5: {  	s4 =	sand.u32 $0x1, s3;
	s5 =	sshll.u32 s6, $0x1;
	s3 =	simm.s32 $0x0  }
0x6: {  	s6 =	sshll.u32 s6, $0x2;
	s5 =	sor.u32 s4, s5;
	[smem:$0x7FF] =	sst s3  }
0x7: {  	s6 =	sand.u32 $0x30, s6;
	s7 =	sshll.u32 s5, $0x8;
	s5 =	sshll.u32 s5, $0x11  }
0x8: {  	s0 =	sadd.s32 s0, s6;
	s7 =	sand.u32 $0x700, s7;
	s11 =	sadd.s32 s1, s5  }
0x9: {  	_ =	strace $0x80000047;
	s0 =	sadd.s32 s7, s0;
	[smem:$0x7FB] =	sst s11  }
0xa: {  	s16 =	sadd.s32 $0x1000, s11;
	[dreg:$0x4] =	wrdreg s0  }
0xb: {  	s17 =	sadd.s32 $0x2000, s11;
	[dreg:$0x5] =	wrdreg s16  }
0xc: {  	s18 =	sadd.s32 $0x3000, s11;
	[dreg:$0x6] =	wrdreg s17  }
0xd: {  	s19 =	sadd.s32 $0x4000, s11;
	[dreg:$0x7] =	wrdreg s18  }
0xe: {  	s20 =	sadd.s32 $0x5000, s11;
	[dreg:$0x8] =	wrdreg s19  }
0xf: {  	s21 =	sadd.s32 $0x6000, s11;
	[dreg:$0x9] =	wrdreg s20  }
0x10: {  	s22 =	sadd.s32 $0x7000, s11;
	[dreg:$0xa] =	wrdreg s21  }
0x11: {  	s23 =	sadd.s32 $0x8000, s11;
	[dreg:$0xb] =	wrdreg s22  }
0x12: {  	s24 =	sadd.s32 $0x9000, s11;
	[dreg:$0xc] =	wrdreg s23  }
0x13: {  	s25 =	sadd.s32 $0xA000, s11;
	[dreg:$0xd] =	wrdreg s24  }
0x14: {  	s26 =	sadd.s32 $0xB000, s11;
	[dreg:$0xe] =	wrdreg s25  }
0x15: {  	s1 =	sadd.s32 $0xC000, s11;
	[dreg:$0xf] =	wrdreg s26  }
0x16: {  	s5 =	sadd.s32 $0xD000, s11;
	[dreg:$0x10] =	wrdreg s1  }
0x17: {  	s6 =	sadd.s32 $0xE000, s11;
	[dreg:$0x11] =	wrdreg s5  }
0x18: {  	s7 =	sadd.s32 $0xF000, s11;
	[dreg:$0x12] =	wrdreg s6  }
0x19: {  	s8 =	sadd.s32 $0x10000, s11;
	[dreg:$0x13] =	wrdreg s7  }
0x1a: {  	s9 =	sadd.s32 $0x11000, s11;
	[dreg:$0x14] =	wrdreg s8  }
0x1b: {  	s31 =	simm.s32 $0x8200;
	s10 =	sadd.s32 $0x12000, s11;
	[dreg:$0x15] =	wrdreg s9  }
0x1c: {  	s28 =	simm.s32 $0x1;
	s12 =	sadd.s32 $0x13000, s11;
	[dreg:$0x16] =	wrdreg s10  }
0x1d: {  	s29 =	simm.s32 $0x2;
	s13 =	sadd.s32 $0x14000, s11;
	[dreg:$0x17] =	wrdreg s12  }
0x1e: {  	s30 =	simm.s32 $0x4;
	s14 =	sadd.s32 $0x15000, s11;
	[dreg:$0x18] =	wrdreg s13  }
0x1f: {  	s15 =	sadd.s32 $0x16000, s11;
	[dreg:$0x19] =	wrdreg s14;
	s16 =	ssub.s32 $0x2, s4  }
0x20: {  	[dreg:$0x1a] =	wrdreg s15;
	s17 =	sadd.s32 $0x17000, s11;
	s18 =	sadd.s32 $0x18000, s11  }
0x21: {  	s19 =	sadd.s32 $0x19000, s11;
	s5 =	sadd.s32 $0x100, s2;
	[dreg:$0x1b] =	wrdreg s17  }
0x22: {  	s20 =	sadd.s32 $0x1A000, s11;
	s6 =	sadd.s32 $0x200, s2;
	[dreg:$0x1c] =	wrdreg s18  }
0x23: {  	s21 =	sadd.s32 $0x1B000, s11;
	s7 =	sadd.s32 $0x300, s2;
	[dreg:$0x1d] =	wrdreg s19  }
0x24: {  	s22 =	sadd.s32 $0x1C000, s11;
	s8 =	sadd.s32 $0x400, s2;
	[dreg:$0x1e] =	wrdreg s20  }
0x25: {  	s23 =	sadd.s32 $0x1D000, s11;
	s9 =	sadd.s32 $0x500, s2;
	[dreg:$0x1f] =	wrdreg s21  }
0x26: {  	s24 =	sadd.s32 $0x1E000, s11;
	s10 =	sadd.s32 $0x600, s2;
	[smem:$0x7F8] =	sst s22  }
0x27: {  	s25 =	sadd.s32 $0x1F000, s11;
	s11 =	sadd.s32 $0x700, s2;
	[smem:$0x7F9] =	sst s23  }
0x28: {  	s26 =	simm.s32 $0x80;
	s13 =	simm.s32 $0x200;
	[smem:$0x7FA] =	sst s24  }
0x29: {  	v2 =	vlaneseq.u32;
	s0 =	simm.s32 $0x3;
	s4 =	sshrl.u32 s16, $0x1;
	[smem:$0x7FC] =	sst s25  }
0x2a: {  	vm0 =	vmmov $0xffff;
	v1 =	vshrl.u32 v2, $0x3;
	s14 =	simm.s32 $0x6;
	[smem:$0x7FD] =	sst s26;
	s1 =	ssub.s32 s16, s4  }
0x2b: {  	v0 =	vand.u32 $0x7, v2;
	v2 =	vor.u32 $0x8, v2;
	v1 =	vmul.u32 $0x8, v1;
	s26 =	simm.s32 $0x10200;
	s4 =	smax.u32 s1, $0x1;
	s1 =	simm.s32 $0x5  }
.LBB2_1:
0x2c: {  	s15 =	sld [smem:$0x7FD]  }
0x2d: {  	[smem:$0x7F7] =	sst s4  }
0x2e: {  	s22 =	rddreg [dreg:$0x4];
	s23 =	simm.s32 $0x7  }
0x2f: {  	[tilespmem:s3], [sflag:$0x7] =	stream.strided.gather [hbm4b:s22+s15], $0x200, s13, s15, $0x38;
	[tilespmem:$0x18200] =	vst v63  }
0x30: {  	_ =	swait.ge [sflag:s23], $0x200  }
0x31: {  	[sflag:s23] =	ssyncset.done $0x0  }
0x32: {  	[sflag:s23] =	ssyncadd.s32 $0xFFFFFE00  }
0x33: {  	v3 =	vld [tilespmem:$0x0];
	_ =	sdelay $0x4  }
0x34: {  	v4 =	vshll.u32 v3, $0x4  }
0x35: {  	v3 =	vand.u32 $0x7, v3;
	v4 =	vand.u32 $0xFFFFFF80, v4  }
0x36: {  	v3 =	vor.u32 v3, v4  }
0x37: {  	v4 =	vperm.xlane v3, v0;
	_ =	sdelay $0x1  }
0x38: {  	v4 =	vadd.s32 v1, v4;
	_ =	sdelay $0x4  }
0x39: {  	[tilespmem:s13], [sflag:$0x1] =	stream.indirect_vreg.gather [hbm4b:s2+s3], $0x80, v4, vm0, $0xb8;
	[tilespmem:$0x18200] =	vst v63  }
0x3a: {  	s24 =	simm.s32 $0xA00  }
0x3b: {  	[tilespmem:s24], [sflag:$0x1] =	stream.indirect_vreg.gather [hbm4b:s5+s3], $0x80, v4, vm0, $0xb8;
	[tilespmem:$0x18200] =	vst v63  }
0x3c: {  	s25 =	simm.s32 $0x1200  }
0x3d: {  	[tilespmem:s25], [sflag:$0x1] =	stream.indirect_vreg.gather [hbm4b:s6+s3], $0x80, v4, vm0, $0xb8;
	[tilespmem:$0x18200] =	vst v63  }
0x3e: {  	s12 =	simm.s32 $0x1A00  }
0x3f: {  	[tilespmem:s12], [sflag:$0x1] =	stream.indirect_vreg.gather [hbm4b:s7+s3], $0x80, v4, vm0, $0xb8;
	[tilespmem:$0x18200] =	vst v63  }
0x40: {  	s15 =	simm.s32 $0x2200  }
0x41: {  	[tilespmem:s15], [sflag:$0x1] =	stream.indirect_vreg.gather [hbm4b:s8+s3], $0x80, v4, vm0, $0xb8;
	[tilespmem:$0x18200] =	vst v63  }
0x42: {  	s16 =	simm.s32 $0x2A00;
	v3 =	vperm.xlane v3, v2  }
0x43: {  	[tilespmem:s16], [sflag:$0x1] =	stream.indirect_vreg.gather [hbm4b:s9+s3], $0x80, v4, vm0, $0xb8;
	[tilespmem:$0x18200] =	vst v63  }
0x44: {  	s17 =	simm.s32 $0x3200;
	v3 =	vadd.s32 v1, v3  }
0x45: {  	[tilespmem:s17], [sflag:$0x1] =	stream.indirect_vreg.gather [hbm4b:s10+s3], $0x80, v4, vm0, $0xb8;
	[tilespmem:$0x18200] =	vst v63  }
0x46: {  	s18 =	simm.s32 $0x3A00  }
0x47: {  	[tilespmem:s18], [sflag:$0x1] =	stream.indirect_vreg.gather [hbm4b:s11+s3], $0x80, v4, vm0, $0xb8;
	[tilespmem:$0x18200] =	vst v63  }
0x48: {  	s19 =	simm.s32 $0x4200  }
0x49: {  	[tilespmem:s19], [sflag:$0x1] =	stream.indirect_vreg.gather [hbm4b:s2+s3], $0x80, v3, vm0, $0xb8;
	[tilespmem:$0x18200] =	vst v63  }
0x4a: {  	s20 =	simm.s32 $0x4A00  }
0x4b: {  	[tilespmem:s20], [sflag:$0x1] =	stream.indirect_vreg.gather [hbm4b:s5+s3], $0x80, v3, vm0, $0xb8;
	[tilespmem:$0x18200] =	vst v63  }
0x4c: {  	s21 =	simm.s32 $0x5200  }
0x4d: {  	[tilespmem:s21], [sflag:$0x1] =	stream.indirect_vreg.gather [hbm4b:s6+s3], $0x80, v3, vm0, $0xb8;
	[tilespmem:$0x18200] =	vst v63  }
0x4e: {  	s22 =	simm.s32 $0x5A00  }
0x4f: {  	[tilespmem:s22], [sflag:$0x1] =	stream.indirect_vreg.gather [hbm4b:s7+s3], $0x80, v3, vm0, $0xb8;
	[tilespmem:$0x18200] =	vst v63  }
0x50: {  	s23 =	simm.s32 $0x6200  }
0x51: {  	[tilespmem:s23], [sflag:$0x1] =	stream.indirect_vreg.gather [hbm4b:s8+s3], $0x80, v3, vm0, $0xb8;
	[tilespmem:$0x18200] =	vst v63  }
0x52: {  	s24 =	simm.s32 $0x6A00  }
0x53: {  	[tilespmem:s24], [sflag:$0x1] =	stream.indirect_vreg.gather [hbm4b:s9+s3], $0x80, v3, vm0, $0xb8;
	[tilespmem:$0x18200] =	vst v63  }
0x54: {  	s25 =	simm.s32 $0x7200  }
0x55: {  	[tilespmem:s25], [sflag:$0x1] =	stream.indirect_vreg.gather [hbm4b:s10+s3], $0x80, v3, vm0, $0xb8;
	[tilespmem:$0x18200] =	vst v63  }
0x56: {  	s16 =	simm.s32 $0x7A00  }
0x57: {  	[tilespmem:s16], [sflag:$0x1] =	stream.indirect_vreg.gather [hbm4b:s11+s3], $0x80, v3, vm0, $0xb8;
	[tilespmem:$0x18200] =	vst v63  }
0x58: {  	v3 =	vld [tilespmem:$0x10];
	_ =	sdelay $0x4  }
0x59: {  	v33 =	vshll.u32 v3, $0x4  }
0x5a: {  	v3 =	vand.u32 $0x7, v3;
	v4 =	vand.u32 $0xFFFFFF80, v33  }
0x5b: {  	v3 =	vor.u32 v3, v4  }
0x5c: {  	v4 =	vperm.xlane v3, v0;
	_ =	sdelay $0x1  }
0x5d: {  	v4 =	vadd.s32 v1, v4;
	_ =	sdelay $0x4  }
0x5e: {  	[tilespmem:s31], [sflag:$0x2] =	stream.indirect_vreg.gather [hbm4b:s2+s3], $0x80, v4, vm0, $0xb8;
	[tilespmem:$0x18200] =	vst v63  }
0x5f: {  	s4 =	simm.s32 $0x8A00  }
0x60: {  	[tilespmem:s4], [sflag:$0x2] =	stream.indirect_vreg.gather [hbm4b:s5+s3], $0x80, v4, vm0, $0xb8;
	[tilespmem:$0x18200] =	vst v63  }
0x61: {  	s4 =	simm.s32 $0x9200  }
0x62: {  	[tilespmem:s4], [sflag:$0x2] =	stream.indirect_vreg.gather [hbm4b:s6+s3], $0x80, v4, vm0, $0xb8;
	[tilespmem:$0x18200] =	vst v63  }
0x63: {  	s4 =	simm.s32 $0x9A00  }
0x64: {  	[tilespmem:s4], [sflag:$0x2] =	stream.indirect_vreg.gather [hbm4b:s7+s3], $0x80, v4, vm0, $0xb8;
	[tilespmem:$0x18200] =	vst v63  }
0x65: {  	s4 =	simm.s32 $0xA200  }
0x66: {  	[tilespmem:s4], [sflag:$0x2] =	stream.indirect_vreg.gather [hbm4b:s8+s3], $0x80, v4, vm0, $0xb8;
	[tilespmem:$0x18200] =	vst v63  }
0x67: {  	v3 =	vperm.xlane v3, v2;
	s4 =	simm.s32 $0xAA00  }
0x68: {  	[tilespmem:s4], [sflag:$0x2] =	stream.indirect_vreg.gather [hbm4b:s9+s3], $0x80, v4, vm0, $0xb8;
	[tilespmem:$0x18200] =	vst v63  }
0x69: {  	v3 =	vadd.s32 v1, v3;
	s4 =	simm.s32 $0xB200  }
0x6a: {  	[tilespmem:s4], [sflag:$0x2] =	stream.indirect_vreg.gather [hbm4b:s10+s3], $0x80, v4, vm0, $0xb8;
	[tilespmem:$0x18200] =	vst v63  }
0x6b: {  	s4 =	simm.s32 $0xBA00  }
0x6c: {  	[tilespmem:s4], [sflag:$0x2] =	stream.indirect_vreg.gather [hbm4b:s11+s3], $0x80, v4, vm0, $0xb8;
	[tilespmem:$0x18200] =	vst v63  }
0x6d: {  	s4 =	simm.s32 $0xC200  }
0x6e: {  	[tilespmem:s4], [sflag:$0x2] =	stream.indirect_vreg.gather [hbm4b:s2+s3], $0x80, v3, vm0, $0xb8;
	[tilespmem:$0x18200] =	vst v63  }
0x6f: {  	s4 =	simm.s32 $0xCA00  }
0x70: {  	[tilespmem:s4], [sflag:$0x2] =	stream.indirect_vreg.gather [hbm4b:s5+s3], $0x80, v3, vm0, $0xb8;
	[tilespmem:$0x18200] =	vst v63  }
0x71: {  	s4 =	simm.s32 $0xD200  }
0x72: {  	[tilespmem:s4], [sflag:$0x2] =	stream.indirect_vreg.gather [hbm4b:s6+s3], $0x80, v3, vm0, $0xb8;
	[tilespmem:$0x18200] =	vst v63  }
0x73: {  	s4 =	simm.s32 $0xDA00  }
0x74: {  	[tilespmem:s4], [sflag:$0x2] =	stream.indirect_vreg.gather [hbm4b:s7+s3], $0x80, v3, vm0, $0xb8;
	[tilespmem:$0x18200] =	vst v63  }
0x75: {  	s4 =	simm.s32 $0xE200  }
0x76: {  	[tilespmem:s4], [sflag:$0x2] =	stream.indirect_vreg.gather [hbm4b:s8+s3], $0x80, v3, vm0, $0xb8;
	[tilespmem:$0x18200] =	vst v63  }
0x77: {  	s4 =	simm.s32 $0xEA00  }
0x78: {  	[tilespmem:s4], [sflag:$0x2] =	stream.indirect_vreg.gather [hbm4b:s9+s3], $0x80, v3, vm0, $0xb8;
	[tilespmem:$0x18200] =	vst v63  }
0x79: {  	s4 =	simm.s32 $0xF200  }
0x7a: {  	[tilespmem:s4], [sflag:$0x2] =	stream.indirect_vreg.gather [hbm4b:s10+s3], $0x80, v3, vm0, $0xb8;
	[tilespmem:$0x18200] =	vst v63  }
0x7b: {  	s4 =	simm.s32 $0xFA00  }
0x7c: {  	[tilespmem:s4], [sflag:$0x2] =	stream.indirect_vreg.gather [hbm4b:s11+s3], $0x80, v3, vm0, $0xb8;
	[tilespmem:$0x18200] =	vst v63  }
0x7d: {  	v3 =	vld [tilespmem:$0x20];
	_ =	sdelay $0x4  }
0x7e: {  	v34 =	vshll.u32 v3, $0x4  }
0x7f: {  	v3 =	vand.u32 $0x7, v3;
	v4 =	vand.u32 $0xFFFFFF80, v34  }
0x80: {  	v3 =	vor.u32 v3, v4  }
0x81: {  	v4 =	vperm.xlane v3, v0;
	_ =	sdelay $0x1  }
0x82: {  	v4 =	vadd.s32 v1, v4;
	_ =	sdelay $0x4  }
0x83: {  	[tilespmem:s26], [sflag:$0x3] =	stream.indirect_vreg.gather [hbm4b:s2+s3], $0x80, v4, vm0, $0xb8;
	[tilespmem:$0x18200] =	vst v63  }
0x84: {  	s4 =	simm.s32 $0x10A00  }
0x85: {  	[tilespmem:s4], [sflag:$0x3] =	stream.indirect_vreg.gather [hbm4b:s5+s3], $0x80, v4, vm0, $0xb8;
	[tilespmem:$0x18200] =	vst v63  }
0x86: {  	s4 =	simm.s32 $0x11200  }
0x87: {  	[tilespmem:s4], [sflag:$0x3] =	stream.indirect_vreg.gather [hbm4b:s6+s3], $0x80, v4, vm0, $0xb8;
	[tilespmem:$0x18200] =	vst v63  }
0x88: {  	s4 =	simm.s32 $0x11A00  }
0x89: {  	[tilespmem:s4], [sflag:$0x3] =	stream.indirect_vreg.gather [hbm4b:s7+s3], $0x80, v4, vm0, $0xb8;
	[tilespmem:$0x18200] =	vst v63  }
0x8a: {  	s4 =	simm.s32 $0x12200  }
0x8b: {  	[tilespmem:s4], [sflag:$0x3] =	stream.indirect_vreg.gather [hbm4b:s8+s3], $0x80, v4, vm0, $0xb8;
	[tilespmem:$0x18200] =	vst v63  }
0x8c: {  	v3 =	vperm.xlane v3, v2;
	s4 =	simm.s32 $0x12A00  }
0x8d: {  	[tilespmem:s4], [sflag:$0x3] =	stream.indirect_vreg.gather [hbm4b:s9+s3], $0x80, v4, vm0, $0xb8;
	[tilespmem:$0x18200] =	vst v63  }
0x8e: {  	v3 =	vadd.s32 v1, v3;
	s4 =	simm.s32 $0x13200  }
0x8f: {  	[tilespmem:s4], [sflag:$0x3] =	stream.indirect_vreg.gather [hbm4b:s10+s3], $0x80, v4, vm0, $0xb8;
	[tilespmem:$0x18200] =	vst v63  }
0x90: {  	s4 =	simm.s32 $0x13A00  }
0x91: {  	[tilespmem:s4], [sflag:$0x3] =	stream.indirect_vreg.gather [hbm4b:s11+s3], $0x80, v4, vm0, $0xb8;
	[tilespmem:$0x18200] =	vst v63  }
0x92: {  	s4 =	simm.s32 $0x14200  }
0x93: {  	[tilespmem:s4], [sflag:$0x3] =	stream.indirect_vreg.gather [hbm4b:s2+s3], $0x80, v3, vm0, $0xb8;
	[tilespmem:$0x18200] =	vst v63  }
0x94: {  	s4 =	simm.s32 $0x14A00  }
0x95: {  	[tilespmem:s4], [sflag:$0x3] =	stream.indirect_vreg.gather [hbm4b:s5+s3], $0x80, v3, vm0, $0xb8;
	[tilespmem:$0x18200] =	vst v63  }
0x96: {  	s4 =	simm.s32 $0x15200  }
0x97: {  	[tilespmem:s4], [sflag:$0x3] =	stream.indirect_vreg.gather [hbm4b:s6+s3], $0x80, v3, vm0, $0xb8;
	[tilespmem:$0x18200] =	vst v63  }
0x98: {  	s4 =	simm.s32 $0x15A00  }
0x99: {  	[tilespmem:s4], [sflag:$0x3] =	stream.indirect_vreg.gather [hbm4b:s7+s3], $0x80, v3, vm0, $0xb8;
	[tilespmem:$0x18200] =	vst v63  }
0x9a: {  	s4 =	simm.s32 $0x16200  }
0x9b: {  	[tilespmem:s4], [sflag:$0x3] =	stream.indirect_vreg.gather [hbm4b:s8+s3], $0x80, v3, vm0, $0xb8;
	[tilespmem:$0x18200] =	vst v63  }
0x9c: {  	s4 =	simm.s32 $0x16A00  }
0x9d: {  	[tilespmem:s4], [sflag:$0x3] =	stream.indirect_vreg.gather [hbm4b:s9+s3], $0x80, v3, vm0, $0xb8;
	[tilespmem:$0x18200] =	vst v63  }
0x9e: {  	s4 =	simm.s32 $0x17200  }
0x9f: {  	[tilespmem:s4], [sflag:$0x3] =	stream.indirect_vreg.gather [hbm4b:s10+s3], $0x80, v3, vm0, $0xb8;
	[tilespmem:$0x18200] =	vst v63  }
0xa0: {  	s4 =	simm.s32 $0x17A00  }
0xa1: {  	[tilespmem:s4], [sflag:$0x3] =	stream.indirect_vreg.gather [hbm4b:s11+s3], $0x80, v3, vm0, $0xb8;
	[tilespmem:$0x18200] =	vst v63  }
0xa2: {  	_ =	swait.ge [sflag:s28], $0x8000  }
0xa3: {  	s4 =	sld [smem:$0x7FB]  }
0xa4: {  	[sflag:s28] =	ssyncset.done $0x0  }
0xa5: {  	[sflag:s28] =	ssyncadd.s32 $0xFFFF8000  }
0xa6: {  	[hbm4b:s4+s3] =	stream.linear.scatter [tilespmem:s13], [sflag:$0x4], $0x8000, $0x38;
	[tilespmem:$0x18200] =	vst v63  }
0xa7: {  	_ =	swait.ge [sflag:s29], $0x8000  }
0xa8: {  	[sflag:s29] =	ssyncset.done $0x0  }
0xa9: {  	s4 =	rddreg [dreg:$0x5];
	[sflag:s29] =	ssyncadd.s32 $0xFFFF8000  }
0xaa: {  	[hbm4b:s4+s3] =	stream.linear.scatter [tilespmem:s31], [sflag:$0x5], $0x8000, $0x38;
	[tilespmem:$0x18200] =	vst v63  }
0xab: {  	_ =	swait.ge [sflag:s30], $0x8000  }
0xac: {  	[sflag:s30] =	ssyncset.done $0x0  }
0xad: {  	[sflag:s30] =	ssyncadd.s32 $0xFFFF8000  }
0xae: {  	v3 =	vld [tilespmem:$0x30];
	_ =	sdelay $0x4  }
0xaf: {  	v35 =	vshll.u32 v3, $0x4  }
0xb0: {  	v3 =	vand.u32 $0x7, v3;
	v4 =	vand.u32 $0xFFFFFF80, v35  }
0xb1: {  	v3 =	vor.u32 v3, v4  }
0xb2: {  	v4 =	vperm.xlane v3, v0;
	_ =	sdelay $0x1  }
0xb3: {  	v4 =	vadd.s32 v1, v4;
	_ =	sdelay $0x4  }
0xb4: {  	[tilespmem:s13], [sflag:$0x1] =	stream.indirect_vreg.gather [hbm4b:s2+s3], $0x80, v4, vm0, $0xb8;
	[tilespmem:$0x18200] =	vst v63  }
0xb5: {  	s4 =	simm.s32 $0xA00  }
0xb6: {  	[tilespmem:s4], [sflag:$0x1] =	stream.indirect_vreg.gather [hbm4b:s5+s3], $0x80, v4, vm0, $0xb8;
	[tilespmem:$0x18200] =	vst v63  }
0xb7: {  	s4 =	simm.s32 $0x1200  }
0xb8: {  	[tilespmem:s4], [sflag:$0x1] =	stream.indirect_vreg.gather [hbm4b:s6+s3], $0x80, v4, vm0, $0xb8;
	[tilespmem:$0x18200] =	vst v63  }
0xb9: {  	s4 =	simm.s32 $0x1A00  }
0xba: {  	[tilespmem:s4], [sflag:$0x1] =	stream.indirect_vreg.gather [hbm4b:s7+s3], $0x80, v4, vm0, $0xb8;
	[tilespmem:$0x18200] =	vst v63  }
0xbb: {  	s12 =	simm.s32 $0x2200  }
0xbc: {  	[tilespmem:s12], [sflag:$0x1] =	stream.indirect_vreg.gather [hbm4b:s8+s3], $0x80, v4, vm0, $0xb8;
	[tilespmem:$0x18200] =	vst v63  }
0xbd: {  	s15 =	simm.s32 $0x2A00;
	v3 =	vperm.xlane v3, v2  }
0xbe: {  	[tilespmem:s15], [sflag:$0x1] =	stream.indirect_vreg.gather [hbm4b:s9+s3], $0x80, v4, vm0, $0xb8;
	[tilespmem:$0x18200] =	vst v63  }
0xbf: {  	s17 =	simm.s32 $0x3200;
	v3 =	vadd.s32 v1, v3  }
0xc0: {  	[tilespmem:s17], [sflag:$0x1] =	stream.indirect_vreg.gather [hbm4b:s10+s3], $0x80, v4, vm0, $0xb8;
	[tilespmem:$0x18200] =	vst v63  }
0xc1: {  	s18 =	simm.s32 $0x3A00  }
0xc2: {  	[tilespmem:s18], [sflag:$0x1] =	stream.indirect_vreg.gather [hbm4b:s11+s3], $0x80, v4, vm0, $0xb8;
	[tilespmem:$0x18200] =	vst v63  }
0xc3: {  	s19 =	simm.s32 $0x4200  }
0xc4: {  	[tilespmem:s19], [sflag:$0x1] =	stream.indirect_vreg.gather [hbm4b:s2+s3], $0x80, v3, vm0, $0xb8;
	[tilespmem:$0x18200] =	vst v63  }
0xc5: {  	s20 =	simm.s32 $0x4A00  }
0xc6: {  	[tilespmem:s20], [sflag:$0x1] =	stream.indirect_vreg.gather [hbm4b:s5+s3], $0x80, v3, vm0, $0xb8;
	[tilespmem:$0x18200] =	vst v63  }
0xc7: {  	s21 =	simm.s32 $0x5200  }
0xc8: {  	[tilespmem:s21], [sflag:$0x1] =	stream.indirect_vreg.gather [hbm4b:s6+s3], $0x80, v3, vm0, $0xb8;
	[tilespmem:$0x18200] =	vst v63  }
0xc9: {  	s22 =	simm.s32 $0x5A00  }
0xca: {  	[tilespmem:s22], [sflag:$0x1] =	stream.indirect_vreg.gather [hbm4b:s7+s3], $0x80, v3, vm0, $0xb8;
	[tilespmem:$0x18200] =	vst v63  }
0xcb: {  	s23 =	simm.s32 $0x6200  }
0xcc: {  	[tilespmem:s23], [sflag:$0x1] =	stream.indirect_vreg.gather [hbm4b:s8+s3], $0x80, v3, vm0, $0xb8;
	[tilespmem:$0x18200] =	vst v63  }
0xcd: {  	s24 =	simm.s32 $0x6A00  }
0xce: {  	[tilespmem:s24], [sflag:$0x1] =	stream.indirect_vreg.gather [hbm4b:s9+s3], $0x80, v3, vm0, $0xb8;
	[tilespmem:$0x18200] =	vst v63  }
0xcf: {  	s25 =	simm.s32 $0x7200  }
0xd0: {  	[tilespmem:s25], [sflag:$0x1] =	stream.indirect_vreg.gather [hbm4b:s10+s3], $0x80, v3, vm0, $0xb8;
	[tilespmem:$0x18200] =	vst v63  }
0xd1: {  	s16 =	simm.s32 $0x7A00  }
0xd2: {  	[tilespmem:s16], [sflag:$0x1] =	stream.indirect_vreg.gather [hbm4b:s11+s3], $0x80, v3, vm0, $0xb8;
	[tilespmem:$0x18200] =	vst v63  }
0xd3: {  	_ =	swait.ge [sflag:s0], $0x8000  }
0xd4: {  	[sflag:s0] =	ssyncset.done $0x0  }
0xd5: {  	s20 =	rddreg [dreg:$0x6];
	[sflag:s0] =	ssyncadd.s32 $0xFFFF8000  }
0xd6: {  	[hbm4b:s20+s3] =	stream.linear.scatter [tilespmem:s26], [sflag:$0x6], $0x8000, $0x38;
	[tilespmem:$0x18200] =	vst v63  }
0xd7: {  	_ =	swait.ge [sflag:s1], $0x8000  }
0xd8: {  	[sflag:s1] =	ssyncset.done $0x0  }
0xd9: {  	[sflag:s1] =	ssyncadd.s32 $0xFFFF8000  }
0xda: {  	v3 =	vld [tilespmem:$0x40];
	_ =	sdelay $0x4  }
0xdb: {  	v36 =	vshll.u32 v3, $0x4  }
0xdc: {  	v3 =	vand.u32 $0x7, v3;
	v4 =	vand.u32 $0xFFFFFF80, v36  }
0xdd: {  	v3 =	vor.u32 v3, v4  }
0xde: {  	v4 =	vperm.xlane v3, v0;
	_ =	sdelay $0x1  }
0xdf: {  	v4 =	vadd.s32 v1, v4;
	_ =	sdelay $0x4  }
0xe0: {  	[tilespmem:s31], [sflag:$0x2] =	stream.indirect_vreg.gather [hbm4b:s2+s3], $0x80, v4, vm0, $0xb8;
	[tilespmem:$0x18200] =	vst v63  }
0xe1: {  	s21 =	simm.s32 $0x8A00  }
0xe2: {  	[tilespmem:s21], [sflag:$0x2] =	stream.indirect_vreg.gather [hbm4b:s5+s3], $0x80, v4, vm0, $0xb8;
	[tilespmem:$0x18200] =	vst v63  }
0xe3: {  	s22 =	simm.s32 $0x9200  }
0xe4: {  	[tilespmem:s22], [sflag:$0x2] =	stream.indirect_vreg.gather [hbm4b:s6+s3], $0x80, v4, vm0, $0xb8;
	[tilespmem:$0x18200] =	vst v63  }
0xe5: {  	s23 =	simm.s32 $0x9A00  }
0xe6: {  	[tilespmem:s23], [sflag:$0x2] =	stream.indirect_vreg.gather [hbm4b:s7+s3], $0x80, v4, vm0, $0xb8;
	[tilespmem:$0x18200] =	vst v63  }
0xe7: {  	s24 =	simm.s32 $0xA200  }
0xe8: {  	[tilespmem:s24], [sflag:$0x2] =	stream.indirect_vreg.gather [hbm4b:s8+s3], $0x80, v4, vm0, $0xb8;
	[tilespmem:$0x18200] =	vst v63  }
0xe9: {  	s25 =	simm.s32 $0xAA00;
	v3 =	vperm.xlane v3, v2  }
0xea: {  	[tilespmem:s25], [sflag:$0x2] =	stream.indirect_vreg.gather [hbm4b:s9+s3], $0x80, v4, vm0, $0xb8;
	[tilespmem:$0x18200] =	vst v63  }
0xeb: {  	s17 =	simm.s32 $0xB200;
	v3 =	vadd.s32 v1, v3  }
0xec: {  	[tilespmem:s17], [sflag:$0x2] =	stream.indirect_vreg.gather [hbm4b:s10+s3], $0x80, v4, vm0, $0xb8;
	[tilespmem:$0x18200] =	vst v63  }
0xed: {  	s18 =	simm.s32 $0xBA00  }
0xee: {  	[tilespmem:s18], [sflag:$0x2] =	stream.indirect_vreg.gather [hbm4b:s11+s3], $0x80, v4, vm0, $0xb8;
	[tilespmem:$0x18200] =	vst v63  }
0xef: {  	s19 =	simm.s32 $0xC200  }
0xf0: {  	[tilespmem:s19], [sflag:$0x2] =	stream.indirect_vreg.gather [hbm4b:s2+s3], $0x80, v3, vm0, $0xb8;
	[tilespmem:$0x18200] =	vst v63  }
0xf1: {  	s20 =	simm.s32 $0xCA00  }
0xf2: {  	[tilespmem:s20], [sflag:$0x2] =	stream.indirect_vreg.gather [hbm4b:s5+s3], $0x80, v3, vm0, $0xb8;
	[tilespmem:$0x18200] =	vst v63  }
0xf3: {  	s21 =	simm.s32 $0xD200  }
0xf4: {  	[tilespmem:s21], [sflag:$0x2] =	stream.indirect_vreg.gather [hbm4b:s6+s3], $0x80, v3, vm0, $0xb8;
	[tilespmem:$0x18200] =	vst v63  }
0xf5: {  	s22 =	simm.s32 $0xDA00  }
0xf6: {  	[tilespmem:s22], [sflag:$0x2] =	stream.indirect_vreg.gather [hbm4b:s7+s3], $0x80, v3, vm0, $0xb8;
	[tilespmem:$0x18200] =	vst v63  }
0xf7: {  	s23 =	simm.s32 $0xE200  }
0xf8: {  	[tilespmem:s23], [sflag:$0x2] =	stream.indirect_vreg.gather [hbm4b:s8+s3], $0x80, v3, vm0, $0xb8;
	[tilespmem:$0x18200] =	vst v63  }
0xf9: {  	s24 =	simm.s32 $0xEA00  }
0xfa: {  	[tilespmem:s24], [sflag:$0x2] =	stream.indirect_vreg.gather [hbm4b:s9+s3], $0x80, v3, vm0, $0xb8;
	[tilespmem:$0x18200] =	vst v63  }
0xfb: {  	s25 =	simm.s32 $0xF200  }
0xfc: {  	[tilespmem:s25], [sflag:$0x2] =	stream.indirect_vreg.gather [hbm4b:s10+s3], $0x80, v3, vm0, $0xb8;
	[tilespmem:$0x18200] =	vst v63  }
0xfd: {  	s4 =	simm.s32 $0xFA00  }
0xfe: {  	[tilespmem:s4], [sflag:$0x2] =	stream.indirect_vreg.gather [hbm4b:s11+s3], $0x80, v3, vm0, $0xb8;
	[tilespmem:$0x18200] =	vst v63  }
0xff: {  	_ =	swait.ge [sflag:s28], $0x8000  }
0x100: {  	[sflag:s28] =	ssyncset.done $0x0  }
0x101: {  	s4 =	rddreg [dreg:$0x7];
	[sflag:s28] =	ssyncadd.s32 $0xFFFF8000  }
0x102: {  	[hbm4b:s4+s3] =	stream.linear.scatter [tilespmem:s13], [sflag:$0x4], $0x8000, $0x38;
	[tilespmem:$0x18200] =	vst v63  }
0x103: {  	_ =	swait.ge [sflag:s14], $0x8000  }
0x104: {  	[sflag:s14] =	ssyncset.done $0x0  }
0x105: {  	[sflag:s14] =	ssyncadd.s32 $0xFFFF8000  }
0x106: {  	v3 =	vld [tilespmem:$0x50];
	_ =	sdelay $0x4  }
0x107: {  	v37 =	vshll.u32 v3, $0x4  }
0x108: {  	v3 =	vand.u32 $0x7, v3;
	v4 =	vand.u32 $0xFFFFFF80, v37  }
0x109: {  	v3 =	vor.u32 v3, v4  }
0x10a: {  	v4 =	vperm.xlane v3, v0;
	_ =	sdelay $0x1  }
0x10b: {  	v4 =	vadd.s32 v1, v4;
	_ =	sdelay $0x4  }
0x10c: {  	[tilespmem:s26], [sflag:$0x3] =	stream.indirect_vreg.gather [hbm4b:s2+s3], $0x80, v4, vm0, $0xb8;
	[tilespmem:$0x18200] =	vst v63  }
0x10d: {  	s4 =	simm.s32 $0x10A00  }
0x10e: {  	[tilespmem:s4], [sflag:$0x3] =	stream.indirect_vreg.gather [hbm4b:s5+s3], $0x80, v4, vm0, $0xb8;
	[tilespmem:$0x18200] =	vst v63  }
0x10f: {  	s4 =	simm.s32 $0x11200  }
0x110: {  	[tilespmem:s4], [sflag:$0x3] =	stream.indirect_vreg.gather [hbm4b:s6+s3], $0x80, v4, vm0, $0xb8;
	[tilespmem:$0x18200] =	vst v63  }
0x111: {  	s4 =	simm.s32 $0x11A00  }
0x112: {  	[tilespmem:s4], [sflag:$0x3] =	stream.indirect_vreg.gather [hbm4b:s7+s3], $0x80, v4, vm0, $0xb8;
	[tilespmem:$0x18200] =	vst v63  }
0x113: {  	s4 =	simm.s32 $0x12200  }
0x114: {  	[tilespmem:s4], [sflag:$0x3] =	stream.indirect_vreg.gather [hbm4b:s8+s3], $0x80, v4, vm0, $0xb8;
	[tilespmem:$0x18200] =	vst v63  }
0x115: {  	v3 =	vperm.xlane v3, v2;
	s4 =	simm.s32 $0x12A00  }
0x116: {  	[tilespmem:s4], [sflag:$0x3] =	stream.indirect_vreg.gather [hbm4b:s9+s3], $0x80, v4, vm0, $0xb8;
	[tilespmem:$0x18200] =	vst v63  }
0x117: {  	v3 =	vadd.s32 v1, v3;
	s4 =	simm.s32 $0x13200  }
0x118: {  	[tilespmem:s4], [sflag:$0x3] =	stream.indirect_vreg.gather [hbm4b:s10+s3], $0x80, v4, vm0, $0xb8;
	[tilespmem:$0x18200] =	vst v63  }
0x119: {  	s4 =	simm.s32 $0x13A00  }
0x11a: {  	[tilespmem:s4], [sflag:$0x3] =	stream.indirect_vreg.gather [hbm4b:s11+s3], $0x80, v4, vm0, $0xb8;
	[tilespmem:$0x18200] =	vst v63  }
0x11b: {  	s4 =	simm.s32 $0x14200  }
0x11c: {  	[tilespmem:s4], [sflag:$0x3] =	stream.indirect_vreg.gather [hbm4b:s2+s3], $0x80, v3, vm0, $0xb8;
	[tilespmem:$0x18200] =	vst v63  }
0x11d: {  	s4 =	simm.s32 $0x14A00  }
0x11e: {  	[tilespmem:s4], [sflag:$0x3] =	stream.indirect_vreg.gather [hbm4b:s5+s3], $0x80, v3, vm0, $0xb8;
	[tilespmem:$0x18200] =	vst v63  }
0x11f: {  	s4 =	simm.s32 $0x15200  }
0x120: {  	[tilespmem:s4], [sflag:$0x3] =	stream.indirect_vreg.gather [hbm4b:s6+s3], $0x80, v3, vm0, $0xb8;
	[tilespmem:$0x18200] =	vst v63  }
0x121: {  	s4 =	simm.s32 $0x15A00  }
0x122: {  	[tilespmem:s4], [sflag:$0x3] =	stream.indirect_vreg.gather [hbm4b:s7+s3], $0x80, v3, vm0, $0xb8;
	[tilespmem:$0x18200] =	vst v63  }
0x123: {  	s4 =	simm.s32 $0x16200  }
0x124: {  	[tilespmem:s4], [sflag:$0x3] =	stream.indirect_vreg.gather [hbm4b:s8+s3], $0x80, v3, vm0, $0xb8;
	[tilespmem:$0x18200] =	vst v63  }
0x125: {  	s4 =	simm.s32 $0x16A00  }
0x126: {  	[tilespmem:s4], [sflag:$0x3] =	stream.indirect_vreg.gather [hbm4b:s9+s3], $0x80, v3, vm0, $0xb8;
	[tilespmem:$0x18200] =	vst v63  }
0x127: {  	s4 =	simm.s32 $0x17200  }
0x128: {  	[tilespmem:s4], [sflag:$0x3] =	stream.indirect_vreg.gather [hbm4b:s10+s3], $0x80, v3, vm0, $0xb8;
	[tilespmem:$0x18200] =	vst v63  }
0x129: {  	s4 =	simm.s32 $0x17A00  }
0x12a: {  	[tilespmem:s4], [sflag:$0x3] =	stream.indirect_vreg.gather [hbm4b:s11+s3], $0x80, v3, vm0, $0xb8;
	[tilespmem:$0x18200] =	vst v63  }
0x12b: {  	_ =	swait.ge [sflag:s29], $0x8000  }
0x12c: {  	[sflag:s29] =	ssyncset.done $0x0  }
0x12d: {  	s4 =	rddreg [dreg:$0x8];
	[sflag:s29] =	ssyncadd.s32 $0xFFFF8000  }
0x12e: {  	[hbm4b:s4+s3] =	stream.linear.scatter [tilespmem:s31], [sflag:$0x5], $0x8000, $0x38;
	[tilespmem:$0x18200] =	vst v63  }
0x12f: {  	_ =	swait.ge [sflag:s30], $0x8000  }
0x130: {  	[sflag:s30] =	ssyncset.done $0x0  }
0x131: {  	[sflag:s30] =	ssyncadd.s32 $0xFFFF8000  }
0x132: {  	v3 =	vld [tilespmem:$0x60];
	_ =	sdelay $0x4  }
0x133: {  	v38 =	vshll.u32 v3, $0x4  }
0x134: {  	v3 =	vand.u32 $0x7, v3;
	v4 =	vand.u32 $0xFFFFFF80, v38  }
0x135: {  	v3 =	vor.u32 v3, v4  }
0x136: {  	v4 =	vperm.xlane v3, v0;
	_ =	sdelay $0x1  }
0x137: {  	v4 =	vadd.s32 v1, v4;
	_ =	sdelay $0x4  }
0x138: {  	[tilespmem:s13], [sflag:$0x1] =	stream.indirect_vreg.gather [hbm4b:s2+s3], $0x80, v4, vm0, $0xb8;
	[tilespmem:$0x18200] =	vst v63  }
0x139: {  	s4 =	simm.s32 $0xA00  }
0x13a: {  	[tilespmem:s4], [sflag:$0x1] =	stream.indirect_vreg.gather [hbm4b:s5+s3], $0x80, v4, vm0, $0xb8;
	[tilespmem:$0x18200] =	vst v63  }
0x13b: {  	s4 =	simm.s32 $0x1200  }
0x13c: {  	[tilespmem:s4], [sflag:$0x1] =	stream.indirect_vreg.gather [hbm4b:s6+s3], $0x80, v4, vm0, $0xb8;
	[tilespmem:$0x18200] =	vst v63  }
0x13d: {  	s4 =	simm.s32 $0x1A00  }
0x13e: {  	[tilespmem:s4], [sflag:$0x1] =	stream.indirect_vreg.gather [hbm4b:s7+s3], $0x80, v4, vm0, $0xb8;
	[tilespmem:$0x18200] =	vst v63  }
0x13f: {  	s4 =	simm.s32 $0x2200  }
0x140: {  	[tilespmem:s4], [sflag:$0x1] =	stream.indirect_vreg.gather [hbm4b:s8+s3], $0x80, v4, vm0, $0xb8;
	[tilespmem:$0x18200] =	vst v63  }
0x141: {  	v3 =	vperm.xlane v3, v2;
	s4 =	simm.s32 $0x2A00  }
0x142: {  	[tilespmem:s4], [sflag:$0x1] =	stream.indirect_vreg.gather [hbm4b:s9+s3], $0x80, v4, vm0, $0xb8;
	[tilespmem:$0x18200] =	vst v63  }
0x143: {  	v3 =	vadd.s32 v1, v3;
	s4 =	simm.s32 $0x3200  }
0x144: {  	[tilespmem:s4], [sflag:$0x1] =	stream.indirect_vreg.gather [hbm4b:s10+s3], $0x80, v4, vm0, $0xb8;
	[tilespmem:$0x18200] =	vst v63  }
0x145: {  	s4 =	simm.s32 $0x3A00  }
0x146: {  	[tilespmem:s4], [sflag:$0x1] =	stream.indirect_vreg.gather [hbm4b:s11+s3], $0x80, v4, vm0, $0xb8;
	[tilespmem:$0x18200] =	vst v63  }
0x147: {  	s4 =	simm.s32 $0x4200  }
0x148: {  	[tilespmem:s4], [sflag:$0x1] =	stream.indirect_vreg.gather [hbm4b:s2+s3], $0x80, v3, vm0, $0xb8;
	[tilespmem:$0x18200] =	vst v63  }
0x149: {  	s4 =	simm.s32 $0x4A00  }
0x14a: {  	[tilespmem:s4], [sflag:$0x1] =	stream.indirect_vreg.gather [hbm4b:s5+s3], $0x80, v3, vm0, $0xb8;
	[tilespmem:$0x18200] =	vst v63  }
0x14b: {  	s4 =	simm.s32 $0x5200  }
0x14c: {  	[tilespmem:s4], [sflag:$0x1] =	stream.indirect_vreg.gather [hbm4b:s6+s3], $0x80, v3, vm0, $0xb8;
	[tilespmem:$0x18200] =	vst v63  }
0x14d: {  	s4 =	simm.s32 $0x5A00  }
0x14e: {  	[tilespmem:s4], [sflag:$0x1] =	stream.indirect_vreg.gather [hbm4b:s7+s3], $0x80, v3, vm0, $0xb8;
	[tilespmem:$0x18200] =	vst v63  }
0x14f: {  	s4 =	simm.s32 $0x6200  }
0x150: {  	[tilespmem:s4], [sflag:$0x1] =	stream.indirect_vreg.gather [hbm4b:s8+s3], $0x80, v3, vm0, $0xb8;
	[tilespmem:$0x18200] =	vst v63  }
0x151: {  	s4 =	simm.s32 $0x6A00  }
0x152: {  	[tilespmem:s4], [sflag:$0x1] =	stream.indirect_vreg.gather [hbm4b:s9+s3], $0x80, v3, vm0, $0xb8;
	[tilespmem:$0x18200] =	vst v63  }
0x153: {  	s4 =	simm.s32 $0x7200  }
0x154: {  	[tilespmem:s4], [sflag:$0x1] =	stream.indirect_vreg.gather [hbm4b:s10+s3], $0x80, v3, vm0, $0xb8;
	[tilespmem:$0x18200] =	vst v63  }
0x155: {  	s4 =	simm.s32 $0x7A00  }
0x156: {  	[tilespmem:s4], [sflag:$0x1] =	stream.indirect_vreg.gather [hbm4b:s11+s3], $0x80, v3, vm0, $0xb8;
	[tilespmem:$0x18200] =	vst v63  }
0x157: {  	_ =	swait.ge [sflag:s0], $0x8000  }
0x158: {  	[sflag:s0] =	ssyncset.done $0x0  }
0x159: {  	s4 =	rddreg [dreg:$0x9];
	[sflag:s0] =	ssyncadd.s32 $0xFFFF8000  }
0x15a: {  	[hbm4b:s4+s3] =	stream.linear.scatter [tilespmem:s26], [sflag:$0x6], $0x8000, $0x38;
	[tilespmem:$0x18200] =	vst v63  }
0x15b: {  	_ =	swait.ge [sflag:s1], $0x8000  }
0x15c: {  	[sflag:s1] =	ssyncset.done $0x0  }
0x15d: {  	[sflag:s1] =	ssyncadd.s32 $0xFFFF8000  }
0x15e: {  	v3 =	vld [tilespmem:$0x70];
	_ =	sdelay $0x4  }
0x15f: {  	v39 =	vshll.u32 v3, $0x4  }
0x160: {  	v3 =	vand.u32 $0x7, v3;
	v4 =	vand.u32 $0xFFFFFF80, v39  }
0x161: {  	v3 =	vor.u32 v3, v4  }
0x162: {  	v4 =	vperm.xlane v3, v0;
	_ =	sdelay $0x1  }
0x163: {  	v4 =	vadd.s32 v1, v4;
	_ =	sdelay $0x4  }
0x164: {  	[tilespmem:s31], [sflag:$0x2] =	stream.indirect_vreg.gather [hbm4b:s2+s3], $0x80, v4, vm0, $0xb8;
	[tilespmem:$0x18200] =	vst v63  }
0x165: {  	s12 =	simm.s32 $0x8A00  }
0x166: {  	[tilespmem:s12], [sflag:$0x2] =	stream.indirect_vreg.gather [hbm4b:s5+s3], $0x80, v4, vm0, $0xb8;
	[tilespmem:$0x18200] =	vst v63  }
0x167: {  	s15 =	simm.s32 $0x9200  }
0x168: {  	[tilespmem:s15], [sflag:$0x2] =	stream.indirect_vreg.gather [hbm4b:s6+s3], $0x80, v4, vm0, $0xb8;
	[tilespmem:$0x18200] =	vst v63  }
0x169: {  	s16 =	simm.s32 $0x9A00  }
0x16a: {  	[tilespmem:s16], [sflag:$0x2] =	stream.indirect_vreg.gather [hbm4b:s7+s3], $0x80, v4, vm0, $0xb8;
	[tilespmem:$0x18200] =	vst v63  }
0x16b: {  	s4 =	simm.s32 $0xA200  }
0x16c: {  	[tilespmem:s4], [sflag:$0x2] =	stream.indirect_vreg.gather [hbm4b:s8+s3], $0x80, v4, vm0, $0xb8;
	[tilespmem:$0x18200] =	vst v63  }
0x16d: {  	v3 =	vperm.xlane v3, v2;
	s4 =	simm.s32 $0xAA00  }
0x16e: {  	[tilespmem:s4], [sflag:$0x2] =	stream.indirect_vreg.gather [hbm4b:s9+s3], $0x80, v4, vm0, $0xb8;
	[tilespmem:$0x18200] =	vst v63  }
0x16f: {  	s17 =	simm.s32 $0xB200;
	v3 =	vadd.s32 v1, v3  }
0x170: {  	[tilespmem:s17], [sflag:$0x2] =	stream.indirect_vreg.gather [hbm4b:s10+s3], $0x80, v4, vm0, $0xb8;
	[tilespmem:$0x18200] =	vst v63  }
0x171: {  	s18 =	simm.s32 $0xBA00  }
0x172: {  	[tilespmem:s18], [sflag:$0x2] =	stream.indirect_vreg.gather [hbm4b:s11+s3], $0x80, v4, vm0, $0xb8;
	[tilespmem:$0x18200] =	vst v63  }
0x173: {  	s19 =	simm.s32 $0xC200  }
0x174: {  	[tilespmem:s19], [sflag:$0x2] =	stream.indirect_vreg.gather [hbm4b:s2+s3], $0x80, v3, vm0, $0xb8;
	[tilespmem:$0x18200] =	vst v63  }
0x175: {  	s20 =	simm.s32 $0xCA00  }
0x176: {  	[tilespmem:s20], [sflag:$0x2] =	stream.indirect_vreg.gather [hbm4b:s5+s3], $0x80, v3, vm0, $0xb8;
	[tilespmem:$0x18200] =	vst v63  }
0x177: {  	s21 =	simm.s32 $0xD200  }
0x178: {  	[tilespmem:s21], [sflag:$0x2] =	stream.indirect_vreg.gather [hbm4b:s6+s3], $0x80, v3, vm0, $0xb8;
	[tilespmem:$0x18200] =	vst v63  }
0x179: {  	s22 =	simm.s32 $0xDA00  }
0x17a: {  	[tilespmem:s22], [sflag:$0x2] =	stream.indirect_vreg.gather [hbm4b:s7+s3], $0x80, v3, vm0, $0xb8;
	[tilespmem:$0x18200] =	vst v63  }
0x17b: {  	s23 =	simm.s32 $0xE200  }
0x17c: {  	[tilespmem:s23], [sflag:$0x2] =	stream.indirect_vreg.gather [hbm4b:s8+s3], $0x80, v3, vm0, $0xb8;
	[tilespmem:$0x18200] =	vst v63  }
0x17d: {  	s24 =	simm.s32 $0xEA00  }
0x17e: {  	[tilespmem:s24], [sflag:$0x2] =	stream.indirect_vreg.gather [hbm4b:s9+s3], $0x80, v3, vm0, $0xb8;
	[tilespmem:$0x18200] =	vst v63  }
0x17f: {  	s25 =	simm.s32 $0xF200  }
0x180: {  	[tilespmem:s25], [sflag:$0x2] =	stream.indirect_vreg.gather [hbm4b:s10+s3], $0x80, v3, vm0, $0xb8;
	[tilespmem:$0x18200] =	vst v63  }
0x181: {  	s4 =	simm.s32 $0xFA00  }
0x182: {  	[tilespmem:s4], [sflag:$0x2] =	stream.indirect_vreg.gather [hbm4b:s11+s3], $0x80, v3, vm0, $0xb8;
	[tilespmem:$0x18200] =	vst v63  }
0x183: {  	_ =	swait.ge [sflag:s28], $0x8000  }
0x184: {  	[sflag:s28] =	ssyncset.done $0x0  }
0x185: {  	s4 =	rddreg [dreg:$0xa];
	[sflag:s28] =	ssyncadd.s32 $0xFFFF8000  }
0x186: {  	[hbm4b:s4+s3] =	stream.linear.scatter [tilespmem:s13], [sflag:$0x4], $0x8000, $0x38;
	[tilespmem:$0x18200] =	vst v63  }
0x187: {  	_ =	swait.ge [sflag:s14], $0x8000  }
0x188: {  	[sflag:s14] =	ssyncset.done $0x0  }
0x189: {  	[sflag:s14] =	ssyncadd.s32 $0xFFFF8000  }
0x18a: {  	v3 =	vld [tilespmem:$0x80];
	_ =	sdelay $0x4  }
0x18b: {  	v40 =	vshll.u32 v3, $0x4  }
0x18c: {  	v3 =	vand.u32 $0x7, v3;
	v4 =	vand.u32 $0xFFFFFF80, v40  }
0x18d: {  	v3 =	vor.u32 v3, v4  }
0x18e: {  	v4 =	vperm.xlane v3, v0;
	_ =	sdelay $0x1  }
0x18f: {  	v4 =	vadd.s32 v1, v4;
	_ =	sdelay $0x4  }
0x190: {  	[tilespmem:s26], [sflag:$0x3] =	stream.indirect_vreg.gather [hbm4b:s2+s3], $0x80, v4, vm0, $0xb8;
	[tilespmem:$0x18200] =	vst v63  }
0x191: {  	s4 =	simm.s32 $0x10A00  }
0x192: {  	[tilespmem:s4], [sflag:$0x3] =	stream.indirect_vreg.gather [hbm4b:s5+s3], $0x80, v4, vm0, $0xb8;
	[tilespmem:$0x18200] =	vst v63  }
0x193: {  	s4 =	simm.s32 $0x11200  }
0x194: {  	[tilespmem:s4], [sflag:$0x3] =	stream.indirect_vreg.gather [hbm4b:s6+s3], $0x80, v4, vm0, $0xb8;
	[tilespmem:$0x18200] =	vst v63  }
0x195: {  	s4 =	simm.s32 $0x11A00  }
0x196: {  	[tilespmem:s4], [sflag:$0x3] =	stream.indirect_vreg.gather [hbm4b:s7+s3], $0x80, v4, vm0, $0xb8;
	[tilespmem:$0x18200] =	vst v63  }
0x197: {  	s4 =	simm.s32 $0x12200  }
0x198: {  	[tilespmem:s4], [sflag:$0x3] =	stream.indirect_vreg.gather [hbm4b:s8+s3], $0x80, v4, vm0, $0xb8;
	[tilespmem:$0x18200] =	vst v63  }
0x199: {  	v3 =	vperm.xlane v3, v2;
	s4 =	simm.s32 $0x12A00  }
0x19a: {  	[tilespmem:s4], [sflag:$0x3] =	stream.indirect_vreg.gather [hbm4b:s9+s3], $0x80, v4, vm0, $0xb8;
	[tilespmem:$0x18200] =	vst v63  }
0x19b: {  	v3 =	vadd.s32 v1, v3;
	s4 =	simm.s32 $0x13200  }
0x19c: {  	[tilespmem:s4], [sflag:$0x3] =	stream.indirect_vreg.gather [hbm4b:s10+s3], $0x80, v4, vm0, $0xb8;
	[tilespmem:$0x18200] =	vst v63  }
0x19d: {  	s4 =	simm.s32 $0x13A00  }
0x19e: {  	[tilespmem:s4], [sflag:$0x3] =	stream.indirect_vreg.gather [hbm4b:s11+s3], $0x80, v4, vm0, $0xb8;
	[tilespmem:$0x18200] =	vst v63  }
0x19f: {  	s4 =	simm.s32 $0x14200  }
0x1a0: {  	[tilespmem:s4], [sflag:$0x3] =	stream.indirect_vreg.gather [hbm4b:s2+s3], $0x80, v3, vm0, $0xb8;
	[tilespmem:$0x18200] =	vst v63  }
0x1a1: {  	s4 =	simm.s32 $0x14A00  }
0x1a2: {  	[tilespmem:s4], [sflag:$0x3] =	stream.indirect_vreg.gather [hbm4b:s5+s3], $0x80, v3, vm0, $0xb8;
	[tilespmem:$0x18200] =	vst v63  }
0x1a3: {  	s4 =	simm.s32 $0x15200  }
0x1a4: {  	[tilespmem:s4], [sflag:$0x3] =	stream.indirect_vreg.gather [hbm4b:s6+s3], $0x80, v3, vm0, $0xb8;
	[tilespmem:$0x18200] =	vst v63  }
0x1a5: {  	s4 =	simm.s32 $0x15A00  }
0x1a6: {  	[tilespmem:s4], [sflag:$0x3] =	stream.indirect_vreg.gather [hbm4b:s7+s3], $0x80, v3, vm0, $0xb8;
	[tilespmem:$0x18200] =	vst v63  }
0x1a7: {  	s4 =	simm.s32 $0x16200  }
0x1a8: {  	[tilespmem:s4], [sflag:$0x3] =	stream.indirect_vreg.gather [hbm4b:s8+s3], $0x80, v3, vm0, $0xb8;
	[tilespmem:$0x18200] =	vst v63  }
0x1a9: {  	s4 =	simm.s32 $0x16A00  }
0x1aa: {  	[tilespmem:s4], [sflag:$0x3] =	stream.indirect_vreg.gather [hbm4b:s9+s3], $0x80, v3, vm0, $0xb8;
	[tilespmem:$0x18200] =	vst v63  }
0x1ab: {  	s4 =	simm.s32 $0x17200  }
0x1ac: {  	[tilespmem:s4], [sflag:$0x3] =	stream.indirect_vreg.gather [hbm4b:s10+s3], $0x80, v3, vm0, $0xb8;
	[tilespmem:$0x18200] =	vst v63  }
0x1ad: {  	s4 =	simm.s32 $0x17A00  }
0x1ae: {  	[tilespmem:s4], [sflag:$0x3] =	stream.indirect_vreg.gather [hbm4b:s11+s3], $0x80, v3, vm0, $0xb8;
	[tilespmem:$0x18200] =	vst v63  }
0x1af: {  	_ =	swait.ge [sflag:s29], $0x8000  }
0x1b0: {  	[sflag:s29] =	ssyncset.done $0x0  }
0x1b1: {  	s4 =	rddreg [dreg:$0xb];
	[sflag:s29] =	ssyncadd.s32 $0xFFFF8000  }
0x1b2: {  	[hbm4b:s4+s3] =	stream.linear.scatter [tilespmem:s31], [sflag:$0x5], $0x8000, $0x38;
	[tilespmem:$0x18200] =	vst v63  }
0x1b3: {  	_ =	swait.ge [sflag:s30], $0x8000  }
0x1b4: {  	[sflag:s30] =	ssyncset.done $0x0  }
0x1b5: {  	[sflag:s30] =	ssyncadd.s32 $0xFFFF8000  }
0x1b6: {  	v3 =	vld [tilespmem:$0x90];
	_ =	sdelay $0x4  }
0x1b7: {  	v41 =	vshll.u32 v3, $0x4  }
0x1b8: {  	v3 =	vand.u32 $0x7, v3;
	v4 =	vand.u32 $0xFFFFFF80, v41  }
0x1b9: {  	v3 =	vor.u32 v3, v4  }
0x1ba: {  	v4 =	vperm.xlane v3, v0;
	_ =	sdelay $0x1  }
0x1bb: {  	v4 =	vadd.s32 v1, v4;
	_ =	sdelay $0x4  }
0x1bc: {  	[tilespmem:s13], [sflag:$0x1] =	stream.indirect_vreg.gather [hbm4b:s2+s3], $0x80, v4, vm0, $0xb8;
	[tilespmem:$0x18200] =	vst v63  }
0x1bd: {  	s4 =	simm.s32 $0xA00  }
0x1be: {  	[tilespmem:s4], [sflag:$0x1] =	stream.indirect_vreg.gather [hbm4b:s5+s3], $0x80, v4, vm0, $0xb8;
	[tilespmem:$0x18200] =	vst v63  }
0x1bf: {  	s4 =	simm.s32 $0x1200  }
0x1c0: {  	[tilespmem:s4], [sflag:$0x1] =	stream.indirect_vreg.gather [hbm4b:s6+s3], $0x80, v4, vm0, $0xb8;
	[tilespmem:$0x18200] =	vst v63  }
0x1c1: {  	s4 =	simm.s32 $0x1A00  }
0x1c2: {  	[tilespmem:s4], [sflag:$0x1] =	stream.indirect_vreg.gather [hbm4b:s7+s3], $0x80, v4, vm0, $0xb8;
	[tilespmem:$0x18200] =	vst v63  }
0x1c3: {  	s4 =	simm.s32 $0x2200  }
0x1c4: {  	[tilespmem:s4], [sflag:$0x1] =	stream.indirect_vreg.gather [hbm4b:s8+s3], $0x80, v4, vm0, $0xb8;
	[tilespmem:$0x18200] =	vst v63  }
0x1c5: {  	v3 =	vperm.xlane v3, v2;
	s4 =	simm.s32 $0x2A00  }
0x1c6: {  	[tilespmem:s4], [sflag:$0x1] =	stream.indirect_vreg.gather [hbm4b:s9+s3], $0x80, v4, vm0, $0xb8;
	[tilespmem:$0x18200] =	vst v63  }
0x1c7: {  	v3 =	vadd.s32 v1, v3;
	s4 =	simm.s32 $0x3200  }
0x1c8: {  	[tilespmem:s4], [sflag:$0x1] =	stream.indirect_vreg.gather [hbm4b:s10+s3], $0x80, v4, vm0, $0xb8;
	[tilespmem:$0x18200] =	vst v63  }
0x1c9: {  	s4 =	simm.s32 $0x3A00  }
0x1ca: {  	[tilespmem:s4], [sflag:$0x1] =	stream.indirect_vreg.gather [hbm4b:s11+s3], $0x80, v4, vm0, $0xb8;
	[tilespmem:$0x18200] =	vst v63  }
0x1cb: {  	s4 =	simm.s32 $0x4200  }
0x1cc: {  	[tilespmem:s4], [sflag:$0x1] =	stream.indirect_vreg.gather [hbm4b:s2+s3], $0x80, v3, vm0, $0xb8;
	[tilespmem:$0x18200] =	vst v63  }
0x1cd: {  	s4 =	simm.s32 $0x4A00  }
0x1ce: {  	[tilespmem:s4], [sflag:$0x1] =	stream.indirect_vreg.gather [hbm4b:s5+s3], $0x80, v3, vm0, $0xb8;
	[tilespmem:$0x18200] =	vst v63  }
0x1cf: {  	s4 =	simm.s32 $0x5200  }
0x1d0: {  	[tilespmem:s4], [sflag:$0x1] =	stream.indirect_vreg.gather [hbm4b:s6+s3], $0x80, v3, vm0, $0xb8;
	[tilespmem:$0x18200] =	vst v63  }
0x1d1: {  	s4 =	simm.s32 $0x5A00  }
0x1d2: {  	[tilespmem:s4], [sflag:$0x1] =	stream.indirect_vreg.gather [hbm4b:s7+s3], $0x80, v3, vm0, $0xb8;
	[tilespmem:$0x18200] =	vst v63  }
0x1d3: {  	s4 =	simm.s32 $0x6200  }
0x1d4: {  	[tilespmem:s4], [sflag:$0x1] =	stream.indirect_vreg.gather [hbm4b:s8+s3], $0x80, v3, vm0, $0xb8;
	[tilespmem:$0x18200] =	vst v63  }
0x1d5: {  	s4 =	simm.s32 $0x6A00  }
0x1d6: {  	[tilespmem:s4], [sflag:$0x1] =	stream.indirect_vreg.gather [hbm4b:s9+s3], $0x80, v3, vm0, $0xb8;
	[tilespmem:$0x18200] =	vst v63  }
0x1d7: {  	s4 =	simm.s32 $0x7200  }
0x1d8: {  	[tilespmem:s4], [sflag:$0x1] =	stream.indirect_vreg.gather [hbm4b:s10+s3], $0x80, v3, vm0, $0xb8;
	[tilespmem:$0x18200] =	vst v63  }
0x1d9: {  	s4 =	simm.s32 $0x7A00  }
0x1da: {  	[tilespmem:s4], [sflag:$0x1] =	stream.indirect_vreg.gather [hbm4b:s11+s3], $0x80, v3, vm0, $0xb8;
	[tilespmem:$0x18200] =	vst v63  }
0x1db: {  	_ =	swait.ge [sflag:s0], $0x8000  }
0x1dc: {  	[sflag:s0] =	ssyncset.done $0x0  }
0x1dd: {  	s4 =	rddreg [dreg:$0xc];
	[sflag:s0] =	ssyncadd.s32 $0xFFFF8000  }
0x1de: {  	[hbm4b:s4+s3] =	stream.linear.scatter [tilespmem:s26], [sflag:$0x6], $0x8000, $0x38;
	[tilespmem:$0x18200] =	vst v63  }
0x1df: {  	_ =	swait.ge [sflag:s1], $0x8000  }
0x1e0: {  	[sflag:s1] =	ssyncset.done $0x0  }
0x1e1: {  	[sflag:s1] =	ssyncadd.s32 $0xFFFF8000  }
0x1e2: {  	v3 =	vld [tilespmem:$0xA0];
	_ =	sdelay $0x4  }
0x1e3: {  	v42 =	vshll.u32 v3, $0x4  }
0x1e4: {  	v3 =	vand.u32 $0x7, v3;
	v4 =	vand.u32 $0xFFFFFF80, v42  }
0x1e5: {  	v3 =	vor.u32 v3, v4  }
0x1e6: {  	v4 =	vperm.xlane v3, v0;
	_ =	sdelay $0x1  }
0x1e7: {  	v4 =	vadd.s32 v1, v4;
	_ =	sdelay $0x4  }
0x1e8: {  	[tilespmem:s31], [sflag:$0x2] =	stream.indirect_vreg.gather [hbm4b:s2+s3], $0x80, v4, vm0, $0xb8;
	[tilespmem:$0x18200] =	vst v63  }
0x1e9: {  	s12 =	simm.s32 $0x8A00  }
0x1ea: {  	[tilespmem:s12], [sflag:$0x2] =	stream.indirect_vreg.gather [hbm4b:s5+s3], $0x80, v4, vm0, $0xb8;
	[tilespmem:$0x18200] =	vst v63  }
0x1eb: {  	s15 =	simm.s32 $0x9200  }
0x1ec: {  	[tilespmem:s15], [sflag:$0x2] =	stream.indirect_vreg.gather [hbm4b:s6+s3], $0x80, v4, vm0, $0xb8;
	[tilespmem:$0x18200] =	vst v63  }
0x1ed: {  	s16 =	simm.s32 $0x9A00  }
0x1ee: {  	[tilespmem:s16], [sflag:$0x2] =	stream.indirect_vreg.gather [hbm4b:s7+s3], $0x80, v4, vm0, $0xb8;
	[tilespmem:$0x18200] =	vst v63  }
0x1ef: {  	s4 =	simm.s32 $0xA200  }
0x1f0: {  	[tilespmem:s4], [sflag:$0x2] =	stream.indirect_vreg.gather [hbm4b:s8+s3], $0x80, v4, vm0, $0xb8;
	[tilespmem:$0x18200] =	vst v63  }
0x1f1: {  	v3 =	vperm.xlane v3, v2;
	s4 =	simm.s32 $0xAA00  }
0x1f2: {  	[tilespmem:s4], [sflag:$0x2] =	stream.indirect_vreg.gather [hbm4b:s9+s3], $0x80, v4, vm0, $0xb8;
	[tilespmem:$0x18200] =	vst v63  }
0x1f3: {  	s17 =	simm.s32 $0xB200;
	v3 =	vadd.s32 v1, v3  }
0x1f4: {  	[tilespmem:s17], [sflag:$0x2] =	stream.indirect_vreg.gather [hbm4b:s10+s3], $0x80, v4, vm0, $0xb8;
	[tilespmem:$0x18200] =	vst v63  }
0x1f5: {  	s18 =	simm.s32 $0xBA00  }
0x1f6: {  	[tilespmem:s18], [sflag:$0x2] =	stream.indirect_vreg.gather [hbm4b:s11+s3], $0x80, v4, vm0, $0xb8;
	[tilespmem:$0x18200] =	vst v63  }
0x1f7: {  	s19 =	simm.s32 $0xC200  }
0x1f8: {  	[tilespmem:s19], [sflag:$0x2] =	stream.indirect_vreg.gather [hbm4b:s2+s3], $0x80, v3, vm0, $0xb8;
	[tilespmem:$0x18200] =	vst v63  }
0x1f9: {  	s20 =	simm.s32 $0xCA00  }
0x1fa: {  	[tilespmem:s20], [sflag:$0x2] =	stream.indirect_vreg.gather [hbm4b:s5+s3], $0x80, v3, vm0, $0xb8;
	[tilespmem:$0x18200] =	vst v63  }
0x1fb: {  	s21 =	simm.s32 $0xD200  }
0x1fc: {  	[tilespmem:s21], [sflag:$0x2] =	stream.indirect_vreg.gather [hbm4b:s6+s3], $0x80, v3, vm0, $0xb8;
	[tilespmem:$0x18200] =	vst v63  }
0x1fd: {  	s22 =	simm.s32 $0xDA00  }
0x1fe: {  	[tilespmem:s22], [sflag:$0x2] =	stream.indirect_vreg.gather [hbm4b:s7+s3], $0x80, v3, vm0, $0xb8;
	[tilespmem:$0x18200] =	vst v63  }
0x1ff: {  	s23 =	simm.s32 $0xE200  }
0x200: {  	[tilespmem:s23], [sflag:$0x2] =	stream.indirect_vreg.gather [hbm4b:s8+s3], $0x80, v3, vm0, $0xb8;
	[tilespmem:$0x18200] =	vst v63  }
0x201: {  	s24 =	simm.s32 $0xEA00  }
0x202: {  	[tilespmem:s24], [sflag:$0x2] =	stream.indirect_vreg.gather [hbm4b:s9+s3], $0x80, v3, vm0, $0xb8;
	[tilespmem:$0x18200] =	vst v63  }
0x203: {  	s25 =	simm.s32 $0xF200  }
0x204: {  	[tilespmem:s25], [sflag:$0x2] =	stream.indirect_vreg.gather [hbm4b:s10+s3], $0x80, v3, vm0, $0xb8;
	[tilespmem:$0x18200] =	vst v63  }
0x205: {  	s4 =	simm.s32 $0xFA00  }
0x206: {  	[tilespmem:s4], [sflag:$0x2] =	stream.indirect_vreg.gather [hbm4b:s11+s3], $0x80, v3, vm0, $0xb8;
	[tilespmem:$0x18200] =	vst v63  }
0x207: {  	_ =	swait.ge [sflag:s28], $0x8000  }
0x208: {  	[sflag:s28] =	ssyncset.done $0x0  }
0x209: {  	s4 =	rddreg [dreg:$0xd];
	[sflag:s28] =	ssyncadd.s32 $0xFFFF8000  }
0x20a: {  	[hbm4b:s4+s3] =	stream.linear.scatter [tilespmem:s13], [sflag:$0x4], $0x8000, $0x38;
	[tilespmem:$0x18200] =	vst v63  }
0x20b: {  	_ =	swait.ge [sflag:s14], $0x8000  }
0x20c: {  	[sflag:s14] =	ssyncset.done $0x0  }
0x20d: {  	[sflag:s14] =	ssyncadd.s32 $0xFFFF8000  }
0x20e: {  	v3 =	vld [tilespmem:$0xB0];
	_ =	sdelay $0x4  }
0x20f: {  	v43 =	vshll.u32 v3, $0x4  }
0x210: {  	v3 =	vand.u32 $0x7, v3;
	v4 =	vand.u32 $0xFFFFFF80, v43  }
0x211: {  	v3 =	vor.u32 v3, v4  }
0x212: {  	v4 =	vperm.xlane v3, v0;
	_ =	sdelay $0x1  }
0x213: {  	v4 =	vadd.s32 v1, v4;
	_ =	sdelay $0x4  }
0x214: {  	[tilespmem:s26], [sflag:$0x3] =	stream.indirect_vreg.gather [hbm4b:s2+s3], $0x80, v4, vm0, $0xb8;
	[tilespmem:$0x18200] =	vst v63  }
0x215: {  	s4 =	simm.s32 $0x10A00  }
0x216: {  	[tilespmem:s4], [sflag:$0x3] =	stream.indirect_vreg.gather [hbm4b:s5+s3], $0x80, v4, vm0, $0xb8;
	[tilespmem:$0x18200] =	vst v63  }
0x217: {  	s4 =	simm.s32 $0x11200  }
0x218: {  	[tilespmem:s4], [sflag:$0x3] =	stream.indirect_vreg.gather [hbm4b:s6+s3], $0x80, v4, vm0, $0xb8;
	[tilespmem:$0x18200] =	vst v63  }
0x219: {  	s4 =	simm.s32 $0x11A00  }
0x21a: {  	[tilespmem:s4], [sflag:$0x3] =	stream.indirect_vreg.gather [hbm4b:s7+s3], $0x80, v4, vm0, $0xb8;
	[tilespmem:$0x18200] =	vst v63  }
0x21b: {  	s4 =	simm.s32 $0x12200  }
0x21c: {  	[tilespmem:s4], [sflag:$0x3] =	stream.indirect_vreg.gather [hbm4b:s8+s3], $0x80, v4, vm0, $0xb8;
	[tilespmem:$0x18200] =	vst v63  }
0x21d: {  	v3 =	vperm.xlane v3, v2;
	s4 =	simm.s32 $0x12A00  }
0x21e: {  	[tilespmem:s4], [sflag:$0x3] =	stream.indirect_vreg.gather [hbm4b:s9+s3], $0x80, v4, vm0, $0xb8;
	[tilespmem:$0x18200] =	vst v63  }
0x21f: {  	v3 =	vadd.s32 v1, v3;
	s4 =	simm.s32 $0x13200  }
0x220: {  	[tilespmem:s4], [sflag:$0x3] =	stream.indirect_vreg.gather [hbm4b:s10+s3], $0x80, v4, vm0, $0xb8;
	[tilespmem:$0x18200] =	vst v63  }
0x221: {  	s4 =	simm.s32 $0x13A00  }
0x222: {  	[tilespmem:s4], [sflag:$0x3] =	stream.indirect_vreg.gather [hbm4b:s11+s3], $0x80, v4, vm0, $0xb8;
	[tilespmem:$0x18200] =	vst v63  }
0x223: {  	s4 =	simm.s32 $0x14200  }
0x224: {  	[tilespmem:s4], [sflag:$0x3] =	stream.indirect_vreg.gather [hbm4b:s2+s3], $0x80, v3, vm0, $0xb8;
	[tilespmem:$0x18200] =	vst v63  }
0x225: {  	s4 =	simm.s32 $0x14A00  }
0x226: {  	[tilespmem:s4], [sflag:$0x3] =	stream.indirect_vreg.gather [hbm4b:s5+s3], $0x80, v3, vm0, $0xb8;
	[tilespmem:$0x18200] =	vst v63  }
0x227: {  	s4 =	simm.s32 $0x15200  }
0x228: {  	[tilespmem:s4], [sflag:$0x3] =	stream.indirect_vreg.gather [hbm4b:s6+s3], $0x80, v3, vm0, $0xb8;
	[tilespmem:$0x18200] =	vst v63  }
0x229: {  	s4 =	simm.s32 $0x15A00  }
0x22a: {  	[tilespmem:s4], [sflag:$0x3] =	stream.indirect_vreg.gather [hbm4b:s7+s3], $0x80, v3, vm0, $0xb8;
	[tilespmem:$0x18200] =	vst v63  }
0x22b: {  	s4 =	simm.s32 $0x16200  }
0x22c: {  	[tilespmem:s4], [sflag:$0x3] =	stream.indirect_vreg.gather [hbm4b:s8+s3], $0x80, v3, vm0, $0xb8;
	[tilespmem:$0x18200] =	vst v63  }
0x22d: {  	s4 =	simm.s32 $0x16A00  }
0x22e: {  	[tilespmem:s4], [sflag:$0x3] =	stream.indirect_vreg.gather [hbm4b:s9+s3], $0x80, v3, vm0, $0xb8;
	[tilespmem:$0x18200] =	vst v63  }
0x22f: {  	s4 =	simm.s32 $0x17200  }
0x230: {  	[tilespmem:s4], [sflag:$0x3] =	stream.indirect_vreg.gather [hbm4b:s10+s3], $0x80, v3, vm0, $0xb8;
	[tilespmem:$0x18200] =	vst v63  }
0x231: {  	s4 =	simm.s32 $0x17A00  }
0x232: {  	[tilespmem:s4], [sflag:$0x3] =	stream.indirect_vreg.gather [hbm4b:s11+s3], $0x80, v3, vm0, $0xb8;
	[tilespmem:$0x18200] =	vst v63  }
0x233: {  	_ =	swait.ge [sflag:s29], $0x8000  }
0x234: {  	[sflag:s29] =	ssyncset.done $0x0  }
0x235: {  	s4 =	rddreg [dreg:$0xe];
	[sflag:s29] =	ssyncadd.s32 $0xFFFF8000  }
0x236: {  	[hbm4b:s4+s3] =	stream.linear.scatter [tilespmem:s31], [sflag:$0x5], $0x8000, $0x38;
	[tilespmem:$0x18200] =	vst v63  }
0x237: {  	_ =	swait.ge [sflag:s30], $0x8000  }
0x238: {  	[sflag:s30] =	ssyncset.done $0x0  }
0x239: {  	[sflag:s30] =	ssyncadd.s32 $0xFFFF8000  }
0x23a: {  	v3 =	vld [tilespmem:$0xC0];
	_ =	sdelay $0x4  }
0x23b: {  	v44 =	vshll.u32 v3, $0x4  }
0x23c: {  	v3 =	vand.u32 $0x7, v3;
	v4 =	vand.u32 $0xFFFFFF80, v44  }
0x23d: {  	v3 =	vor.u32 v3, v4  }
0x23e: {  	v4 =	vperm.xlane v3, v0;
	_ =	sdelay $0x1  }
0x23f: {  	v4 =	vadd.s32 v1, v4;
	_ =	sdelay $0x4  }
0x240: {  	[tilespmem:s13], [sflag:$0x1] =	stream.indirect_vreg.gather [hbm4b:s2+s3], $0x80, v4, vm0, $0xb8;
	[tilespmem:$0x18200] =	vst v63  }
0x241: {  	s4 =	simm.s32 $0xA00  }
0x242: {  	[tilespmem:s4], [sflag:$0x1] =	stream.indirect_vreg.gather [hbm4b:s5+s3], $0x80, v4, vm0, $0xb8;
	[tilespmem:$0x18200] =	vst v63  }
0x243: {  	s4 =	simm.s32 $0x1200  }
0x244: {  	[tilespmem:s4], [sflag:$0x1] =	stream.indirect_vreg.gather [hbm4b:s6+s3], $0x80, v4, vm0, $0xb8;
	[tilespmem:$0x18200] =	vst v63  }
0x245: {  	s4 =	simm.s32 $0x1A00  }
0x246: {  	[tilespmem:s4], [sflag:$0x1] =	stream.indirect_vreg.gather [hbm4b:s7+s3], $0x80, v4, vm0, $0xb8;
	[tilespmem:$0x18200] =	vst v63  }
0x247: {  	s4 =	simm.s32 $0x2200  }
0x248: {  	[tilespmem:s4], [sflag:$0x1] =	stream.indirect_vreg.gather [hbm4b:s8+s3], $0x80, v4, vm0, $0xb8;
	[tilespmem:$0x18200] =	vst v63  }
0x249: {  	v3 =	vperm.xlane v3, v2;
	s4 =	simm.s32 $0x2A00  }
0x24a: {  	[tilespmem:s4], [sflag:$0x1] =	stream.indirect_vreg.gather [hbm4b:s9+s3], $0x80, v4, vm0, $0xb8;
	[tilespmem:$0x18200] =	vst v63  }
0x24b: {  	v3 =	vadd.s32 v1, v3;
	s4 =	simm.s32 $0x3200  }
0x24c: {  	[tilespmem:s4], [sflag:$0x1] =	stream.indirect_vreg.gather [hbm4b:s10+s3], $0x80, v4, vm0, $0xb8;
	[tilespmem:$0x18200] =	vst v63  }
0x24d: {  	s4 =	simm.s32 $0x3A00  }
0x24e: {  	[tilespmem:s4], [sflag:$0x1] =	stream.indirect_vreg.gather [hbm4b:s11+s3], $0x80, v4, vm0, $0xb8;
	[tilespmem:$0x18200] =	vst v63  }
0x24f: {  	s4 =	simm.s32 $0x4200  }
0x250: {  	[tilespmem:s4], [sflag:$0x1] =	stream.indirect_vreg.gather [hbm4b:s2+s3], $0x80, v3, vm0, $0xb8;
	[tilespmem:$0x18200] =	vst v63  }
0x251: {  	s4 =	simm.s32 $0x4A00  }
0x252: {  	[tilespmem:s4], [sflag:$0x1] =	stream.indirect_vreg.gather [hbm4b:s5+s3], $0x80, v3, vm0, $0xb8;
	[tilespmem:$0x18200] =	vst v63  }
0x253: {  	s4 =	simm.s32 $0x5200  }
0x254: {  	[tilespmem:s4], [sflag:$0x1] =	stream.indirect_vreg.gather [hbm4b:s6+s3], $0x80, v3, vm0, $0xb8;
	[tilespmem:$0x18200] =	vst v63  }
0x255: {  	s4 =	simm.s32 $0x5A00  }
0x256: {  	[tilespmem:s4], [sflag:$0x1] =	stream.indirect_vreg.gather [hbm4b:s7+s3], $0x80, v3, vm0, $0xb8;
	[tilespmem:$0x18200] =	vst v63  }
0x257: {  	s4 =	simm.s32 $0x6200  }
0x258: {  	[tilespmem:s4], [sflag:$0x1] =	stream.indirect_vreg.gather [hbm4b:s8+s3], $0x80, v3, vm0, $0xb8;
	[tilespmem:$0x18200] =	vst v63  }
0x259: {  	s4 =	simm.s32 $0x6A00  }
0x25a: {  	[tilespmem:s4], [sflag:$0x1] =	stream.indirect_vreg.gather [hbm4b:s9+s3], $0x80, v3, vm0, $0xb8;
	[tilespmem:$0x18200] =	vst v63  }
0x25b: {  	s4 =	simm.s32 $0x7200  }
0x25c: {  	[tilespmem:s4], [sflag:$0x1] =	stream.indirect_vreg.gather [hbm4b:s10+s3], $0x80, v3, vm0, $0xb8;
	[tilespmem:$0x18200] =	vst v63  }
0x25d: {  	s4 =	simm.s32 $0x7A00  }
0x25e: {  	[tilespmem:s4], [sflag:$0x1] =	stream.indirect_vreg.gather [hbm4b:s11+s3], $0x80, v3, vm0, $0xb8;
	[tilespmem:$0x18200] =	vst v63  }
0x25f: {  	_ =	swait.ge [sflag:s0], $0x8000  }
0x260: {  	[sflag:s0] =	ssyncset.done $0x0  }
0x261: {  	s4 =	rddreg [dreg:$0xf];
	[sflag:s0] =	ssyncadd.s32 $0xFFFF8000  }
0x262: {  	[hbm4b:s4+s3] =	stream.linear.scatter [tilespmem:s26], [sflag:$0x6], $0x8000, $0x38;
	[tilespmem:$0x18200] =	vst v63  }
0x263: {  	_ =	swait.ge [sflag:s1], $0x8000  }
0x264: {  	[sflag:s1] =	ssyncset.done $0x0  }
0x265: {  	[sflag:s1] =	ssyncadd.s32 $0xFFFF8000  }
0x266: {  	v3 =	vld [tilespmem:$0xD0];
	_ =	sdelay $0x4  }
0x267: {  	v45 =	vshll.u32 v3, $0x4  }
0x268: {  	v3 =	vand.u32 $0x7, v3;
	v4 =	vand.u32 $0xFFFFFF80, v45  }
0x269: {  	v3 =	vor.u32 v3, v4  }
0x26a: {  	v4 =	vperm.xlane v3, v0;
	_ =	sdelay $0x1  }
0x26b: {  	v4 =	vadd.s32 v1, v4;
	_ =	sdelay $0x4  }
0x26c: {  	[tilespmem:s31], [sflag:$0x2] =	stream.indirect_vreg.gather [hbm4b:s2+s3], $0x80, v4, vm0, $0xb8;
	[tilespmem:$0x18200] =	vst v63  }
0x26d: {  	s12 =	simm.s32 $0x8A00  }
0x26e: {  	[tilespmem:s12], [sflag:$0x2] =	stream.indirect_vreg.gather [hbm4b:s5+s3], $0x80, v4, vm0, $0xb8;
	[tilespmem:$0x18200] =	vst v63  }
0x26f: {  	s15 =	simm.s32 $0x9200  }
0x270: {  	[tilespmem:s15], [sflag:$0x2] =	stream.indirect_vreg.gather [hbm4b:s6+s3], $0x80, v4, vm0, $0xb8;
	[tilespmem:$0x18200] =	vst v63  }
0x271: {  	s16 =	simm.s32 $0x9A00  }
0x272: {  	[tilespmem:s16], [sflag:$0x2] =	stream.indirect_vreg.gather [hbm4b:s7+s3], $0x80, v4, vm0, $0xb8;
	[tilespmem:$0x18200] =	vst v63  }
0x273: {  	s4 =	simm.s32 $0xA200  }
0x274: {  	[tilespmem:s4], [sflag:$0x2] =	stream.indirect_vreg.gather [hbm4b:s8+s3], $0x80, v4, vm0, $0xb8;
	[tilespmem:$0x18200] =	vst v63  }
0x275: {  	v3 =	vperm.xlane v3, v2;
	s4 =	simm.s32 $0xAA00  }
0x276: {  	[tilespmem:s4], [sflag:$0x2] =	stream.indirect_vreg.gather [hbm4b:s9+s3], $0x80, v4, vm0, $0xb8;
	[tilespmem:$0x18200] =	vst v63  }
0x277: {  	s17 =	simm.s32 $0xB200;
	v3 =	vadd.s32 v1, v3  }
0x278: {  	[tilespmem:s17], [sflag:$0x2] =	stream.indirect_vreg.gather [hbm4b:s10+s3], $0x80, v4, vm0, $0xb8;
	[tilespmem:$0x18200] =	vst v63  }
0x279: {  	s18 =	simm.s32 $0xBA00  }
0x27a: {  	[tilespmem:s18], [sflag:$0x2] =	stream.indirect_vreg.gather [hbm4b:s11+s3], $0x80, v4, vm0, $0xb8;
	[tilespmem:$0x18200] =	vst v63  }
0x27b: {  	s19 =	simm.s32 $0xC200  }
0x27c: {  	[tilespmem:s19], [sflag:$0x2] =	stream.indirect_vreg.gather [hbm4b:s2+s3], $0x80, v3, vm0, $0xb8;
	[tilespmem:$0x18200] =	vst v63  }
0x27d: {  	s20 =	simm.s32 $0xCA00  }
0x27e: {  	[tilespmem:s20], [sflag:$0x2] =	stream.indirect_vreg.gather [hbm4b:s5+s3], $0x80, v3, vm0, $0xb8;
	[tilespmem:$0x18200] =	vst v63  }
0x27f: {  	s21 =	simm.s32 $0xD200  }
0x280: {  	[tilespmem:s21], [sflag:$0x2] =	stream.indirect_vreg.gather [hbm4b:s6+s3], $0x80, v3, vm0, $0xb8;
	[tilespmem:$0x18200] =	vst v63  }
0x281: {  	s22 =	simm.s32 $0xDA00  }
0x282: {  	[tilespmem:s22], [sflag:$0x2] =	stream.indirect_vreg.gather [hbm4b:s7+s3], $0x80, v3, vm0, $0xb8;
	[tilespmem:$0x18200] =	vst v63  }
0x283: {  	s23 =	simm.s32 $0xE200  }
0x284: {  	[tilespmem:s23], [sflag:$0x2] =	stream.indirect_vreg.gather [hbm4b:s8+s3], $0x80, v3, vm0, $0xb8;
	[tilespmem:$0x18200] =	vst v63  }
0x285: {  	s24 =	simm.s32 $0xEA00  }
0x286: {  	[tilespmem:s24], [sflag:$0x2] =	stream.indirect_vreg.gather [hbm4b:s9+s3], $0x80, v3, vm0, $0xb8;
	[tilespmem:$0x18200] =	vst v63  }
0x287: {  	s25 =	simm.s32 $0xF200  }
0x288: {  	[tilespmem:s25], [sflag:$0x2] =	stream.indirect_vreg.gather [hbm4b:s10+s3], $0x80, v3, vm0, $0xb8;
	[tilespmem:$0x18200] =	vst v63  }
0x289: {  	s4 =	simm.s32 $0xFA00  }
0x28a: {  	[tilespmem:s4], [sflag:$0x2] =	stream.indirect_vreg.gather [hbm4b:s11+s3], $0x80, v3, vm0, $0xb8;
	[tilespmem:$0x18200] =	vst v63  }
0x28b: {  	_ =	swait.ge [sflag:s28], $0x8000  }
0x28c: {  	[sflag:s28] =	ssyncset.done $0x0  }
0x28d: {  	s4 =	rddreg [dreg:$0x10];
	[sflag:s28] =	ssyncadd.s32 $0xFFFF8000  }
0x28e: {  	[hbm4b:s4+s3] =	stream.linear.scatter [tilespmem:s13], [sflag:$0x4], $0x8000, $0x38;
	[tilespmem:$0x18200] =	vst v63  }
0x28f: {  	_ =	swait.ge [sflag:s14], $0x8000  }
0x290: {  	[sflag:s14] =	ssyncset.done $0x0  }
0x291: {  	[sflag:s14] =	ssyncadd.s32 $0xFFFF8000  }
0x292: {  	v3 =	vld [tilespmem:$0xE0];
	_ =	sdelay $0x4  }
0x293: {  	v46 =	vshll.u32 v3, $0x4  }
0x294: {  	v3 =	vand.u32 $0x7, v3;
	v4 =	vand.u32 $0xFFFFFF80, v46  }
0x295: {  	v3 =	vor.u32 v3, v4  }
0x296: {  	v4 =	vperm.xlane v3, v0;
	_ =	sdelay $0x1  }
0x297: {  	v4 =	vadd.s32 v1, v4;
	_ =	sdelay $0x4  }
0x298: {  	[tilespmem:s26], [sflag:$0x3] =	stream.indirect_vreg.gather [hbm4b:s2+s3], $0x80, v4, vm0, $0xb8;
	[tilespmem:$0x18200] =	vst v63  }
0x299: {  	s4 =	simm.s32 $0x10A00  }
0x29a: {  	[tilespmem:s4], [sflag:$0x3] =	stream.indirect_vreg.gather [hbm4b:s5+s3], $0x80, v4, vm0, $0xb8;
	[tilespmem:$0x18200] =	vst v63  }
0x29b: {  	s4 =	simm.s32 $0x11200  }
0x29c: {  	[tilespmem:s4], [sflag:$0x3] =	stream.indirect_vreg.gather [hbm4b:s6+s3], $0x80, v4, vm0, $0xb8;
	[tilespmem:$0x18200] =	vst v63  }
0x29d: {  	s4 =	simm.s32 $0x11A00  }
0x29e: {  	[tilespmem:s4], [sflag:$0x3] =	stream.indirect_vreg.gather [hbm4b:s7+s3], $0x80, v4, vm0, $0xb8;
	[tilespmem:$0x18200] =	vst v63  }
0x29f: {  	s4 =	simm.s32 $0x12200  }
0x2a0: {  	[tilespmem:s4], [sflag:$0x3] =	stream.indirect_vreg.gather [hbm4b:s8+s3], $0x80, v4, vm0, $0xb8;
	[tilespmem:$0x18200] =	vst v63  }
0x2a1: {  	v3 =	vperm.xlane v3, v2;
	s4 =	simm.s32 $0x12A00  }
0x2a2: {  	[tilespmem:s4], [sflag:$0x3] =	stream.indirect_vreg.gather [hbm4b:s9+s3], $0x80, v4, vm0, $0xb8;
	[tilespmem:$0x18200] =	vst v63  }
0x2a3: {  	v3 =	vadd.s32 v1, v3;
	s4 =	simm.s32 $0x13200  }
0x2a4: {  	[tilespmem:s4], [sflag:$0x3] =	stream.indirect_vreg.gather [hbm4b:s10+s3], $0x80, v4, vm0, $0xb8;
	[tilespmem:$0x18200] =	vst v63  }
0x2a5: {  	s4 =	simm.s32 $0x13A00  }
0x2a6: {  	[tilespmem:s4], [sflag:$0x3] =	stream.indirect_vreg.gather [hbm4b:s11+s3], $0x80, v4, vm0, $0xb8;
	[tilespmem:$0x18200] =	vst v63  }
0x2a7: {  	s4 =	simm.s32 $0x14200  }
0x2a8: {  	[tilespmem:s4], [sflag:$0x3] =	stream.indirect_vreg.gather [hbm4b:s2+s3], $0x80, v3, vm0, $0xb8;
	[tilespmem:$0x18200] =	vst v63  }
0x2a9: {  	s4 =	simm.s32 $0x14A00  }
0x2aa: {  	[tilespmem:s4], [sflag:$0x3] =	stream.indirect_vreg.gather [hbm4b:s5+s3], $0x80, v3, vm0, $0xb8;
	[tilespmem:$0x18200] =	vst v63  }
0x2ab: {  	s4 =	simm.s32 $0x15200  }
0x2ac: {  	[tilespmem:s4], [sflag:$0x3] =	stream.indirect_vreg.gather [hbm4b:s6+s3], $0x80, v3, vm0, $0xb8;
	[tilespmem:$0x18200] =	vst v63  }
0x2ad: {  	s4 =	simm.s32 $0x15A00  }
0x2ae: {  	[tilespmem:s4], [sflag:$0x3] =	stream.indirect_vreg.gather [hbm4b:s7+s3], $0x80, v3, vm0, $0xb8;
	[tilespmem:$0x18200] =	vst v63  }
0x2af: {  	s4 =	simm.s32 $0x16200  }
0x2b0: {  	[tilespmem:s4], [sflag:$0x3] =	stream.indirect_vreg.gather [hbm4b:s8+s3], $0x80, v3, vm0, $0xb8;
	[tilespmem:$0x18200] =	vst v63  }
0x2b1: {  	s4 =	simm.s32 $0x16A00  }
0x2b2: {  	[tilespmem:s4], [sflag:$0x3] =	stream.indirect_vreg.gather [hbm4b:s9+s3], $0x80, v3, vm0, $0xb8;
	[tilespmem:$0x18200] =	vst v63  }
0x2b3: {  	s4 =	simm.s32 $0x17200  }
0x2b4: {  	[tilespmem:s4], [sflag:$0x3] =	stream.indirect_vreg.gather [hbm4b:s10+s3], $0x80, v3, vm0, $0xb8;
	[tilespmem:$0x18200] =	vst v63  }
0x2b5: {  	s4 =	simm.s32 $0x17A00  }
0x2b6: {  	[tilespmem:s4], [sflag:$0x3] =	stream.indirect_vreg.gather [hbm4b:s11+s3], $0x80, v3, vm0, $0xb8;
	[tilespmem:$0x18200] =	vst v63  }
0x2b7: {  	_ =	swait.ge [sflag:s29], $0x8000  }
0x2b8: {  	[sflag:s29] =	ssyncset.done $0x0  }
0x2b9: {  	s4 =	rddreg [dreg:$0x11];
	[sflag:s29] =	ssyncadd.s32 $0xFFFF8000  }
0x2ba: {  	[hbm4b:s4+s3] =	stream.linear.scatter [tilespmem:s31], [sflag:$0x5], $0x8000, $0x38;
	[tilespmem:$0x18200] =	vst v63  }
0x2bb: {  	_ =	swait.ge [sflag:s30], $0x8000  }
0x2bc: {  	[sflag:s30] =	ssyncset.done $0x0  }
0x2bd: {  	[sflag:s30] =	ssyncadd.s32 $0xFFFF8000  }
0x2be: {  	v3 =	vld [tilespmem:$0xF0];
	_ =	sdelay $0x4  }
0x2bf: {  	v47 =	vshll.u32 v3, $0x4  }
0x2c0: {  	v3 =	vand.u32 $0x7, v3;
	v4 =	vand.u32 $0xFFFFFF80, v47  }
0x2c1: {  	v3 =	vor.u32 v3, v4  }
0x2c2: {  	v4 =	vperm.xlane v3, v0;
	_ =	sdelay $0x1  }
0x2c3: {  	v4 =	vadd.s32 v1, v4;
	_ =	sdelay $0x4  }
0x2c4: {  	[tilespmem:s13], [sflag:$0x1] =	stream.indirect_vreg.gather [hbm4b:s2+s3], $0x80, v4, vm0, $0xb8;
	[tilespmem:$0x18200] =	vst v63  }
0x2c5: {  	s4 =	simm.s32 $0xA00  }
0x2c6: {  	[tilespmem:s4], [sflag:$0x1] =	stream.indirect_vreg.gather [hbm4b:s5+s3], $0x80, v4, vm0, $0xb8;
	[tilespmem:$0x18200] =	vst v63  }
0x2c7: {  	s4 =	simm.s32 $0x1200  }
0x2c8: {  	[tilespmem:s4], [sflag:$0x1] =	stream.indirect_vreg.gather [hbm4b:s6+s3], $0x80, v4, vm0, $0xb8;
	[tilespmem:$0x18200] =	vst v63  }
0x2c9: {  	s4 =	simm.s32 $0x1A00  }
0x2ca: {  	[tilespmem:s4], [sflag:$0x1] =	stream.indirect_vreg.gather [hbm4b:s7+s3], $0x80, v4, vm0, $0xb8;
	[tilespmem:$0x18200] =	vst v63  }
0x2cb: {  	s4 =	simm.s32 $0x2200  }
0x2cc: {  	[tilespmem:s4], [sflag:$0x1] =	stream.indirect_vreg.gather [hbm4b:s8+s3], $0x80, v4, vm0, $0xb8;
	[tilespmem:$0x18200] =	vst v63  }
0x2cd: {  	v3 =	vperm.xlane v3, v2;
	s4 =	simm.s32 $0x2A00  }
0x2ce: {  	[tilespmem:s4], [sflag:$0x1] =	stream.indirect_vreg.gather [hbm4b:s9+s3], $0x80, v4, vm0, $0xb8;
	[tilespmem:$0x18200] =	vst v63  }
0x2cf: {  	v3 =	vadd.s32 v1, v3;
	s4 =	simm.s32 $0x3200  }
0x2d0: {  	[tilespmem:s4], [sflag:$0x1] =	stream.indirect_vreg.gather [hbm4b:s10+s3], $0x80, v4, vm0, $0xb8;
	[tilespmem:$0x18200] =	vst v63  }
0x2d1: {  	s4 =	simm.s32 $0x3A00  }
0x2d2: {  	[tilespmem:s4], [sflag:$0x1] =	stream.indirect_vreg.gather [hbm4b:s11+s3], $0x80, v4, vm0, $0xb8;
	[tilespmem:$0x18200] =	vst v63  }
0x2d3: {  	s4 =	simm.s32 $0x4200  }
0x2d4: {  	[tilespmem:s4], [sflag:$0x1] =	stream.indirect_vreg.gather [hbm4b:s2+s3], $0x80, v3, vm0, $0xb8;
	[tilespmem:$0x18200] =	vst v63  }
0x2d5: {  	s4 =	simm.s32 $0x4A00  }
0x2d6: {  	[tilespmem:s4], [sflag:$0x1] =	stream.indirect_vreg.gather [hbm4b:s5+s3], $0x80, v3, vm0, $0xb8;
	[tilespmem:$0x18200] =	vst v63  }
0x2d7: {  	s4 =	simm.s32 $0x5200  }
0x2d8: {  	[tilespmem:s4], [sflag:$0x1] =	stream.indirect_vreg.gather [hbm4b:s6+s3], $0x80, v3, vm0, $0xb8;
	[tilespmem:$0x18200] =	vst v63  }
0x2d9: {  	s4 =	simm.s32 $0x5A00  }
0x2da: {  	[tilespmem:s4], [sflag:$0x1] =	stream.indirect_vreg.gather [hbm4b:s7+s3], $0x80, v3, vm0, $0xb8;
	[tilespmem:$0x18200] =	vst v63  }
0x2db: {  	s4 =	simm.s32 $0x6200  }
0x2dc: {  	[tilespmem:s4], [sflag:$0x1] =	stream.indirect_vreg.gather [hbm4b:s8+s3], $0x80, v3, vm0, $0xb8;
	[tilespmem:$0x18200] =	vst v63  }
0x2dd: {  	s4 =	simm.s32 $0x6A00  }
0x2de: {  	[tilespmem:s4], [sflag:$0x1] =	stream.indirect_vreg.gather [hbm4b:s9+s3], $0x80, v3, vm0, $0xb8;
	[tilespmem:$0x18200] =	vst v63  }
0x2df: {  	s4 =	simm.s32 $0x7200  }
0x2e0: {  	[tilespmem:s4], [sflag:$0x1] =	stream.indirect_vreg.gather [hbm4b:s10+s3], $0x80, v3, vm0, $0xb8;
	[tilespmem:$0x18200] =	vst v63  }
0x2e1: {  	s4 =	simm.s32 $0x7A00  }
0x2e2: {  	[tilespmem:s4], [sflag:$0x1] =	stream.indirect_vreg.gather [hbm4b:s11+s3], $0x80, v3, vm0, $0xb8;
	[tilespmem:$0x18200] =	vst v63  }
0x2e3: {  	_ =	swait.ge [sflag:s0], $0x8000  }
0x2e4: {  	[sflag:s0] =	ssyncset.done $0x0  }
0x2e5: {  	s4 =	rddreg [dreg:$0x12];
	[sflag:s0] =	ssyncadd.s32 $0xFFFF8000  }
0x2e6: {  	[hbm4b:s4+s3] =	stream.linear.scatter [tilespmem:s26], [sflag:$0x6], $0x8000, $0x38;
	[tilespmem:$0x18200] =	vst v63  }
0x2e7: {  	_ =	swait.ge [sflag:s1], $0x8000  }
0x2e8: {  	[sflag:s1] =	ssyncset.done $0x0  }
0x2e9: {  	[sflag:s1] =	ssyncadd.s32 $0xFFFF8000  }
0x2ea: {  	v3 =	vld [tilespmem:$0x100];
	_ =	sdelay $0x4  }
0x2eb: {  	v48 =	vshll.u32 v3, $0x4  }
0x2ec: {  	v3 =	vand.u32 $0x7, v3;
	v4 =	vand.u32 $0xFFFFFF80, v48  }
0x2ed: {  	v3 =	vor.u32 v3, v4  }
0x2ee: {  	v4 =	vperm.xlane v3, v0;
	_ =	sdelay $0x1  }
0x2ef: {  	v4 =	vadd.s32 v1, v4;
	_ =	sdelay $0x4  }
0x2f0: {  	[tilespmem:s31], [sflag:$0x2] =	stream.indirect_vreg.gather [hbm4b:s2+s3], $0x80, v4, vm0, $0xb8;
	[tilespmem:$0x18200] =	vst v63  }
0x2f1: {  	s12 =	simm.s32 $0x8A00  }
0x2f2: {  	[tilespmem:s12], [sflag:$0x2] =	stream.indirect_vreg.gather [hbm4b:s5+s3], $0x80, v4, vm0, $0xb8;
	[tilespmem:$0x18200] =	vst v63  }
0x2f3: {  	s15 =	simm.s32 $0x9200  }
0x2f4: {  	[tilespmem:s15], [sflag:$0x2] =	stream.indirect_vreg.gather [hbm4b:s6+s3], $0x80, v4, vm0, $0xb8;
	[tilespmem:$0x18200] =	vst v63  }
0x2f5: {  	s16 =	simm.s32 $0x9A00  }
0x2f6: {  	[tilespmem:s16], [sflag:$0x2] =	stream.indirect_vreg.gather [hbm4b:s7+s3], $0x80, v4, vm0, $0xb8;
	[tilespmem:$0x18200] =	vst v63  }
0x2f7: {  	s4 =	simm.s32 $0xA200  }
0x2f8: {  	[tilespmem:s4], [sflag:$0x2] =	stream.indirect_vreg.gather [hbm4b:s8+s3], $0x80, v4, vm0, $0xb8;
	[tilespmem:$0x18200] =	vst v63  }
0x2f9: {  	v3 =	vperm.xlane v3, v2;
	s4 =	simm.s32 $0xAA00  }
0x2fa: {  	[tilespmem:s4], [sflag:$0x2] =	stream.indirect_vreg.gather [hbm4b:s9+s3], $0x80, v4, vm0, $0xb8;
	[tilespmem:$0x18200] =	vst v63  }
0x2fb: {  	s17 =	simm.s32 $0xB200;
	v3 =	vadd.s32 v1, v3  }
0x2fc: {  	[tilespmem:s17], [sflag:$0x2] =	stream.indirect_vreg.gather [hbm4b:s10+s3], $0x80, v4, vm0, $0xb8;
	[tilespmem:$0x18200] =	vst v63  }
0x2fd: {  	s18 =	simm.s32 $0xBA00  }
0x2fe: {  	[tilespmem:s18], [sflag:$0x2] =	stream.indirect_vreg.gather [hbm4b:s11+s3], $0x80, v4, vm0, $0xb8;
	[tilespmem:$0x18200] =	vst v63  }
0x2ff: {  	s19 =	simm.s32 $0xC200  }
0x300: {  	[tilespmem:s19], [sflag:$0x2] =	stream.indirect_vreg.gather [hbm4b:s2+s3], $0x80, v3, vm0, $0xb8;
	[tilespmem:$0x18200] =	vst v63  }
0x301: {  	s20 =	simm.s32 $0xCA00  }
0x302: {  	[tilespmem:s20], [sflag:$0x2] =	stream.indirect_vreg.gather [hbm4b:s5+s3], $0x80, v3, vm0, $0xb8;
	[tilespmem:$0x18200] =	vst v63  }
0x303: {  	s21 =	simm.s32 $0xD200  }
0x304: {  	[tilespmem:s21], [sflag:$0x2] =	stream.indirect_vreg.gather [hbm4b:s6+s3], $0x80, v3, vm0, $0xb8;
	[tilespmem:$0x18200] =	vst v63  }
0x305: {  	s22 =	simm.s32 $0xDA00  }
0x306: {  	[tilespmem:s22], [sflag:$0x2] =	stream.indirect_vreg.gather [hbm4b:s7+s3], $0x80, v3, vm0, $0xb8;
	[tilespmem:$0x18200] =	vst v63  }
0x307: {  	s23 =	simm.s32 $0xE200  }
0x308: {  	[tilespmem:s23], [sflag:$0x2] =	stream.indirect_vreg.gather [hbm4b:s8+s3], $0x80, v3, vm0, $0xb8;
	[tilespmem:$0x18200] =	vst v63  }
0x309: {  	s24 =	simm.s32 $0xEA00  }
0x30a: {  	[tilespmem:s24], [sflag:$0x2] =	stream.indirect_vreg.gather [hbm4b:s9+s3], $0x80, v3, vm0, $0xb8;
	[tilespmem:$0x18200] =	vst v63  }
0x30b: {  	s25 =	simm.s32 $0xF200  }
0x30c: {  	[tilespmem:s25], [sflag:$0x2] =	stream.indirect_vreg.gather [hbm4b:s10+s3], $0x80, v3, vm0, $0xb8;
	[tilespmem:$0x18200] =	vst v63  }
0x30d: {  	s4 =	simm.s32 $0xFA00  }
0x30e: {  	[tilespmem:s4], [sflag:$0x2] =	stream.indirect_vreg.gather [hbm4b:s11+s3], $0x80, v3, vm0, $0xb8;
	[tilespmem:$0x18200] =	vst v63  }
0x30f: {  	_ =	swait.ge [sflag:s28], $0x8000  }
0x310: {  	[sflag:s28] =	ssyncset.done $0x0  }
0x311: {  	s4 =	rddreg [dreg:$0x13];
	[sflag:s28] =	ssyncadd.s32 $0xFFFF8000  }
0x312: {  	[hbm4b:s4+s3] =	stream.linear.scatter [tilespmem:s13], [sflag:$0x4], $0x8000, $0x38;
	[tilespmem:$0x18200] =	vst v63  }
0x313: {  	_ =	swait.ge [sflag:s14], $0x8000  }
0x314: {  	[sflag:s14] =	ssyncset.done $0x0  }
0x315: {  	[sflag:s14] =	ssyncadd.s32 $0xFFFF8000  }
0x316: {  	v3 =	vld [tilespmem:$0x110];
	_ =	sdelay $0x4  }
0x317: {  	v49 =	vshll.u32 v3, $0x4  }
0x318: {  	v3 =	vand.u32 $0x7, v3;
	v4 =	vand.u32 $0xFFFFFF80, v49  }
0x319: {  	v3 =	vor.u32 v3, v4  }
0x31a: {  	v4 =	vperm.xlane v3, v0;
	_ =	sdelay $0x1  }
0x31b: {  	v4 =	vadd.s32 v1, v4;
	_ =	sdelay $0x4  }
0x31c: {  	[tilespmem:s26], [sflag:$0x3] =	stream.indirect_vreg.gather [hbm4b:s2+s3], $0x80, v4, vm0, $0xb8;
	[tilespmem:$0x18200] =	vst v63  }
0x31d: {  	s4 =	simm.s32 $0x10A00  }
0x31e: {  	[tilespmem:s4], [sflag:$0x3] =	stream.indirect_vreg.gather [hbm4b:s5+s3], $0x80, v4, vm0, $0xb8;
	[tilespmem:$0x18200] =	vst v63  }
0x31f: {  	s4 =	simm.s32 $0x11200  }
0x320: {  	[tilespmem:s4], [sflag:$0x3] =	stream.indirect_vreg.gather [hbm4b:s6+s3], $0x80, v4, vm0, $0xb8;
	[tilespmem:$0x18200] =	vst v63  }
0x321: {  	s4 =	simm.s32 $0x11A00  }
0x322: {  	[tilespmem:s4], [sflag:$0x3] =	stream.indirect_vreg.gather [hbm4b:s7+s3], $0x80, v4, vm0, $0xb8;
	[tilespmem:$0x18200] =	vst v63  }
0x323: {  	s4 =	simm.s32 $0x12200  }
0x324: {  	[tilespmem:s4], [sflag:$0x3] =	stream.indirect_vreg.gather [hbm4b:s8+s3], $0x80, v4, vm0, $0xb8;
	[tilespmem:$0x18200] =	vst v63  }
0x325: {  	v3 =	vperm.xlane v3, v2;
	s4 =	simm.s32 $0x12A00  }
0x326: {  	[tilespmem:s4], [sflag:$0x3] =	stream.indirect_vreg.gather [hbm4b:s9+s3], $0x80, v4, vm0, $0xb8;
	[tilespmem:$0x18200] =	vst v63  }
0x327: {  	v3 =	vadd.s32 v1, v3;
	s4 =	simm.s32 $0x13200  }
0x328: {  	[tilespmem:s4], [sflag:$0x3] =	stream.indirect_vreg.gather [hbm4b:s10+s3], $0x80, v4, vm0, $0xb8;
	[tilespmem:$0x18200] =	vst v63  }
0x329: {  	s4 =	simm.s32 $0x13A00  }
0x32a: {  	[tilespmem:s4], [sflag:$0x3] =	stream.indirect_vreg.gather [hbm4b:s11+s3], $0x80, v4, vm0, $0xb8;
	[tilespmem:$0x18200] =	vst v63  }
0x32b: {  	s4 =	simm.s32 $0x14200  }
0x32c: {  	[tilespmem:s4], [sflag:$0x3] =	stream.indirect_vreg.gather [hbm4b:s2+s3], $0x80, v3, vm0, $0xb8;
	[tilespmem:$0x18200] =	vst v63  }
0x32d: {  	s4 =	simm.s32 $0x14A00  }
0x32e: {  	[tilespmem:s4], [sflag:$0x3] =	stream.indirect_vreg.gather [hbm4b:s5+s3], $0x80, v3, vm0, $0xb8;
	[tilespmem:$0x18200] =	vst v63  }
0x32f: {  	s4 =	simm.s32 $0x15200  }
0x330: {  	[tilespmem:s4], [sflag:$0x3] =	stream.indirect_vreg.gather [hbm4b:s6+s3], $0x80, v3, vm0, $0xb8;
	[tilespmem:$0x18200] =	vst v63  }
0x331: {  	s4 =	simm.s32 $0x15A00  }
0x332: {  	[tilespmem:s4], [sflag:$0x3] =	stream.indirect_vreg.gather [hbm4b:s7+s3], $0x80, v3, vm0, $0xb8;
	[tilespmem:$0x18200] =	vst v63  }
0x333: {  	s4 =	simm.s32 $0x16200  }
0x334: {  	[tilespmem:s4], [sflag:$0x3] =	stream.indirect_vreg.gather [hbm4b:s8+s3], $0x80, v3, vm0, $0xb8;
	[tilespmem:$0x18200] =	vst v63  }
0x335: {  	s4 =	simm.s32 $0x16A00  }
0x336: {  	[tilespmem:s4], [sflag:$0x3] =	stream.indirect_vreg.gather [hbm4b:s9+s3], $0x80, v3, vm0, $0xb8;
	[tilespmem:$0x18200] =	vst v63  }
0x337: {  	s4 =	simm.s32 $0x17200  }
0x338: {  	[tilespmem:s4], [sflag:$0x3] =	stream.indirect_vreg.gather [hbm4b:s10+s3], $0x80, v3, vm0, $0xb8;
	[tilespmem:$0x18200] =	vst v63  }
0x339: {  	s4 =	simm.s32 $0x17A00  }
0x33a: {  	[tilespmem:s4], [sflag:$0x3] =	stream.indirect_vreg.gather [hbm4b:s11+s3], $0x80, v3, vm0, $0xb8;
	[tilespmem:$0x18200] =	vst v63  }
0x33b: {  	_ =	swait.ge [sflag:s29], $0x8000  }
0x33c: {  	[sflag:s29] =	ssyncset.done $0x0  }
0x33d: {  	s4 =	rddreg [dreg:$0x14];
	[sflag:s29] =	ssyncadd.s32 $0xFFFF8000  }
0x33e: {  	[hbm4b:s4+s3] =	stream.linear.scatter [tilespmem:s31], [sflag:$0x5], $0x8000, $0x38;
	[tilespmem:$0x18200] =	vst v63  }
0x33f: {  	_ =	swait.ge [sflag:s30], $0x8000  }
0x340: {  	[sflag:s30] =	ssyncset.done $0x0  }
0x341: {  	[sflag:s30] =	ssyncadd.s32 $0xFFFF8000  }
0x342: {  	v3 =	vld [tilespmem:$0x120];
	_ =	sdelay $0x4  }
0x343: {  	v50 =	vshll.u32 v3, $0x4  }
0x344: {  	v3 =	vand.u32 $0x7, v3;
	v4 =	vand.u32 $0xFFFFFF80, v50  }
0x345: {  	v3 =	vor.u32 v3, v4  }
0x346: {  	v4 =	vperm.xlane v3, v0;
	_ =	sdelay $0x1  }
0x347: {  	v4 =	vadd.s32 v1, v4;
	_ =	sdelay $0x4  }
0x348: {  	[tilespmem:s13], [sflag:$0x1] =	stream.indirect_vreg.gather [hbm4b:s2+s3], $0x80, v4, vm0, $0xb8;
	[tilespmem:$0x18200] =	vst v63  }
0x349: {  	s4 =	simm.s32 $0xA00  }
0x34a: {  	[tilespmem:s4], [sflag:$0x1] =	stream.indirect_vreg.gather [hbm4b:s5+s3], $0x80, v4, vm0, $0xb8;
	[tilespmem:$0x18200] =	vst v63  }
0x34b: {  	s4 =	simm.s32 $0x1200  }
0x34c: {  	[tilespmem:s4], [sflag:$0x1] =	stream.indirect_vreg.gather [hbm4b:s6+s3], $0x80, v4, vm0, $0xb8;
	[tilespmem:$0x18200] =	vst v63  }
0x34d: {  	s4 =	simm.s32 $0x1A00  }
0x34e: {  	[tilespmem:s4], [sflag:$0x1] =	stream.indirect_vreg.gather [hbm4b:s7+s3], $0x80, v4, vm0, $0xb8;
	[tilespmem:$0x18200] =	vst v63  }
0x34f: {  	s4 =	simm.s32 $0x2200  }
0x350: {  	[tilespmem:s4], [sflag:$0x1] =	stream.indirect_vreg.gather [hbm4b:s8+s3], $0x80, v4, vm0, $0xb8;
	[tilespmem:$0x18200] =	vst v63  }
0x351: {  	v3 =	vperm.xlane v3, v2;
	s4 =	simm.s32 $0x2A00  }
0x352: {  	[tilespmem:s4], [sflag:$0x1] =	stream.indirect_vreg.gather [hbm4b:s9+s3], $0x80, v4, vm0, $0xb8;
	[tilespmem:$0x18200] =	vst v63  }
0x353: {  	v3 =	vadd.s32 v1, v3;
	s4 =	simm.s32 $0x3200  }
0x354: {  	[tilespmem:s4], [sflag:$0x1] =	stream.indirect_vreg.gather [hbm4b:s10+s3], $0x80, v4, vm0, $0xb8;
	[tilespmem:$0x18200] =	vst v63  }
0x355: {  	s4 =	simm.s32 $0x3A00  }
0x356: {  	[tilespmem:s4], [sflag:$0x1] =	stream.indirect_vreg.gather [hbm4b:s11+s3], $0x80, v4, vm0, $0xb8;
	[tilespmem:$0x18200] =	vst v63  }
0x357: {  	s4 =	simm.s32 $0x4200  }
0x358: {  	[tilespmem:s4], [sflag:$0x1] =	stream.indirect_vreg.gather [hbm4b:s2+s3], $0x80, v3, vm0, $0xb8;
	[tilespmem:$0x18200] =	vst v63  }
0x359: {  	s4 =	simm.s32 $0x4A00  }
0x35a: {  	[tilespmem:s4], [sflag:$0x1] =	stream.indirect_vreg.gather [hbm4b:s5+s3], $0x80, v3, vm0, $0xb8;
	[tilespmem:$0x18200] =	vst v63  }
0x35b: {  	s4 =	simm.s32 $0x5200  }
0x35c: {  	[tilespmem:s4], [sflag:$0x1] =	stream.indirect_vreg.gather [hbm4b:s6+s3], $0x80, v3, vm0, $0xb8;
	[tilespmem:$0x18200] =	vst v63  }
0x35d: {  	s4 =	simm.s32 $0x5A00  }
0x35e: {  	[tilespmem:s4], [sflag:$0x1] =	stream.indirect_vreg.gather [hbm4b:s7+s3], $0x80, v3, vm0, $0xb8;
	[tilespmem:$0x18200] =	vst v63  }
0x35f: {  	s4 =	simm.s32 $0x6200  }
0x360: {  	[tilespmem:s4], [sflag:$0x1] =	stream.indirect_vreg.gather [hbm4b:s8+s3], $0x80, v3, vm0, $0xb8;
	[tilespmem:$0x18200] =	vst v63  }
0x361: {  	s4 =	simm.s32 $0x6A00  }
0x362: {  	[tilespmem:s4], [sflag:$0x1] =	stream.indirect_vreg.gather [hbm4b:s9+s3], $0x80, v3, vm0, $0xb8;
	[tilespmem:$0x18200] =	vst v63  }
0x363: {  	s4 =	simm.s32 $0x7200  }
0x364: {  	[tilespmem:s4], [sflag:$0x1] =	stream.indirect_vreg.gather [hbm4b:s10+s3], $0x80, v3, vm0, $0xb8;
	[tilespmem:$0x18200] =	vst v63  }
0x365: {  	s4 =	simm.s32 $0x7A00  }
0x366: {  	[tilespmem:s4], [sflag:$0x1] =	stream.indirect_vreg.gather [hbm4b:s11+s3], $0x80, v3, vm0, $0xb8;
	[tilespmem:$0x18200] =	vst v63  }
0x367: {  	_ =	swait.ge [sflag:s0], $0x8000  }
0x368: {  	[sflag:s0] =	ssyncset.done $0x0  }
0x369: {  	s4 =	rddreg [dreg:$0x15];
	[sflag:s0] =	ssyncadd.s32 $0xFFFF8000  }
0x36a: {  	[hbm4b:s4+s3] =	stream.linear.scatter [tilespmem:s26], [sflag:$0x6], $0x8000, $0x38;
	[tilespmem:$0x18200] =	vst v63  }
0x36b: {  	_ =	swait.ge [sflag:s1], $0x8000  }
0x36c: {  	[sflag:s1] =	ssyncset.done $0x0  }
0x36d: {  	[sflag:s1] =	ssyncadd.s32 $0xFFFF8000  }
0x36e: {  	v3 =	vld [tilespmem:$0x130];
	_ =	sdelay $0x4  }
0x36f: {  	v51 =	vshll.u32 v3, $0x4  }
0x370: {  	v3 =	vand.u32 $0x7, v3;
	v4 =	vand.u32 $0xFFFFFF80, v51  }
0x371: {  	v3 =	vor.u32 v3, v4  }
0x372: {  	v4 =	vperm.xlane v3, v0;
	_ =	sdelay $0x1  }
0x373: {  	v4 =	vadd.s32 v1, v4;
	_ =	sdelay $0x4  }
0x374: {  	[tilespmem:s31], [sflag:$0x2] =	stream.indirect_vreg.gather [hbm4b:s2+s3], $0x80, v4, vm0, $0xb8;
	[tilespmem:$0x18200] =	vst v63  }
0x375: {  	s12 =	simm.s32 $0x8A00  }
0x376: {  	[tilespmem:s12], [sflag:$0x2] =	stream.indirect_vreg.gather [hbm4b:s5+s3], $0x80, v4, vm0, $0xb8;
	[tilespmem:$0x18200] =	vst v63  }
0x377: {  	s15 =	simm.s32 $0x9200  }
0x378: {  	[tilespmem:s15], [sflag:$0x2] =	stream.indirect_vreg.gather [hbm4b:s6+s3], $0x80, v4, vm0, $0xb8;
	[tilespmem:$0x18200] =	vst v63  }
0x379: {  	s16 =	simm.s32 $0x9A00  }
0x37a: {  	[tilespmem:s16], [sflag:$0x2] =	stream.indirect_vreg.gather [hbm4b:s7+s3], $0x80, v4, vm0, $0xb8;
	[tilespmem:$0x18200] =	vst v63  }
0x37b: {  	s4 =	simm.s32 $0xA200  }
0x37c: {  	[tilespmem:s4], [sflag:$0x2] =	stream.indirect_vreg.gather [hbm4b:s8+s3], $0x80, v4, vm0, $0xb8;
	[tilespmem:$0x18200] =	vst v63  }
0x37d: {  	v3 =	vperm.xlane v3, v2;
	s4 =	simm.s32 $0xAA00  }
0x37e: {  	[tilespmem:s4], [sflag:$0x2] =	stream.indirect_vreg.gather [hbm4b:s9+s3], $0x80, v4, vm0, $0xb8;
	[tilespmem:$0x18200] =	vst v63  }
0x37f: {  	s17 =	simm.s32 $0xB200;
	v3 =	vadd.s32 v1, v3  }
0x380: {  	[tilespmem:s17], [sflag:$0x2] =	stream.indirect_vreg.gather [hbm4b:s10+s3], $0x80, v4, vm0, $0xb8;
	[tilespmem:$0x18200] =	vst v63  }
0x381: {  	s18 =	simm.s32 $0xBA00  }
0x382: {  	[tilespmem:s18], [sflag:$0x2] =	stream.indirect_vreg.gather [hbm4b:s11+s3], $0x80, v4, vm0, $0xb8;
	[tilespmem:$0x18200] =	vst v63  }
0x383: {  	s19 =	simm.s32 $0xC200  }
0x384: {  	[tilespmem:s19], [sflag:$0x2] =	stream.indirect_vreg.gather [hbm4b:s2+s3], $0x80, v3, vm0, $0xb8;
	[tilespmem:$0x18200] =	vst v63  }
0x385: {  	s20 =	simm.s32 $0xCA00  }
0x386: {  	[tilespmem:s20], [sflag:$0x2] =	stream.indirect_vreg.gather [hbm4b:s5+s3], $0x80, v3, vm0, $0xb8;
	[tilespmem:$0x18200] =	vst v63  }
0x387: {  	s21 =	simm.s32 $0xD200  }
0x388: {  	[tilespmem:s21], [sflag:$0x2] =	stream.indirect_vreg.gather [hbm4b:s6+s3], $0x80, v3, vm0, $0xb8;
	[tilespmem:$0x18200] =	vst v63  }
0x389: {  	s22 =	simm.s32 $0xDA00  }
0x38a: {  	[tilespmem:s22], [sflag:$0x2] =	stream.indirect_vreg.gather [hbm4b:s7+s3], $0x80, v3, vm0, $0xb8;
	[tilespmem:$0x18200] =	vst v63  }
0x38b: {  	s23 =	simm.s32 $0xE200  }
0x38c: {  	[tilespmem:s23], [sflag:$0x2] =	stream.indirect_vreg.gather [hbm4b:s8+s3], $0x80, v3, vm0, $0xb8;
	[tilespmem:$0x18200] =	vst v63  }
0x38d: {  	s24 =	simm.s32 $0xEA00  }
0x38e: {  	[tilespmem:s24], [sflag:$0x2] =	stream.indirect_vreg.gather [hbm4b:s9+s3], $0x80, v3, vm0, $0xb8;
	[tilespmem:$0x18200] =	vst v63  }
0x38f: {  	s25 =	simm.s32 $0xF200  }
0x390: {  	[tilespmem:s25], [sflag:$0x2] =	stream.indirect_vreg.gather [hbm4b:s10+s3], $0x80, v3, vm0, $0xb8;
	[tilespmem:$0x18200] =	vst v63  }
0x391: {  	s4 =	simm.s32 $0xFA00  }
0x392: {  	[tilespmem:s4], [sflag:$0x2] =	stream.indirect_vreg.gather [hbm4b:s11+s3], $0x80, v3, vm0, $0xb8;
	[tilespmem:$0x18200] =	vst v63  }
0x393: {  	_ =	swait.ge [sflag:s28], $0x8000  }
0x394: {  	[sflag:s28] =	ssyncset.done $0x0  }
0x395: {  	s4 =	rddreg [dreg:$0x16];
	[sflag:s28] =	ssyncadd.s32 $0xFFFF8000  }
0x396: {  	[hbm4b:s4+s3] =	stream.linear.scatter [tilespmem:s13], [sflag:$0x4], $0x8000, $0x38;
	[tilespmem:$0x18200] =	vst v63  }
0x397: {  	_ =	swait.ge [sflag:s14], $0x8000  }
0x398: {  	[sflag:s14] =	ssyncset.done $0x0  }
0x399: {  	[sflag:s14] =	ssyncadd.s32 $0xFFFF8000  }
0x39a: {  	v3 =	vld [tilespmem:$0x140];
	_ =	sdelay $0x4  }
0x39b: {  	v52 =	vshll.u32 v3, $0x4  }
0x39c: {  	v3 =	vand.u32 $0x7, v3;
	v4 =	vand.u32 $0xFFFFFF80, v52  }
0x39d: {  	v3 =	vor.u32 v3, v4  }
0x39e: {  	v4 =	vperm.xlane v3, v0;
	_ =	sdelay $0x1  }
0x39f: {  	v4 =	vadd.s32 v1, v4;
	_ =	sdelay $0x4  }
0x3a0: {  	[tilespmem:s26], [sflag:$0x3] =	stream.indirect_vreg.gather [hbm4b:s2+s3], $0x80, v4, vm0, $0xb8;
	[tilespmem:$0x18200] =	vst v63  }
0x3a1: {  	s4 =	simm.s32 $0x10A00  }
0x3a2: {  	[tilespmem:s4], [sflag:$0x3] =	stream.indirect_vreg.gather [hbm4b:s5+s3], $0x80, v4, vm0, $0xb8;
	[tilespmem:$0x18200] =	vst v63  }
0x3a3: {  	s4 =	simm.s32 $0x11200  }
0x3a4: {  	[tilespmem:s4], [sflag:$0x3] =	stream.indirect_vreg.gather [hbm4b:s6+s3], $0x80, v4, vm0, $0xb8;
	[tilespmem:$0x18200] =	vst v63  }
0x3a5: {  	s4 =	simm.s32 $0x11A00  }
0x3a6: {  	[tilespmem:s4], [sflag:$0x3] =	stream.indirect_vreg.gather [hbm4b:s7+s3], $0x80, v4, vm0, $0xb8;
	[tilespmem:$0x18200] =	vst v63  }
0x3a7: {  	s4 =	simm.s32 $0x12200  }
0x3a8: {  	[tilespmem:s4], [sflag:$0x3] =	stream.indirect_vreg.gather [hbm4b:s8+s3], $0x80, v4, vm0, $0xb8;
	[tilespmem:$0x18200] =	vst v63  }
0x3a9: {  	v3 =	vperm.xlane v3, v2;
	s4 =	simm.s32 $0x12A00  }
0x3aa: {  	[tilespmem:s4], [sflag:$0x3] =	stream.indirect_vreg.gather [hbm4b:s9+s3], $0x80, v4, vm0, $0xb8;
	[tilespmem:$0x18200] =	vst v63  }
0x3ab: {  	v3 =	vadd.s32 v1, v3;
	s4 =	simm.s32 $0x13200  }
0x3ac: {  	[tilespmem:s4], [sflag:$0x3] =	stream.indirect_vreg.gather [hbm4b:s10+s3], $0x80, v4, vm0, $0xb8;
	[tilespmem:$0x18200] =	vst v63  }
0x3ad: {  	s4 =	simm.s32 $0x13A00  }
0x3ae: {  	[tilespmem:s4], [sflag:$0x3] =	stream.indirect_vreg.gather [hbm4b:s11+s3], $0x80, v4, vm0, $0xb8;
	[tilespmem:$0x18200] =	vst v63  }
0x3af: {  	s4 =	simm.s32 $0x14200  }
0x3b0: {  	[tilespmem:s4], [sflag:$0x3] =	stream.indirect_vreg.gather [hbm4b:s2+s3], $0x80, v3, vm0, $0xb8;
	[tilespmem:$0x18200] =	vst v63  }
0x3b1: {  	s4 =	simm.s32 $0x14A00  }
0x3b2: {  	[tilespmem:s4], [sflag:$0x3] =	stream.indirect_vreg.gather [hbm4b:s5+s3], $0x80, v3, vm0, $0xb8;
	[tilespmem:$0x18200] =	vst v63  }
0x3b3: {  	s4 =	simm.s32 $0x15200  }
0x3b4: {  	[tilespmem:s4], [sflag:$0x3] =	stream.indirect_vreg.gather [hbm4b:s6+s3], $0x80, v3, vm0, $0xb8;
	[tilespmem:$0x18200] =	vst v63  }
0x3b5: {  	s4 =	simm.s32 $0x15A00  }
0x3b6: {  	[tilespmem:s4], [sflag:$0x3] =	stream.indirect_vreg.gather [hbm4b:s7+s3], $0x80, v3, vm0, $0xb8;
	[tilespmem:$0x18200] =	vst v63  }
0x3b7: {  	s4 =	simm.s32 $0x16200  }
0x3b8: {  	[tilespmem:s4], [sflag:$0x3] =	stream.indirect_vreg.gather [hbm4b:s8+s3], $0x80, v3, vm0, $0xb8;
	[tilespmem:$0x18200] =	vst v63  }
0x3b9: {  	s4 =	simm.s32 $0x16A00  }
0x3ba: {  	[tilespmem:s4], [sflag:$0x3] =	stream.indirect_vreg.gather [hbm4b:s9+s3], $0x80, v3, vm0, $0xb8;
	[tilespmem:$0x18200] =	vst v63  }
0x3bb: {  	s4 =	simm.s32 $0x17200  }
0x3bc: {  	[tilespmem:s4], [sflag:$0x3] =	stream.indirect_vreg.gather [hbm4b:s10+s3], $0x80, v3, vm0, $0xb8;
	[tilespmem:$0x18200] =	vst v63  }
0x3bd: {  	s4 =	simm.s32 $0x17A00  }
0x3be: {  	[tilespmem:s4], [sflag:$0x3] =	stream.indirect_vreg.gather [hbm4b:s11+s3], $0x80, v3, vm0, $0xb8;
	[tilespmem:$0x18200] =	vst v63  }
0x3bf: {  	_ =	swait.ge [sflag:s29], $0x8000  }
0x3c0: {  	[sflag:s29] =	ssyncset.done $0x0  }
0x3c1: {  	s4 =	rddreg [dreg:$0x17];
	[sflag:s29] =	ssyncadd.s32 $0xFFFF8000  }
0x3c2: {  	[hbm4b:s4+s3] =	stream.linear.scatter [tilespmem:s31], [sflag:$0x5], $0x8000, $0x38;
	[tilespmem:$0x18200] =	vst v63  }
0x3c3: {  	_ =	swait.ge [sflag:s30], $0x8000  }
0x3c4: {  	[sflag:s30] =	ssyncset.done $0x0  }
0x3c5: {  	[sflag:s30] =	ssyncadd.s32 $0xFFFF8000  }
0x3c6: {  	v3 =	vld [tilespmem:$0x150];
	_ =	sdelay $0x4  }
0x3c7: {  	v53 =	vshll.u32 v3, $0x4  }
0x3c8: {  	v3 =	vand.u32 $0x7, v3;
	v4 =	vand.u32 $0xFFFFFF80, v53  }
0x3c9: {  	v3 =	vor.u32 v3, v4  }
0x3ca: {  	v4 =	vperm.xlane v3, v0;
	_ =	sdelay $0x1  }
0x3cb: {  	v4 =	vadd.s32 v1, v4;
	_ =	sdelay $0x4  }
0x3cc: {  	[tilespmem:s13], [sflag:$0x1] =	stream.indirect_vreg.gather [hbm4b:s2+s3], $0x80, v4, vm0, $0xb8;
	[tilespmem:$0x18200] =	vst v63  }
0x3cd: {  	s4 =	simm.s32 $0xA00  }
0x3ce: {  	[tilespmem:s4], [sflag:$0x1] =	stream.indirect_vreg.gather [hbm4b:s5+s3], $0x80, v4, vm0, $0xb8;
	[tilespmem:$0x18200] =	vst v63  }
0x3cf: {  	s4 =	simm.s32 $0x1200  }
0x3d0: {  	[tilespmem:s4], [sflag:$0x1] =	stream.indirect_vreg.gather [hbm4b:s6+s3], $0x80, v4, vm0, $0xb8;
	[tilespmem:$0x18200] =	vst v63  }
0x3d1: {  	s4 =	simm.s32 $0x1A00  }
0x3d2: {  	[tilespmem:s4], [sflag:$0x1] =	stream.indirect_vreg.gather [hbm4b:s7+s3], $0x80, v4, vm0, $0xb8;
	[tilespmem:$0x18200] =	vst v63  }
0x3d3: {  	s4 =	simm.s32 $0x2200  }
0x3d4: {  	[tilespmem:s4], [sflag:$0x1] =	stream.indirect_vreg.gather [hbm4b:s8+s3], $0x80, v4, vm0, $0xb8;
	[tilespmem:$0x18200] =	vst v63  }
0x3d5: {  	v3 =	vperm.xlane v3, v2;
	s4 =	simm.s32 $0x2A00  }
0x3d6: {  	[tilespmem:s4], [sflag:$0x1] =	stream.indirect_vreg.gather [hbm4b:s9+s3], $0x80, v4, vm0, $0xb8;
	[tilespmem:$0x18200] =	vst v63  }
0x3d7: {  	v3 =	vadd.s32 v1, v3;
	s4 =	simm.s32 $0x3200  }
0x3d8: {  	[tilespmem:s4], [sflag:$0x1] =	stream.indirect_vreg.gather [hbm4b:s10+s3], $0x80, v4, vm0, $0xb8;
	[tilespmem:$0x18200] =	vst v63  }
0x3d9: {  	s4 =	simm.s32 $0x3A00  }
0x3da: {  	[tilespmem:s4], [sflag:$0x1] =	stream.indirect_vreg.gather [hbm4b:s11+s3], $0x80, v4, vm0, $0xb8;
	[tilespmem:$0x18200] =	vst v63  }
0x3db: {  	s4 =	simm.s32 $0x4200  }
0x3dc: {  	[tilespmem:s4], [sflag:$0x1] =	stream.indirect_vreg.gather [hbm4b:s2+s3], $0x80, v3, vm0, $0xb8;
	[tilespmem:$0x18200] =	vst v63  }
0x3dd: {  	s4 =	simm.s32 $0x4A00  }
0x3de: {  	[tilespmem:s4], [sflag:$0x1] =	stream.indirect_vreg.gather [hbm4b:s5+s3], $0x80, v3, vm0, $0xb8;
	[tilespmem:$0x18200] =	vst v63  }
0x3df: {  	s4 =	simm.s32 $0x5200  }
0x3e0: {  	[tilespmem:s4], [sflag:$0x1] =	stream.indirect_vreg.gather [hbm4b:s6+s3], $0x80, v3, vm0, $0xb8;
	[tilespmem:$0x18200] =	vst v63  }
0x3e1: {  	s4 =	simm.s32 $0x5A00  }
0x3e2: {  	[tilespmem:s4], [sflag:$0x1] =	stream.indirect_vreg.gather [hbm4b:s7+s3], $0x80, v3, vm0, $0xb8;
	[tilespmem:$0x18200] =	vst v63  }
0x3e3: {  	s4 =	simm.s32 $0x6200  }
0x3e4: {  	[tilespmem:s4], [sflag:$0x1] =	stream.indirect_vreg.gather [hbm4b:s8+s3], $0x80, v3, vm0, $0xb8;
	[tilespmem:$0x18200] =	vst v63  }
0x3e5: {  	s4 =	simm.s32 $0x6A00  }
0x3e6: {  	[tilespmem:s4], [sflag:$0x1] =	stream.indirect_vreg.gather [hbm4b:s9+s3], $0x80, v3, vm0, $0xb8;
	[tilespmem:$0x18200] =	vst v63  }
0x3e7: {  	s4 =	simm.s32 $0x7200  }
0x3e8: {  	[tilespmem:s4], [sflag:$0x1] =	stream.indirect_vreg.gather [hbm4b:s10+s3], $0x80, v3, vm0, $0xb8;
	[tilespmem:$0x18200] =	vst v63  }
0x3e9: {  	s4 =	simm.s32 $0x7A00  }
0x3ea: {  	[tilespmem:s4], [sflag:$0x1] =	stream.indirect_vreg.gather [hbm4b:s11+s3], $0x80, v3, vm0, $0xb8;
	[tilespmem:$0x18200] =	vst v63  }
0x3eb: {  	_ =	swait.ge [sflag:s0], $0x8000  }
0x3ec: {  	[sflag:s0] =	ssyncset.done $0x0  }
0x3ed: {  	s4 =	rddreg [dreg:$0x18];
	[sflag:s0] =	ssyncadd.s32 $0xFFFF8000  }
0x3ee: {  	[hbm4b:s4+s3] =	stream.linear.scatter [tilespmem:s26], [sflag:$0x6], $0x8000, $0x38;
	[tilespmem:$0x18200] =	vst v63  }
0x3ef: {  	_ =	swait.ge [sflag:s1], $0x8000  }
0x3f0: {  	[sflag:s1] =	ssyncset.done $0x0  }
0x3f1: {  	[sflag:s1] =	ssyncadd.s32 $0xFFFF8000  }
0x3f2: {  	v3 =	vld [tilespmem:$0x160];
	_ =	sdelay $0x4  }
0x3f3: {  	v54 =	vshll.u32 v3, $0x4  }
0x3f4: {  	v3 =	vand.u32 $0x7, v3;
	v4 =	vand.u32 $0xFFFFFF80, v54  }
0x3f5: {  	v3 =	vor.u32 v3, v4  }
0x3f6: {  	v4 =	vperm.xlane v3, v0;
	_ =	sdelay $0x1  }
0x3f7: {  	v4 =	vadd.s32 v1, v4;
	_ =	sdelay $0x4  }
0x3f8: {  	[tilespmem:s31], [sflag:$0x2] =	stream.indirect_vreg.gather [hbm4b:s2+s3], $0x80, v4, vm0, $0xb8;
	[tilespmem:$0x18200] =	vst v63  }
0x3f9: {  	s12 =	simm.s32 $0x8A00  }
0x3fa: {  	[tilespmem:s12], [sflag:$0x2] =	stream.indirect_vreg.gather [hbm4b:s5+s3], $0x80, v4, vm0, $0xb8;
	[tilespmem:$0x18200] =	vst v63  }
0x3fb: {  	s15 =	simm.s32 $0x9200  }
0x3fc: {  	[tilespmem:s15], [sflag:$0x2] =	stream.indirect_vreg.gather [hbm4b:s6+s3], $0x80, v4, vm0, $0xb8;
	[tilespmem:$0x18200] =	vst v63  }
0x3fd: {  	s16 =	simm.s32 $0x9A00  }
0x3fe: {  	[tilespmem:s16], [sflag:$0x2] =	stream.indirect_vreg.gather [hbm4b:s7+s3], $0x80, v4, vm0, $0xb8;
	[tilespmem:$0x18200] =	vst v63  }
0x3ff: {  	s4 =	simm.s32 $0xA200  }
0x400: {  	[tilespmem:s4], [sflag:$0x2] =	stream.indirect_vreg.gather [hbm4b:s8+s3], $0x80, v4, vm0, $0xb8;
	[tilespmem:$0x18200] =	vst v63  }
0x401: {  	v3 =	vperm.xlane v3, v2;
	s4 =	simm.s32 $0xAA00  }
0x402: {  	[tilespmem:s4], [sflag:$0x2] =	stream.indirect_vreg.gather [hbm4b:s9+s3], $0x80, v4, vm0, $0xb8;
	[tilespmem:$0x18200] =	vst v63  }
0x403: {  	s17 =	simm.s32 $0xB200;
	v3 =	vadd.s32 v1, v3  }
0x404: {  	[tilespmem:s17], [sflag:$0x2] =	stream.indirect_vreg.gather [hbm4b:s10+s3], $0x80, v4, vm0, $0xb8;
	[tilespmem:$0x18200] =	vst v63  }
0x405: {  	s18 =	simm.s32 $0xBA00  }
0x406: {  	[tilespmem:s18], [sflag:$0x2] =	stream.indirect_vreg.gather [hbm4b:s11+s3], $0x80, v4, vm0, $0xb8;
	[tilespmem:$0x18200] =	vst v63  }
0x407: {  	s19 =	simm.s32 $0xC200  }
0x408: {  	[tilespmem:s19], [sflag:$0x2] =	stream.indirect_vreg.gather [hbm4b:s2+s3], $0x80, v3, vm0, $0xb8;
	[tilespmem:$0x18200] =	vst v63  }
0x409: {  	s20 =	simm.s32 $0xCA00  }
0x40a: {  	[tilespmem:s20], [sflag:$0x2] =	stream.indirect_vreg.gather [hbm4b:s5+s3], $0x80, v3, vm0, $0xb8;
	[tilespmem:$0x18200] =	vst v63  }
0x40b: {  	s21 =	simm.s32 $0xD200  }
0x40c: {  	[tilespmem:s21], [sflag:$0x2] =	stream.indirect_vreg.gather [hbm4b:s6+s3], $0x80, v3, vm0, $0xb8;
	[tilespmem:$0x18200] =	vst v63  }
0x40d: {  	s22 =	simm.s32 $0xDA00  }
0x40e: {  	[tilespmem:s22], [sflag:$0x2] =	stream.indirect_vreg.gather [hbm4b:s7+s3], $0x80, v3, vm0, $0xb8;
	[tilespmem:$0x18200] =	vst v63  }
0x40f: {  	s23 =	simm.s32 $0xE200  }
0x410: {  	[tilespmem:s23], [sflag:$0x2] =	stream.indirect_vreg.gather [hbm4b:s8+s3], $0x80, v3, vm0, $0xb8;
	[tilespmem:$0x18200] =	vst v63  }
0x411: {  	s24 =	simm.s32 $0xEA00  }
0x412: {  	[tilespmem:s24], [sflag:$0x2] =	stream.indirect_vreg.gather [hbm4b:s9+s3], $0x80, v3, vm0, $0xb8;
	[tilespmem:$0x18200] =	vst v63  }
0x413: {  	s25 =	simm.s32 $0xF200  }
0x414: {  	[tilespmem:s25], [sflag:$0x2] =	stream.indirect_vreg.gather [hbm4b:s10+s3], $0x80, v3, vm0, $0xb8;
	[tilespmem:$0x18200] =	vst v63  }
0x415: {  	s4 =	simm.s32 $0xFA00  }
0x416: {  	[tilespmem:s4], [sflag:$0x2] =	stream.indirect_vreg.gather [hbm4b:s11+s3], $0x80, v3, vm0, $0xb8;
	[tilespmem:$0x18200] =	vst v63  }
0x417: {  	_ =	swait.ge [sflag:s28], $0x8000  }
0x418: {  	[sflag:s28] =	ssyncset.done $0x0  }
0x419: {  	s4 =	rddreg [dreg:$0x19];
	[sflag:s28] =	ssyncadd.s32 $0xFFFF8000  }
0x41a: {  	[hbm4b:s4+s3] =	stream.linear.scatter [tilespmem:s13], [sflag:$0x4], $0x8000, $0x38;
	[tilespmem:$0x18200] =	vst v63  }
0x41b: {  	_ =	swait.ge [sflag:s14], $0x8000  }
0x41c: {  	[sflag:s14] =	ssyncset.done $0x0  }
0x41d: {  	[sflag:s14] =	ssyncadd.s32 $0xFFFF8000  }
0x41e: {  	v3 =	vld [tilespmem:$0x170];
	_ =	sdelay $0x4  }
0x41f: {  	v55 =	vshll.u32 v3, $0x4  }
0x420: {  	v3 =	vand.u32 $0x7, v3;
	v4 =	vand.u32 $0xFFFFFF80, v55  }
0x421: {  	v3 =	vor.u32 v3, v4  }
0x422: {  	v4 =	vperm.xlane v3, v0;
	_ =	sdelay $0x1  }
0x423: {  	v4 =	vadd.s32 v1, v4;
	_ =	sdelay $0x4  }
0x424: {  	[tilespmem:s26], [sflag:$0x3] =	stream.indirect_vreg.gather [hbm4b:s2+s3], $0x80, v4, vm0, $0xb8;
	[tilespmem:$0x18200] =	vst v63  }
0x425: {  	s4 =	simm.s32 $0x10A00  }
0x426: {  	[tilespmem:s4], [sflag:$0x3] =	stream.indirect_vreg.gather [hbm4b:s5+s3], $0x80, v4, vm0, $0xb8;
	[tilespmem:$0x18200] =	vst v63  }
0x427: {  	s4 =	simm.s32 $0x11200  }
0x428: {  	[tilespmem:s4], [sflag:$0x3] =	stream.indirect_vreg.gather [hbm4b:s6+s3], $0x80, v4, vm0, $0xb8;
	[tilespmem:$0x18200] =	vst v63  }
0x429: {  	s4 =	simm.s32 $0x11A00  }
0x42a: {  	[tilespmem:s4], [sflag:$0x3] =	stream.indirect_vreg.gather [hbm4b:s7+s3], $0x80, v4, vm0, $0xb8;
	[tilespmem:$0x18200] =	vst v63  }
0x42b: {  	s4 =	simm.s32 $0x12200  }
0x42c: {  	[tilespmem:s4], [sflag:$0x3] =	stream.indirect_vreg.gather [hbm4b:s8+s3], $0x80, v4, vm0, $0xb8;
	[tilespmem:$0x18200] =	vst v63  }
0x42d: {  	v3 =	vperm.xlane v3, v2;
	s4 =	simm.s32 $0x12A00  }
0x42e: {  	[tilespmem:s4], [sflag:$0x3] =	stream.indirect_vreg.gather [hbm4b:s9+s3], $0x80, v4, vm0, $0xb8;
	[tilespmem:$0x18200] =	vst v63  }
0x42f: {  	v3 =	vadd.s32 v1, v3;
	s4 =	simm.s32 $0x13200  }
0x430: {  	[tilespmem:s4], [sflag:$0x3] =	stream.indirect_vreg.gather [hbm4b:s10+s3], $0x80, v4, vm0, $0xb8;
	[tilespmem:$0x18200] =	vst v63  }
0x431: {  	s4 =	simm.s32 $0x13A00  }
0x432: {  	[tilespmem:s4], [sflag:$0x3] =	stream.indirect_vreg.gather [hbm4b:s11+s3], $0x80, v4, vm0, $0xb8;
	[tilespmem:$0x18200] =	vst v63  }
0x433: {  	s4 =	simm.s32 $0x14200  }
0x434: {  	[tilespmem:s4], [sflag:$0x3] =	stream.indirect_vreg.gather [hbm4b:s2+s3], $0x80, v3, vm0, $0xb8;
	[tilespmem:$0x18200] =	vst v63  }
0x435: {  	s4 =	simm.s32 $0x14A00  }
0x436: {  	[tilespmem:s4], [sflag:$0x3] =	stream.indirect_vreg.gather [hbm4b:s5+s3], $0x80, v3, vm0, $0xb8;
	[tilespmem:$0x18200] =	vst v63  }
0x437: {  	s4 =	simm.s32 $0x15200  }
0x438: {  	[tilespmem:s4], [sflag:$0x3] =	stream.indirect_vreg.gather [hbm4b:s6+s3], $0x80, v3, vm0, $0xb8;
	[tilespmem:$0x18200] =	vst v63  }
0x439: {  	s4 =	simm.s32 $0x15A00  }
0x43a: {  	[tilespmem:s4], [sflag:$0x3] =	stream.indirect_vreg.gather [hbm4b:s7+s3], $0x80, v3, vm0, $0xb8;
	[tilespmem:$0x18200] =	vst v63  }
0x43b: {  	s4 =	simm.s32 $0x16200  }
0x43c: {  	[tilespmem:s4], [sflag:$0x3] =	stream.indirect_vreg.gather [hbm4b:s8+s3], $0x80, v3, vm0, $0xb8;
	[tilespmem:$0x18200] =	vst v63  }
0x43d: {  	s4 =	simm.s32 $0x16A00  }
0x43e: {  	[tilespmem:s4], [sflag:$0x3] =	stream.indirect_vreg.gather [hbm4b:s9+s3], $0x80, v3, vm0, $0xb8;
	[tilespmem:$0x18200] =	vst v63  }
0x43f: {  	s4 =	simm.s32 $0x17200  }
0x440: {  	[tilespmem:s4], [sflag:$0x3] =	stream.indirect_vreg.gather [hbm4b:s10+s3], $0x80, v3, vm0, $0xb8;
	[tilespmem:$0x18200] =	vst v63  }
0x441: {  	s4 =	simm.s32 $0x17A00  }
0x442: {  	[tilespmem:s4], [sflag:$0x3] =	stream.indirect_vreg.gather [hbm4b:s11+s3], $0x80, v3, vm0, $0xb8;
	[tilespmem:$0x18200] =	vst v63  }
0x443: {  	_ =	swait.ge [sflag:s29], $0x8000  }
0x444: {  	[sflag:s29] =	ssyncset.done $0x0  }
0x445: {  	s4 =	rddreg [dreg:$0x1a];
	[sflag:s29] =	ssyncadd.s32 $0xFFFF8000  }
0x446: {  	[hbm4b:s4+s3] =	stream.linear.scatter [tilespmem:s31], [sflag:$0x5], $0x8000, $0x38;
	[tilespmem:$0x18200] =	vst v63  }
0x447: {  	_ =	swait.ge [sflag:s30], $0x8000  }
0x448: {  	[sflag:s30] =	ssyncset.done $0x0  }
0x449: {  	[sflag:s30] =	ssyncadd.s32 $0xFFFF8000  }
0x44a: {  	v3 =	vld [tilespmem:$0x180];
	_ =	sdelay $0x4  }
0x44b: {  	v56 =	vshll.u32 v3, $0x4  }
0x44c: {  	v3 =	vand.u32 $0x7, v3;
	v4 =	vand.u32 $0xFFFFFF80, v56  }
0x44d: {  	v3 =	vor.u32 v3, v4  }
0x44e: {  	v4 =	vperm.xlane v3, v0;
	_ =	sdelay $0x1  }
0x44f: {  	v4 =	vadd.s32 v1, v4;
	_ =	sdelay $0x4  }
0x450: {  	[tilespmem:s13], [sflag:$0x1] =	stream.indirect_vreg.gather [hbm4b:s2+s3], $0x80, v4, vm0, $0xb8;
	[tilespmem:$0x18200] =	vst v63  }
0x451: {  	s4 =	simm.s32 $0xA00  }
0x452: {  	[tilespmem:s4], [sflag:$0x1] =	stream.indirect_vreg.gather [hbm4b:s5+s3], $0x80, v4, vm0, $0xb8;
	[tilespmem:$0x18200] =	vst v63  }
0x453: {  	s4 =	simm.s32 $0x1200  }
0x454: {  	[tilespmem:s4], [sflag:$0x1] =	stream.indirect_vreg.gather [hbm4b:s6+s3], $0x80, v4, vm0, $0xb8;
	[tilespmem:$0x18200] =	vst v63  }
0x455: {  	s4 =	simm.s32 $0x1A00  }
0x456: {  	[tilespmem:s4], [sflag:$0x1] =	stream.indirect_vreg.gather [hbm4b:s7+s3], $0x80, v4, vm0, $0xb8;
	[tilespmem:$0x18200] =	vst v63  }
0x457: {  	s4 =	simm.s32 $0x2200  }
0x458: {  	[tilespmem:s4], [sflag:$0x1] =	stream.indirect_vreg.gather [hbm4b:s8+s3], $0x80, v4, vm0, $0xb8;
	[tilespmem:$0x18200] =	vst v63  }
0x459: {  	v3 =	vperm.xlane v3, v2;
	s4 =	simm.s32 $0x2A00  }
0x45a: {  	[tilespmem:s4], [sflag:$0x1] =	stream.indirect_vreg.gather [hbm4b:s9+s3], $0x80, v4, vm0, $0xb8;
	[tilespmem:$0x18200] =	vst v63  }
0x45b: {  	v3 =	vadd.s32 v1, v3;
	s4 =	simm.s32 $0x3200  }
0x45c: {  	[tilespmem:s4], [sflag:$0x1] =	stream.indirect_vreg.gather [hbm4b:s10+s3], $0x80, v4, vm0, $0xb8;
	[tilespmem:$0x18200] =	vst v63  }
0x45d: {  	s4 =	simm.s32 $0x3A00  }
0x45e: {  	[tilespmem:s4], [sflag:$0x1] =	stream.indirect_vreg.gather [hbm4b:s11+s3], $0x80, v4, vm0, $0xb8;
	[tilespmem:$0x18200] =	vst v63  }
0x45f: {  	s4 =	simm.s32 $0x4200  }
0x460: {  	[tilespmem:s4], [sflag:$0x1] =	stream.indirect_vreg.gather [hbm4b:s2+s3], $0x80, v3, vm0, $0xb8;
	[tilespmem:$0x18200] =	vst v63  }
0x461: {  	s4 =	simm.s32 $0x4A00  }
0x462: {  	[tilespmem:s4], [sflag:$0x1] =	stream.indirect_vreg.gather [hbm4b:s5+s3], $0x80, v3, vm0, $0xb8;
	[tilespmem:$0x18200] =	vst v63  }
0x463: {  	s4 =	simm.s32 $0x5200  }
0x464: {  	[tilespmem:s4], [sflag:$0x1] =	stream.indirect_vreg.gather [hbm4b:s6+s3], $0x80, v3, vm0, $0xb8;
	[tilespmem:$0x18200] =	vst v63  }
0x465: {  	s4 =	simm.s32 $0x5A00  }
0x466: {  	[tilespmem:s4], [sflag:$0x1] =	stream.indirect_vreg.gather [hbm4b:s7+s3], $0x80, v3, vm0, $0xb8;
	[tilespmem:$0x18200] =	vst v63  }
0x467: {  	s4 =	simm.s32 $0x6200  }
0x468: {  	[tilespmem:s4], [sflag:$0x1] =	stream.indirect_vreg.gather [hbm4b:s8+s3], $0x80, v3, vm0, $0xb8;
	[tilespmem:$0x18200] =	vst v63  }
0x469: {  	s4 =	simm.s32 $0x6A00  }
0x46a: {  	[tilespmem:s4], [sflag:$0x1] =	stream.indirect_vreg.gather [hbm4b:s9+s3], $0x80, v3, vm0, $0xb8;
	[tilespmem:$0x18200] =	vst v63  }
0x46b: {  	s4 =	simm.s32 $0x7200  }
0x46c: {  	[tilespmem:s4], [sflag:$0x1] =	stream.indirect_vreg.gather [hbm4b:s10+s3], $0x80, v3, vm0, $0xb8;
	[tilespmem:$0x18200] =	vst v63  }
0x46d: {  	s4 =	simm.s32 $0x7A00  }
0x46e: {  	[tilespmem:s4], [sflag:$0x1] =	stream.indirect_vreg.gather [hbm4b:s11+s3], $0x80, v3, vm0, $0xb8;
	[tilespmem:$0x18200] =	vst v63  }
0x46f: {  	_ =	swait.ge [sflag:s0], $0x8000  }
0x470: {  	[sflag:s0] =	ssyncset.done $0x0  }
0x471: {  	s4 =	rddreg [dreg:$0x1b];
	[sflag:s0] =	ssyncadd.s32 $0xFFFF8000  }
0x472: {  	[hbm4b:s4+s3] =	stream.linear.scatter [tilespmem:s26], [sflag:$0x6], $0x8000, $0x38;
	[tilespmem:$0x18200] =	vst v63  }
0x473: {  	_ =	swait.ge [sflag:s1], $0x8000  }
0x474: {  	[sflag:s1] =	ssyncset.done $0x0  }
0x475: {  	[sflag:s1] =	ssyncadd.s32 $0xFFFF8000  }
0x476: {  	v3 =	vld [tilespmem:$0x190];
	_ =	sdelay $0x4  }
0x477: {  	v57 =	vshll.u32 v3, $0x4  }
0x478: {  	v3 =	vand.u32 $0x7, v3;
	v4 =	vand.u32 $0xFFFFFF80, v57  }
0x479: {  	v3 =	vor.u32 v3, v4  }
0x47a: {  	v4 =	vperm.xlane v3, v0;
	_ =	sdelay $0x1  }
0x47b: {  	v4 =	vadd.s32 v1, v4;
	_ =	sdelay $0x4  }
0x47c: {  	[tilespmem:s31], [sflag:$0x2] =	stream.indirect_vreg.gather [hbm4b:s2+s3], $0x80, v4, vm0, $0xb8;
	[tilespmem:$0x18200] =	vst v63  }
0x47d: {  	s12 =	simm.s32 $0x8A00  }
0x47e: {  	[tilespmem:s12], [sflag:$0x2] =	stream.indirect_vreg.gather [hbm4b:s5+s3], $0x80, v4, vm0, $0xb8;
	[tilespmem:$0x18200] =	vst v63  }
0x47f: {  	s15 =	simm.s32 $0x9200  }
0x480: {  	[tilespmem:s15], [sflag:$0x2] =	stream.indirect_vreg.gather [hbm4b:s6+s3], $0x80, v4, vm0, $0xb8;
	[tilespmem:$0x18200] =	vst v63  }
0x481: {  	s16 =	simm.s32 $0x9A00  }
0x482: {  	[tilespmem:s16], [sflag:$0x2] =	stream.indirect_vreg.gather [hbm4b:s7+s3], $0x80, v4, vm0, $0xb8;
	[tilespmem:$0x18200] =	vst v63  }
0x483: {  	s15 =	simm.s32 $0xA200  }
0x484: {  	[tilespmem:s15], [sflag:$0x2] =	stream.indirect_vreg.gather [hbm4b:s8+s3], $0x80, v4, vm0, $0xb8;
	[tilespmem:$0x18200] =	vst v63  }
0x485: {  	v3 =	vperm.xlane v3, v2;
	s16 =	simm.s32 $0xAA00  }
0x486: {  	[tilespmem:s16], [sflag:$0x2] =	stream.indirect_vreg.gather [hbm4b:s9+s3], $0x80, v4, vm0, $0xb8;
	[tilespmem:$0x18200] =	vst v63  }
0x487: {  	s17 =	simm.s32 $0xB200;
	v3 =	vadd.s32 v1, v3  }
0x488: {  	[tilespmem:s17], [sflag:$0x2] =	stream.indirect_vreg.gather [hbm4b:s10+s3], $0x80, v4, vm0, $0xb8;
	[tilespmem:$0x18200] =	vst v63  }
0x489: {  	s18 =	simm.s32 $0xBA00  }
0x48a: {  	[tilespmem:s18], [sflag:$0x2] =	stream.indirect_vreg.gather [hbm4b:s11+s3], $0x80, v4, vm0, $0xb8;
	[tilespmem:$0x18200] =	vst v63  }
0x48b: {  	s19 =	simm.s32 $0xC200  }
0x48c: {  	[tilespmem:s19], [sflag:$0x2] =	stream.indirect_vreg.gather [hbm4b:s2+s3], $0x80, v3, vm0, $0xb8;
	[tilespmem:$0x18200] =	vst v63  }
0x48d: {  	s20 =	simm.s32 $0xCA00  }
0x48e: {  	[tilespmem:s20], [sflag:$0x2] =	stream.indirect_vreg.gather [hbm4b:s5+s3], $0x80, v3, vm0, $0xb8;
	[tilespmem:$0x18200] =	vst v63  }
0x48f: {  	s21 =	simm.s32 $0xD200  }
0x490: {  	[tilespmem:s21], [sflag:$0x2] =	stream.indirect_vreg.gather [hbm4b:s6+s3], $0x80, v3, vm0, $0xb8;
	[tilespmem:$0x18200] =	vst v63  }
0x491: {  	s22 =	simm.s32 $0xDA00  }
0x492: {  	[tilespmem:s22], [sflag:$0x2] =	stream.indirect_vreg.gather [hbm4b:s7+s3], $0x80, v3, vm0, $0xb8;
	[tilespmem:$0x18200] =	vst v63  }
0x493: {  	s23 =	simm.s32 $0xE200  }
0x494: {  	[tilespmem:s23], [sflag:$0x2] =	stream.indirect_vreg.gather [hbm4b:s8+s3], $0x80, v3, vm0, $0xb8;
	[tilespmem:$0x18200] =	vst v63  }
0x495: {  	s24 =	simm.s32 $0xEA00  }
0x496: {  	[tilespmem:s24], [sflag:$0x2] =	stream.indirect_vreg.gather [hbm4b:s9+s3], $0x80, v3, vm0, $0xb8;
	[tilespmem:$0x18200] =	vst v63  }
0x497: {  	s25 =	simm.s32 $0xF200  }
0x498: {  	[tilespmem:s25], [sflag:$0x2] =	stream.indirect_vreg.gather [hbm4b:s10+s3], $0x80, v3, vm0, $0xb8;
	[tilespmem:$0x18200] =	vst v63  }
0x499: {  	s19 =	simm.s32 $0xFA00  }
0x49a: {  	[tilespmem:s19], [sflag:$0x2] =	stream.indirect_vreg.gather [hbm4b:s11+s3], $0x80, v3, vm0, $0xb8;
	[tilespmem:$0x18200] =	vst v63  }
0x49b: {  	_ =	swait.ge [sflag:s28], $0x8000  }
0x49c: {  	[sflag:s28] =	ssyncset.done $0x0  }
0x49d: {  	s20 =	rddreg [dreg:$0x1c];
	[sflag:s28] =	ssyncadd.s32 $0xFFFF8000  }
0x49e: {  	[hbm4b:s20+s3] =	stream.linear.scatter [tilespmem:s13], [sflag:$0x4], $0x8000, $0x38;
	[tilespmem:$0x18200] =	vst v63  }
0x49f: {  	_ =	swait.ge [sflag:s14], $0x8000  }
0x4a0: {  	[sflag:s14] =	ssyncset.done $0x0  }
0x4a1: {  	[sflag:s14] =	ssyncadd.s32 $0xFFFF8000  }
0x4a2: {  	v3 =	vld [tilespmem:$0x1A0];
	_ =	sdelay $0x4  }
0x4a3: {  	v58 =	vshll.u32 v3, $0x4  }
0x4a4: {  	v3 =	vand.u32 $0x7, v3;
	v4 =	vand.u32 $0xFFFFFF80, v58  }
0x4a5: {  	v3 =	vor.u32 v3, v4  }
0x4a6: {  	v4 =	vperm.xlane v3, v0;
	_ =	sdelay $0x1  }
0x4a7: {  	v4 =	vadd.s32 v1, v4;
	_ =	sdelay $0x4  }
0x4a8: {  	[tilespmem:s26], [sflag:$0x3] =	stream.indirect_vreg.gather [hbm4b:s2+s3], $0x80, v4, vm0, $0xb8;
	[tilespmem:$0x18200] =	vst v63  }
0x4a9: {  	s21 =	simm.s32 $0x10A00  }
0x4aa: {  	[tilespmem:s21], [sflag:$0x3] =	stream.indirect_vreg.gather [hbm4b:s5+s3], $0x80, v4, vm0, $0xb8;
	[tilespmem:$0x18200] =	vst v63  }
0x4ab: {  	s22 =	simm.s32 $0x11200  }
0x4ac: {  	[tilespmem:s22], [sflag:$0x3] =	stream.indirect_vreg.gather [hbm4b:s6+s3], $0x80, v4, vm0, $0xb8;
	[tilespmem:$0x18200] =	vst v63  }
0x4ad: {  	s23 =	simm.s32 $0x11A00  }
0x4ae: {  	[tilespmem:s23], [sflag:$0x3] =	stream.indirect_vreg.gather [hbm4b:s7+s3], $0x80, v4, vm0, $0xb8;
	[tilespmem:$0x18200] =	vst v63  }
0x4af: {  	s24 =	simm.s32 $0x12200  }
0x4b0: {  	[tilespmem:s24], [sflag:$0x3] =	stream.indirect_vreg.gather [hbm4b:s8+s3], $0x80, v4, vm0, $0xb8;
	[tilespmem:$0x18200] =	vst v63  }
0x4b1: {  	s25 =	simm.s32 $0x12A00;
	v3 =	vperm.xlane v3, v2  }
0x4b2: {  	[tilespmem:s25], [sflag:$0x3] =	stream.indirect_vreg.gather [hbm4b:s9+s3], $0x80, v4, vm0, $0xb8;
	[tilespmem:$0x18200] =	vst v63  }
0x4b3: {  	s17 =	simm.s32 $0x13200;
	v3 =	vadd.s32 v1, v3  }
0x4b4: {  	[tilespmem:s17], [sflag:$0x3] =	stream.indirect_vreg.gather [hbm4b:s10+s3], $0x80, v4, vm0, $0xb8;
	[tilespmem:$0x18200] =	vst v63  }
0x4b5: {  	s18 =	simm.s32 $0x13A00  }
0x4b6: {  	[tilespmem:s18], [sflag:$0x3] =	stream.indirect_vreg.gather [hbm4b:s11+s3], $0x80, v4, vm0, $0xb8;
	[tilespmem:$0x18200] =	vst v63  }
0x4b7: {  	s19 =	simm.s32 $0x14200  }
0x4b8: {  	[tilespmem:s19], [sflag:$0x3] =	stream.indirect_vreg.gather [hbm4b:s2+s3], $0x80, v3, vm0, $0xb8;
	[tilespmem:$0x18200] =	vst v63  }
0x4b9: {  	s20 =	simm.s32 $0x14A00  }
0x4ba: {  	[tilespmem:s20], [sflag:$0x3] =	stream.indirect_vreg.gather [hbm4b:s5+s3], $0x80, v3, vm0, $0xb8;
	[tilespmem:$0x18200] =	vst v63  }
0x4bb: {  	s21 =	simm.s32 $0x15200  }
0x4bc: {  	[tilespmem:s21], [sflag:$0x3] =	stream.indirect_vreg.gather [hbm4b:s6+s3], $0x80, v3, vm0, $0xb8;
	[tilespmem:$0x18200] =	vst v63  }
0x4bd: {  	s22 =	simm.s32 $0x15A00  }
0x4be: {  	[tilespmem:s22], [sflag:$0x3] =	stream.indirect_vreg.gather [hbm4b:s7+s3], $0x80, v3, vm0, $0xb8;
	[tilespmem:$0x18200] =	vst v63  }
0x4bf: {  	s23 =	simm.s32 $0x16200  }
0x4c0: {  	[tilespmem:s23], [sflag:$0x3] =	stream.indirect_vreg.gather [hbm4b:s8+s3], $0x80, v3, vm0, $0xb8;
	[tilespmem:$0x18200] =	vst v63  }
0x4c1: {  	s24 =	simm.s32 $0x16A00  }
0x4c2: {  	[tilespmem:s24], [sflag:$0x3] =	stream.indirect_vreg.gather [hbm4b:s9+s3], $0x80, v3, vm0, $0xb8;
	[tilespmem:$0x18200] =	vst v63  }
0x4c3: {  	s25 =	simm.s32 $0x17200  }
0x4c4: {  	[tilespmem:s25], [sflag:$0x3] =	stream.indirect_vreg.gather [hbm4b:s10+s3], $0x80, v3, vm0, $0xb8;
	[tilespmem:$0x18200] =	vst v63  }
0x4c5: {  	s4 =	simm.s32 $0x17A00  }
0x4c6: {  	[tilespmem:s4], [sflag:$0x3] =	stream.indirect_vreg.gather [hbm4b:s11+s3], $0x80, v3, vm0, $0xb8;
	[tilespmem:$0x18200] =	vst v63  }
0x4c7: {  	_ =	swait.ge [sflag:s29], $0x8000  }
0x4c8: {  	[sflag:s29] =	ssyncset.done $0x0  }
0x4c9: {  	s4 =	rddreg [dreg:$0x1d];
	[sflag:s29] =	ssyncadd.s32 $0xFFFF8000  }
0x4ca: {  	[hbm4b:s4+s3] =	stream.linear.scatter [tilespmem:s31], [sflag:$0x5], $0x8000, $0x38;
	[tilespmem:$0x18200] =	vst v63  }
0x4cb: {  	_ =	swait.ge [sflag:s30], $0x8000  }
0x4cc: {  	[sflag:s30] =	ssyncset.done $0x0  }
0x4cd: {  	[sflag:s30] =	ssyncadd.s32 $0xFFFF8000  }
0x4ce: {  	v3 =	vld [tilespmem:$0x1B0];
	_ =	sdelay $0x4  }
0x4cf: {  	v59 =	vshll.u32 v3, $0x4  }
0x4d0: {  	v3 =	vand.u32 $0x7, v3;
	v4 =	vand.u32 $0xFFFFFF80, v59  }
0x4d1: {  	v3 =	vor.u32 v3, v4  }
0x4d2: {  	v4 =	vperm.xlane v3, v0;
	_ =	sdelay $0x1  }
0x4d3: {  	v4 =	vadd.s32 v1, v4;
	_ =	sdelay $0x4  }
0x4d4: {  	[tilespmem:s13], [sflag:$0x1] =	stream.indirect_vreg.gather [hbm4b:s2+s3], $0x80, v4, vm0, $0xb8;
	[tilespmem:$0x18200] =	vst v63  }
0x4d5: {  	s4 =	simm.s32 $0xA00  }
0x4d6: {  	[tilespmem:s4], [sflag:$0x1] =	stream.indirect_vreg.gather [hbm4b:s5+s3], $0x80, v4, vm0, $0xb8;
	[tilespmem:$0x18200] =	vst v63  }
0x4d7: {  	s4 =	simm.s32 $0x1200  }
0x4d8: {  	[tilespmem:s4], [sflag:$0x1] =	stream.indirect_vreg.gather [hbm4b:s6+s3], $0x80, v4, vm0, $0xb8;
	[tilespmem:$0x18200] =	vst v63  }
0x4d9: {  	s4 =	simm.s32 $0x1A00  }
0x4da: {  	[tilespmem:s4], [sflag:$0x1] =	stream.indirect_vreg.gather [hbm4b:s7+s3], $0x80, v4, vm0, $0xb8;
	[tilespmem:$0x18200] =	vst v63  }
0x4db: {  	s4 =	simm.s32 $0x2200  }
0x4dc: {  	[tilespmem:s4], [sflag:$0x1] =	stream.indirect_vreg.gather [hbm4b:s8+s3], $0x80, v4, vm0, $0xb8;
	[tilespmem:$0x18200] =	vst v63  }
0x4dd: {  	v3 =	vperm.xlane v3, v2;
	s4 =	simm.s32 $0x2A00  }
0x4de: {  	[tilespmem:s4], [sflag:$0x1] =	stream.indirect_vreg.gather [hbm4b:s9+s3], $0x80, v4, vm0, $0xb8;
	[tilespmem:$0x18200] =	vst v63  }
0x4df: {  	v3 =	vadd.s32 v1, v3;
	s4 =	simm.s32 $0x3200  }
0x4e0: {  	[tilespmem:s4], [sflag:$0x1] =	stream.indirect_vreg.gather [hbm4b:s10+s3], $0x80, v4, vm0, $0xb8;
	[tilespmem:$0x18200] =	vst v63  }
0x4e1: {  	s4 =	simm.s32 $0x3A00  }
0x4e2: {  	[tilespmem:s4], [sflag:$0x1] =	stream.indirect_vreg.gather [hbm4b:s11+s3], $0x80, v4, vm0, $0xb8;
	[tilespmem:$0x18200] =	vst v63  }
0x4e3: {  	s4 =	simm.s32 $0x4200  }
0x4e4: {  	[tilespmem:s4], [sflag:$0x1] =	stream.indirect_vreg.gather [hbm4b:s2+s3], $0x80, v3, vm0, $0xb8;
	[tilespmem:$0x18200] =	vst v63  }
0x4e5: {  	s4 =	simm.s32 $0x4A00  }
0x4e6: {  	[tilespmem:s4], [sflag:$0x1] =	stream.indirect_vreg.gather [hbm4b:s5+s3], $0x80, v3, vm0, $0xb8;
	[tilespmem:$0x18200] =	vst v63  }
0x4e7: {  	s4 =	simm.s32 $0x5200  }
0x4e8: {  	[tilespmem:s4], [sflag:$0x1] =	stream.indirect_vreg.gather [hbm4b:s6+s3], $0x80, v3, vm0, $0xb8;
	[tilespmem:$0x18200] =	vst v63  }
0x4e9: {  	s4 =	simm.s32 $0x5A00  }
0x4ea: {  	[tilespmem:s4], [sflag:$0x1] =	stream.indirect_vreg.gather [hbm4b:s7+s3], $0x80, v3, vm0, $0xb8;
	[tilespmem:$0x18200] =	vst v63  }
0x4eb: {  	s4 =	simm.s32 $0x6200  }
0x4ec: {  	[tilespmem:s4], [sflag:$0x1] =	stream.indirect_vreg.gather [hbm4b:s8+s3], $0x80, v3, vm0, $0xb8;
	[tilespmem:$0x18200] =	vst v63  }
0x4ed: {  	s4 =	simm.s32 $0x6A00  }
0x4ee: {  	[tilespmem:s4], [sflag:$0x1] =	stream.indirect_vreg.gather [hbm4b:s9+s3], $0x80, v3, vm0, $0xb8;
	[tilespmem:$0x18200] =	vst v63  }
0x4ef: {  	s4 =	simm.s32 $0x7200  }
0x4f0: {  	[tilespmem:s4], [sflag:$0x1] =	stream.indirect_vreg.gather [hbm4b:s10+s3], $0x80, v3, vm0, $0xb8;
	[tilespmem:$0x18200] =	vst v63  }
0x4f1: {  	s4 =	simm.s32 $0x7A00  }
0x4f2: {  	[tilespmem:s4], [sflag:$0x1] =	stream.indirect_vreg.gather [hbm4b:s11+s3], $0x80, v3, vm0, $0xb8;
	[tilespmem:$0x18200] =	vst v63  }
0x4f3: {  	_ =	swait.ge [sflag:s0], $0x8000  }
0x4f4: {  	[sflag:s0] =	ssyncset.done $0x0  }
0x4f5: {  	s4 =	rddreg [dreg:$0x1e];
	[sflag:s0] =	ssyncadd.s32 $0xFFFF8000  }
0x4f6: {  	[hbm4b:s4+s3] =	stream.linear.scatter [tilespmem:s26], [sflag:$0x6], $0x8000, $0x38;
	[tilespmem:$0x18200] =	vst v63  }
0x4f7: {  	_ =	swait.ge [sflag:s1], $0x8000  }
0x4f8: {  	[sflag:s1] =	ssyncset.done $0x0  }
0x4f9: {  	[sflag:s1] =	ssyncadd.s32 $0xFFFF8000  }
0x4fa: {  	v3 =	vld [tilespmem:$0x1C0];
	_ =	sdelay $0x4  }
0x4fb: {  	v60 =	vshll.u32 v3, $0x4  }
0x4fc: {  	v3 =	vand.u32 $0x7, v3;
	v4 =	vand.u32 $0xFFFFFF80, v60  }
0x4fd: {  	v3 =	vor.u32 v3, v4  }
0x4fe: {  	v4 =	vperm.xlane v3, v0;
	_ =	sdelay $0x1  }
0x4ff: {  	v4 =	vadd.s32 v1, v4;
	_ =	sdelay $0x4  }
0x500: {  	[tilespmem:s31], [sflag:$0x2] =	stream.indirect_vreg.gather [hbm4b:s2+s3], $0x80, v4, vm0, $0xb8;
	[tilespmem:$0x18200] =	vst v63  }
0x501: {  	s4 =	simm.s32 $0x8A00  }
0x502: {  	[tilespmem:s4], [sflag:$0x2] =	stream.indirect_vreg.gather [hbm4b:s5+s3], $0x80, v4, vm0, $0xb8;
	[tilespmem:$0x18200] =	vst v63  }
0x503: {  	s4 =	simm.s32 $0x9200  }
0x504: {  	[tilespmem:s4], [sflag:$0x2] =	stream.indirect_vreg.gather [hbm4b:s6+s3], $0x80, v4, vm0, $0xb8;
	[tilespmem:$0x18200] =	vst v63  }
0x505: {  	s4 =	simm.s32 $0x9A00  }
0x506: {  	[tilespmem:s4], [sflag:$0x2] =	stream.indirect_vreg.gather [hbm4b:s7+s3], $0x80, v4, vm0, $0xb8;
	[tilespmem:$0x18200] =	vst v63  }
0x507: {  	s4 =	simm.s32 $0xA200  }
0x508: {  	[tilespmem:s4], [sflag:$0x2] =	stream.indirect_vreg.gather [hbm4b:s8+s3], $0x80, v4, vm0, $0xb8;
	[tilespmem:$0x18200] =	vst v63  }
0x509: {  	v3 =	vperm.xlane v3, v2;
	s4 =	simm.s32 $0xAA00  }
0x50a: {  	[tilespmem:s4], [sflag:$0x2] =	stream.indirect_vreg.gather [hbm4b:s9+s3], $0x80, v4, vm0, $0xb8;
	[tilespmem:$0x18200] =	vst v63  }
0x50b: {  	v3 =	vadd.s32 v1, v3;
	s4 =	simm.s32 $0xB200  }
0x50c: {  	[tilespmem:s4], [sflag:$0x2] =	stream.indirect_vreg.gather [hbm4b:s10+s3], $0x80, v4, vm0, $0xb8;
	[tilespmem:$0x18200] =	vst v63  }
0x50d: {  	s4 =	simm.s32 $0xBA00  }
0x50e: {  	[tilespmem:s4], [sflag:$0x2] =	stream.indirect_vreg.gather [hbm4b:s11+s3], $0x80, v4, vm0, $0xb8;
	[tilespmem:$0x18200] =	vst v63  }
0x50f: {  	s4 =	simm.s32 $0xC200  }
0x510: {  	[tilespmem:s4], [sflag:$0x2] =	stream.indirect_vreg.gather [hbm4b:s2+s3], $0x80, v3, vm0, $0xb8;
	[tilespmem:$0x18200] =	vst v63  }
0x511: {  	s4 =	simm.s32 $0xCA00  }
0x512: {  	[tilespmem:s4], [sflag:$0x2] =	stream.indirect_vreg.gather [hbm4b:s5+s3], $0x80, v3, vm0, $0xb8;
	[tilespmem:$0x18200] =	vst v63  }
0x513: {  	s4 =	simm.s32 $0xD200  }
0x514: {  	[tilespmem:s4], [sflag:$0x2] =	stream.indirect_vreg.gather [hbm4b:s6+s3], $0x80, v3, vm0, $0xb8;
	[tilespmem:$0x18200] =	vst v63  }
0x515: {  	s4 =	simm.s32 $0xDA00  }
0x516: {  	[tilespmem:s4], [sflag:$0x2] =	stream.indirect_vreg.gather [hbm4b:s7+s3], $0x80, v3, vm0, $0xb8;
	[tilespmem:$0x18200] =	vst v63  }
0x517: {  	s4 =	simm.s32 $0xE200  }
0x518: {  	[tilespmem:s4], [sflag:$0x2] =	stream.indirect_vreg.gather [hbm4b:s8+s3], $0x80, v3, vm0, $0xb8;
	[tilespmem:$0x18200] =	vst v63  }
0x519: {  	s4 =	simm.s32 $0xEA00  }
0x51a: {  	[tilespmem:s4], [sflag:$0x2] =	stream.indirect_vreg.gather [hbm4b:s9+s3], $0x80, v3, vm0, $0xb8;
	[tilespmem:$0x18200] =	vst v63  }
0x51b: {  	s4 =	simm.s32 $0xF200  }
0x51c: {  	[tilespmem:s4], [sflag:$0x2] =	stream.indirect_vreg.gather [hbm4b:s10+s3], $0x80, v3, vm0, $0xb8;
	[tilespmem:$0x18200] =	vst v63  }
0x51d: {  	s4 =	simm.s32 $0xFA00  }
0x51e: {  	[tilespmem:s4], [sflag:$0x2] =	stream.indirect_vreg.gather [hbm4b:s11+s3], $0x80, v3, vm0, $0xb8;
	[tilespmem:$0x18200] =	vst v63  }
0x51f: {  	_ =	swait.ge [sflag:s28], $0x8000  }
0x520: {  	[sflag:s28] =	ssyncset.done $0x0  }
0x521: {  	s4 =	rddreg [dreg:$0x1f];
	[sflag:s28] =	ssyncadd.s32 $0xFFFF8000  }
0x522: {  	[hbm4b:s4+s3] =	stream.linear.scatter [tilespmem:s13], [sflag:$0x4], $0x8000, $0x38;
	[tilespmem:$0x18200] =	vst v63  }
0x523: {  	_ =	swait.ge [sflag:s14], $0x8000  }
0x524: {  	[sflag:s14] =	ssyncset.done $0x0  }
0x525: {  	[sflag:s14] =	ssyncadd.s32 $0xFFFF8000  }
0x526: {  	v3 =	vld [tilespmem:$0x1D0];
	_ =	sdelay $0x4  }
0x527: {  	v61 =	vshll.u32 v3, $0x4  }
0x528: {  	v3 =	vand.u32 $0x7, v3;
	v4 =	vand.u32 $0xFFFFFF80, v61  }
0x529: {  	v3 =	vor.u32 v3, v4  }
0x52a: {  	v4 =	vperm.xlane v3, v0;
	_ =	sdelay $0x1  }
0x52b: {  	v4 =	vadd.s32 v1, v4;
	_ =	sdelay $0x4  }
0x52c: {  	[tilespmem:s26], [sflag:$0x3] =	stream.indirect_vreg.gather [hbm4b:s2+s3], $0x80, v4, vm0, $0xb8;
	[tilespmem:$0x18200] =	vst v63  }
0x52d: {  	s12 =	simm.s32 $0x10A00  }
0x52e: {  	[tilespmem:s12], [sflag:$0x3] =	stream.indirect_vreg.gather [hbm4b:s5+s3], $0x80, v4, vm0, $0xb8;
	[tilespmem:$0x18200] =	vst v63  }
0x52f: {  	s15 =	simm.s32 $0x11200  }
0x530: {  	[tilespmem:s15], [sflag:$0x3] =	stream.indirect_vreg.gather [hbm4b:s6+s3], $0x80, v4, vm0, $0xb8;
	[tilespmem:$0x18200] =	vst v63  }
0x531: {  	s16 =	simm.s32 $0x11A00  }
0x532: {  	[tilespmem:s16], [sflag:$0x3] =	stream.indirect_vreg.gather [hbm4b:s7+s3], $0x80, v4, vm0, $0xb8;
	[tilespmem:$0x18200] =	vst v63  }
0x533: {  	s15 =	simm.s32 $0x12200  }
0x534: {  	[tilespmem:s15], [sflag:$0x3] =	stream.indirect_vreg.gather [hbm4b:s8+s3], $0x80, v4, vm0, $0xb8;
	[tilespmem:$0x18200] =	vst v63  }
0x535: {  	v3 =	vperm.xlane v3, v2;
	s16 =	simm.s32 $0x12A00  }
0x536: {  	[tilespmem:s16], [sflag:$0x3] =	stream.indirect_vreg.gather [hbm4b:s9+s3], $0x80, v4, vm0, $0xb8;
	[tilespmem:$0x18200] =	vst v63  }
0x537: {  	s17 =	simm.s32 $0x13200;
	v3 =	vadd.s32 v1, v3  }
0x538: {  	[tilespmem:s17], [sflag:$0x3] =	stream.indirect_vreg.gather [hbm4b:s10+s3], $0x80, v4, vm0, $0xb8;
	[tilespmem:$0x18200] =	vst v63  }
0x539: {  	s18 =	simm.s32 $0x13A00  }
0x53a: {  	[tilespmem:s18], [sflag:$0x3] =	stream.indirect_vreg.gather [hbm4b:s11+s3], $0x80, v4, vm0, $0xb8;
	[tilespmem:$0x18200] =	vst v63  }
0x53b: {  	s19 =	simm.s32 $0x14200  }
0x53c: {  	[tilespmem:s19], [sflag:$0x3] =	stream.indirect_vreg.gather [hbm4b:s2+s3], $0x80, v3, vm0, $0xb8;
	[tilespmem:$0x18200] =	vst v63  }
0x53d: {  	s20 =	simm.s32 $0x14A00  }
0x53e: {  	[tilespmem:s20], [sflag:$0x3] =	stream.indirect_vreg.gather [hbm4b:s5+s3], $0x80, v3, vm0, $0xb8;
	[tilespmem:$0x18200] =	vst v63  }
0x53f: {  	s21 =	simm.s32 $0x15200  }
0x540: {  	[tilespmem:s21], [sflag:$0x3] =	stream.indirect_vreg.gather [hbm4b:s6+s3], $0x80, v3, vm0, $0xb8;
	[tilespmem:$0x18200] =	vst v63  }
0x541: {  	s22 =	simm.s32 $0x15A00  }
0x542: {  	[tilespmem:s22], [sflag:$0x3] =	stream.indirect_vreg.gather [hbm4b:s7+s3], $0x80, v3, vm0, $0xb8;
	[tilespmem:$0x18200] =	vst v63  }
0x543: {  	s23 =	simm.s32 $0x16200  }
0x544: {  	[tilespmem:s23], [sflag:$0x3] =	stream.indirect_vreg.gather [hbm4b:s8+s3], $0x80, v3, vm0, $0xb8;
	[tilespmem:$0x18200] =	vst v63  }
0x545: {  	s24 =	simm.s32 $0x16A00  }
0x546: {  	[tilespmem:s24], [sflag:$0x3] =	stream.indirect_vreg.gather [hbm4b:s9+s3], $0x80, v3, vm0, $0xb8;
	[tilespmem:$0x18200] =	vst v63  }
0x547: {  	s25 =	simm.s32 $0x17200  }
0x548: {  	[tilespmem:s25], [sflag:$0x3] =	stream.indirect_vreg.gather [hbm4b:s10+s3], $0x80, v3, vm0, $0xb8;
	[tilespmem:$0x18200] =	vst v63  }
0x549: {  	s12 =	simm.s32 $0x17A00  }
0x54a: {  	[tilespmem:s12], [sflag:$0x3] =	stream.indirect_vreg.gather [hbm4b:s11+s3], $0x80, v3, vm0, $0xb8;
	[tilespmem:$0x18200] =	vst v63  }
0x54b: {  	_ =	swait.ge [sflag:s29], $0x8000  }
0x54c: {  	s15 =	sld [smem:$0x7F8]  }
0x54d: {  	[sflag:s29] =	ssyncset.done $0x0  }
0x54e: {  	[sflag:s29] =	ssyncadd.s32 $0xFFFF8000  }
0x54f: {  	[hbm4b:s15+s3] =	stream.linear.scatter [tilespmem:s31], [sflag:$0x5], $0x8000, $0x38;
	[tilespmem:$0x18200] =	vst v63  }
0x550: {  	_ =	swait.ge [sflag:s30], $0x8000  }
0x551: {  	[sflag:s30] =	ssyncset.done $0x0  }
0x552: {  	[sflag:s30] =	ssyncadd.s32 $0xFFFF8000  }
0x553: {  	v3 =	vld [tilespmem:$0x1E0];
	_ =	sdelay $0x4  }
0x554: {  	v62 =	vshll.u32 v3, $0x4  }
0x555: {  	v3 =	vand.u32 $0x7, v3;
	v4 =	vand.u32 $0xFFFFFF80, v62  }
0x556: {  	v3 =	vor.u32 v3, v4  }
0x557: {  	v4 =	vperm.xlane v3, v0;
	_ =	sdelay $0x1  }
0x558: {  	v4 =	vadd.s32 v1, v4;
	_ =	sdelay $0x4  }
0x559: {  	[tilespmem:s13], [sflag:$0x1] =	stream.indirect_vreg.gather [hbm4b:s2+s3], $0x80, v4, vm0, $0xb8;
	[tilespmem:$0x18200] =	vst v63  }
0x55a: {  	s16 =	simm.s32 $0xA00  }
0x55b: {  	[tilespmem:s16], [sflag:$0x1] =	stream.indirect_vreg.gather [hbm4b:s5+s3], $0x80, v4, vm0, $0xb8;
	[tilespmem:$0x18200] =	vst v63  }
0x55c: {  	s17 =	simm.s32 $0x1200  }
0x55d: {  	[tilespmem:s17], [sflag:$0x1] =	stream.indirect_vreg.gather [hbm4b:s6+s3], $0x80, v4, vm0, $0xb8;
	[tilespmem:$0x18200] =	vst v63  }
0x55e: {  	s18 =	simm.s32 $0x1A00  }
0x55f: {  	[tilespmem:s18], [sflag:$0x1] =	stream.indirect_vreg.gather [hbm4b:s7+s3], $0x80, v4, vm0, $0xb8;
	[tilespmem:$0x18200] =	vst v63  }
0x560: {  	s19 =	simm.s32 $0x2200  }
0x561: {  	[tilespmem:s19], [sflag:$0x1] =	stream.indirect_vreg.gather [hbm4b:s8+s3], $0x80, v4, vm0, $0xb8;
	[tilespmem:$0x18200] =	vst v63  }
0x562: {  	s20 =	simm.s32 $0x2A00;
	v3 =	vperm.xlane v3, v2  }
0x563: {  	[tilespmem:s20], [sflag:$0x1] =	stream.indirect_vreg.gather [hbm4b:s9+s3], $0x80, v4, vm0, $0xb8;
	[tilespmem:$0x18200] =	vst v63  }
0x564: {  	s21 =	simm.s32 $0x3200;
	v3 =	vadd.s32 v1, v3  }
0x565: {  	[tilespmem:s21], [sflag:$0x1] =	stream.indirect_vreg.gather [hbm4b:s10+s3], $0x80, v4, vm0, $0xb8;
	[tilespmem:$0x18200] =	vst v63  }
0x566: {  	s22 =	simm.s32 $0x3A00  }
0x567: {  	[tilespmem:s22], [sflag:$0x1] =	stream.indirect_vreg.gather [hbm4b:s11+s3], $0x80, v4, vm0, $0xb8;
	[tilespmem:$0x18200] =	vst v63  }
0x568: {  	s23 =	simm.s32 $0x4200  }
0x569: {  	[tilespmem:s23], [sflag:$0x1] =	stream.indirect_vreg.gather [hbm4b:s2+s3], $0x80, v3, vm0, $0xb8;
	[tilespmem:$0x18200] =	vst v63  }
0x56a: {  	s24 =	simm.s32 $0x4A00  }
0x56b: {  	[tilespmem:s24], [sflag:$0x1] =	stream.indirect_vreg.gather [hbm4b:s5+s3], $0x80, v3, vm0, $0xb8;
	[tilespmem:$0x18200] =	vst v63  }
0x56c: {  	s25 =	simm.s32 $0x5200  }
0x56d: {  	[tilespmem:s25], [sflag:$0x1] =	stream.indirect_vreg.gather [hbm4b:s6+s3], $0x80, v3, vm0, $0xb8;
	[tilespmem:$0x18200] =	vst v63  }
0x56e: {  	s12 =	simm.s32 $0x5A00  }
0x56f: {  	[tilespmem:s12], [sflag:$0x1] =	stream.indirect_vreg.gather [hbm4b:s7+s3], $0x80, v3, vm0, $0xb8;
	[tilespmem:$0x18200] =	vst v63  }
0x570: {  	s15 =	simm.s32 $0x6200  }
0x571: {  	[tilespmem:s15], [sflag:$0x1] =	stream.indirect_vreg.gather [hbm4b:s8+s3], $0x80, v3, vm0, $0xb8;
	[tilespmem:$0x18200] =	vst v63  }
0x572: {  	s16 =	simm.s32 $0x6A00  }
0x573: {  	[tilespmem:s16], [sflag:$0x1] =	stream.indirect_vreg.gather [hbm4b:s9+s3], $0x80, v3, vm0, $0xb8;
	[tilespmem:$0x18200] =	vst v63  }
0x574: {  	s17 =	simm.s32 $0x7200  }
0x575: {  	[tilespmem:s17], [sflag:$0x1] =	stream.indirect_vreg.gather [hbm4b:s10+s3], $0x80, v3, vm0, $0xb8;
	[tilespmem:$0x18200] =	vst v63  }
0x576: {  	s18 =	simm.s32 $0x7A00  }
0x577: {  	[tilespmem:s18], [sflag:$0x1] =	stream.indirect_vreg.gather [hbm4b:s11+s3], $0x80, v3, vm0, $0xb8;
	[tilespmem:$0x18200] =	vst v63  }
0x578: {  	_ =	swait.ge [sflag:s0], $0x8000  }
0x579: {  	s19 =	sld [smem:$0x7F9]  }
0x57a: {  	[sflag:s0] =	ssyncset.done $0x0  }
0x57b: {  	[sflag:s0] =	ssyncadd.s32 $0xFFFF8000  }
0x57c: {  	[hbm4b:s19+s3] =	stream.linear.scatter [tilespmem:s26], [sflag:$0x6], $0x8000, $0x38;
	[tilespmem:$0x18200] =	vst v63  }
0x57d: {  	_ =	swait.ge [sflag:s1], $0x8000  }
0x57e: {  	[sflag:s1] =	ssyncset.done $0x0  }
0x57f: {  	[sflag:s1] =	ssyncadd.s32 $0xFFFF8000  }
0x580: {  	v3 =	vld [tilespmem:$0x1F0];
	_ =	sdelay $0x4  }
0x581: {  	v63 =	vshll.u32 v3, $0x4  }
0x582: {  	v3 =	vand.u32 $0x7, v3;
	v4 =	vand.u32 $0xFFFFFF80, v63  }
0x583: {  	v3 =	vor.u32 v3, v4  }
0x584: {  	v4 =	vperm.xlane v3, v0;
	_ =	sdelay $0x1  }
0x585: {  	v4 =	vadd.s32 v1, v4;
	_ =	sdelay $0x4  }
0x586: {  	[tilespmem:s31], [sflag:$0x2] =	stream.indirect_vreg.gather [hbm4b:s2+s3], $0x80, v4, vm0, $0xb8;
	[tilespmem:$0x18200] =	vst v63  }
0x587: {  	s20 =	simm.s32 $0x8A00  }
0x588: {  	[tilespmem:s20], [sflag:$0x2] =	stream.indirect_vreg.gather [hbm4b:s5+s3], $0x80, v4, vm0, $0xb8;
	[tilespmem:$0x18200] =	vst v63  }
0x589: {  	s21 =	simm.s32 $0x9200  }
0x58a: {  	[tilespmem:s21], [sflag:$0x2] =	stream.indirect_vreg.gather [hbm4b:s6+s3], $0x80, v4, vm0, $0xb8;
	[tilespmem:$0x18200] =	vst v63  }
0x58b: {  	s22 =	simm.s32 $0x9A00  }
0x58c: {  	[tilespmem:s22], [sflag:$0x2] =	stream.indirect_vreg.gather [hbm4b:s7+s3], $0x80, v4, vm0, $0xb8;
	[tilespmem:$0x18200] =	vst v63  }
0x58d: {  	s23 =	simm.s32 $0xA200  }
0x58e: {  	[tilespmem:s23], [sflag:$0x2] =	stream.indirect_vreg.gather [hbm4b:s8+s3], $0x80, v4, vm0, $0xb8;
	[tilespmem:$0x18200] =	vst v63  }
0x58f: {  	s24 =	simm.s32 $0xAA00;
	v3 =	vperm.xlane v3, v2  }
0x590: {  	[tilespmem:s24], [sflag:$0x2] =	stream.indirect_vreg.gather [hbm4b:s9+s3], $0x80, v4, vm0, $0xb8;
	[tilespmem:$0x18200] =	vst v63  }
0x591: {  	s25 =	simm.s32 $0xB200;
	v3 =	vadd.s32 v1, v3  }
0x592: {  	[tilespmem:s25], [sflag:$0x2] =	stream.indirect_vreg.gather [hbm4b:s10+s3], $0x80, v4, vm0, $0xb8;
	[tilespmem:$0x18200] =	vst v63  }
0x593: {  	s12 =	simm.s32 $0xBA00  }
0x594: {  	[tilespmem:s12], [sflag:$0x2] =	stream.indirect_vreg.gather [hbm4b:s11+s3], $0x80, v4, vm0, $0xb8;
	[tilespmem:$0x18200] =	vst v63  }
0x595: {  	s15 =	simm.s32 $0xC200  }
0x596: {  	[tilespmem:s15], [sflag:$0x2] =	stream.indirect_vreg.gather [hbm4b:s2+s3], $0x80, v3, vm0, $0xb8;
	[tilespmem:$0x18200] =	vst v63  }
0x597: {  	s16 =	simm.s32 $0xCA00  }
0x598: {  	[tilespmem:s16], [sflag:$0x2] =	stream.indirect_vreg.gather [hbm4b:s5+s3], $0x80, v3, vm0, $0xb8;
	[tilespmem:$0x18200] =	vst v63  }
0x599: {  	s17 =	simm.s32 $0xD200  }
0x59a: {  	[tilespmem:s17], [sflag:$0x2] =	stream.indirect_vreg.gather [hbm4b:s6+s3], $0x80, v3, vm0, $0xb8;
	[tilespmem:$0x18200] =	vst v63  }
0x59b: {  	s18 =	simm.s32 $0xDA00  }
0x59c: {  	[tilespmem:s18], [sflag:$0x2] =	stream.indirect_vreg.gather [hbm4b:s7+s3], $0x80, v3, vm0, $0xb8;
	[tilespmem:$0x18200] =	vst v63  }
0x59d: {  	s19 =	simm.s32 $0xE200  }
0x59e: {  	[tilespmem:s19], [sflag:$0x2] =	stream.indirect_vreg.gather [hbm4b:s8+s3], $0x80, v3, vm0, $0xb8;
	[tilespmem:$0x18200] =	vst v63  }
0x59f: {  	s20 =	simm.s32 $0xEA00  }
0x5a0: {  	[tilespmem:s20], [sflag:$0x2] =	stream.indirect_vreg.gather [hbm4b:s9+s3], $0x80, v3, vm0, $0xb8;
	[tilespmem:$0x18200] =	vst v63  }
0x5a1: {  	s21 =	simm.s32 $0xF200  }
0x5a2: {  	[tilespmem:s21], [sflag:$0x2] =	stream.indirect_vreg.gather [hbm4b:s10+s3], $0x80, v3, vm0, $0xb8;
	[tilespmem:$0x18200] =	vst v63  }
0x5a3: {  	s22 =	simm.s32 $0xFA00  }
0x5a4: {  	[tilespmem:s22], [sflag:$0x2] =	stream.indirect_vreg.gather [hbm4b:s11+s3], $0x80, v3, vm0, $0xb8;
	[tilespmem:$0x18200] =	vst v63  }
0x5a5: {  	_ =	swait.ge [sflag:s28], $0x8000  }
0x5a6: {  	s23 =	sld [smem:$0x7FA]  }
0x5a7: {  	[sflag:s28] =	ssyncset.done $0x0  }
0x5a8: {  	[sflag:s28] =	ssyncadd.s32 $0xFFFF8000  }
0x5a9: {  	[hbm4b:s23+s3] =	stream.linear.scatter [tilespmem:s13], [sflag:$0x4], $0x8000, $0x38;
	[tilespmem:$0x18200] =	vst v63  }
0x5aa: {  	_ =	swait.ge [sflag:s29], $0x8000  }
0x5ab: {  	s24 =	sld [smem:$0x7FC]  }
0x5ac: {  	[sflag:s29] =	ssyncset.done $0x0  }
0x5ad: {  	[sflag:s29] =	ssyncadd.s32 $0xFFFF8000  }
0x5ae: {  	[hbm4b:s24+s3] =	stream.linear.scatter [tilespmem:s31], [sflag:$0x5], $0x8000, $0x38;
	[tilespmem:$0x18200] =	vst v63  }
0x5af: {  	s25 =	sld [smem:$0x7F7];
	_ =	swait.ge [sflag:s14], $0x8000  }
0x5b0: {  	[sflag:s14] =	ssyncset.done $0x0  }
0x5b1: {  	[sflag:s14] =	ssyncadd.s32 $0xFFFF8000  }
0x5b2: {  	p0 =	sne.s32 s25, $0x1;
	_ =	swait.ge [sflag:s30], $0x8000  }
.Ltmp0:
0x5b3: {  	[sflag:s30] =	ssyncset.done $0x0;
	(pc) =	sbr.rel @p0 .LBB2_1-.Ltmp0, $4  }
0x5b4: {  	[sflag:s30] =	ssyncadd.s32 $0xFFFF8000  }
0x5b5: {  	_ =	swait.ge [sflag:s1], $0x8000  }
0x5b6: {  	[sflag:s1] =	ssyncset.done $0x0  }
0x5b7: {  	s4 =	sadd.s32 $0xFFFFFFFF, s25;
	[sflag:s1] =	ssyncadd.s32 $0xFFFF8000  }
0x5b8: {  	_ =	sfence.sel $0x180000  }
0x5b9: {  	[bflag:$0x0] =	sbarrier.arrive $0xFFFF  }
0x5ba: {  	_ =	strace $0x90000047  }
0x5bb: {  	s0 =	stileid.u32;
	[bflag:$0x2] =	sbarrier.arrive $0xFFFF  }
0x5bc: {  	p0 =	sne.s32 s0, $0x0;
	s0 =	rddreg [dreg:$0x3]  }
0x5bd: {  	s0 =	sadd.s32 @!p0 $0x100000, s0  }
0x5be: {  	[sflag:s0] =	ssyncadd.tile.s32 @!p0 $0x1;
	_ =	shalt  }
.Lfunc_end2:
_tile_overlayer_lowered:
.L_overlay_start_2:
0x5bf: {  	(tag) =	ssettag $0x2  }
0x5c0: {  	s0 =	rddreg [dreg:$0x0];
	s2 =	stileid.u32  }
0x5c1: {  	s1 =	rddreg [dreg:$0x1];
	p0 =	sne.s32 s2, $0x0  }
0x5c2: {  	s3 =	rddreg [dreg:$0x2];
	[bflag:$0x3] =	sbarrier.arrive $0xFFFF;
	s2 =	simm.s32 @!p0 $0x1C07  }
0x5c3: {  	[timem:s3], [sflag:s2] =	dma.local @!p0 [hbm:s0], s1  }
0x5c4: {  	s0 =	simm.s32 @!p0 $0x7  }
0x5c5: {  	_ =	swait.ge @!p0 [sflag:s0], s1  }
0x5c6: {  	s1 =	ssub.s32 @!p0 $0x0, s1;
	[sflag:s0] =	ssyncset.done @!p0 $0x0  }
0x5c7: {  	[sflag:s0] =	ssyncadd.s32 @!p0 s1  }
0x5c8: {  	[bflag:$0x3] =	sbarrier.arrive $0xFFFF  }
0x5c9: {  	_ =	shalt  }

</sc_bundles>
